<compile_context>
chip_gen: v7x
topology: tpu7x:2x2x1
jax: 0.10.2.dev20260603
libtpu: 0.0.44.dev20260713+nightly
codegen_flags: <defaults>
</compile_context>

<pallas_src>
import jax
import jax.numpy as jnp
from jax import lax
from jax.experimental import pallas as pl
from jax.experimental.pallas import tpu as pltpu
from jax.experimental.pallas import tpu_sc as plsc

N = 10000
E = 320000
D = 128
DE = 16
H = 128

NC = 2
NS = 16
NW = NC * NS
C = 80
NCHUNKS = E // C
CPW = NCHUNKS // NW
RPS = N // NS
NBUF = 3
EBUF = 5

_mesh = plsc.VectorSubcoreMesh(core_axis_name="c", subcore_axis_name="s")
_sc_params = pltpu.CompilerParams(use_tc_tiling_on_sc=False)


MB = 2


EPW = E // NW


def _zero_rows(buf, nrows):
  zv = jnp.zeros((16,), jnp.float32)

  def zrow(r, carry):
    for k in range(8):
      buf[r, pl.ds(k * 16, 16)] = zv
    return carry

  lax.fori_loop(0, nrows, zrow, 0)


def _zero_stripe(sh, base, zsrc, width):
  for k in range(RPS // C):
    pltpu.sync_copy(zsrc, sh.at[pl.ds(base + k * C, C)])
  rem = RPS % C
  if rem:
    pltpu.sync_copy(zsrc.at[pl.ds(0, rem)],
                    sh.at[pl.ds(base + (RPS // C) * C, rem)])


def _sc_pass1(x, ei, ea, zd, ones):

  def body(x_hbm, ei_hbm, ea_hbm, zd_hbm, ones_hbm,
           s_out, t_out, d_out,
           src_v, dst_v, rows_v, ea_v, ones_v,
           rsem0, rsem1, ssem0, ssem1, esem0, esem1, tsem0, tsem1,
           osem0, osem1, dsem,
           s_sh, t_sh, d_sh):
    c = lax.axis_index("c")
    s = lax.axis_index("s")
    wid = c * NS + s
    rsems = (rsem0, rsem1)
    ssems = (ssem0, ssem1)
    esems = (esem0, esem1)
    tsems = (tsem0, tsem1)
    osems = (osem0, osem1)

    _zero_rows(rows_v.at[0], C)

    def zear(r, carry):
      ea_v[0, r, :] = jnp.zeros((16,), jnp.float32)
      return carry

    lax.fori_loop(0, C, zear, 0)

    @pl.when(c == 0)
    def _():
      pltpu.sync_copy(x_hbm.at[pl.ds(s * RPS, RPS)], s_sh.at[pl.ds(s * RPS, RPS)])

    @pl.when(c != 0)
    def _():
      _zero_stripe(s_sh, s * RPS, rows_v.at[0], D)

    _zero_stripe(t_sh, s * RPS, ea_v.at[0], DE)
    pltpu.sync_copy(zd_hbm.at[pl.ds(s * RPS, RPS)], d_sh.at[pl.ds(s * RPS, RPS)])
    pltpu.sync_copy(ei_hbm.at[0, pl.ds(wid * EPW, EPW)], src_v)
    pltpu.sync_copy(ones_hbm, ones_v)
    plsc.subcore_barrier()

    def batch(i0, nb):
      dds = [pltpu.async_copy(ei_hbm.at[1, pl.ds((wid * CPW + i0 + b) * C, C)],
                              dst_v.at[b], dsem) for b in range(nb)]
      rds = [pltpu.async_copy(x_hbm.at[src_v.at[pl.ds((i0 + b) * C, C)]],
                              rows_v.at[b], rsems[b]) for b in range(nb)]
      eds = [pltpu.async_copy(ea_hbm.at[pl.ds((wid * CPW + i0 + b) * C, C)],
                              ea_v.at[b], esems[b]) for b in range(nb)]
      for dd in dds:
        dd.wait()
      sds = []
      for b in range(nb):
        rds[b].wait()
        sds.append(pltpu.async_copy(rows_v.at[b], s_sh.at[dst_v.at[b]],
                                    ssems[b], add=True))
        eds[b].wait()
        sds.append(pltpu.async_copy(ea_v.at[b], t_sh.at[dst_v.at[b]],
                                    tsems[b], add=True))
        sds.append(pltpu.async_copy(ones_v, d_sh.at[dst_v.at[b]],
                                    osems[b], add=True))
      for sd in sds:
        sd.wait()

    def outer(i, carry):
      batch(i * MB, MB)
      return carry

    lax.fori_loop(0, CPW // MB, outer, 0)
    if CPW % MB:
      batch(CPW - CPW % MB, CPW % MB)

    plsc.subcore_barrier()
    pltpu.sync_copy(s_sh.at[pl.ds(s * RPS, RPS)], s_out.at[c, pl.ds(s * RPS, RPS)])
    pltpu.sync_copy(t_sh.at[pl.ds(s * RPS, RPS)], t_out.at[c, pl.ds(s * RPS, RPS)])
    pltpu.sync_copy(d_sh.at[pl.ds(s * RPS, RPS)], d_out.at[c, pl.ds(s * RPS, RPS)])

  fn = pl.kernel(
      body,
      out_type=[
          jax.ShapeDtypeStruct((NC, N, D), jnp.float32),
          jax.ShapeDtypeStruct((NC, N, DE), jnp.float32),
          jax.ShapeDtypeStruct((NC, N, 8), jnp.float32),
      ],
      mesh=_mesh,
      compiler_params=_sc_params,
      scratch_types=[
          pltpu.VMEM((EPW,), jnp.int32),
          pltpu.VMEM((MB, C), jnp.int32),
          pltpu.VMEM((MB, C, D), jnp.float32),
          pltpu.VMEM((MB, C, DE), jnp.float32),
          pltpu.VMEM((C, 8), jnp.float32),
          pltpu.SemaphoreType.DMA,
          pltpu.SemaphoreType.DMA,
          pltpu.SemaphoreType.DMA,
          pltpu.SemaphoreType.DMA,
          pltpu.SemaphoreType.DMA,
          pltpu.SemaphoreType.DMA,
          pltpu.SemaphoreType.DMA,
          pltpu.SemaphoreType.DMA,
          pltpu.SemaphoreType.DMA,
          pltpu.SemaphoreType.DMA,
          pltpu.SemaphoreType.DMA,
          pltpu.VMEM_SHARED((N, D), jnp.float32),
          pltpu.VMEM_SHARED((N, DE), jnp.float32),
          pltpu.VMEM_SHARED((N, 8), jnp.float32),
      ],
  )
  return fn(x, ei, ea, zd, ones)


def _sc_spmm(tbl, ei):

  def body(tbl_hbm, ei_hbm, s_out,
           src_v, dst_v, rows_v, rsem0, rsem1, rsem2,
           ssem0, ssem1, ssem2, dsem, s_sh):
    c = lax.axis_index("c")
    s = lax.axis_index("s")
    wid = c * NS + s
    rsems = (rsem0, rsem1, rsem2)
    ssems = (ssem0, ssem1, ssem2)

    _zero_rows(rows_v.at[0], C)

    @pl.when(c == 0)
    def _():
      pltpu.sync_copy(tbl_hbm.at[pl.ds(s * RPS, RPS)], s_sh.at[pl.ds(s * RPS, RPS)])

    @pl.when(c != 0)
    def _():
      _zero_stripe(s_sh, s * RPS, rows_v.at[0], D)

    pltpu.sync_copy(ei_hbm.at[0, pl.ds(wid * EPW, EPW)], src_v)
    plsc.subcore_barrier()

    def batch(i0, nb):
      dds = [pltpu.async_copy(ei_hbm.at[1, pl.ds((wid * CPW + i0 + b) * C, C)],
                              dst_v.at[b], dsem) for b in range(nb)]
      rds = [pltpu.async_copy(tbl_hbm.at[src_v.at[pl.ds((i0 + b) * C, C)]],
                              rows_v.at[b], rsems[b]) for b in range(nb)]
      for dd in dds:
        dd.wait()
      sds = []
      for b in range(nb):
        rds[b].wait()
        sds.append(pltpu.async_copy(rows_v.at[b], s_sh.at[dst_v.at[b]],
                                    ssems[b], add=True))
      for sd in sds:
        sd.wait()

    def outer(i, carry):
      batch(i * NBUF, NBUF)
      return carry

    lax.fori_loop(0, CPW // NBUF, outer, 0)
    if CPW % NBUF:
      batch(CPW - CPW % NBUF, CPW % NBUF)

    plsc.subcore_barrier()
    pltpu.sync_copy(s_sh.at[pl.ds(s * RPS, RPS)], s_out.at[c, pl.ds(s * RPS, RPS)])

  fn = pl.kernel(
      body,
      out_type=jax.ShapeDtypeStruct((NC, N, D), jnp.float32),
      mesh=_mesh,
      compiler_params=_sc_params,
      scratch_types=[
          pltpu.VMEM((EPW,), jnp.int32),
          pltpu.VMEM((NBUF, C), jnp.int32),
          pltpu.VMEM((NBUF, C, D), jnp.float32),
          pltpu.SemaphoreType.DMA,
          pltpu.SemaphoreType.DMA,
          pltpu.SemaphoreType.DMA,
          pltpu.SemaphoreType.DMA,
          pltpu.SemaphoreType.DMA,
          pltpu.SemaphoreType.DMA,
          pltpu.SemaphoreType.DMA,
          pltpu.VMEM_SHARED((N, D), jnp.float32),
      ],
  )
  return fn(tbl, ei)


NBK = 10
BLK = N // NBK


def _tcA_body(s_ref, t_ref, d_ref, st_ref, gin_ref, bin_ref, lwt_ref, ewt_ref,
              lbeb_ref, lb_ref, bias_ref, r_ref, sto_ref, acc_ref):
  i = pl.program_id(0)
  m = st_ref[0:1, :] * (1.0 / N)
  v = st_ref[1:2, :] * (1.0 / N) - m * m
  alpha = gin_ref[...] * lax.rsqrt(v + 1e-5)
  beta = bin_ref[...] - m * alpha
  deg = (d_ref[0] + d_ref[1])[:, 0:1]
  a = (s_ref[0] + s_ref[1]) * alpha + (deg + 1.0) * beta
  aggr = jnp.dot(a, lwt_ref[...], preferred_element_type=jnp.float32)
  aggr = aggr + jnp.dot(t_ref[0] + t_ref[1], ewt_ref[...],
                        preferred_element_type=jnp.float32)
  aggr = aggr + deg * lbeb_ref[...] + lb_ref[...]
  r = jnp.maximum(aggr, 0.0) + bias_ref[...]
  r_ref[...] = r

  @pl.when(i == 0)
  def _():
    acc_ref[...] = jnp.zeros((8, H), jnp.float32)

  acc_ref[0:1, :] += jnp.sum(r, axis=0, keepdims=True)
  acc_ref[1:2, :] += jnp.sum(r * r, axis=0, keepdims=True)

  @pl.when(i == NBK - 1)
  def _():
    sto_ref[...] = acc_ref[...]


def _tc_layer_raw(sp, tp, dp, st_in, g_in, b_in, lw, lb, ew, eb, bias):
  full = lambda shape: pl.BlockSpec(shape, lambda i: (0,) * len(shape))
  return pl.pallas_call(
      _tcA_body,
      grid=(NBK,),
      in_specs=[
          pl.BlockSpec((NC, BLK, D), lambda i: (0, i, 0)),
          pl.BlockSpec((NC, BLK, DE), lambda i: (0, i, 0)),
          pl.BlockSpec((NC, BLK, 8), lambda i: (0, i, 0)),
          full((8, H)),
          full((1, H)),
          full((1, H)),
          full((D, H)),
          full((DE, H)),
          full((1, H)),
          full((1, H)),
          full((1, H)),
      ],
      out_specs=[
          pl.BlockSpec((BLK, H), lambda i: (i, 0)),
          pl.BlockSpec((8, H), lambda i: (0, 0)),
      ],
      out_shape=[
          jax.ShapeDtypeStruct((N, H), jnp.float32),
          jax.ShapeDtypeStruct((8, H), jnp.float32),
      ],
      scratch_shapes=[pltpu.VMEM((8, H), jnp.float32)],
  )(sp, tp, dp, st_in, g_in.reshape(1, H), b_in.reshape(1, H), lw.T, ew.T,
    (lb + eb).reshape(1, H), lb.reshape(1, H), bias.reshape(1, H))


def _tcC_body(s_ref, t_ref, d_ref, st_ref, gin_ref, bin_ref, lwt_ref, ewt_ref,
              lbeb_ref, lb_ref, bias_ref, g_ref, b_ref, o_ref):
  m1 = st_ref[0:1, :] * (1.0 / N)
  v1 = st_ref[1:2, :] * (1.0 / N) - m1 * m1
  alpha = gin_ref[...] * lax.rsqrt(v1 + 1e-5)
  beta = bin_ref[...] - m1 * alpha
  deg = (d_ref[0] + d_ref[1])[:, 0:1]
  a = (s_ref[0] + s_ref[1]) * alpha + (deg + 1.0) * beta
  aggr = jnp.dot(a, lwt_ref[...], preferred_element_type=jnp.float32)
  aggr = aggr + jnp.dot(t_ref[0] + t_ref[1], ewt_ref[...],
                        preferred_element_type=jnp.float32)
  aggr = aggr + deg * lbeb_ref[...] + lb_ref[...]
  r = jnp.maximum(aggr, 0.0) + bias_ref[...]
  m = jnp.mean(r, axis=0, keepdims=True)
  cen = r - m
  v = jnp.mean(cen * cen, axis=0, keepdims=True)
  o_ref[...] = cen * lax.rsqrt(v + 1e-5) * g_ref[...] + b_ref[...]


def _tc_layer_final(sp, tp, dp, st_in, g_in, b_in, lw, lb, ew, eb, bias, g, b):
  return pl.pallas_call(
      _tcC_body,
      out_shape=jax.ShapeDtypeStruct((N, H), jnp.float32),
  )(sp, tp, dp, st_in, g_in.reshape(1, H), b_in.reshape(1, H), lw.T, ew.T,
    (lb + eb).reshape(1, H), lb.reshape(1, H), bias.reshape(1, H),
    g.reshape(1, H), b.reshape(1, H))


def kernel(x, edge_index, edge_attr, lin1_w, lin1_b, edge1_w, edge1_b, bias1,
           bn1_g, bn1_b, lin2_w, lin2_b, edge2_w, edge2_b, bias2, bn2_g, bn2_b):
  ei = edge_index.astype(jnp.int32)
  zd = jnp.zeros((N, 8), jnp.float32)
  ones = jnp.ones((C, 8), jnp.float32)
  st0 = jnp.zeros((8, H), jnp.float32).at[1].set(N * (1.0 - 1e-5))
  one_g = jnp.ones((H,), jnp.float32)
  zero_b = jnp.zeros((H,), jnp.float32)

  s1p, tp, dp = _sc_pass1(x, ei, edge_attr, zd, ones)
  r1, st1 = _tc_layer_raw(s1p, tp, dp, st0, one_g, zero_b,
                          lin1_w, lin1_b, edge1_w, edge1_b, bias1)
  s2p = _sc_spmm(r1, ei)
  return _tc_layer_final(s2p, tp, dp, st1, bn1_g, bn1_b,
                         lin2_w, lin2_b, edge2_w, edge2_b, bias2,
                         bn2_g, bn2_b)

# --- scband reference (transcript-rebuilt; emitter-appended) ---
"""Pipeline reference for scband-eco-egnn-31542239822519 (READ-ONLY COPY).

The authoritative reference and input builder live on the scoring server;
editing this copy changes nothing except your own understanding.
"""

import jax, jax.numpy as jnp
import numpy as np

N = 10000
E = 320000
D = 128
DE = 16
H = 128


def setup_inputs(seed: int = 0) -> dict:
    key = jax.random.key(seed)
    ks = jax.random.split(key, 18)
    x = jax.random.normal(ks[0], (N, D), dtype=jnp.float32)
    edge_index = jax.random.randint(ks[1], (2, E), 0, N)
    edge_attr = jax.random.normal(ks[2], (E, DE), dtype=jnp.float32)
    def lin(k, out_f, in_f):
        return jax.random.normal(k, (out_f, in_f), dtype=jnp.float32) * (1.0 / np.sqrt(in_f))
    return {
        "x": x,
        "edge_index": edge_index,
        "edge_attr": edge_attr,
        "lin1_w": lin(ks[3], H, D),
        "lin1_b": jax.random.normal(ks[4], (H,), dtype=jnp.float32) * 0.01,
        "edge1_w": lin(ks[5], H, DE),
        "edge1_b": jax.random.normal(ks[6], (H,), dtype=jnp.float32) * 0.01,
        "bias1": jnp.zeros((H,), dtype=jnp.float32),
        "bn1_g": jnp.ones((H,), dtype=jnp.float32),
        "bn1_b": jnp.zeros((H,), dtype=jnp.float32),
        "lin2_w": lin(ks[7], H, H),
        "lin2_b": jax.random.normal(ks[8], (H,), dtype=jnp.float32) * 0.01,
        "edge2_w": lin(ks[9], H, DE),
        "edge2_b": jax.random.normal(ks[10], (H,), dtype=jnp.float32) * 0.01,
        "bias2": jnp.zeros((H,), dtype=jnp.float32),
        "bn2_g": jnp.ones((H,), dtype=jnp.float32),
        "bn2_b": jnp.zeros((H,), dtype=jnp.float32),
    }


def _egnn_conv(x, edge_index, edge_attr, lw, lb, ew, eb, bias):
    n = x.shape[0]
    src, dst = edge_index[0], edge_index[1]
    loops = jnp.arange(n, dtype=src.dtype)
    src2 = jnp.concatenate([src, loops])
    dst2 = jnp.concatenate([dst, loops])
    h = x @ lw.T + lb
    e = edge_attr @ ew.T + eb
    # self-loop edges carry zero edge features
    e2 = jnp.concatenate([e, jnp.zeros((n, lw.shape[0]), dtype=e.dtype)], axis=0)
    msg = h[src2] + e2          # gather (x_j) + edge term
    aggr = jax.ops.segment_sum(msg, dst2, num_segments=n)  # scatter-add
    return jax.nn.relu(aggr) + bias


def _bn(x, g, b, eps=1e-5):
    m = jnp.mean(x, axis=0)
    v = jnp.var(x, axis=0)
    return (x - m) / jnp.sqrt(v + eps) * g + b


def reference(x, edge_index, edge_attr, lin1_w, lin1_b, edge1_w, edge1_b, bias1, bn1_g, bn1_b, lin2_w, lin2_b, edge2_w, edge2_b, bias2, bn2_g, bn2_b):
    h = _egnn_conv(x, edge_index, edge_attr, lin1_w, lin1_b, edge1_w, edge1_b, bias1)
    h = _bn(h, bn1_g, bn1_b)
    h = _egnn_conv(h, edge_index, edge_attr, lin2_w, lin2_b, edge2_w, edge2_b, bias2)
    h = _bn(h, bn2_g, bn2_b)
    return h

if __name__ == "__main__":
    import jax
    _d = setup_inputs()
    print(jax.jit(kernel)(*tuple(_d.values())))

</pallas_src>

<mosaic_0001>
#map = affine_map<(d0, d1) -> (0, 0)>
#map1 = affine_map<(d0, d1) -> (0, 0, 0)>
module attributes {stable_mosaic.version = 14 : i64} {
  func.func @body(%arg0: i32, %arg1: i32, %arg2: memref<10000x128xf32, #tpu.memory_space<hbm>>, %arg3: memref<2x320000xi32, #tpu.memory_space<hbm>>, %arg4: memref<320000x16xf32, #tpu.memory_space<hbm>>, %arg5: memref<10000x8xf32, #tpu.memory_space<hbm>>, %arg6: memref<80x8xf32, #tpu.memory_space<hbm>>, %arg7: memref<2x10000x128xf32, #tpu.memory_space<hbm>>, %arg8: memref<2x10000x16xf32, #tpu.memory_space<hbm>>, %arg9: memref<2x10000x8xf32, #tpu.memory_space<hbm>>, %arg10: memref<10000xi32, #tpu.memory_space<vmem>>, %arg11: memref<2x80xi32, #tpu.memory_space<vmem>>, %arg12: memref<2x80x128xf32, #tpu.memory_space<vmem>>, %arg13: memref<2x80x16xf32, #tpu.memory_space<vmem>>, %arg14: memref<80x8xf32, #tpu.memory_space<vmem>>, %arg15: memref<!tpu.dma_semaphore, #tpu.memory_space<semaphore_mem>>, %arg16: memref<!tpu.dma_semaphore, #tpu.memory_space<semaphore_mem>>, %arg17: memref<!tpu.dma_semaphore, #tpu.memory_space<semaphore_mem>>, %arg18: memref<!tpu.dma_semaphore, #tpu.memory_space<semaphore_mem>>, %arg19: memref<!tpu.dma_semaphore, #tpu.memory_space<semaphore_mem>>, %arg20: memref<!tpu.dma_semaphore, #tpu.memory_space<semaphore_mem>>, %arg21: memref<!tpu.dma_semaphore, #tpu.memory_space<semaphore_mem>>, %arg22: memref<!tpu.dma_semaphore, #tpu.memory_space<semaphore_mem>>, %arg23: memref<!tpu.dma_semaphore, #tpu.memory_space<semaphore_mem>>, %arg24: memref<!tpu.dma_semaphore, #tpu.memory_space<semaphore_mem>>, %arg25: memref<!tpu.dma_semaphore, #tpu.memory_space<semaphore_mem>>, %arg26: memref<10000x128xf32, #tpu.memory_space<vmem_shared>>, %arg27: memref<10000x16xf32, #tpu.memory_space<vmem_shared>>, %arg28: memref<10000x8xf32, #tpu.memory_space<vmem_shared>>) attributes {dimension_semantics = [#tpu.dimension_semantics<core_parallel>, #tpu.dimension_semantics<subcore_parallel>], iteration_bounds = array<i64: 2, 16>, scalar_prefetch = 0 : i64, scratch_operands = 19 : i64, tpu.core_type = #tpu.core_type<sc_vector_subcore>, window_params = [{transform_indices = #map}, {transform_indices = #map}, {transform_indices = #map}, {transform_indices = #map}, {transform_indices = #map}, {transform_indices = #map1}, {transform_indices = #map1}, {transform_indices = #map1}]} {
    %mul3A = arith.constant 16 : i32
    %mul3A_0 = arith.muli %arg0, %mul3A : i32
    %add3A = arith.addi %mul3A_0, %arg1 : i32
    %broadcast_in_dim3A = arith.constant 0.000000e+00 : f32
    %broadcast_in_dim3A_1 = vector.broadcast %broadcast_in_dim3A : f32 to vector<16xf32>
    %scan3A = arith.constant 0 : i32
    %scan3A_2 = arith.constant 0 : i32
    %scan3A_3 = arith.constant 0 : i32
    %scan3A_4 = arith.constant 80 : i32
    %scan3A_5 = arith.addi %scan3A_3, %scan3A_4 : i32
    %scan3A_6 = arith.constant 1 : i32
    scf.for %scan3A_217 = %scan3A_3 to %scan3A_5 step %scan3A_6  : i32 {
      %swap3A = arith.constant 0 : i32
      %swap3A_218 = arith.constant 0 : i32
      %swap3A_219 = tpu.memref_slice %arg12[%scan3A_2, %swap3A, %swap3A_218] : memref<2x80x128xf32, #tpu.memory_space<vmem>> -> memref<1x80x128xf32, #tpu.memory_space<vmem>>
      %swap3A_220 = tpu.memref_squeeze %swap3A_219 : memref<1x80x128xf32, #tpu.memory_space<vmem>> -> memref<80x128xf32, #tpu.memory_space<vmem>>
      %swap3A_221 = arith.index_cast %scan3A_217 : i32 to index
      %swap3A_222 = arith.constant 0 : index
      %swap3A_223 = tpu.vector_load %swap3A_220[%swap3A_221, %swap3A_222] {strides = array<i32>} : memref<80x128xf32, #tpu.memory_space<vmem>>, vector<1x16xf32>,
      %swap3A_224 = vector.shape_cast %swap3A_223 : vector<1x16xf32> to vector<16xf32>
      %swap3A_225 = vector.shape_cast %broadcast_in_dim3A_1 : vector<16xf32> to vector<1x16xf32>
      tpu.vector_store %swap3A_220[%swap3A_221, %swap3A_222], %swap3A_225 {strides = array<i32>} : memref<80x128xf32, #tpu.memory_space<vmem>>, vector<1x16xf32>,
      %swap3A_226 = arith.constant 0 : i32
      %swap3A_227 = arith.constant 0 : i32
      %swap3A_228 = tpu.memref_slice %arg12[%scan3A_2, %swap3A_226, %swap3A_227] : memref<2x80x128xf32, #tpu.memory_space<vmem>> -> memref<1x80x128xf32, #tpu.memory_space<vmem>>
      %swap3A_229 = tpu.memref_squeeze %swap3A_228 : memref<1x80x128xf32, #tpu.memory_space<vmem>> -> memref<80x128xf32, #tpu.memory_space<vmem>>
      %swap3A_230 = arith.index_cast %scan3A_217 : i32 to index
      %swap3A_231 = arith.constant 16 : index
      %swap3A_232 = tpu.vector_load %swap3A_229[%swap3A_230, %swap3A_231] {strides = array<i32>} : memref<80x128xf32, #tpu.memory_space<vmem>>, vector<1x16xf32>,
      %swap3A_233 = vector.shape_cast %swap3A_232 : vector<1x16xf32> to vector<16xf32>
      %swap3A_234 = vector.shape_cast %broadcast_in_dim3A_1 : vector<16xf32> to vector<1x16xf32>
      tpu.vector_store %swap3A_229[%swap3A_230, %swap3A_231], %swap3A_234 {strides = array<i32>} : memref<80x128xf32, #tpu.memory_space<vmem>>, vector<1x16xf32>,
      %swap3A_235 = arith.constant 0 : i32
      %swap3A_236 = arith.constant 0 : i32
      %swap3A_237 = tpu.memref_slice %arg12[%scan3A_2, %swap3A_235, %swap3A_236] : memref<2x80x128xf32, #tpu.memory_space<vmem>> -> memref<1x80x128xf32, #tpu.memory_space<vmem>>
      %swap3A_238 = tpu.memref_squeeze %swap3A_237 : memref<1x80x128xf32, #tpu.memory_space<vmem>> -> memref<80x128xf32, #tpu.memory_space<vmem>>
      %swap3A_239 = arith.index_cast %scan3A_217 : i32 to index
      %swap3A_240 = arith.constant 32 : index
      %swap3A_241 = tpu.vector_load %swap3A_238[%swap3A_239, %swap3A_240] {strides = array<i32>} : memref<80x128xf32, #tpu.memory_space<vmem>>, vector<1x16xf32>,
      %swap3A_242 = vector.shape_cast %swap3A_241 : vector<1x16xf32> to vector<16xf32>
      %swap3A_243 = vector.shape_cast %broadcast_in_dim3A_1 : vector<16xf32> to vector<1x16xf32>
      tpu.vector_store %swap3A_238[%swap3A_239, %swap3A_240], %swap3A_243 {strides = array<i32>} : memref<80x128xf32, #tpu.memory_space<vmem>>, vector<1x16xf32>,
      %swap3A_244 = arith.constant 0 : i32
      %swap3A_245 = arith.constant 0 : i32
      %swap3A_246 = tpu.memref_slice %arg12[%scan3A_2, %swap3A_244, %swap3A_245] : memref<2x80x128xf32, #tpu.memory_space<vmem>> -> memref<1x80x128xf32, #tpu.memory_space<vmem>>
      %swap3A_247 = tpu.memref_squeeze %swap3A_246 : memref<1x80x128xf32, #tpu.memory_space<vmem>> -> memref<80x128xf32, #tpu.memory_space<vmem>>
      %swap3A_248 = arith.index_cast %scan3A_217 : i32 to index
      %swap3A_249 = arith.constant 48 : index
      %swap3A_250 = tpu.vector_load %swap3A_247[%swap3A_248, %swap3A_249] {strides = array<i32>} : memref<80x128xf32, #tpu.memory_space<vmem>>, vector<1x16xf32>,
      %swap3A_251 = vector.shape_cast %swap3A_250 : vector<1x16xf32> to vector<16xf32>
      %swap3A_252 = vector.shape_cast %broadcast_in_dim3A_1 : vector<16xf32> to vector<1x16xf32>
      tpu.vector_store %swap3A_247[%swap3A_248, %swap3A_249], %swap3A_252 {strides = array<i32>} : memref<80x128xf32, #tpu.memory_space<vmem>>, vector<1x16xf32>,
      %swap3A_253 = arith.constant 0 : i32
      %swap3A_254 = arith.constant 0 : i32
      %swap3A_255 = tpu.memref_slice %arg12[%scan3A_2, %swap3A_253, %swap3A_254] : memref<2x80x128xf32, #tpu.memory_space<vmem>> -> memref<1x80x128xf32, #tpu.memory_space<vmem>>
      %swap3A_256 = tpu.memref_squeeze %swap3A_255 : memref<1x80x128xf32, #tpu.memory_space<vmem>> -> memref<80x128xf32, #tpu.memory_space<vmem>>
      %swap3A_257 = arith.index_cast %scan3A_217 : i32 to index
      %swap3A_258 = arith.constant 64 : index
      %swap3A_259 = tpu.vector_load %swap3A_256[%swap3A_257, %swap3A_258] {strides = array<i32>} : memref<80x128xf32, #tpu.memory_space<vmem>>, vector<1x16xf32>,
      %swap3A_260 = vector.shape_cast %swap3A_259 : vector<1x16xf32> to vector<16xf32>
      %swap3A_261 = vector.shape_cast %broadcast_in_dim3A_1 : vector<16xf32> to vector<1x16xf32>
      tpu.vector_store %swap3A_256[%swap3A_257, %swap3A_258], %swap3A_261 {strides = array<i32>} : memref<80x128xf32, #tpu.memory_space<vmem>>, vector<1x16xf32>,
      %swap3A_262 = arith.constant 0 : i32
      %swap3A_263 = arith.constant 0 : i32
      %swap3A_264 = tpu.memref_slice %arg12[%scan3A_2, %swap3A_262, %swap3A_263] : memref<2x80x128xf32, #tpu.memory_space<vmem>> -> memref<1x80x128xf32, #tpu.memory_space<vmem>>
      %swap3A_265 = tpu.memref_squeeze %swap3A_264 : memref<1x80x128xf32, #tpu.memory_space<vmem>> -> memref<80x128xf32, #tpu.memory_space<vmem>>
      %swap3A_266 = arith.index_cast %scan3A_217 : i32 to index
      %swap3A_267 = arith.constant 80 : index
      %swap3A_268 = tpu.vector_load %swap3A_265[%swap3A_266, %swap3A_267] {strides = array<i32>} : memref<80x128xf32, #tpu.memory_space<vmem>>, vector<1x16xf32>,
      %swap3A_269 = vector.shape_cast %swap3A_268 : vector<1x16xf32> to vector<16xf32>
      %swap3A_270 = vector.shape_cast %broadcast_in_dim3A_1 : vector<16xf32> to vector<1x16xf32>
      tpu.vector_store %swap3A_265[%swap3A_266, %swap3A_267], %swap3A_270 {strides = array<i32>} : memref<80x128xf32, #tpu.memory_space<vmem>>, vector<1x16xf32>,
      %swap3A_271 = arith.constant 0 : i32
      %swap3A_272 = arith.constant 0 : i32
      %swap3A_273 = tpu.memref_slice %arg12[%scan3A_2, %swap3A_271, %swap3A_272] : memref<2x80x128xf32, #tpu.memory_space<vmem>> -> memref<1x80x128xf32, #tpu.memory_space<vmem>>
      %swap3A_274 = tpu.memref_squeeze %swap3A_273 : memref<1x80x128xf32, #tpu.memory_space<vmem>> -> memref<80x128xf32, #tpu.memory_space<vmem>>
      %swap3A_275 = arith.index_cast %scan3A_217 : i32 to index
      %swap3A_276 = arith.constant 96 : index
      %swap3A_277 = tpu.vector_load %swap3A_274[%swap3A_275, %swap3A_276] {strides = array<i32>} : memref<80x128xf32, #tpu.memory_space<vmem>>, vector<1x16xf32>,
      %swap3A_278 = vector.shape_cast %swap3A_277 : vector<1x16xf32> to vector<16xf32>
      %swap3A_279 = vector.shape_cast %broadcast_in_dim3A_1 : vector<16xf32> to vector<1x16xf32>
      tpu.vector_store %swap3A_274[%swap3A_275, %swap3A_276], %swap3A_279 {strides = array<i32>} : memref<80x128xf32, #tpu.memory_space<vmem>>, vector<1x16xf32>,
      %swap3A_280 = arith.constant 0 : i32
      %swap3A_281 = arith.constant 0 : i32
      %swap3A_282 = tpu.memref_slice %arg12[%scan3A_2, %swap3A_280, %swap3A_281] : memref<2x80x128xf32, #tpu.memory_space<vmem>> -> memref<1x80x128xf32, #tpu.memory_space<vmem>>
      %swap3A_283 = tpu.memref_squeeze %swap3A_282 : memref<1x80x128xf32, #tpu.memory_space<vmem>> -> memref<80x128xf32, #tpu.memory_space<vmem>>
      %swap3A_284 = arith.index_cast %scan3A_217 : i32 to index
      %swap3A_285 = arith.constant 112 : index
      %swap3A_286 = tpu.vector_load %swap3A_283[%swap3A_284, %swap3A_285] {strides = array<i32>} : memref<80x128xf32, #tpu.memory_space<vmem>>, vector<1x16xf32>,
      %swap3A_287 = vector.shape_cast %swap3A_286 : vector<1x16xf32> to vector<16xf32>
      %swap3A_288 = vector.shape_cast %broadcast_in_dim3A_1 : vector<16xf32> to vector<1x16xf32>
      tpu.vector_store %swap3A_283[%swap3A_284, %swap3A_285], %swap3A_288 {strides = array<i32>} : memref<80x128xf32, #tpu.memory_space<vmem>>, vector<1x16xf32>,
    }
    %scan3A_7 = arith.constant 80 : i32
    %scan3A_8 = arith.constant 0 : i32
    %scan3A_9 = arith.constant 0 : i32
    %scan3A_10 = arith.constant 80 : i32
    %scan3A_11 = arith.addi %scan3A_9, %scan3A_10 : i32
    %scan3A_12 = arith.constant 1 : i32
    scf.for %scan3A_217 = %scan3A_9 to %scan3A_11 step %scan3A_12  : i32 {
      %broadcast_in_dim3A_218 = arith.constant 0.000000e+00 : f32
      %broadcast_in_dim3A_219 = vector.broadcast %broadcast_in_dim3A_218 : f32 to vector<16xf32>
      %swap3A = arith.constant 0 : i32
      %swap3A_220 = arith.index_cast %swap3A : i32 to index
      %swap3A_221 = arith.index_cast %scan3A_217 : i32 to index
      %swap3A_222 = arith.constant 0 : index
      %swap3A_223 = tpu.vector_load %arg13[%swap3A_220, %swap3A_221, %swap3A_222] {strides = array<i32>} : memref<2x80x16xf32, #tpu.memory_space<vmem>>, vector<1x1x16xf32>,
      %swap3A_224 = vector.shape_cast %swap3A_223 : vector<1x1x16xf32> to vector<16xf32>
      %swap3A_225 = vector.shape_cast %broadcast_in_dim3A_219 : vector<16xf32> to vector<1x1x16xf32>
      tpu.vector_store %arg13[%swap3A_220, %swap3A_221, %swap3A_222], %swap3A_225 {strides = array<i32>} : memref<2x80x16xf32, #tpu.memory_space<vmem>>, vector<1x1x16xf32>,
    }
    %scan3A_13 = arith.constant 80 : i32
    %eq3A = arith.constant 0 : i32
    %eq3A_14 = arith.cmpi eq, %arg0, %eq3A : i32
    %convert_element_type3A = arith.extui %eq3A_14 : i1 to i32
    %cond3A = arith.constant 0 : i32
    %cond3A_15 = arith.cmpi ne, %convert_element_type3A, %cond3A : i32
    scf.if %cond3A_15 {
      %mul3A_217 = arith.constant 625 : i32
      %mul3A_218 = arith.muli %arg1, %mul3A_217 : i32
      %mul3A_219 = arith.constant 625 : i32
      %mul3A_220 = arith.muli %arg1, %mul3A_219 : i32
      "tpu.region"() ({
        %run_scoped3A_221 = tpu.sem_alloc : memref<!tpu.dma_semaphore, #tpu.memory_space<semaphore_mem>>
        %dma_start3A_222 = arith.constant 0 : i32
        %dma_start3A_223 = tpu.memref_slice %arg26[%mul3A_220, %dma_start3A_222] : memref<10000x128xf32, #tpu.memory_space<vmem_shared>> -> memref<625x128xf32, #tpu.memory_space<vmem_shared>>
        %dma_start3A_224 = arith.constant 0 : i32
        %dma_start3A_225 = tpu.memref_slice %arg2[%mul3A_218, %dma_start3A_224] : memref<10000x128xf32, #tpu.memory_space<hbm>> -> memref<625x128xf32, #tpu.memory_space<hbm>>
        tpu.enqueue_dma source(%dma_start3A_225 : memref<625x128xf32, #tpu.memory_space<hbm>>) target(%dma_start3A_223 : memref<625x128xf32, #tpu.memory_space<vmem_shared>>) target_semaphore(%run_scoped3A_221 : memref<!tpu.dma_semaphore, #tpu.memory_space<semaphore_mem>>)
        %dma_wait3A_226 = arith.constant 0 : i32
        %dma_wait3A_227 = tpu.memref_slice %arg26[%mul3A_220, %dma_wait3A_226] : memref<10000x128xf32, #tpu.memory_space<vmem_shared>> -> memref<625x128xf32, #tpu.memory_space<vmem_shared>>
        %dma_wait3A_228 = arith.constant 0 : i32
        %dma_wait3A_229 = tpu.memref_slice %arg2[%mul3A_218, %dma_wait3A_228] : memref<10000x128xf32, #tpu.memory_space<hbm>> -> memref<625x128xf32, #tpu.memory_space<hbm>>
        tpu.wait_dma2 semaphore(%run_scoped3A_221 : memref<!tpu.dma_semaphore, #tpu.memory_space<semaphore_mem>>) src(%dma_wait3A_229 : memref<625x128xf32, #tpu.memory_space<hbm>>) dst(%dma_wait3A_227 : memref<625x128xf32, #tpu.memory_space<vmem_shared>>)
        tpu.yield
      }) : () -> ()
    } else {
    }
    %ne3A = arith.constant 0 : i32
    %ne3A_16 = arith.cmpi ne, %arg0, %ne3A : i32
    %convert_element_type3A_17 = arith.extui %ne3A_16 : i1 to i32
    %cond3A_18 = arith.constant 0 : i32
    %cond3A_19 = arith.cmpi ne, %convert_element_type3A_17, %cond3A_18 : i32
    scf.if %cond3A_19 {
      %mul3A_217 = arith.constant 625 : i32
      %mul3A_218 = arith.muli %arg1, %mul3A_217 : i32
      %add3A_219 = arith.constant 0 : i32
      %add3A_220 = arith.addi %mul3A_218, %add3A_219 : i32
      %run_scoped3A_221 = arith.constant 0 : i32
      "tpu.region"() ({
        %run_scoped3A_243 = tpu.sem_alloc : memref<!tpu.dma_semaphore, #tpu.memory_space<semaphore_mem>>
        %dma_start3A_244 = arith.constant 0 : i32
        %dma_start3A_245 = arith.constant 0 : i32
        %dma_start3A_246 = tpu.memref_slice %arg12[%run_scoped3A_221, %dma_start3A_244, %dma_start3A_245] : memref<2x80x128xf32, #tpu.memory_space<vmem>> -> memref<1x80x128xf32, #tpu.memory_space<vmem>>
        %dma_start3A_247 = tpu.memref_squeeze %dma_start3A_246 : memref<1x80x128xf32, #tpu.memory_space<vmem>> -> memref<80x128xf32, #tpu.memory_space<vmem>>
        %dma_start3A_248 = arith.constant 0 : i32
        %dma_start3A_249 = tpu.memref_slice %arg26[%add3A_220, %dma_start3A_248] : memref<10000x128xf32, #tpu.memory_space<vmem_shared>> -> memref<80x128xf32, #tpu.memory_space<vmem_shared>>
        %dma_start3A_250 = arith.constant 0 : i32
        %dma_start3A_251 = tpu.memref_slice %arg26[%add3A_220, %dma_start3A_250] : memref<10000x128xf32, #tpu.memory_space<vmem_shared>> -> memref<80x128xf32, #tpu.memory_space<vmem_shared>>
        %dma_start3A_252 = arith.constant 0 : i32
        %dma_start3A_253 = arith.constant 0 : i32
        %dma_start3A_254 = tpu.memref_slice %arg12[%run_scoped3A_221, %dma_start3A_252, %dma_start3A_253] : memref<2x80x128xf32, #tpu.memory_space<vmem>> -> memref<1x80x128xf32, #tpu.memory_space<vmem>>
        %dma_start3A_255 = tpu.memref_squeeze %dma_start3A_254 : memref<1x80x128xf32, #tpu.memory_space<vmem>> -> memref<80x128xf32, #tpu.memory_space<vmem>>
        tpu.enqueue_dma source(%dma_start3A_255 : memref<80x128xf32, #tpu.memory_space<vmem>>) target(%dma_start3A_251 : memref<80x128xf32, #tpu.memory_space<vmem_shared>>) target_semaphore(%run_scoped3A_243 : memref<!tpu.dma_semaphore, #tpu.memory_space<semaphore_mem>>)
        %dma_wait3A_256 = arith.constant 0 : i32
        %dma_wait3A_257 = arith.constant 0 : i32
        %dma_wait3A_258 = tpu.memref_slice %arg12[%run_scoped3A_221, %dma_wait3A_256, %dma_wait3A_257] : memref<2x80x128xf32, #tpu.memory_space<vmem>> -> memref<1x80x128xf32, #tpu.memory_space<vmem>>
        %dma_wait3A_259 = tpu.memref_squeeze %dma_wait3A_258 : memref<1x80x128xf32, #tpu.memory_space<vmem>> -> memref<80x128xf32, #tpu.memory_space<vmem>>
        %dma_wait3A_260 = arith.constant 0 : i32
        %dma_wait3A_261 = tpu.memref_slice %arg26[%add3A_220, %dma_wait3A_260] : memref<10000x128xf32, #tpu.memory_space<vmem_shared>> -> memref<80x128xf32, #tpu.memory_space<vmem_shared>>
        %dma_wait3A_262 = arith.constant 0 : i32
        %dma_wait3A_263 = tpu.memref_slice %arg26[%add3A_220, %dma_wait3A_262] : memref<10000x128xf32, #tpu.memory_space<vmem_shared>> -> memref<80x128xf32, #tpu.memory_space<vmem_shared>>
        %dma_wait3A_264 = arith.constant 0 : i32
        %dma_wait3A_265 = arith.constant 0 : i32
        %dma_wait3A_266 = tpu.memref_slice %arg12[%run_scoped3A_221, %dma_wait3A_264, %dma_wait3A_265] : memref<2x80x128xf32, #tpu.memory_space<vmem>> -> memref<1x80x128xf32, #tpu.memory_space<vmem>>
        %dma_wait3A_267 = tpu.memref_squeeze %dma_wait3A_266 : memref<1x80x128xf32, #tpu.memory_space<vmem>> -> memref<80x128xf32, #tpu.memory_space<vmem>>
        tpu.wait_dma2 semaphore(%run_scoped3A_243 : memref<!tpu.dma_semaphore, #tpu.memory_space<semaphore_mem>>) src(%dma_wait3A_267 : memref<80x128xf32, #tpu.memory_space<vmem>>) dst(%dma_wait3A_263 : memref<80x128xf32, #tpu.memory_space<vmem_shared>>)
        tpu.yield
      }) : () -> ()
      %add3A_222 = arith.constant 80 : i32
      %add3A_223 = arith.addi %mul3A_218, %add3A_222 : i32
      %run_scoped3A_224 = arith.constant 0 : i32
      "tpu.region"() ({
        %run_scoped3A_243 = tpu.sem_alloc : memref<!tpu.dma_semaphore, #tpu.memory_space<semaphore_mem>>
        %dma_start3A_244 = arith.constant 0 : i32
        %dma_start3A_245 = arith.constant 0 : i32
        %dma_start3A_246 = tpu.memref_slice %arg12[%run_scoped3A_224, %dma_start3A_244, %dma_start3A_245] : memref<2x80x128xf32, #tpu.memory_space<vmem>> -> memref<1x80x128xf32, #tpu.memory_space<vmem>>
        %dma_start3A_247 = tpu.memref_squeeze %dma_start3A_246 : memref<1x80x128xf32, #tpu.memory_space<vmem>> -> memref<80x128xf32, #tpu.memory_space<vmem>>
        %dma_start3A_248 = arith.constant 0 : i32
        %dma_start3A_249 = tpu.memref_slice %arg26[%add3A_223, %dma_start3A_248] : memref<10000x128xf32, #tpu.memory_space<vmem_shared>> -> memref<80x128xf32, #tpu.memory_space<vmem_shared>>
        %dma_start3A_250 = arith.constant 0 : i32
        %dma_start3A_251 = tpu.memref_slice %arg26[%add3A_223, %dma_start3A_250] : memref<10000x128xf32, #tpu.memory_space<vmem_shared>> -> memref<80x128xf32, #tpu.memory_space<vmem_shared>>
        %dma_start3A_252 = arith.constant 0 : i32
        %dma_start3A_253 = arith.constant 0 : i32
        %dma_start3A_254 = tpu.memref_slice %arg12[%run_scoped3A_224, %dma_start3A_252, %dma_start3A_253] : memref<2x80x128xf32, #tpu.memory_space<vmem>> -> memref<1x80x128xf32, #tpu.memory_space<vmem>>
        %dma_start3A_255 = tpu.memref_squeeze %dma_start3A_254 : memref<1x80x128xf32, #tpu.memory_space<vmem>> -> memref<80x128xf32, #tpu.memory_space<vmem>>
        tpu.enqueue_dma source(%dma_start3A_255 : memref<80x128xf32, #tpu.memory_space<vmem>>) target(%dma_start3A_251 : memref<80x128xf32, #tpu.memory_space<vmem_shared>>) target_semaphore(%run_scoped3A_243 : memref<!tpu.dma_semaphore, #tpu.memory_space<semaphore_mem>>)
        %dma_wait3A_256 = arith.constant 0 : i32
        %dma_wait3A_257 = arith.constant 0 : i32
        %dma_wait3A_258 = tpu.memref_slice %arg12[%run_scoped3A_224, %dma_wait3A_256, %dma_wait3A_257] : memref<2x80x128xf32, #tpu.memory_space<vmem>> -> memref<1x80x128xf32, #tpu.memory_space<vmem>>
        %dma_wait3A_259 = tpu.memref_squeeze %dma_wait3A_258 : memref<1x80x128xf32, #tpu.memory_space<vmem>> -> memref<80x128xf32, #tpu.memory_space<vmem>>
        %dma_wait3A_260 = arith.constant 0 : i32
        %dma_wait3A_261 = tpu.memref_slice %arg26[%add3A_223, %dma_wait3A_260] : memref<10000x128xf32, #tpu.memory_space<vmem_shared>> -> memref<80x128xf32, #tpu.memory_space<vmem_shared>>
        %dma_wait3A_262 = arith.constant 0 : i32
        %dma_wait3A_263 = tpu.memref_slice %arg26[%add3A_223, %dma_wait3A_262] : memref<10000x128xf32, #tpu.memory_space<vmem_shared>> -> memref<80x128xf32, #tpu.memory_space<vmem_shared>>
        %dma_wait3A_264 = arith.constant 0 : i32
        %dma_wait3A_265 = arith.constant 0 : i32
        %dma_wait3A_266 = tpu.memref_slice %arg12[%run_scoped3A_224, %dma_wait3A_264, %dma_wait3A_265] : memref<2x80x128xf32, #tpu.memory_space<vmem>> -> memref<1x80x128xf32, #tpu.memory_space<vmem>>
        %dma_wait3A_267 = tpu.memref_squeeze %dma_wait3A_266 : memref<1x80x128xf32, #tpu.memory_space<vmem>> -> memref<80x128xf32, #tpu.memory_space<vmem>>
        tpu.wait_dma2 semaphore(%run_scoped3A_243 : memref<!tpu.dma_semaphore, #tpu.memory_space<semaphore_mem>>) src(%dma_wait3A_267 : memref<80x128xf32, #tpu.memory_space<vmem>>) dst(%dma_wait3A_263 : memref<80x128xf32, #tpu.memory_space<vmem_shared>>)
        tpu.yield
      }) : () -> ()
      %add3A_225 = arith.constant 160 : i32
      %add3A_226 = arith.addi %mul3A_218, %add3A_225 : i32
      %run_scoped3A_227 = arith.constant 0 : i32
      "tpu.region"() ({
        %run_scoped3A_243 = tpu.sem_alloc : memref<!tpu.dma_semaphore, #tpu.memory_space<semaphore_mem>>
        %dma_start3A_244 = arith.constant 0 : i32
        %dma_start3A_245 = arith.constant 0 : i32
        %dma_start3A_246 = tpu.memref_slice %arg12[%run_scoped3A_227, %dma_start3A_244, %dma_start3A_245] : memref<2x80x128xf32, #tpu.memory_space<vmem>> -> memref<1x80x128xf32, #tpu.memory_space<vmem>>
        %dma_start3A_247 = tpu.memref_squeeze %dma_start3A_246 : memref<1x80x128xf32, #tpu.memory_space<vmem>> -> memref<80x128xf32, #tpu.memory_space<vmem>>
        %dma_start3A_248 = arith.constant 0 : i32
        %dma_start3A_249 = tpu.memref_slice %arg26[%add3A_226, %dma_start3A_248] : memref<10000x128xf32, #tpu.memory_space<vmem_shared>> -> memref<80x128xf32, #tpu.memory_space<vmem_shared>>
        %dma_start3A_250 = arith.constant 0 : i32
        %dma_start3A_251 = tpu.memref_slice %arg26[%add3A_226, %dma_start3A_250] : memref<10000x128xf32, #tpu.memory_space<vmem_shared>> -> memref<80x128xf32, #tpu.memory_space<vmem_shared>>
        %dma_start3A_252 = arith.constant 0 : i32
        %dma_start3A_253 = arith.constant 0 : i32
        %dma_start3A_254 = tpu.memref_slice %arg12[%run_scoped3A_227, %dma_start3A_252, %dma_start3A_253] : memref<2x80x128xf32, #tpu.memory_space<vmem>> -> memref<1x80x128xf32, #tpu.memory_space<vmem>>
        %dma_start3A_255 = tpu.memref_squeeze %dma_start3A_254 : memref<1x80x128xf32, #tpu.memory_space<vmem>> -> memref<80x128xf32, #tpu.memory_space<vmem>>
        tpu.enqueue_dma source(%dma_start3A_255 : memref<80x128xf32, #tpu.memory_space<vmem>>) target(%dma_start3A_251 : memref<80x128xf32, #tpu.memory_space<vmem_shared>>) target_semaphore(%run_scoped3A_243 : memref<!tpu.dma_semaphore, #tpu.memory_space<semaphore_mem>>)
        %dma_wait3A_256 = arith.constant 0 : i32
        %dma_wait3A_257 = arith.constant 0 : i32
        %dma_wait3A_258 = tpu.memref_slice %arg12[%run_scoped3A_227, %dma_wait3A_256, %dma_wait3A_257] : memref<2x80x128xf32, #tpu.memory_space<vmem>> -> memref<1x80x128xf32, #tpu.memory_space<vmem>>
        %dma_wait3A_259 = tpu.memref_squeeze %dma_wait3A_258 : memref<1x80x128xf32, #tpu.memory_space<vmem>> -> memref<80x128xf32, #tpu.memory_space<vmem>>
        %dma_wait3A_260 = arith.constant 0 : i32
        %dma_wait3A_261 = tpu.memref_slice %arg26[%add3A_226, %dma_wait3A_260] : memref<10000x128xf32, #tpu.memory_space<vmem_shared>> -> memref<80x128xf32, #tpu.memory_space<vmem_shared>>
        %dma_wait3A_262 = arith.constant 0 : i32
        %dma_wait3A_263 = tpu.memref_slice %arg26[%add3A_226, %dma_wait3A_262] : memref<10000x128xf32, #tpu.memory_space<vmem_shared>> -> memref<80x128xf32, #tpu.memory_space<vmem_shared>>
        %dma_wait3A_264 = arith.constant 0 : i32
        %dma_wait3A_265 = arith.constant 0 : i32
        %dma_wait3A_266 = tpu.memref_slice %arg12[%run_scoped3A_227, %dma_wait3A_264, %dma_wait3A_265] : memref<2x80x128xf32, #tpu.memory_space<vmem>> -> memref<1x80x128xf32, #tpu.memory_space<vmem>>
        %dma_wait3A_267 = tpu.memref_squeeze %dma_wait3A_266 : memref<1x80x128xf32, #tpu.memory_space<vmem>> -> memref<80x128xf32, #tpu.memory_space<vmem>>
        tpu.wait_dma2 semaphore(%run_scoped3A_243 : memref<!tpu.dma_semaphore, #tpu.memory_space<semaphore_mem>>) src(%dma_wait3A_267 : memref<80x128xf32, #tpu.memory_space<vmem>>) dst(%dma_wait3A_263 : memref<80x128xf32, #tpu.memory_space<vmem_shared>>)
        tpu.yield
      }) : () -> ()
      %add3A_228 = arith.constant 240 : i32
      %add3A_229 = arith.addi %mul3A_218, %add3A_228 : i32
      %run_scoped3A_230 = arith.constant 0 : i32
      "tpu.region"() ({
        %run_scoped3A_243 = tpu.sem_alloc : memref<!tpu.dma_semaphore, #tpu.memory_space<semaphore_mem>>
        %dma_start3A_244 = arith.constant 0 : i32
        %dma_start3A_245 = arith.constant 0 : i32
        %dma_start3A_246 = tpu.memref_slice %arg12[%run_scoped3A_230, %dma_start3A_244, %dma_start3A_245] : memref<2x80x128xf32, #tpu.memory_space<vmem>> -> memref<1x80x128xf32, #tpu.memory_space<vmem>>
        %dma_start3A_247 = tpu.memref_squeeze %dma_start3A_246 : memref<1x80x128xf32, #tpu.memory_space<vmem>> -> memref<80x128xf32, #tpu.memory_space<vmem>>
        %dma_start3A_248 = arith.constant 0 : i32
        %dma_start3A_249 = tpu.memref_slice %arg26[%add3A_229, %dma_start3A_248] : memref<10000x128xf32, #tpu.memory_space<vmem_shared>> -> memref<80x128xf32, #tpu.memory_space<vmem_shared>>
        %dma_start3A_250 = arith.constant 0 : i32
        %dma_start3A_251 = tpu.memref_slice %arg26[%add3A_229, %dma_start3A_250] : memref<10000x128xf32, #tpu.memory_space<vmem_shared>> -> memref<80x128xf32, #tpu.memory_space<vmem_shared>>
        %dma_start3A_252 = arith.constant 0 : i32
        %dma_start3A_253 = arith.constant 0 : i32
        %dma_start3A_254 = tpu.memref_slice %arg12[%run_scoped3A_230, %dma_start3A_252, %dma_start3A_253] : memref<2x80x128xf32, #tpu.memory_space<vmem>> -> memref<1x80x128xf32, #tpu.memory_space<vmem>>
        %dma_start3A_255 = tpu.memref_squeeze %dma_start3A_254 : memref<1x80x128xf32, #tpu.memory_space<vmem>> -> memref<80x128xf32, #tpu.memory_space<vmem>>
        tpu.enqueue_dma source(%dma_start3A_255 : memref<80x128xf32, #tpu.memory_space<vmem>>) target(%dma_start3A_251 : memref<80x128xf32, #tpu.memory_space<vmem_shared>>) target_semaphore(%run_scoped3A_243 : memref<!tpu.dma_semaphore, #tpu.memory_space<semaphore_mem>>)
        %dma_wait3A_256 = arith.constant 0 : i32
        %dma_wait3A_257 = arith.constant 0 : i32
        %dma_wait3A_258 = tpu.memref_slice %arg12[%run_scoped3A_230, %dma_wait3A_256, %dma_wait3A_257] : memref<2x80x128xf32, #tpu.memory_space<vmem>> -> memref<1x80x128xf32, #tpu.memory_space<vmem>>
        %dma_wait3A_259 = tpu.memref_squeeze %dma_wait3A_258 : memref<1x80x128xf32, #tpu.memory_space<vmem>> -> memref<80x128xf32, #tpu.memory_space<vmem>>
        %dma_wait3A_260 = arith.constant 0 : i32
        %dma_wait3A_261 = tpu.memref_slice %arg26[%add3A_229, %dma_wait3A_260] : memref<10000x128xf32, #tpu.memory_space<vmem_shared>> -> memref<80x128xf32, #tpu.memory_space<vmem_shared>>
        %dma_wait3A_262 = arith.constant 0 : i32
        %dma_wait3A_263 = tpu.memref_slice %arg26[%add3A_229, %dma_wait3A_262] : memref<10000x128xf32, #tpu.memory_space<vmem_shared>> -> memref<80x128xf32, #tpu.memory_space<vmem_shared>>
        %dma_wait3A_264 = arith.constant 0 : i32
        %dma_wait3A_265 = arith.constant 0 : i32
        %dma_wait3A_266 = tpu.memref_slice %arg12[%run_scoped3A_230, %dma_wait3A_264, %dma_wait3A_265] : memref<2x80x128xf32, #tpu.memory_space<vmem>> -> memref<1x80x128xf32, #tpu.memory_space<vmem>>
        %dma_wait3A_267 = tpu.memref_squeeze %dma_wait3A_266 : memref<1x80x128xf32, #tpu.memory_space<vmem>> -> memref<80x128xf32, #tpu.memory_space<vmem>>
        tpu.wait_dma2 semaphore(%run_scoped3A_243 : memref<!tpu.dma_semaphore, #tpu.memory_space<semaphore_mem>>) src(%dma_wait3A_267 : memref<80x128xf32, #tpu.memory_space<vmem>>) dst(%dma_wait3A_263 : memref<80x128xf32, #tpu.memory_space<vmem_shared>>)
        tpu.yield
      }) : () -> ()
      %add3A_231 = arith.constant 320 : i32
      %add3A_232 = arith.addi %mul3A_218, %add3A_231 : i32
      %run_scoped3A_233 = arith.constant 0 : i32
      "tpu.region"() ({
        %run_scoped3A_243 = tpu.sem_alloc : memref<!tpu.dma_semaphore, #tpu.memory_space<semaphore_mem>>
        %dma_start3A_244 = arith.constant 0 : i32
        %dma_start3A_245 = arith.constant 0 : i32
        %dma_start3A_246 = tpu.memref_slice %arg12[%run_scoped3A_233, %dma_start3A_244, %dma_start3A_245] : memref<2x80x128xf32, #tpu.memory_space<vmem>> -> memref<1x80x128xf32, #tpu.memory_space<vmem>>
        %dma_start3A_247 = tpu.memref_squeeze %dma_start3A_246 : memref<1x80x128xf32, #tpu.memory_space<vmem>> -> memref<80x128xf32, #tpu.memory_space<vmem>>
        %dma_start3A_248 = arith.constant 0 : i32
        %dma_start3A_249 = tpu.memref_slice %arg26[%add3A_232, %dma_start3A_248] : memref<10000x128xf32, #tpu.memory_space<vmem_shared>> -> memref<80x128xf32, #tpu.memory_space<vmem_shared>>
        %dma_start3A_250 = arith.constant 0 : i32
        %dma_start3A_251 = tpu.memref_slice %arg26[%add3A_232, %dma_start3A_250] : memref<10000x128xf32, #tpu.memory_space<vmem_shared>> -> memref<80x128xf32, #tpu.memory_space<vmem_shared>>
        %dma_start3A_252 = arith.constant 0 : i32
        %dma_start3A_253 = arith.constant 0 : i32
        %dma_start3A_254 = tpu.memref_slice %arg12[%run_scoped3A_233, %dma_start3A_252, %dma_start3A_253] : memref<2x80x128xf32, #tpu.memory_space<vmem>> -> memref<1x80x128xf32, #tpu.memory_space<vmem>>
        %dma_start3A_255 = tpu.memref_squeeze %dma_start3A_254 : memref<1x80x128xf32, #tpu.memory_space<vmem>> -> memref<80x128xf32, #tpu.memory_space<vmem>>
        tpu.enqueue_dma source(%dma_start3A_255 : memref<80x128xf32, #tpu.memory_space<vmem>>) target(%dma_start3A_251 : memref<80x128xf32, #tpu.memory_space<vmem_shared>>) target_semaphore(%run_scoped3A_243 : memref<!tpu.dma_semaphore, #tpu.memory_space<semaphore_mem>>)
        %dma_wait3A_256 = arith.constant 0 : i32
        %dma_wait3A_257 = arith.constant 0 : i32
        %dma_wait3A_258 = tpu.memref_slice %arg12[%run_scoped3A_233, %dma_wait3A_256, %dma_wait3A_257] : memref<2x80x128xf32, #tpu.memory_space<vmem>> -> memref<1x80x128xf32, #tpu.memory_space<vmem>>
        %dma_wait3A_259 = tpu.memref_squeeze %dma_wait3A_258 : memref<1x80x128xf32, #tpu.memory_space<vmem>> -> memref<80x128xf32, #tpu.memory_space<vmem>>
        %dma_wait3A_260 = arith.constant 0 : i32
        %dma_wait3A_261 = tpu.memref_slice %arg26[%add3A_232, %dma_wait3A_260] : memref<10000x128xf32, #tpu.memory_space<vmem_shared>> -> memref<80x128xf32, #tpu.memory_space<vmem_shared>>
        %dma_wait3A_262 = arith.constant 0 : i32
        %dma_wait3A_263 = tpu.memref_slice %arg26[%add3A_232, %dma_wait3A_262] : memref<10000x128xf32, #tpu.memory_space<vmem_shared>> -> memref<80x128xf32, #tpu.memory_space<vmem_shared>>
        %dma_wait3A_264 = arith.constant 0 : i32
        %dma_wait3A_265 = arith.constant 0 : i32
        %dma_wait3A_266 = tpu.memref_slice %arg12[%run_scoped3A_233, %dma_wait3A_264, %dma_wait3A_265] : memref<2x80x128xf32, #tpu.memory_space<vmem>> -> memref<1x80x128xf32, #tpu.memory_space<vmem>>
        %dma_wait3A_267 = tpu.memref_squeeze %dma_wait3A_266 : memref<1x80x128xf32, #tpu.memory_space<vmem>> -> memref<80x128xf32, #tpu.memory_space<vmem>>
        tpu.wait_dma2 semaphore(%run_scoped3A_243 : memref<!tpu.dma_semaphore, #tpu.memory_space<semaphore_mem>>) src(%dma_wait3A_267 : memref<80x128xf32, #tpu.memory_space<vmem>>) dst(%dma_wait3A_263 : memref<80x128xf32, #tpu.memory_space<vmem_shared>>)
        tpu.yield
      }) : () -> ()
      %add3A_234 = arith.constant 400 : i32
      %add3A_235 = arith.addi %mul3A_218, %add3A_234 : i32
      %run_scoped3A_236 = arith.constant 0 : i32
      "tpu.region"() ({
        %run_scoped3A_243 = tpu.sem_alloc : memref<!tpu.dma_semaphore, #tpu.memory_space<semaphore_mem>>
        %dma_start3A_244 = arith.constant 0 : i32
        %dma_start3A_245 = arith.constant 0 : i32
        %dma_start3A_246 = tpu.memref_slice %arg12[%run_scoped3A_236, %dma_start3A_244, %dma_start3A_245] : memref<2x80x128xf32, #tpu.memory_space<vmem>> -> memref<1x80x128xf32, #tpu.memory_space<vmem>>
        %dma_start3A_247 = tpu.memref_squeeze %dma_start3A_246 : memref<1x80x128xf32, #tpu.memory_space<vmem>> -> memref<80x128xf32, #tpu.memory_space<vmem>>
        %dma_start3A_248 = arith.constant 0 : i32
        %dma_start3A_249 = tpu.memref_slice %arg26[%add3A_235, %dma_start3A_248] : memref<10000x128xf32, #tpu.memory_space<vmem_shared>> -> memref<80x128xf32, #tpu.memory_space<vmem_shared>>
        %dma_start3A_250 = arith.constant 0 : i32
        %dma_start3A_251 = tpu.memref_slice %arg26[%add3A_235, %dma_start3A_250] : memref<10000x128xf32, #tpu.memory_space<vmem_shared>> -> memref<80x128xf32, #tpu.memory_space<vmem_shared>>
        %dma_start3A_252 = arith.constant 0 : i32
        %dma_start3A_253 = arith.constant 0 : i32
        %dma_start3A_254 = tpu.memref_slice %arg12[%run_scoped3A_236, %dma_start3A_252, %dma_start3A_253] : memref<2x80x128xf32, #tpu.memory_space<vmem>> -> memref<1x80x128xf32, #tpu.memory_space<vmem>>
        %dma_start3A_255 = tpu.memref_squeeze %dma_start3A_254 : memref<1x80x128xf32, #tpu.memory_space<vmem>> -> memref<80x128xf32, #tpu.memory_space<vmem>>
        tpu.enqueue_dma source(%dma_start3A_255 : memref<80x128xf32, #tpu.memory_space<vmem>>) target(%dma_start3A_251 : memref<80x128xf32, #tpu.memory_space<vmem_shared>>) target_semaphore(%run_scoped3A_243 : memref<!tpu.dma_semaphore, #tpu.memory_space<semaphore_mem>>)
        %dma_wait3A_256 = arith.constant 0 : i32
        %dma_wait3A_257 = arith.constant 0 : i32
        %dma_wait3A_258 = tpu.memref_slice %arg12[%run_scoped3A_236, %dma_wait3A_256, %dma_wait3A_257] : memref<2x80x128xf32, #tpu.memory_space<vmem>> -> memref<1x80x128xf32, #tpu.memory_space<vmem>>
        %dma_wait3A_259 = tpu.memref_squeeze %dma_wait3A_258 : memref<1x80x128xf32, #tpu.memory_space<vmem>> -> memref<80x128xf32, #tpu.memory_space<vmem>>
        %dma_wait3A_260 = arith.constant 0 : i32
        %dma_wait3A_261 = tpu.memref_slice %arg26[%add3A_235, %dma_wait3A_260] : memref<10000x128xf32, #tpu.memory_space<vmem_shared>> -> memref<80x128xf32, #tpu.memory_space<vmem_shared>>
        %dma_wait3A_262 = arith.constant 0 : i32
        %dma_wait3A_263 = tpu.memref_slice %arg26[%add3A_235, %dma_wait3A_262] : memref<10000x128xf32, #tpu.memory_space<vmem_shared>> -> memref<80x128xf32, #tpu.memory_space<vmem_shared>>
        %dma_wait3A_264 = arith.constant 0 : i32
        %dma_wait3A_265 = arith.constant 0 : i32
        %dma_wait3A_266 = tpu.memref_slice %arg12[%run_scoped3A_236, %dma_wait3A_264, %dma_wait3A_265] : memref<2x80x128xf32, #tpu.memory_space<vmem>> -> memref<1x80x128xf32, #tpu.memory_space<vmem>>
        %dma_wait3A_267 = tpu.memref_squeeze %dma_wait3A_266 : memref<1x80x128xf32, #tpu.memory_space<vmem>> -> memref<80x128xf32, #tpu.memory_space<vmem>>
        tpu.wait_dma2 semaphore(%run_scoped3A_243 : memref<!tpu.dma_semaphore, #tpu.memory_space<semaphore_mem>>) src(%dma_wait3A_267 : memref<80x128xf32, #tpu.memory_space<vmem>>) dst(%dma_wait3A_263 : memref<80x128xf32, #tpu.memory_space<vmem_shared>>)
        tpu.yield
      }) : () -> ()
      %add3A_237 = arith.constant 480 : i32
      %add3A_238 = arith.addi %mul3A_218, %add3A_237 : i32
      %run_scoped3A_239 = arith.constant 0 : i32
      "tpu.region"() ({
        %run_scoped3A_243 = tpu.sem_alloc : memref<!tpu.dma_semaphore, #tpu.memory_space<semaphore_mem>>
        %dma_start3A_244 = arith.constant 0 : i32
        %dma_start3A_245 = arith.constant 0 : i32
        %dma_start3A_246 = tpu.memref_slice %arg12[%run_scoped3A_239, %dma_start3A_244, %dma_start3A_245] : memref<2x80x128xf32, #tpu.memory_space<vmem>> -> memref<1x80x128xf32, #tpu.memory_space<vmem>>
        %dma_start3A_247 = tpu.memref_squeeze %dma_start3A_246 : memref<1x80x128xf32, #tpu.memory_space<vmem>> -> memref<80x128xf32, #tpu.memory_space<vmem>>
        %dma_start3A_248 = arith.constant 0 : i32
        %dma_start3A_249 = tpu.memref_slice %arg26[%add3A_238, %dma_start3A_248] : memref<10000x128xf32, #tpu.memory_space<vmem_shared>> -> memref<80x128xf32, #tpu.memory_space<vmem_shared>>
        %dma_start3A_250 = arith.constant 0 : i32
        %dma_start3A_251 = tpu.memref_slice %arg26[%add3A_238, %dma_start3A_250] : memref<10000x128xf32, #tpu.memory_space<vmem_shared>> -> memref<80x128xf32, #tpu.memory_space<vmem_shared>>
        %dma_start3A_252 = arith.constant 0 : i32
        %dma_start3A_253 = arith.constant 0 : i32
        %dma_start3A_254 = tpu.memref_slice %arg12[%run_scoped3A_239, %dma_start3A_252, %dma_start3A_253] : memref<2x80x128xf32, #tpu.memory_space<vmem>> -> memref<1x80x128xf32, #tpu.memory_space<vmem>>
        %dma_start3A_255 = tpu.memref_squeeze %dma_start3A_254 : memref<1x80x128xf32, #tpu.memory_space<vmem>> -> memref<80x128xf32, #tpu.memory_space<vmem>>
        tpu.enqueue_dma source(%dma_start3A_255 : memref<80x128xf32, #tpu.memory_space<vmem>>) target(%dma_start3A_251 : memref<80x128xf32, #tpu.memory_space<vmem_shared>>) target_semaphore(%run_scoped3A_243 : memref<!tpu.dma_semaphore, #tpu.memory_space<semaphore_mem>>)
        %dma_wait3A_256 = arith.constant 0 : i32
        %dma_wait3A_257 = arith.constant 0 : i32
        %dma_wait3A_258 = tpu.memref_slice %arg12[%run_scoped3A_239, %dma_wait3A_256, %dma_wait3A_257] : memref<2x80x128xf32, #tpu.memory_space<vmem>> -> memref<1x80x128xf32, #tpu.memory_space<vmem>>
        %dma_wait3A_259 = tpu.memref_squeeze %dma_wait3A_258 : memref<1x80x128xf32, #tpu.memory_space<vmem>> -> memref<80x128xf32, #tpu.memory_space<vmem>>
        %dma_wait3A_260 = arith.constant 0 : i32
        %dma_wait3A_261 = tpu.memref_slice %arg26[%add3A_238, %dma_wait3A_260] : memref<10000x128xf32, #tpu.memory_space<vmem_shared>> -> memref<80x128xf32, #tpu.memory_space<vmem_shared>>
        %dma_wait3A_262 = arith.constant 0 : i32
        %dma_wait3A_263 = tpu.memref_slice %arg26[%add3A_238, %dma_wait3A_262] : memref<10000x128xf32, #tpu.memory_space<vmem_shared>> -> memref<80x128xf32, #tpu.memory_space<vmem_shared>>
        %dma_wait3A_264 = arith.constant 0 : i32
        %dma_wait3A_265 = arith.constant 0 : i32
        %dma_wait3A_266 = tpu.memref_slice %arg12[%run_scoped3A_239, %dma_wait3A_264, %dma_wait3A_265] : memref<2x80x128xf32, #tpu.memory_space<vmem>> -> memref<1x80x128xf32, #tpu.memory_space<vmem>>
        %dma_wait3A_267 = tpu.memref_squeeze %dma_wait3A_266 : memref<1x80x128xf32, #tpu.memory_space<vmem>> -> memref<80x128xf32, #tpu.memory_space<vmem>>
        tpu.wait_dma2 semaphore(%run_scoped3A_243 : memref<!tpu.dma_semaphore, #tpu.memory_space<semaphore_mem>>) src(%dma_wait3A_267 : memref<80x128xf32, #tpu.memory_space<vmem>>) dst(%dma_wait3A_263 : memref<80x128xf32, #tpu.memory_space<vmem_shared>>)
        tpu.yield
      }) : () -> ()
      %add3A_240 = arith.constant 560 : i32
      %add3A_241 = arith.addi %mul3A_218, %add3A_240 : i32
      %run_scoped3A_242 = arith.constant 0 : i32
      "tpu.region"() ({
        %run_scoped3A_243 = tpu.sem_alloc : memref<!tpu.dma_semaphore, #tpu.memory_space<semaphore_mem>>
        %dma_start3A_244 = arith.constant 0 : i32
        %dma_start3A_245 = arith.constant 0 : i32
        %dma_start3A_246 = tpu.memref_slice %arg12[%run_scoped3A_242, %dma_start3A_244, %dma_start3A_245] : memref<2x80x128xf32, #tpu.memory_space<vmem>> -> memref<1x80x128xf32, #tpu.memory_space<vmem>>
        %dma_start3A_247 = tpu.memref_squeeze %dma_start3A_246 : memref<1x80x128xf32, #tpu.memory_space<vmem>> -> memref<80x128xf32, #tpu.memory_space<vmem>>
        %dma_start3A_248 = arith.constant 0 : i32
        %dma_start3A_249 = arith.constant 0 : i32
        %dma_start3A_250 = tpu.memref_slice %dma_start3A_247[%dma_start3A_248, %dma_start3A_249] : memref<80x128xf32, #tpu.memory_space<vmem>> -> memref<65x128xf32, #tpu.memory_space<vmem>>
        %dma_start3A_251 = arith.constant 0 : i32
        %dma_start3A_252 = tpu.memref_slice %arg26[%add3A_241, %dma_start3A_251] : memref<10000x128xf32, #tpu.memory_space<vmem_shared>> -> memref<65x128xf32, #tpu.memory_space<vmem_shared>>
        %dma_start3A_253 = arith.constant 0 : i32
        %dma_start3A_254 = tpu.memref_slice %arg26[%add3A_241, %dma_start3A_253] : memref<10000x128xf32, #tpu.memory_space<vmem_shared>> -> memref<65x128xf32, #tpu.memory_space<vmem_shared>>
        %dma_start3A_255 = arith.constant 0 : i32
        %dma_start3A_256 = arith.constant 0 : i32
        %dma_start3A_257 = tpu.memref_slice %arg12[%run_scoped3A_242, %dma_start3A_255, %dma_start3A_256] : memref<2x80x128xf32, #tpu.memory_space<vmem>> -> memref<1x80x128xf32, #tpu.memory_space<vmem>>
        %dma_start3A_258 = tpu.memref_squeeze %dma_start3A_257 : memref<1x80x128xf32, #tpu.memory_space<vmem>> -> memref<80x128xf32, #tpu.memory_space<vmem>>
        %dma_start3A_259 = arith.constant 0 : i32
        %dma_start3A_260 = arith.constant 0 : i32
        %dma_start3A_261 = tpu.memref_slice %dma_start3A_258[%dma_start3A_259, %dma_start3A_260] : memref<80x128xf32, #tpu.memory_space<vmem>> -> memref<65x128xf32, #tpu.memory_space<vmem>>
        tpu.enqueue_dma source(%dma_start3A_261 : memref<65x128xf32, #tpu.memory_space<vmem>>) target(%dma_start3A_254 : memref<65x128xf32, #tpu.memory_space<vmem_shared>>) target_semaphore(%run_scoped3A_243 : memref<!tpu.dma_semaphore, #tpu.memory_space<semaphore_mem>>)
        %dma_wait3A_262 = arith.constant 0 : i32
        %dma_wait3A_263 = arith.constant 0 : i32
        %dma_wait3A_264 = tpu.memref_slice %arg12[%run_scoped3A_242, %dma_wait3A_262, %dma_wait3A_263] : memref<2x80x128xf32, #tpu.memory_space<vmem>> -> memref<1x80x128xf32, #tpu.memory_space<vmem>>
        %dma_wait3A_265 = tpu.memref_squeeze %dma_wait3A_264 : memref<1x80x128xf32, #tpu.memory_space<vmem>> -> memref<80x128xf32, #tpu.memory_space<vmem>>
        %dma_wait3A_266 = arith.constant 0 : i32
        %dma_wait3A_267 = arith.constant 0 : i32
        %dma_wait3A_268 = tpu.memref_slice %dma_wait3A_265[%dma_wait3A_266, %dma_wait3A_267] : memref<80x128xf32, #tpu.memory_space<vmem>> -> memref<65x128xf32, #tpu.memory_space<vmem>>
        %dma_wait3A_269 = arith.constant 0 : i32
        %dma_wait3A_270 = tpu.memref_slice %arg26[%add3A_241, %dma_wait3A_269] : memref<10000x128xf32, #tpu.memory_space<vmem_shared>> -> memref<65x128xf32, #tpu.memory_space<vmem_shared>>
        %dma_wait3A_271 = arith.constant 0 : i32
        %dma_wait3A_272 = tpu.memref_slice %arg26[%add3A_241, %dma_wait3A_271] : memref<10000x128xf32, #tpu.memory_space<vmem_shared>> -> memref<65x128xf32, #tpu.memory_space<vmem_shared>>
        %dma_wait3A_273 = arith.constant 0 : i32
        %dma_wait3A_274 = arith.constant 0 : i32
        %dma_wait3A_275 = tpu.memref_slice %arg12[%run_scoped3A_242, %dma_wait3A_273, %dma_wait3A_274] : memref<2x80x128xf32, #tpu.memory_space<vmem>> -> memref<1x80x128xf32, #tpu.memory_space<vmem>>
        %dma_wait3A_276 = tpu.memref_squeeze %dma_wait3A_275 : memref<1x80x128xf32, #tpu.memory_space<vmem>> -> memref<80x128xf32, #tpu.memory_space<vmem>>
        %dma_wait3A_277 = arith.constant 0 : i32
        %dma_wait3A_278 = arith.constant 0 : i32
        %dma_wait3A_279 = tpu.memref_slice %dma_wait3A_276[%dma_wait3A_277, %dma_wait3A_278] : memref<80x128xf32, #tpu.memory_space<vmem>> -> memref<65x128xf32, #tpu.memory_space<vmem>>
        tpu.wait_dma2 semaphore(%run_scoped3A_243 : memref<!tpu.dma_semaphore, #tpu.memory_space<semaphore_mem>>) src(%dma_wait3A_279 : memref<65x128xf32, #tpu.memory_space<vmem>>) dst(%dma_wait3A_272 : memref<65x128xf32, #tpu.memory_space<vmem_shared>>)
        tpu.yield
      }) : () -> ()
    } else {
    }
    %mul3A_20 = arith.constant 625 : i32
    %mul3A_21 = arith.muli %arg1, %mul3A_20 : i32
    %add3A_22 = arith.constant 0 : i32
    %add3A_23 = arith.addi %mul3A_21, %add3A_22 : i32
    %run_scoped3A = arith.constant 0 : i32
    "tpu.region"() ({
      %run_scoped3A_217 = tpu.sem_alloc : memref<!tpu.dma_semaphore, #tpu.memory_space<semaphore_mem>>
      %dma_start3A_218 = arith.constant 0 : i32
      %dma_start3A_219 = arith.constant 0 : i32
      %dma_start3A_220 = tpu.memref_slice %arg13[%run_scoped3A, %dma_start3A_218, %dma_start3A_219] : memref<2x80x16xf32, #tpu.memory_space<vmem>> -> memref<1x80x16xf32, #tpu.memory_space<vmem>>
      %dma_start3A_221 = tpu.memref_squeeze %dma_start3A_220 : memref<1x80x16xf32, #tpu.memory_space<vmem>> -> memref<80x16xf32, #tpu.memory_space<vmem>>
      %dma_start3A_222 = arith.constant 0 : i32
      %dma_start3A_223 = tpu.memref_slice %arg27[%add3A_23, %dma_start3A_222] : memref<10000x16xf32, #tpu.memory_space<vmem_shared>> -> memref<80x16xf32, #tpu.memory_space<vmem_shared>>
      %dma_start3A_224 = arith.constant 0 : i32
      %dma_start3A_225 = tpu.memref_slice %arg27[%add3A_23, %dma_start3A_224] : memref<10000x16xf32, #tpu.memory_space<vmem_shared>> -> memref<80x16xf32, #tpu.memory_space<vmem_shared>>
      %dma_start3A_226 = arith.constant 0 : i32
      %dma_start3A_227 = arith.constant 0 : i32
      %dma_start3A_228 = tpu.memref_slice %arg13[%run_scoped3A, %dma_start3A_226, %dma_start3A_227] : memref<2x80x16xf32, #tpu.memory_space<vmem>> -> memref<1x80x16xf32, #tpu.memory_space<vmem>>
      %dma_start3A_229 = tpu.memref_squeeze %dma_start3A_228 : memref<1x80x16xf32, #tpu.memory_space<vmem>> -> memref<80x16xf32, #tpu.memory_space<vmem>>
      tpu.enqueue_dma source(%dma_start3A_229 : memref<80x16xf32, #tpu.memory_space<vmem>>) target(%dma_start3A_225 : memref<80x16xf32, #tpu.memory_space<vmem_shared>>) target_semaphore(%run_scoped3A_217 : memref<!tpu.dma_semaphore, #tpu.memory_space<semaphore_mem>>)
      %dma_wait3A_230 = arith.constant 0 : i32
      %dma_wait3A_231 = arith.constant 0 : i32
      %dma_wait3A_232 = tpu.memref_slice %arg13[%run_scoped3A, %dma_wait3A_230, %dma_wait3A_231] : memref<2x80x16xf32, #tpu.memory_space<vmem>> -> memref<1x80x16xf32, #tpu.memory_space<vmem>>
      %dma_wait3A_233 = tpu.memref_squeeze %dma_wait3A_232 : memref<1x80x16xf32, #tpu.memory_space<vmem>> -> memref<80x16xf32, #tpu.memory_space<vmem>>
      %dma_wait3A_234 = arith.constant 0 : i32
      %dma_wait3A_235 = tpu.memref_slice %arg27[%add3A_23, %dma_wait3A_234] : memref<10000x16xf32, #tpu.memory_space<vmem_shared>> -> memref<80x16xf32, #tpu.memory_space<vmem_shared>>
      %dma_wait3A_236 = arith.constant 0 : i32
      %dma_wait3A_237 = tpu.memref_slice %arg27[%add3A_23, %dma_wait3A_236] : memref<10000x16xf32, #tpu.memory_space<vmem_shared>> -> memref<80x16xf32, #tpu.memory_space<vmem_shared>>
      %dma_wait3A_238 = arith.constant 0 : i32
      %dma_wait3A_239 = arith.constant 0 : i32
      %dma_wait3A_240 = tpu.memref_slice %arg13[%run_scoped3A, %dma_wait3A_238, %dma_wait3A_239] : memref<2x80x16xf32, #tpu.memory_space<vmem>> -> memref<1x80x16xf32, #tpu.memory_space<vmem>>
      %dma_wait3A_241 = tpu.memref_squeeze %dma_wait3A_240 : memref<1x80x16xf32, #tpu.memory_space<vmem>> -> memref<80x16xf32, #tpu.memory_space<vmem>>
      tpu.wait_dma2 semaphore(%run_scoped3A_217 : memref<!tpu.dma_semaphore, #tpu.memory_space<semaphore_mem>>) src(%dma_wait3A_241 : memref<80x16xf32, #tpu.memory_space<vmem>>) dst(%dma_wait3A_237 : memref<80x16xf32, #tpu.memory_space<vmem_shared>>)
      tpu.yield
    }) : () -> ()
    %add3A_24 = arith.constant 80 : i32
    %add3A_25 = arith.addi %mul3A_21, %add3A_24 : i32
    %run_scoped3A_26 = arith.constant 0 : i32
    "tpu.region"() ({
      %run_scoped3A_217 = tpu.sem_alloc : memref<!tpu.dma_semaphore, #tpu.memory_space<semaphore_mem>>
      %dma_start3A_218 = arith.constant 0 : i32
      %dma_start3A_219 = arith.constant 0 : i32
      %dma_start3A_220 = tpu.memref_slice %arg13[%run_scoped3A_26, %dma_start3A_218, %dma_start3A_219] : memref<2x80x16xf32, #tpu.memory_space<vmem>> -> memref<1x80x16xf32, #tpu.memory_space<vmem>>
      %dma_start3A_221 = tpu.memref_squeeze %dma_start3A_220 : memref<1x80x16xf32, #tpu.memory_space<vmem>> -> memref<80x16xf32, #tpu.memory_space<vmem>>
      %dma_start3A_222 = arith.constant 0 : i32
      %dma_start3A_223 = tpu.memref_slice %arg27[%add3A_25, %dma_start3A_222] : memref<10000x16xf32, #tpu.memory_space<vmem_shared>> -> memref<80x16xf32, #tpu.memory_space<vmem_shared>>
      %dma_start3A_224 = arith.constant 0 : i32
      %dma_start3A_225 = tpu.memref_slice %arg27[%add3A_25, %dma_start3A_224] : memref<10000x16xf32, #tpu.memory_space<vmem_shared>> -> memref<80x16xf32, #tpu.memory_space<vmem_shared>>
      %dma_start3A_226 = arith.constant 0 : i32
      %dma_start3A_227 = arith.constant 0 : i32
      %dma_start3A_228 = tpu.memref_slice %arg13[%run_scoped3A_26, %dma_start3A_226, %dma_start3A_227] : memref<2x80x16xf32, #tpu.memory_space<vmem>> -> memref<1x80x16xf32, #tpu.memory_space<vmem>>
      %dma_start3A_229 = tpu.memref_squeeze %dma_start3A_228 : memref<1x80x16xf32, #tpu.memory_space<vmem>> -> memref<80x16xf32, #tpu.memory_space<vmem>>
      tpu.enqueue_dma source(%dma_start3A_229 : memref<80x16xf32, #tpu.memory_space<vmem>>) target(%dma_start3A_225 : memref<80x16xf32, #tpu.memory_space<vmem_shared>>) target_semaphore(%run_scoped3A_217 : memref<!tpu.dma_semaphore, #tpu.memory_space<semaphore_mem>>)
      %dma_wait3A_230 = arith.constant 0 : i32
      %dma_wait3A_231 = arith.constant 0 : i32
      %dma_wait3A_232 = tpu.memref_slice %arg13[%run_scoped3A_26, %dma_wait3A_230, %dma_wait3A_231] : memref<2x80x16xf32, #tpu.memory_space<vmem>> -> memref<1x80x16xf32, #tpu.memory_space<vmem>>
      %dma_wait3A_233 = tpu.memref_squeeze %dma_wait3A_232 : memref<1x80x16xf32, #tpu.memory_space<vmem>> -> memref<80x16xf32, #tpu.memory_space<vmem>>
      %dma_wait3A_234 = arith.constant 0 : i32
      %dma_wait3A_235 = tpu.memref_slice %arg27[%add3A_25, %dma_wait3A_234] : memref<10000x16xf32, #tpu.memory_space<vmem_shared>> -> memref<80x16xf32, #tpu.memory_space<vmem_shared>>
      %dma_wait3A_236 = arith.constant 0 : i32
      %dma_wait3A_237 = tpu.memref_slice %arg27[%add3A_25, %dma_wait3A_236] : memref<10000x16xf32, #tpu.memory_space<vmem_shared>> -> memref<80x16xf32, #tpu.memory_space<vmem_shared>>
      %dma_wait3A_238 = arith.constant 0 : i32
      %dma_wait3A_239 = arith.constant 0 : i32
      %dma_wait3A_240 = tpu.memref_slice %arg13[%run_scoped3A_26, %dma_wait3A_238, %dma_wait3A_239] : memref<2x80x16xf32, #tpu.memory_space<vmem>> -> memref<1x80x16xf32, #tpu.memory_space<vmem>>
      %dma_wait3A_241 = tpu.memref_squeeze %dma_wait3A_240 : memref<1x80x16xf32, #tpu.memory_space<vmem>> -> memref<80x16xf32, #tpu.memory_space<vmem>>
      tpu.wait_dma2 semaphore(%run_scoped3A_217 : memref<!tpu.dma_semaphore, #tpu.memory_space<semaphore_mem>>) src(%dma_wait3A_241 : memref<80x16xf32, #tpu.memory_space<vmem>>) dst(%dma_wait3A_237 : memref<80x16xf32, #tpu.memory_space<vmem_shared>>)
      tpu.yield
    }) : () -> ()
    %add3A_27 = arith.constant 160 : i32
    %add3A_28 = arith.addi %mul3A_21, %add3A_27 : i32
    %run_scoped3A_29 = arith.constant 0 : i32
    "tpu.region"() ({
      %run_scoped3A_217 = tpu.sem_alloc : memref<!tpu.dma_semaphore, #tpu.memory_space<semaphore_mem>>
      %dma_start3A_218 = arith.constant 0 : i32
      %dma_start3A_219 = arith.constant 0 : i32
      %dma_start3A_220 = tpu.memref_slice %arg13[%run_scoped3A_29, %dma_start3A_218, %dma_start3A_219] : memref<2x80x16xf32, #tpu.memory_space<vmem>> -> memref<1x80x16xf32, #tpu.memory_space<vmem>>
      %dma_start3A_221 = tpu.memref_squeeze %dma_start3A_220 : memref<1x80x16xf32, #tpu.memory_space<vmem>> -> memref<80x16xf32, #tpu.memory_space<vmem>>
      %dma_start3A_222 = arith.constant 0 : i32
      %dma_start3A_223 = tpu.memref_slice %arg27[%add3A_28, %dma_start3A_222] : memref<10000x16xf32, #tpu.memory_space<vmem_shared>> -> memref<80x16xf32, #tpu.memory_space<vmem_shared>>
      %dma_start3A_224 = arith.constant 0 : i32
      %dma_start3A_225 = tpu.memref_slice %arg27[%add3A_28, %dma_start3A_224] : memref<10000x16xf32, #tpu.memory_space<vmem_shared>> -> memref<80x16xf32, #tpu.memory_space<vmem_shared>>
      %dma_start3A_226 = arith.constant 0 : i32
      %dma_start3A_227 = arith.constant 0 : i32
      %dma_start3A_228 = tpu.memref_slice %arg13[%run_scoped3A_29, %dma_start3A_226, %dma_start3A_227] : memref<2x80x16xf32, #tpu.memory_space<vmem>> -> memref<1x80x16xf32, #tpu.memory_space<vmem>>
      %dma_start3A_229 = tpu.memref_squeeze %dma_start3A_228 : memref<1x80x16xf32, #tpu.memory_space<vmem>> -> memref<80x16xf32, #tpu.memory_space<vmem>>
      tpu.enqueue_dma source(%dma_start3A_229 : memref<80x16xf32, #tpu.memory_space<vmem>>) target(%dma_start3A_225 : memref<80x16xf32, #tpu.memory_space<vmem_shared>>) target_semaphore(%run_scoped3A_217 : memref<!tpu.dma_semaphore, #tpu.memory_space<semaphore_mem>>)
      %dma_wait3A_230 = arith.constant 0 : i32
      %dma_wait3A_231 = arith.constant 0 : i32
      %dma_wait3A_232 = tpu.memref_slice %arg13[%run_scoped3A_29, %dma_wait3A_230, %dma_wait3A_231] : memref<2x80x16xf32, #tpu.memory_space<vmem>> -> memref<1x80x16xf32, #tpu.memory_space<vmem>>
      %dma_wait3A_233 = tpu.memref_squeeze %dma_wait3A_232 : memref<1x80x16xf32, #tpu.memory_space<vmem>> -> memref<80x16xf32, #tpu.memory_space<vmem>>
      %dma_wait3A_234 = arith.constant 0 : i32
      %dma_wait3A_235 = tpu.memref_slice %arg27[%add3A_28, %dma_wait3A_234] : memref<10000x16xf32, #tpu.memory_space<vmem_shared>> -> memref<80x16xf32, #tpu.memory_space<vmem_shared>>
      %dma_wait3A_236 = arith.constant 0 : i32
      %dma_wait3A_237 = tpu.memref_slice %arg27[%add3A_28, %dma_wait3A_236] : memref<10000x16xf32, #tpu.memory_space<vmem_shared>> -> memref<80x16xf32, #tpu.memory_space<vmem_shared>>
      %dma_wait3A_238 = arith.constant 0 : i32
      %dma_wait3A_239 = arith.constant 0 : i32
      %dma_wait3A_240 = tpu.memref_slice %arg13[%run_scoped3A_29, %dma_wait3A_238, %dma_wait3A_239] : memref<2x80x16xf32, #tpu.memory_space<vmem>> -> memref<1x80x16xf32, #tpu.memory_space<vmem>>
      %dma_wait3A_241 = tpu.memref_squeeze %dma_wait3A_240 : memref<1x80x16xf32, #tpu.memory_space<vmem>> -> memref<80x16xf32, #tpu.memory_space<vmem>>
      tpu.wait_dma2 semaphore(%run_scoped3A_217 : memref<!tpu.dma_semaphore, #tpu.memory_space<semaphore_mem>>) src(%dma_wait3A_241 : memref<80x16xf32, #tpu.memory_space<vmem>>) dst(%dma_wait3A_237 : memref<80x16xf32, #tpu.memory_space<vmem_shared>>)
      tpu.yield
    }) : () -> ()
    %add3A_30 = arith.constant 240 : i32
    %add3A_31 = arith.addi %mul3A_21, %add3A_30 : i32
    %run_scoped3A_32 = arith.constant 0 : i32
    "tpu.region"() ({
      %run_scoped3A_217 = tpu.sem_alloc : memref<!tpu.dma_semaphore, #tpu.memory_space<semaphore_mem>>
      %dma_start3A_218 = arith.constant 0 : i32
      %dma_start3A_219 = arith.constant 0 : i32
      %dma_start3A_220 = tpu.memref_slice %arg13[%run_scoped3A_32, %dma_start3A_218, %dma_start3A_219] : memref<2x80x16xf32, #tpu.memory_space<vmem>> -> memref<1x80x16xf32, #tpu.memory_space<vmem>>
      %dma_start3A_221 = tpu.memref_squeeze %dma_start3A_220 : memref<1x80x16xf32, #tpu.memory_space<vmem>> -> memref<80x16xf32, #tpu.memory_space<vmem>>
      %dma_start3A_222 = arith.constant 0 : i32
      %dma_start3A_223 = tpu.memref_slice %arg27[%add3A_31, %dma_start3A_222] : memref<10000x16xf32, #tpu.memory_space<vmem_shared>> -> memref<80x16xf32, #tpu.memory_space<vmem_shared>>
      %dma_start3A_224 = arith.constant 0 : i32
      %dma_start3A_225 = tpu.memref_slice %arg27[%add3A_31, %dma_start3A_224] : memref<10000x16xf32, #tpu.memory_space<vmem_shared>> -> memref<80x16xf32, #tpu.memory_space<vmem_shared>>
      %dma_start3A_226 = arith.constant 0 : i32
      %dma_start3A_227 = arith.constant 0 : i32
      %dma_start3A_228 = tpu.memref_slice %arg13[%run_scoped3A_32, %dma_start3A_226, %dma_start3A_227] : memref<2x80x16xf32, #tpu.memory_space<vmem>> -> memref<1x80x16xf32, #tpu.memory_space<vmem>>
      %dma_start3A_229 = tpu.memref_squeeze %dma_start3A_228 : memref<1x80x16xf32, #tpu.memory_space<vmem>> -> memref<80x16xf32, #tpu.memory_space<vmem>>
      tpu.enqueue_dma source(%dma_start3A_229 : memref<80x16xf32, #tpu.memory_space<vmem>>) target(%dma_start3A_225 : memref<80x16xf32, #tpu.memory_space<vmem_shared>>) target_semaphore(%run_scoped3A_217 : memref<!tpu.dma_semaphore, #tpu.memory_space<semaphore_mem>>)
      %dma_wait3A_230 = arith.constant 0 : i32
      %dma_wait3A_231 = arith.constant 0 : i32
      %dma_wait3A_232 = tpu.memref_slice %arg13[%run_scoped3A_32, %dma_wait3A_230, %dma_wait3A_231] : memref<2x80x16xf32, #tpu.memory_space<vmem>> -> memref<1x80x16xf32, #tpu.memory_space<vmem>>
      %dma_wait3A_233 = tpu.memref_squeeze %dma_wait3A_232 : memref<1x80x16xf32, #tpu.memory_space<vmem>> -> memref<80x16xf32, #tpu.memory_space<vmem>>
      %dma_wait3A_234 = arith.constant 0 : i32
      %dma_wait3A_235 = tpu.memref_slice %arg27[%add3A_31, %dma_wait3A_234] : memref<10000x16xf32, #tpu.memory_space<vmem_shared>> -> memref<80x16xf32, #tpu.memory_space<vmem_shared>>
      %dma_wait3A_236 = arith.constant 0 : i32
      %dma_wait3A_237 = tpu.memref_slice %arg27[%add3A_31, %dma_wait3A_236] : memref<10000x16xf32, #tpu.memory_space<vmem_shared>> -> memref<80x16xf32, #tpu.memory_space<vmem_shared>>
      %dma_wait3A_238 = arith.constant 0 : i32
      %dma_wait3A_239 = arith.constant 0 : i32
      %dma_wait3A_240 = tpu.memref_slice %arg13[%run_scoped3A_32, %dma_wait3A_238, %dma_wait3A_239] : memref<2x80x16xf32, #tpu.memory_space<vmem>> -> memref<1x80x16xf32, #tpu.memory_space<vmem>>
      %dma_wait3A_241 = tpu.memref_squeeze %dma_wait3A_240 : memref<1x80x16xf32, #tpu.memory_space<vmem>> -> memref<80x16xf32, #tpu.memory_space<vmem>>
      tpu.wait_dma2 semaphore(%run_scoped3A_217 : memref<!tpu.dma_semaphore, #tpu.memory_space<semaphore_mem>>) src(%dma_wait3A_241 : memref<80x16xf32, #tpu.memory_space<vmem>>) dst(%dma_wait3A_237 : memref<80x16xf32, #tpu.memory_space<vmem_shared>>)
      tpu.yield
    }) : () -> ()
    %add3A_33 = arith.constant 320 : i32
    %add3A_34 = arith.addi %mul3A_21, %add3A_33 : i32
    %run_scoped3A_35 = arith.constant 0 : i32
    "tpu.region"() ({
      %run_scoped3A_217 = tpu.sem_alloc : memref<!tpu.dma_semaphore, #tpu.memory_space<semaphore_mem>>
      %dma_start3A_218 = arith.constant 0 : i32
      %dma_start3A_219 = arith.constant 0 : i32
      %dma_start3A_220 = tpu.memref_slice %arg13[%run_scoped3A_35, %dma_start3A_218, %dma_start3A_219] : memref<2x80x16xf32, #tpu.memory_space<vmem>> -> memref<1x80x16xf32, #tpu.memory_space<vmem>>
      %dma_start3A_221 = tpu.memref_squeeze %dma_start3A_220 : memref<1x80x16xf32, #tpu.memory_space<vmem>> -> memref<80x16xf32, #tpu.memory_space<vmem>>
      %dma_start3A_222 = arith.constant 0 : i32
      %dma_start3A_223 = tpu.memref_slice %arg27[%add3A_34, %dma_start3A_222] : memref<10000x16xf32, #tpu.memory_space<vmem_shared>> -> memref<80x16xf32, #tpu.memory_space<vmem_shared>>
      %dma_start3A_224 = arith.constant 0 : i32
      %dma_start3A_225 = tpu.memref_slice %arg27[%add3A_34, %dma_start3A_224] : memref<10000x16xf32, #tpu.memory_space<vmem_shared>> -> memref<80x16xf32, #tpu.memory_space<vmem_shared>>
      %dma_start3A_226 = arith.constant 0 : i32
      %dma_start3A_227 = arith.constant 0 : i32
      %dma_start3A_228 = tpu.memref_slice %arg13[%run_scoped3A_35, %dma_start3A_226, %dma_start3A_227] : memref<2x80x16xf32, #tpu.memory_space<vmem>> -> memref<1x80x16xf32, #tpu.memory_space<vmem>>
      %dma_start3A_229 = tpu.memref_squeeze %dma_start3A_228 : memref<1x80x16xf32, #tpu.memory_space<vmem>> -> memref<80x16xf32, #tpu.memory_space<vmem>>
      tpu.enqueue_dma source(%dma_start3A_229 : memref<80x16xf32, #tpu.memory_space<vmem>>) target(%dma_start3A_225 : memref<80x16xf32, #tpu.memory_space<vmem_shared>>) target_semaphore(%run_scoped3A_217 : memref<!tpu.dma_semaphore, #tpu.memory_space<semaphore_mem>>)
      %dma_wait3A_230 = arith.constant 0 : i32
      %dma_wait3A_231 = arith.constant 0 : i32
      %dma_wait3A_232 = tpu.memref_slice %arg13[%run_scoped3A_35, %dma_wait3A_230, %dma_wait3A_231] : memref<2x80x16xf32, #tpu.memory_space<vmem>> -> memref<1x80x16xf32, #tpu.memory_space<vmem>>
      %dma_wait3A_233 = tpu.memref_squeeze %dma_wait3A_232 : memref<1x80x16xf32, #tpu.memory_space<vmem>> -> memref<80x16xf32, #tpu.memory_space<vmem>>
      %dma_wait3A_234 = arith.constant 0 : i32
      %dma_wait3A_235 = tpu.memref_slice %arg27[%add3A_34, %dma_wait3A_234] : memref<10000x16xf32, #tpu.memory_space<vmem_shared>> -> memref<80x16xf32, #tpu.memory_space<vmem_shared>>
      %dma_wait3A_236 = arith.constant 0 : i32
      %dma_wait3A_237 = tpu.memref_slice %arg27[%add3A_34, %dma_wait3A_236] : memref<10000x16xf32, #tpu.memory_space<vmem_shared>> -> memref<80x16xf32, #tpu.memory_space<vmem_shared>>
      %dma_wait3A_238 = arith.constant 0 : i32
      %dma_wait3A_239 = arith.constant 0 : i32
      %dma_wait3A_240 = tpu.memref_slice %arg13[%run_scoped3A_35, %dma_wait3A_238, %dma_wait3A_239] : memref<2x80x16xf32, #tpu.memory_space<vmem>> -> memref<1x80x16xf32, #tpu.memory_space<vmem>>
      %dma_wait3A_241 = tpu.memref_squeeze %dma_wait3A_240 : memref<1x80x16xf32, #tpu.memory_space<vmem>> -> memref<80x16xf32, #tpu.memory_space<vmem>>
      tpu.wait_dma2 semaphore(%run_scoped3A_217 : memref<!tpu.dma_semaphore, #tpu.memory_space<semaphore_mem>>) src(%dma_wait3A_241 : memref<80x16xf32, #tpu.memory_space<vmem>>) dst(%dma_wait3A_237 : memref<80x16xf32, #tpu.memory_space<vmem_shared>>)
      tpu.yield
    }) : () -> ()
    %add3A_36 = arith.constant 400 : i32
    %add3A_37 = arith.addi %mul3A_21, %add3A_36 : i32
    %run_scoped3A_38 = arith.constant 0 : i32
    "tpu.region"() ({
      %run_scoped3A_217 = tpu.sem_alloc : memref<!tpu.dma_semaphore, #tpu.memory_space<semaphore_mem>>
      %dma_start3A_218 = arith.constant 0 : i32
      %dma_start3A_219 = arith.constant 0 : i32
      %dma_start3A_220 = tpu.memref_slice %arg13[%run_scoped3A_38, %dma_start3A_218, %dma_start3A_219] : memref<2x80x16xf32, #tpu.memory_space<vmem>> -> memref<1x80x16xf32, #tpu.memory_space<vmem>>
      %dma_start3A_221 = tpu.memref_squeeze %dma_start3A_220 : memref<1x80x16xf32, #tpu.memory_space<vmem>> -> memref<80x16xf32, #tpu.memory_space<vmem>>
      %dma_start3A_222 = arith.constant 0 : i32
      %dma_start3A_223 = tpu.memref_slice %arg27[%add3A_37, %dma_start3A_222] : memref<10000x16xf32, #tpu.memory_space<vmem_shared>> -> memref<80x16xf32, #tpu.memory_space<vmem_shared>>
      %dma_start3A_224 = arith.constant 0 : i32
      %dma_start3A_225 = tpu.memref_slice %arg27[%add3A_37, %dma_start3A_224] : memref<10000x16xf32, #tpu.memory_space<vmem_shared>> -> memref<80x16xf32, #tpu.memory_space<vmem_shared>>
      %dma_start3A_226 = arith.constant 0 : i32
      %dma_start3A_227 = arith.constant 0 : i32
      %dma_start3A_228 = tpu.memref_slice %arg13[%run_scoped3A_38, %dma_start3A_226, %dma_start3A_227] : memref<2x80x16xf32, #tpu.memory_space<vmem>> -> memref<1x80x16xf32, #tpu.memory_space<vmem>>
      %dma_start3A_229 = tpu.memref_squeeze %dma_start3A_228 : memref<1x80x16xf32, #tpu.memory_space<vmem>> -> memref<80x16xf32, #tpu.memory_space<vmem>>
      tpu.enqueue_dma source(%dma_start3A_229 : memref<80x16xf32, #tpu.memory_space<vmem>>) target(%dma_start3A_225 : memref<80x16xf32, #tpu.memory_space<vmem_shared>>) target_semaphore(%run_scoped3A_217 : memref<!tpu.dma_semaphore, #tpu.memory_space<semaphore_mem>>)
      %dma_wait3A_230 = arith.constant 0 : i32
      %dma_wait3A_231 = arith.constant 0 : i32
      %dma_wait3A_232 = tpu.memref_slice %arg13[%run_scoped3A_38, %dma_wait3A_230, %dma_wait3A_231] : memref<2x80x16xf32, #tpu.memory_space<vmem>> -> memref<1x80x16xf32, #tpu.memory_space<vmem>>
      %dma_wait3A_233 = tpu.memref_squeeze %dma_wait3A_232 : memref<1x80x16xf32, #tpu.memory_space<vmem>> -> memref<80x16xf32, #tpu.memory_space<vmem>>
      %dma_wait3A_234 = arith.constant 0 : i32
      %dma_wait3A_235 = tpu.memref_slice %arg27[%add3A_37, %dma_wait3A_234] : memref<10000x16xf32, #tpu.memory_space<vmem_shared>> -> memref<80x16xf32, #tpu.memory_space<vmem_shared>>
      %dma_wait3A_236 = arith.constant 0 : i32
      %dma_wait3A_237 = tpu.memref_slice %arg27[%add3A_37, %dma_wait3A_236] : memref<10000x16xf32, #tpu.memory_space<vmem_shared>> -> memref<80x16xf32, #tpu.memory_space<vmem_shared>>
      %dma_wait3A_238 = arith.constant 0 : i32
      %dma_wait3A_239 = arith.constant 0 : i32
      %dma_wait3A_240 = tpu.memref_slice %arg13[%run_scoped3A_38, %dma_wait3A_238, %dma_wait3A_239] : memref<2x80x16xf32, #tpu.memory_space<vmem>> -> memref<1x80x16xf32, #tpu.memory_space<vmem>>
      %dma_wait3A_241 = tpu.memref_squeeze %dma_wait3A_240 : memref<1x80x16xf32, #tpu.memory_space<vmem>> -> memref<80x16xf32, #tpu.memory_space<vmem>>
      tpu.wait_dma2 semaphore(%run_scoped3A_217 : memref<!tpu.dma_semaphore, #tpu.memory_space<semaphore_mem>>) src(%dma_wait3A_241 : memref<80x16xf32, #tpu.memory_space<vmem>>) dst(%dma_wait3A_237 : memref<80x16xf32, #tpu.memory_space<vmem_shared>>)
      tpu.yield
    }) : () -> ()
    %add3A_39 = arith.constant 480 : i32
    %add3A_40 = arith.addi %mul3A_21, %add3A_39 : i32
    %run_scoped3A_41 = arith.constant 0 : i32
    "tpu.region"() ({
      %run_scoped3A_217 = tpu.sem_alloc : memref<!tpu.dma_semaphore, #tpu.memory_space<semaphore_mem>>
      %dma_start3A_218 = arith.constant 0 : i32
      %dma_start3A_219 = arith.constant 0 : i32
      %dma_start3A_220 = tpu.memref_slice %arg13[%run_scoped3A_41, %dma_start3A_218, %dma_start3A_219] : memref<2x80x16xf32, #tpu.memory_space<vmem>> -> memref<1x80x16xf32, #tpu.memory_space<vmem>>
      %dma_start3A_221 = tpu.memref_squeeze %dma_start3A_220 : memref<1x80x16xf32, #tpu.memory_space<vmem>> -> memref<80x16xf32, #tpu.memory_space<vmem>>
      %dma_start3A_222 = arith.constant 0 : i32
      %dma_start3A_223 = tpu.memref_slice %arg27[%add3A_40, %dma_start3A_222] : memref<10000x16xf32, #tpu.memory_space<vmem_shared>> -> memref<80x16xf32, #tpu.memory_space<vmem_shared>>
      %dma_start3A_224 = arith.constant 0 : i32
      %dma_start3A_225 = tpu.memref_slice %arg27[%add3A_40, %dma_start3A_224] : memref<10000x16xf32, #tpu.memory_space<vmem_shared>> -> memref<80x16xf32, #tpu.memory_space<vmem_shared>>
      %dma_start3A_226 = arith.constant 0 : i32
      %dma_start3A_227 = arith.constant 0 : i32
      %dma_start3A_228 = tpu.memref_slice %arg13[%run_scoped3A_41, %dma_start3A_226, %dma_start3A_227] : memref<2x80x16xf32, #tpu.memory_space<vmem>> -> memref<1x80x16xf32, #tpu.memory_space<vmem>>
      %dma_start3A_229 = tpu.memref_squeeze %dma_start3A_228 : memref<1x80x16xf32, #tpu.memory_space<vmem>> -> memref<80x16xf32, #tpu.memory_space<vmem>>
      tpu.enqueue_dma source(%dma_start3A_229 : memref<80x16xf32, #tpu.memory_space<vmem>>) target(%dma_start3A_225 : memref<80x16xf32, #tpu.memory_space<vmem_shared>>) target_semaphore(%run_scoped3A_217 : memref<!tpu.dma_semaphore, #tpu.memory_space<semaphore_mem>>)
      %dma_wait3A_230 = arith.constant 0 : i32
      %dma_wait3A_231 = arith.constant 0 : i32
      %dma_wait3A_232 = tpu.memref_slice %arg13[%run_scoped3A_41, %dma_wait3A_230, %dma_wait3A_231] : memref<2x80x16xf32, #tpu.memory_space<vmem>> -> memref<1x80x16xf32, #tpu.memory_space<vmem>>
      %dma_wait3A_233 = tpu.memref_squeeze %dma_wait3A_232 : memref<1x80x16xf32, #tpu.memory_space<vmem>> -> memref<80x16xf32, #tpu.memory_space<vmem>>
      %dma_wait3A_234 = arith.constant 0 : i32
      %dma_wait3A_235 = tpu.memref_slice %arg27[%add3A_40, %dma_wait3A_234] : memref<10000x16xf32, #tpu.memory_space<vmem_shared>> -> memref<80x16xf32, #tpu.memory_space<vmem_shared>>
      %dma_wait3A_236 = arith.constant 0 : i32
      %dma_wait3A_237 = tpu.memref_slice %arg27[%add3A_40, %dma_wait3A_236] : memref<10000x16xf32, #tpu.memory_space<vmem_shared>> -> memref<80x16xf32, #tpu.memory_space<vmem_shared>>
      %dma_wait3A_238 = arith.constant 0 : i32
      %dma_wait3A_239 = arith.constant 0 : i32
      %dma_wait3A_240 = tpu.memref_slice %arg13[%run_scoped3A_41, %dma_wait3A_238, %dma_wait3A_239] : memref<2x80x16xf32, #tpu.memory_space<vmem>> -> memref<1x80x16xf32, #tpu.memory_space<vmem>>
      %dma_wait3A_241 = tpu.memref_squeeze %dma_wait3A_240 : memref<1x80x16xf32, #tpu.memory_space<vmem>> -> memref<80x16xf32, #tpu.memory_space<vmem>>
      tpu.wait_dma2 semaphore(%run_scoped3A_217 : memref<!tpu.dma_semaphore, #tpu.memory_space<semaphore_mem>>) src(%dma_wait3A_241 : memref<80x16xf32, #tpu.memory_space<vmem>>) dst(%dma_wait3A_237 : memref<80x16xf32, #tpu.memory_space<vmem_shared>>)
      tpu.yield
    }) : () -> ()
    %add3A_42 = arith.constant 560 : i32
    %add3A_43 = arith.addi %mul3A_21, %add3A_42 : i32
    %run_scoped3A_44 = arith.constant 0 : i32
    "tpu.region"() ({
      %run_scoped3A_217 = tpu.sem_alloc : memref<!tpu.dma_semaphore, #tpu.memory_space<semaphore_mem>>
      %dma_start3A_218 = arith.constant 0 : i32
      %dma_start3A_219 = arith.constant 0 : i32
      %dma_start3A_220 = tpu.memref_slice %arg13[%run_scoped3A_44, %dma_start3A_218, %dma_start3A_219] : memref<2x80x16xf32, #tpu.memory_space<vmem>> -> memref<1x80x16xf32, #tpu.memory_space<vmem>>
      %dma_start3A_221 = tpu.memref_squeeze %dma_start3A_220 : memref<1x80x16xf32, #tpu.memory_space<vmem>> -> memref<80x16xf32, #tpu.memory_space<vmem>>
      %dma_start3A_222 = arith.constant 0 : i32
      %dma_start3A_223 = arith.constant 0 : i32
      %dma_start3A_224 = tpu.memref_slice %dma_start3A_221[%dma_start3A_222, %dma_start3A_223] : memref<80x16xf32, #tpu.memory_space<vmem>> -> memref<65x16xf32, #tpu.memory_space<vmem>>
      %dma_start3A_225 = arith.constant 0 : i32
      %dma_start3A_226 = tpu.memref_slice %arg27[%add3A_43, %dma_start3A_225] : memref<10000x16xf32, #tpu.memory_space<vmem_shared>> -> memref<65x16xf32, #tpu.memory_space<vmem_shared>>
      %dma_start3A_227 = arith.constant 0 : i32
      %dma_start3A_228 = tpu.memref_slice %arg27[%add3A_43, %dma_start3A_227] : memref<10000x16xf32, #tpu.memory_space<vmem_shared>> -> memref<65x16xf32, #tpu.memory_space<vmem_shared>>
      %dma_start3A_229 = arith.constant 0 : i32
      %dma_start3A_230 = arith.constant 0 : i32
      %dma_start3A_231 = tpu.memref_slice %arg13[%run_scoped3A_44, %dma_start3A_229, %dma_start3A_230] : memref<2x80x16xf32, #tpu.memory_space<vmem>> -> memref<1x80x16xf32, #tpu.memory_space<vmem>>
      %dma_start3A_232 = tpu.memref_squeeze %dma_start3A_231 : memref<1x80x16xf32, #tpu.memory_space<vmem>> -> memref<80x16xf32, #tpu.memory_space<vmem>>
      %dma_start3A_233 = arith.constant 0 : i32
      %dma_start3A_234 = arith.constant 0 : i32
      %dma_start3A_235 = tpu.memref_slice %dma_start3A_232[%dma_start3A_233, %dma_start3A_234] : memref<80x16xf32, #tpu.memory_space<vmem>> -> memref<65x16xf32, #tpu.memory_space<vmem>>
      tpu.enqueue_dma source(%dma_start3A_235 : memref<65x16xf32, #tpu.memory_space<vmem>>) target(%dma_start3A_228 : memref<65x16xf32, #tpu.memory_space<vmem_shared>>) target_semaphore(%run_scoped3A_217 : memref<!tpu.dma_semaphore, #tpu.memory_space<semaphore_mem>>)
      %dma_wait3A_236 = arith.constant 0 : i32
      %dma_wait3A_237 = arith.constant 0 : i32
      %dma_wait3A_238 = tpu.memref_slice %arg13[%run_scoped3A_44, %dma_wait3A_236, %dma_wait3A_237] : memref<2x80x16xf32, #tpu.memory_space<vmem>> -> memref<1x80x16xf32, #tpu.memory_space<vmem>>
      %dma_wait3A_239 = tpu.memref_squeeze %dma_wait3A_238 : memref<1x80x16xf32, #tpu.memory_space<vmem>> -> memref<80x16xf32, #tpu.memory_space<vmem>>
      %dma_wait3A_240 = arith.constant 0 : i32
      %dma_wait3A_241 = arith.constant 0 : i32
      %dma_wait3A_242 = tpu.memref_slice %dma_wait3A_239[%dma_wait3A_240, %dma_wait3A_241] : memref<80x16xf32, #tpu.memory_space<vmem>> -> memref<65x16xf32, #tpu.memory_space<vmem>>
      %dma_wait3A_243 = arith.constant 0 : i32
      %dma_wait3A_244 = tpu.memref_slice %arg27[%add3A_43, %dma_wait3A_243] : memref<10000x16xf32, #tpu.memory_space<vmem_shared>> -> memref<65x16xf32, #tpu.memory_space<vmem_shared>>
      %dma_wait3A_245 = arith.constant 0 : i32
      %dma_wait3A_246 = tpu.memref_slice %arg27[%add3A_43, %dma_wait3A_245] : memref<10000x16xf32, #tpu.memory_space<vmem_shared>> -> memref<65x16xf32, #tpu.memory_space<vmem_shared>>
      %dma_wait3A_247 = arith.constant 0 : i32
      %dma_wait3A_248 = arith.constant 0 : i32
      %dma_wait3A_249 = tpu.memref_slice %arg13[%run_scoped3A_44, %dma_wait3A_247, %dma_wait3A_248] : memref<2x80x16xf32, #tpu.memory_space<vmem>> -> memref<1x80x16xf32, #tpu.memory_space<vmem>>
      %dma_wait3A_250 = tpu.memref_squeeze %dma_wait3A_249 : memref<1x80x16xf32, #tpu.memory_space<vmem>> -> memref<80x16xf32, #tpu.memory_space<vmem>>
      %dma_wait3A_251 = arith.constant 0 : i32
      %dma_wait3A_252 = arith.constant 0 : i32
      %dma_wait3A_253 = tpu.memref_slice %dma_wait3A_250[%dma_wait3A_251, %dma_wait3A_252] : memref<80x16xf32, #tpu.memory_space<vmem>> -> memref<65x16xf32, #tpu.memory_space<vmem>>
      tpu.wait_dma2 semaphore(%run_scoped3A_217 : memref<!tpu.dma_semaphore, #tpu.memory_space<semaphore_mem>>) src(%dma_wait3A_253 : memref<65x16xf32, #tpu.memory_space<vmem>>) dst(%dma_wait3A_246 : memref<65x16xf32, #tpu.memory_space<vmem_shared>>)
      tpu.yield
    }) : () -> ()
    %mul3A_45 = arith.constant 625 : i32
    %mul3A_46 = arith.muli %arg1, %mul3A_45 : i32
    %mul3A_47 = arith.constant 625 : i32
    %mul3A_48 = arith.muli %arg1, %mul3A_47 : i32
    "tpu.region"() ({
      %run_scoped3A_217 = tpu.sem_alloc : memref<!tpu.dma_semaphore, #tpu.memory_space<semaphore_mem>>
      %dma_start3A_218 = arith.constant 0 : i32
      %dma_start3A_219 = tpu.memref_slice %arg28[%mul3A_48, %dma_start3A_218] : memref<10000x8xf32, #tpu.memory_space<vmem_shared>> -> memref<625x8xf32, #tpu.memory_space<vmem_shared>>
      %dma_start3A_220 = arith.constant 0 : i32
      %dma_start3A_221 = tpu.memref_slice %arg5[%mul3A_46, %dma_start3A_220] : memref<10000x8xf32, #tpu.memory_space<hbm>> -> memref<625x8xf32, #tpu.memory_space<hbm>>
      tpu.enqueue_dma source(%dma_start3A_221 : memref<625x8xf32, #tpu.memory_space<hbm>>) target(%dma_start3A_219 : memref<625x8xf32, #tpu.memory_space<vmem_shared>>) target_semaphore(%run_scoped3A_217 : memref<!tpu.dma_semaphore, #tpu.memory_space<semaphore_mem>>)
      %dma_wait3A_222 = arith.constant 0 : i32
      %dma_wait3A_223 = tpu.memref_slice %arg28[%mul3A_48, %dma_wait3A_222] : memref<10000x8xf32, #tpu.memory_space<vmem_shared>> -> memref<625x8xf32, #tpu.memory_space<vmem_shared>>
      %dma_wait3A_224 = arith.constant 0 : i32
      %dma_wait3A_225 = tpu.memref_slice %arg5[%mul3A_46, %dma_wait3A_224] : memref<10000x8xf32, #tpu.memory_space<hbm>> -> memref<625x8xf32, #tpu.memory_space<hbm>>
      tpu.wait_dma2 semaphore(%run_scoped3A_217 : memref<!tpu.dma_semaphore, #tpu.memory_space<semaphore_mem>>) src(%dma_wait3A_225 : memref<625x8xf32, #tpu.memory_space<hbm>>) dst(%dma_wait3A_223 : memref<625x8xf32, #tpu.memory_space<vmem_shared>>)
      tpu.yield
    }) : () -> ()
    %mul3A_49 = arith.constant 10000 : i32
    %mul3A_50 = arith.muli %add3A, %mul3A_49 : i32
    %run_scoped3A_51 = arith.constant 0 : i32
    "tpu.region"() ({
      %run_scoped3A_217 = tpu.sem_alloc : memref<!tpu.dma_semaphore, #tpu.memory_space<semaphore_mem>>
      %dma_start3A_218 = tpu.memref_slice %arg3[%run_scoped3A_51, %mul3A_50] : memref<2x320000xi32, #tpu.memory_space<hbm>> -> memref<1x10000xi32, #tpu.memory_space<hbm>>
      %dma_start3A_219 = tpu.memref_squeeze %dma_start3A_218 : memref<1x10000xi32, #tpu.memory_space<hbm>> -> memref<10000xi32, #tpu.memory_space<hbm>>
      %dma_start3A_220 = tpu.memref_slice %arg3[%run_scoped3A_51, %mul3A_50] : memref<2x320000xi32, #tpu.memory_space<hbm>> -> memref<1x10000xi32, #tpu.memory_space<hbm>>
      %dma_start3A_221 = tpu.memref_squeeze %dma_start3A_220 : memref<1x10000xi32, #tpu.memory_space<hbm>> -> memref<10000xi32, #tpu.memory_space<hbm>>
      tpu.enqueue_dma source(%dma_start3A_221 : memref<10000xi32, #tpu.memory_space<hbm>>) target(%arg10 : memref<10000xi32, #tpu.memory_space<vmem>>) target_semaphore(%run_scoped3A_217 : memref<!tpu.dma_semaphore, #tpu.memory_space<semaphore_mem>>)
      %dma_wait3A_222 = tpu.memref_slice %arg3[%run_scoped3A_51, %mul3A_50] : memref<2x320000xi32, #tpu.memory_space<hbm>> -> memref<1x10000xi32, #tpu.memory_space<hbm>>
      %dma_wait3A_223 = tpu.memref_squeeze %dma_wait3A_222 : memref<1x10000xi32, #tpu.memory_space<hbm>> -> memref<10000xi32, #tpu.memory_space<hbm>>
      %dma_wait3A_224 = tpu.memref_slice %arg3[%run_scoped3A_51, %mul3A_50] : memref<2x320000xi32, #tpu.memory_space<hbm>> -> memref<1x10000xi32, #tpu.memory_space<hbm>>
      %dma_wait3A_225 = tpu.memref_squeeze %dma_wait3A_224 : memref<1x10000xi32, #tpu.memory_space<hbm>> -> memref<10000xi32, #tpu.memory_space<hbm>>
      tpu.wait_dma2 semaphore(%run_scoped3A_217 : memref<!tpu.dma_semaphore, #tpu.memory_space<semaphore_mem>>) src(%dma_wait3A_225 : memref<10000xi32, #tpu.memory_space<hbm>>) dst(%arg10 : memref<10000xi32, #tpu.memory_space<vmem>>)
      tpu.yield
    }) : () -> ()
    "tpu.region"() ({
      %run_scoped3A_217 = tpu.sem_alloc : memref<!tpu.dma_semaphore, #tpu.memory_space<semaphore_mem>>
      tpu.enqueue_dma source(%arg6 : memref<80x8xf32, #tpu.memory_space<hbm>>) target(%arg14 : memref<80x8xf32, #tpu.memory_space<vmem>>) target_semaphore(%run_scoped3A_217 : memref<!tpu.dma_semaphore, #tpu.memory_space<semaphore_mem>>)
      tpu.wait_dma2 semaphore(%run_scoped3A_217 : memref<!tpu.dma_semaphore, #tpu.memory_space<semaphore_mem>>) src(%arg6 : memref<80x8xf32, #tpu.memory_space<hbm>>) dst(%arg14 : memref<80x8xf32, #tpu.memory_space<vmem>>)
      tpu.yield
    }) : () -> ()
    %barrier3A = arith.constant 0 : index
    tpu.barrier barrier_id(%barrier3A)
    %scan3A_52 = arith.constant 0 : i32
    %scan3A_53 = arith.constant 0 : i32
    %scan3A_54 = arith.constant 62 : i32
    %scan3A_55 = arith.addi %scan3A_53, %scan3A_54 : i32
    %scan3A_56 = arith.constant 1 : i32
    scf.for %scan3A_217 = %scan3A_53 to %scan3A_55 step %scan3A_56  : i32 {
      %mul3A_218 = arith.constant 2 : i32
      %mul3A_219 = arith.muli %scan3A_217, %mul3A_218 : i32
      %mul3A_220 = arith.constant 125 : i32
      %mul3A_221 = arith.muli %add3A, %mul3A_220 : i32
      %add3A_222 = arith.addi %mul3A_221, %mul3A_219 : i32
      %add3A_223 = arith.constant 0 : i32
      %add3A_224 = arith.addi %add3A_222, %add3A_223 : i32
      %mul3A_225 = arith.constant 80 : i32
      %mul3A_226 = arith.muli %add3A_224, %mul3A_225 : i32
      %dma_start3A_227 = arith.constant 1 : i32
      %dma_start3A_228 = arith.constant 0 : i32
      %dma_start3A_229 = arith.constant 0 : i32
      %dma_start3A_230 = tpu.memref_slice %arg11[%dma_start3A_228, %dma_start3A_229] : memref<2x80xi32, #tpu.memory_space<vmem>> -> memref<1x80xi32, #tpu.memory_space<vmem>>
      %dma_start3A_231 = tpu.memref_squeeze %dma_start3A_230 : memref<1x80xi32, #tpu.memory_space<vmem>> -> memref<80xi32, #tpu.memory_space<vmem>>
      %dma_start3A_232 = tpu.memref_slice %arg3[%dma_start3A_227, %mul3A_226] : memref<2x320000xi32, #tpu.memory_space<hbm>> -> memref<1x80xi32, #tpu.memory_space<hbm>>
      %dma_start3A_233 = tpu.memref_squeeze %dma_start3A_232 : memref<1x80xi32, #tpu.memory_space<hbm>> -> memref<80xi32, #tpu.memory_space<hbm>>
      %dma_start3A_234 = arith.constant 0 : i32
      %dma_start3A_235 = tpu.memref_slice %arg11[%dma_start3A_228, %dma_start3A_234] : memref<2x80xi32, #tpu.memory_space<vmem>> -> memref<1x80xi32, #tpu.memory_space<vmem>>
      %dma_start3A_236 = tpu.memref_squeeze %dma_start3A_235 : memref<1x80xi32, #tpu.memory_space<vmem>> -> memref<80xi32, #tpu.memory_space<vmem>>
      %dma_start3A_237 = tpu.memref_slice %arg3[%dma_start3A_227, %mul3A_226] : memref<2x320000xi32, #tpu.memory_space<hbm>> -> memref<1x80xi32, #tpu.memory_space<hbm>>
      %dma_start3A_238 = tpu.memref_squeeze %dma_start3A_237 : memref<1x80xi32, #tpu.memory_space<hbm>> -> memref<80xi32, #tpu.memory_space<hbm>>
      tpu.enqueue_dma source(%dma_start3A_238 : memref<80xi32, #tpu.memory_space<hbm>>) target(%dma_start3A_236 : memref<80xi32, #tpu.memory_space<vmem>>) target_semaphore(%arg25 : memref<!tpu.dma_semaphore, #tpu.memory_space<semaphore_mem>>)
      %mul3A_239 = arith.constant 125 : i32
      %mul3A_240 = arith.muli %add3A, %mul3A_239 : i32
      %add3A_241 = arith.addi %mul3A_240, %mul3A_219 : i32
      %add3A_242 = arith.constant 1 : i32
      %add3A_243 = arith.addi %add3A_241, %add3A_242 : i32
      %mul3A_244 = arith.constant 80 : i32
      %mul3A_245 = arith.muli %add3A_243, %mul3A_244 : i32
      %dma_start3A_246 = arith.constant 1 : i32
      %dma_start3A_247 = arith.constant 1 : i32
      %dma_start3A_248 = arith.constant 0 : i32
      %dma_start3A_249 = tpu.memref_slice %arg11[%dma_start3A_247, %dma_start3A_248] : memref<2x80xi32, #tpu.memory_space<vmem>> -> memref<1x80xi32, #tpu.memory_space<vmem>>
      %dma_start3A_250 = tpu.memref_squeeze %dma_start3A_249 : memref<1x80xi32, #tpu.memory_space<vmem>> -> memref<80xi32, #tpu.memory_space<vmem>>
      %dma_start3A_251 = tpu.memref_slice %arg3[%dma_start3A_246, %mul3A_245] : memref<2x320000xi32, #tpu.memory_space<hbm>> -> memref<1x80xi32, #tpu.memory_space<hbm>>
      %dma_start3A_252 = tpu.memref_squeeze %dma_start3A_251 : memref<1x80xi32, #tpu.memory_space<hbm>> -> memref<80xi32, #tpu.memory_space<hbm>>
      %dma_start3A_253 = arith.constant 0 : i32
      %dma_start3A_254 = tpu.memref_slice %arg11[%dma_start3A_247, %dma_start3A_253] : memref<2x80xi32, #tpu.memory_space<vmem>> -> memref<1x80xi32, #tpu.memory_space<vmem>>
      %dma_start3A_255 = tpu.memref_squeeze %dma_start3A_254 : memref<1x80xi32, #tpu.memory_space<vmem>> -> memref<80xi32, #tpu.memory_space<vmem>>
      %dma_start3A_256 = tpu.memref_slice %arg3[%dma_start3A_246, %mul3A_245] : memref<2x320000xi32, #tpu.memory_space<hbm>> -> memref<1x80xi32, #tpu.memory_space<hbm>>
      %dma_start3A_257 = tpu.memref_squeeze %dma_start3A_256 : memref<1x80xi32, #tpu.memory_space<hbm>> -> memref<80xi32, #tpu.memory_space<hbm>>
      tpu.enqueue_dma source(%dma_start3A_257 : memref<80xi32, #tpu.memory_space<hbm>>) target(%dma_start3A_255 : memref<80xi32, #tpu.memory_space<vmem>>) target_semaphore(%arg25 : memref<!tpu.dma_semaphore, #tpu.memory_space<semaphore_mem>>)
      %add3A_258 = arith.constant 0 : i32
      %add3A_259 = arith.addi %mul3A_219, %add3A_258 : i32
      %mul3A_260 = arith.constant 80 : i32
      %mul3A_261 = arith.muli %add3A_259, %mul3A_260 : i32
      %dma_start3A_262 = arith.constant 0 : i32
      %dma_start3A_263 = arith.constant 0 : i32
      %dma_start3A_264 = arith.constant 0 : i32
      %dma_start3A_265 = tpu.memref_slice %arg12[%dma_start3A_262, %dma_start3A_263, %dma_start3A_264] : memref<2x80x128xf32, #tpu.memory_space<vmem>> -> memref<1x80x128xf32, #tpu.memory_space<vmem>>
      %dma_start3A_266 = tpu.memref_squeeze %dma_start3A_265 : memref<1x80x128xf32, #tpu.memory_space<vmem>> -> memref<80x128xf32, #tpu.memory_space<vmem>>
      %dma_start3A_267 = tpu.memref_slice %arg10[%mul3A_261] : memref<10000xi32, #tpu.memory_space<vmem>> -> memref<80xi32, #tpu.memory_space<vmem>>
      %dma_start3A_268 = arith.constant 0 : i32
      %dma_start3A_269 = arith.constant 0 : i32
      %dma_start3A_270 = tpu.memref_slice %arg2[%dma_start3A_268, %dma_start3A_269] : memref<10000x128xf32, #tpu.memory_space<hbm>> -> memref<10000x128xf32, #tpu.memory_space<hbm>>
      tpu.enqueue_indirect_dma source(%dma_start3A_270 : memref<10000x128xf32, #tpu.memory_space<hbm>>) target(%dma_start3A_266 : memref<80x128xf32, #tpu.memory_space<vmem>>) offsets(%dma_start3A_267 : memref<80xi32, #tpu.memory_space<vmem>>) semaphore(%arg15 : memref<!tpu.dma_semaphore, #tpu.memory_space<semaphore_mem>>)
      %add3A_271 = arith.constant 1 : i32
      %add3A_272 = arith.addi %mul3A_219, %add3A_271 : i32
      %mul3A_273 = arith.constant 80 : i32
      %mul3A_274 = arith.muli %add3A_272, %mul3A_273 : i32
      %dma_start3A_275 = arith.constant 1 : i32
      %dma_start3A_276 = arith.constant 0 : i32
      %dma_start3A_277 = arith.constant 0 : i32
      %dma_start3A_278 = tpu.memref_slice %arg12[%dma_start3A_275, %dma_start3A_276, %dma_start3A_277] : memref<2x80x128xf32, #tpu.memory_space<vmem>> -> memref<1x80x128xf32, #tpu.memory_space<vmem>>
      %dma_start3A_279 = tpu.memref_squeeze %dma_start3A_278 : memref<1x80x128xf32, #tpu.memory_space<vmem>> -> memref<80x128xf32, #tpu.memory_space<vmem>>
      %dma_start3A_280 = tpu.memref_slice %arg10[%mul3A_274] : memref<10000xi32, #tpu.memory_space<vmem>> -> memref<80xi32, #tpu.memory_space<vmem>>
      %dma_start3A_281 = arith.constant 0 : i32
      %dma_start3A_282 = arith.constant 0 : i32
      %dma_start3A_283 = tpu.memref_slice %arg2[%dma_start3A_281, %dma_start3A_282] : memref<10000x128xf32, #tpu.memory_space<hbm>> -> memref<10000x128xf32, #tpu.memory_space<hbm>>
      tpu.enqueue_indirect_dma source(%dma_start3A_283 : memref<10000x128xf32, #tpu.memory_space<hbm>>) target(%dma_start3A_279 : memref<80x128xf32, #tpu.memory_space<vmem>>) offsets(%dma_start3A_280 : memref<80xi32, #tpu.memory_space<vmem>>) semaphore(%arg16 : memref<!tpu.dma_semaphore, #tpu.memory_space<semaphore_mem>>)
      %mul3A_284 = arith.constant 125 : i32
      %mul3A_285 = arith.muli %add3A, %mul3A_284 : i32
      %add3A_286 = arith.addi %mul3A_285, %mul3A_219 : i32
      %add3A_287 = arith.constant 0 : i32
      %add3A_288 = arith.addi %add3A_286, %add3A_287 : i32
      %mul3A_289 = arith.constant 80 : i32
      %mul3A_290 = arith.muli %add3A_288, %mul3A_289 : i32
      %dma_start3A_291 = arith.constant 0 : i32
      %dma_start3A_292 = arith.constant 0 : i32
      %dma_start3A_293 = arith.constant 0 : i32
      %dma_start3A_294 = tpu.memref_slice %arg13[%dma_start3A_291, %dma_start3A_292, %dma_start3A_293] : memref<2x80x16xf32, #tpu.memory_space<vmem>> -> memref<1x80x16xf32, #tpu.memory_space<vmem>>
      %dma_start3A_295 = tpu.memref_squeeze %dma_start3A_294 : memref<1x80x16xf32, #tpu.memory_space<vmem>> -> memref<80x16xf32, #tpu.memory_space<vmem>>
      %dma_start3A_296 = arith.constant 0 : i32
      %dma_start3A_297 = tpu.memref_slice %arg4[%mul3A_290, %dma_start3A_296] : memref<320000x16xf32, #tpu.memory_space<hbm>> -> memref<80x16xf32, #tpu.memory_space<hbm>>
      %dma_start3A_298 = arith.constant 0 : i32
      %dma_start3A_299 = arith.constant 0 : i32
      %dma_start3A_300 = tpu.memref_slice %arg13[%dma_start3A_291, %dma_start3A_298, %dma_start3A_299] : memref<2x80x16xf32, #tpu.memory_space<vmem>> -> memref<1x80x16xf32, #tpu.memory_space<vmem>>
      %dma_start3A_301 = tpu.memref_squeeze %dma_start3A_300 : memref<1x80x16xf32, #tpu.memory_space<vmem>> -> memref<80x16xf32, #tpu.memory_space<vmem>>
      %dma_start3A_302 = arith.constant 0 : i32
      %dma_start3A_303 = tpu.memref_slice %arg4[%mul3A_290, %dma_start3A_302] : memref<320000x16xf32, #tpu.memory_space<hbm>> -> memref<80x16xf32, #tpu.memory_space<hbm>>
      tpu.enqueue_dma source(%dma_start3A_303 : memref<80x16xf32, #tpu.memory_space<hbm>>) target(%dma_start3A_301 : memref<80x16xf32, #tpu.memory_space<vmem>>) target_semaphore(%arg19 : memref<!tpu.dma_semaphore, #tpu.memory_space<semaphore_mem>>)
      %mul3A_304 = arith.constant 125 : i32
      %mul3A_305 = arith.muli %add3A, %mul3A_304 : i32
      %add3A_306 = arith.addi %mul3A_305, %mul3A_219 : i32
      %add3A_307 = arith.constant 1 : i32
      %add3A_308 = arith.addi %add3A_306, %add3A_307 : i32
      %mul3A_309 = arith.constant 80 : i32
      %mul3A_310 = arith.muli %add3A_308, %mul3A_309 : i32
      %dma_start3A_311 = arith.constant 1 : i32
      %dma_start3A_312 = arith.constant 0 : i32
      %dma_start3A_313 = arith.constant 0 : i32
      %dma_start3A_314 = tpu.memref_slice %arg13[%dma_start3A_311, %dma_start3A_312, %dma_start3A_313] : memref<2x80x16xf32, #tpu.memory_space<vmem>> -> memref<1x80x16xf32, #tpu.memory_space<vmem>>
      %dma_start3A_315 = tpu.memref_squeeze %dma_start3A_314 : memref<1x80x16xf32, #tpu.memory_space<vmem>> -> memref<80x16xf32, #tpu.memory_space<vmem>>
      %dma_start3A_316 = arith.constant 0 : i32
      %dma_start3A_317 = tpu.memref_slice %arg4[%mul3A_310, %dma_start3A_316] : memref<320000x16xf32, #tpu.memory_space<hbm>> -> memref<80x16xf32, #tpu.memory_space<hbm>>
      %dma_start3A_318 = arith.constant 0 : i32
      %dma_start3A_319 = arith.constant 0 : i32
      %dma_start3A_320 = tpu.memref_slice %arg13[%dma_start3A_311, %dma_start3A_318, %dma_start3A_319] : memref<2x80x16xf32, #tpu.memory_space<vmem>> -> memref<1x80x16xf32, #tpu.memory_space<vmem>>
      %dma_start3A_321 = tpu.memref_squeeze %dma_start3A_320 : memref<1x80x16xf32, #tpu.memory_space<vmem>> -> memref<80x16xf32, #tpu.memory_space<vmem>>
      %dma_start3A_322 = arith.constant 0 : i32
      %dma_start3A_323 = tpu.memref_slice %arg4[%mul3A_310, %dma_start3A_322] : memref<320000x16xf32, #tpu.memory_space<hbm>> -> memref<80x16xf32, #tpu.memory_space<hbm>>
      tpu.enqueue_dma source(%dma_start3A_323 : memref<80x16xf32, #tpu.memory_space<hbm>>) target(%dma_start3A_321 : memref<80x16xf32, #tpu.memory_space<vmem>>) target_semaphore(%arg20 : memref<!tpu.dma_semaphore, #tpu.memory_space<semaphore_mem>>)
      %dma_wait3A_324 = arith.constant 1 : i32
      %dma_wait3A_325 = arith.constant 0 : i32
      %dma_wait3A_326 = arith.constant 0 : i32
      %dma_wait3A_327 = tpu.memref_slice %arg11[%dma_wait3A_325, %dma_wait3A_326] : memref<2x80xi32, #tpu.memory_space<vmem>> -> memref<1x80xi32, #tpu.memory_space<vmem>>
      %dma_wait3A_328 = tpu.memref_squeeze %dma_wait3A_327 : memref<1x80xi32, #tpu.memory_space<vmem>> -> memref<80xi32, #tpu.memory_space<vmem>>
      %dma_wait3A_329 = tpu.memref_slice %arg3[%dma_wait3A_324, %mul3A_226] : memref<2x320000xi32, #tpu.memory_space<hbm>> -> memref<1x80xi32, #tpu.memory_space<hbm>>
      %dma_wait3A_330 = tpu.memref_squeeze %dma_wait3A_329 : memref<1x80xi32, #tpu.memory_space<hbm>> -> memref<80xi32, #tpu.memory_space<hbm>>
      %dma_wait3A_331 = arith.constant 0 : i32
      %dma_wait3A_332 = tpu.memref_slice %arg11[%dma_wait3A_325, %dma_wait3A_331] : memref<2x80xi32, #tpu.memory_space<vmem>> -> memref<1x80xi32, #tpu.memory_space<vmem>>
      %dma_wait3A_333 = tpu.memref_squeeze %dma_wait3A_332 : memref<1x80xi32, #tpu.memory_space<vmem>> -> memref<80xi32, #tpu.memory_space<vmem>>
      %dma_wait3A_334 = tpu.memref_slice %arg3[%dma_wait3A_324, %mul3A_226] : memref<2x320000xi32, #tpu.memory_space<hbm>> -> memref<1x80xi32, #tpu.memory_space<hbm>>
      %dma_wait3A_335 = tpu.memref_squeeze %dma_wait3A_334 : memref<1x80xi32, #tpu.memory_space<hbm>> -> memref<80xi32, #tpu.memory_space<hbm>>
      tpu.wait_dma2 semaphore(%arg25 : memref<!tpu.dma_semaphore, #tpu.memory_space<semaphore_mem>>) src(%dma_wait3A_335 : memref<80xi32, #tpu.memory_space<hbm>>) dst(%dma_wait3A_333 : memref<80xi32, #tpu.memory_space<vmem>>)
      %dma_wait3A_336 = arith.constant 1 : i32
      %dma_wait3A_337 = arith.constant 1 : i32
      %dma_wait3A_338 = arith.constant 0 : i32
      %dma_wait3A_339 = tpu.memref_slice %arg11[%dma_wait3A_337, %dma_wait3A_338] : memref<2x80xi32, #tpu.memory_space<vmem>> -> memref<1x80xi32, #tpu.memory_space<vmem>>
      %dma_wait3A_340 = tpu.memref_squeeze %dma_wait3A_339 : memref<1x80xi32, #tpu.memory_space<vmem>> -> memref<80xi32, #tpu.memory_space<vmem>>
      %dma_wait3A_341 = tpu.memref_slice %arg3[%dma_wait3A_336, %mul3A_245] : memref<2x320000xi32, #tpu.memory_space<hbm>> -> memref<1x80xi32, #tpu.memory_space<hbm>>
      %dma_wait3A_342 = tpu.memref_squeeze %dma_wait3A_341 : memref<1x80xi32, #tpu.memory_space<hbm>> -> memref<80xi32, #tpu.memory_space<hbm>>
      %dma_wait3A_343 = arith.constant 0 : i32
      %dma_wait3A_344 = tpu.memref_slice %arg11[%dma_wait3A_337, %dma_wait3A_343] : memref<2x80xi32, #tpu.memory_space<vmem>> -> memref<1x80xi32, #tpu.memory_space<vmem>>
      %dma_wait3A_345 = tpu.memref_squeeze %dma_wait3A_344 : memref<1x80xi32, #tpu.memory_space<vmem>> -> memref<80xi32, #tpu.memory_space<vmem>>
      %dma_wait3A_346 = tpu.memref_slice %arg3[%dma_wait3A_336, %mul3A_245] : memref<2x320000xi32, #tpu.memory_space<hbm>> -> memref<1x80xi32, #tpu.memory_space<hbm>>
      %dma_wait3A_347 = tpu.memref_squeeze %dma_wait3A_346 : memref<1x80xi32, #tpu.memory_space<hbm>> -> memref<80xi32, #tpu.memory_space<hbm>>
      tpu.wait_dma2 semaphore(%arg25 : memref<!tpu.dma_semaphore, #tpu.memory_space<semaphore_mem>>) src(%dma_wait3A_347 : memref<80xi32, #tpu.memory_space<hbm>>) dst(%dma_wait3A_345 : memref<80xi32, #tpu.memory_space<vmem>>)
      %dma_wait3A_348 = arith.constant 0 : i32
      %dma_wait3A_349 = arith.constant 0 : i32
      %dma_wait3A_350 = arith.constant 0 : i32
      %dma_wait3A_351 = tpu.memref_slice %arg12[%dma_wait3A_348, %dma_wait3A_349, %dma_wait3A_350] : memref<2x80x128xf32, #tpu.memory_space<vmem>> -> memref<1x80x128xf32, #tpu.memory_space<vmem>>
      %dma_wait3A_352 = tpu.memref_squeeze %dma_wait3A_351 : memref<1x80x128xf32, #tpu.memory_space<vmem>> -> memref<80x128xf32, #tpu.memory_space<vmem>>
      %dma_wait3A_353 = tpu.memref_slice %arg10[%mul3A_261] : memref<10000xi32, #tpu.memory_space<vmem>> -> memref<80xi32, #tpu.memory_space<vmem>>
      %dma_wait3A_354 = arith.constant 0 : i32
      %dma_wait3A_355 = arith.constant 0 : i32
      %dma_wait3A_356 = tpu.memref_slice %arg2[%dma_wait3A_354, %dma_wait3A_355] : memref<10000x128xf32, #tpu.memory_space<hbm>> -> memref<10000x128xf32, #tpu.memory_space<hbm>>
      tpu.wait_indirect_dma semaphore(%arg15 : memref<!tpu.dma_semaphore, #tpu.memory_space<semaphore_mem>>) src(%dma_wait3A_356 : memref<10000x128xf32, #tpu.memory_space<hbm>>) dst(%dma_wait3A_352 : memref<80x128xf32, #tpu.memory_space<vmem>>)
      %dma_start3A_357 = arith.constant 0 : i32
      %dma_start3A_358 = arith.constant 0 : i32
      %dma_start3A_359 = arith.constant 0 : i32
      %dma_start3A_360 = arith.constant 0 : i32
      %dma_start3A_361 = tpu.memref_slice %arg12[%dma_start3A_357, %dma_start3A_359, %dma_start3A_360] : memref<2x80x128xf32, #tpu.memory_space<vmem>> -> memref<1x80x128xf32, #tpu.memory_space<vmem>>
      %dma_start3A_362 = tpu.memref_squeeze %dma_start3A_361 : memref<1x80x128xf32, #tpu.memory_space<vmem>> -> memref<80x128xf32, #tpu.memory_space<vmem>>
      %dma_start3A_363 = arith.constant 0 : i32
      %dma_start3A_364 = tpu.memref_slice %arg11[%dma_start3A_358, %dma_start3A_363] : memref<2x80xi32, #tpu.memory_space<vmem>> -> memref<1x80xi32, #tpu.memory_space<vmem>>
      %dma_start3A_365 = tpu.memref_squeeze %dma_start3A_364 : memref<1x80xi32, #tpu.memory_space<vmem>> -> memref<80xi32, #tpu.memory_space<vmem>>
      %dma_start3A_366 = arith.constant 0 : i32
      %dma_start3A_367 = arith.constant 0 : i32
      %dma_start3A_368 = tpu.memref_slice %arg26[%dma_start3A_366, %dma_start3A_367] : memref<10000x128xf32, #tpu.memory_space<vmem_shared>> -> memref<10000x128xf32, #tpu.memory_space<vmem_shared>>
      tpu.enqueue_indirect_dma source(%dma_start3A_362 : memref<80x128xf32, #tpu.memory_space<vmem>>) target(%dma_start3A_368 : memref<10000x128xf32, #tpu.memory_space<vmem_shared>>) offsets(%dma_start3A_365 : memref<80xi32, #tpu.memory_space<vmem>>) semaphore(%arg17 : memref<!tpu.dma_semaphore, #tpu.memory_space<semaphore_mem>>) {add = true}
      %dma_wait3A_369 = arith.constant 0 : i32
      %dma_wait3A_370 = arith.constant 0 : i32
      %dma_wait3A_371 = arith.constant 0 : i32
      %dma_wait3A_372 = tpu.memref_slice %arg13[%dma_wait3A_369, %dma_wait3A_370, %dma_wait3A_371] : memref<2x80x16xf32, #tpu.memory_space<vmem>> -> memref<1x80x16xf32, #tpu.memory_space<vmem>>
      %dma_wait3A_373 = tpu.memref_squeeze %dma_wait3A_372 : memref<1x80x16xf32, #tpu.memory_space<vmem>> -> memref<80x16xf32, #tpu.memory_space<vmem>>
      %dma_wait3A_374 = arith.constant 0 : i32
      %dma_wait3A_375 = tpu.memref_slice %arg4[%mul3A_290, %dma_wait3A_374] : memref<320000x16xf32, #tpu.memory_space<hbm>> -> memref<80x16xf32, #tpu.memory_space<hbm>>
      %dma_wait3A_376 = arith.constant 0 : i32
      %dma_wait3A_377 = arith.constant 0 : i32
      %dma_wait3A_378 = tpu.memref_slice %arg13[%dma_wait3A_369, %dma_wait3A_376, %dma_wait3A_377] : memref<2x80x16xf32, #tpu.memory_space<vmem>> -> memref<1x80x16xf32, #tpu.memory_space<vmem>>
      %dma_wait3A_379 = tpu.memref_squeeze %dma_wait3A_378 : memref<1x80x16xf32, #tpu.memory_space<vmem>> -> memref<80x16xf32, #tpu.memory_space<vmem>>
      %dma_wait3A_380 = arith.constant 0 : i32
      %dma_wait3A_381 = tpu.memref_slice %arg4[%mul3A_290, %dma_wait3A_380] : memref<320000x16xf32, #tpu.memory_space<hbm>> -> memref<80x16xf32, #tpu.memory_space<hbm>>
      tpu.wait_dma2 semaphore(%arg19 : memref<!tpu.dma_semaphore, #tpu.memory_space<semaphore_mem>>) src(%dma_wait3A_381 : memref<80x16xf32, #tpu.memory_space<hbm>>) dst(%dma_wait3A_379 : memref<80x16xf32, #tpu.memory_space<vmem>>)
      %dma_start3A_382 = arith.constant 0 : i32
      %dma_start3A_383 = arith.constant 0 : i32
      %dma_start3A_384 = arith.constant 0 : i32
      %dma_start3A_385 = arith.constant 0 : i32
      %dma_start3A_386 = tpu.memref_slice %arg13[%dma_start3A_382, %dma_start3A_384, %dma_start3A_385] : memref<2x80x16xf32, #tpu.memory_space<vmem>> -> memref<1x80x16xf32, #tpu.memory_space<vmem>>
      %dma_start3A_387 = tpu.memref_squeeze %dma_start3A_386 : memref<1x80x16xf32, #tpu.memory_space<vmem>> -> memref<80x16xf32, #tpu.memory_space<vmem>>
      %dma_start3A_388 = arith.constant 0 : i32
      %dma_start3A_389 = tpu.memref_slice %arg11[%dma_start3A_383, %dma_start3A_388] : memref<2x80xi32, #tpu.memory_space<vmem>> -> memref<1x80xi32, #tpu.memory_space<vmem>>
      %dma_start3A_390 = tpu.memref_squeeze %dma_start3A_389 : memref<1x80xi32, #tpu.memory_space<vmem>> -> memref<80xi32, #tpu.memory_space<vmem>>
      %dma_start3A_391 = arith.constant 0 : i32
      %dma_start3A_392 = arith.constant 0 : i32
      %dma_start3A_393 = tpu.memref_slice %arg27[%dma_start3A_391, %dma_start3A_392] : memref<10000x16xf32, #tpu.memory_space<vmem_shared>> -> memref<10000x16xf32, #tpu.memory_space<vmem_shared>>
      tpu.enqueue_indirect_dma source(%dma_start3A_387 : memref<80x16xf32, #tpu.memory_space<vmem>>) target(%dma_start3A_393 : memref<10000x16xf32, #tpu.memory_space<vmem_shared>>) offsets(%dma_start3A_390 : memref<80xi32, #tpu.memory_space<vmem>>) semaphore(%arg21 : memref<!tpu.dma_semaphore, #tpu.memory_space<semaphore_mem>>) {add = true}
      %dma_start3A_394 = arith.constant 0 : i32
      %dma_start3A_395 = arith.constant 0 : i32
      %dma_start3A_396 = tpu.memref_slice %arg11[%dma_start3A_394, %dma_start3A_395] : memref<2x80xi32, #tpu.memory_space<vmem>> -> memref<1x80xi32, #tpu.memory_space<vmem>>
      %dma_start3A_397 = tpu.memref_squeeze %dma_start3A_396 : memref<1x80xi32, #tpu.memory_space<vmem>> -> memref<80xi32, #tpu.memory_space<vmem>>
      %dma_start3A_398 = arith.constant 0 : i32
      %dma_start3A_399 = arith.constant 0 : i32
      %dma_start3A_400 = tpu.memref_slice %arg28[%dma_start3A_398, %dma_start3A_399] : memref<10000x8xf32, #tpu.memory_space<vmem_shared>> -> memref<10000x8xf32, #tpu.memory_space<vmem_shared>>
      tpu.enqueue_indirect_dma source(%arg14 : memref<80x8xf32, #tpu.memory_space<vmem>>) target(%dma_start3A_400 : memref<10000x8xf32, #tpu.memory_space<vmem_shared>>) offsets(%dma_start3A_397 : memref<80xi32, #tpu.memory_space<vmem>>) semaphore(%arg23 : memref<!tpu.dma_semaphore, #tpu.memory_space<semaphore_mem>>) {add = true}
      %dma_wait3A_401 = arith.constant 1 : i32
      %dma_wait3A_402 = arith.constant 0 : i32
      %dma_wait3A_403 = arith.constant 0 : i32
      %dma_wait3A_404 = tpu.memref_slice %arg12[%dma_wait3A_401, %dma_wait3A_402, %dma_wait3A_403] : memref<2x80x128xf32, #tpu.memory_space<vmem>> -> memref<1x80x128xf32, #tpu.memory_space<vmem>>
      %dma_wait3A_405 = tpu.memref_squeeze %dma_wait3A_404 : memref<1x80x128xf32, #tpu.memory_space<vmem>> -> memref<80x128xf32, #tpu.memory_space<vmem>>
      %dma_wait3A_406 = tpu.memref_slice %arg10[%mul3A_274] : memref<10000xi32, #tpu.memory_space<vmem>> -> memref<80xi32, #tpu.memory_space<vmem>>
      %dma_wait3A_407 = arith.constant 0 : i32
      %dma_wait3A_408 = arith.constant 0 : i32
      %dma_wait3A_409 = tpu.memref_slice %arg2[%dma_wait3A_407, %dma_wait3A_408] : memref<10000x128xf32, #tpu.memory_space<hbm>> -> memref<10000x128xf32, #tpu.memory_space<hbm>>
      tpu.wait_indirect_dma semaphore(%arg16 : memref<!tpu.dma_semaphore, #tpu.memory_space<semaphore_mem>>) src(%dma_wait3A_409 : memref<10000x128xf32, #tpu.memory_space<hbm>>) dst(%dma_wait3A_405 : memref<80x128xf32, #tpu.memory_space<vmem>>)
      %dma_start3A_410 = arith.constant 1 : i32
      %dma_start3A_411 = arith.constant 1 : i32
      %dma_start3A_412 = arith.constant 0 : i32
      %dma_start3A_413 = arith.constant 0 : i32
      %dma_start3A_414 = tpu.memref_slice %arg12[%dma_start3A_410, %dma_start3A_412, %dma_start3A_413] : memref<2x80x128xf32, #tpu.memory_space<vmem>> -> memref<1x80x128xf32, #tpu.memory_space<vmem>>
      %dma_start3A_415 = tpu.memref_squeeze %dma_start3A_414 : memref<1x80x128xf32, #tpu.memory_space<vmem>> -> memref<80x128xf32, #tpu.memory_space<vmem>>
      %dma_start3A_416 = arith.constant 0 : i32
      %dma_start3A_417 = tpu.memref_slice %arg11[%dma_start3A_411, %dma_start3A_416] : memref<2x80xi32, #tpu.memory_space<vmem>> -> memref<1x80xi32, #tpu.memory_space<vmem>>
      %dma_start3A_418 = tpu.memref_squeeze %dma_start3A_417 : memref<1x80xi32, #tpu.memory_space<vmem>> -> memref<80xi32, #tpu.memory_space<vmem>>
      %dma_start3A_419 = arith.constant 0 : i32
      %dma_start3A_420 = arith.constant 0 : i32
      %dma_start3A_421 = tpu.memref_slice %arg26[%dma_start3A_419, %dma_start3A_420] : memref<10000x128xf32, #tpu.memory_space<vmem_shared>> -> memref<10000x128xf32, #tpu.memory_space<vmem_shared>>
      tpu.enqueue_indirect_dma source(%dma_start3A_415 : memref<80x128xf32, #tpu.memory_space<vmem>>) target(%dma_start3A_421 : memref<10000x128xf32, #tpu.memory_space<vmem_shared>>) offsets(%dma_start3A_418 : memref<80xi32, #tpu.memory_space<vmem>>) semaphore(%arg18 : memref<!tpu.dma_semaphore, #tpu.memory_space<semaphore_mem>>) {add = true}
      %dma_wait3A_422 = arith.constant 1 : i32
      %dma_wait3A_423 = arith.constant 0 : i32
      %dma_wait3A_424 = arith.constant 0 : i32
      %dma_wait3A_425 = tpu.memref_slice %arg13[%dma_wait3A_422, %dma_wait3A_423, %dma_wait3A_424] : memref<2x80x16xf32, #tpu.memory_space<vmem>> -> memref<1x80x16xf32, #tpu.memory_space<vmem>>
      %dma_wait3A_426 = tpu.memref_squeeze %dma_wait3A_425 : memref<1x80x16xf32, #tpu.memory_space<vmem>> -> memref<80x16xf32, #tpu.memory_space<vmem>>
      %dma_wait3A_427 = arith.constant 0 : i32
      %dma_wait3A_428 = tpu.memref_slice %arg4[%mul3A_310, %dma_wait3A_427] : memref<320000x16xf32, #tpu.memory_space<hbm>> -> memref<80x16xf32, #tpu.memory_space<hbm>>
      %dma_wait3A_429 = arith.constant 0 : i32
      %dma_wait3A_430 = arith.constant 0 : i32
      %dma_wait3A_431 = tpu.memref_slice %arg13[%dma_wait3A_422, %dma_wait3A_429, %dma_wait3A_430] : memref<2x80x16xf32, #tpu.memory_space<vmem>> -> memref<1x80x16xf32, #tpu.memory_space<vmem>>
      %dma_wait3A_432 = tpu.memref_squeeze %dma_wait3A_431 : memref<1x80x16xf32, #tpu.memory_space<vmem>> -> memref<80x16xf32, #tpu.memory_space<vmem>>
      %dma_wait3A_433 = arith.constant 0 : i32
      %dma_wait3A_434 = tpu.memref_slice %arg4[%mul3A_310, %dma_wait3A_433] : memref<320000x16xf32, #tpu.memory_space<hbm>> -> memref<80x16xf32, #tpu.memory_space<hbm>>
      tpu.wait_dma2 semaphore(%arg20 : memref<!tpu.dma_semaphore, #tpu.memory_space<semaphore_mem>>) src(%dma_wait3A_434 : memref<80x16xf32, #tpu.memory_space<hbm>>) dst(%dma_wait3A_432 : memref<80x16xf32, #tpu.memory_space<vmem>>)
      %dma_start3A_435 = arith.constant 1 : i32
      %dma_start3A_436 = arith.constant 1 : i32
      %dma_start3A_437 = arith.constant 0 : i32
      %dma_start3A_438 = arith.constant 0 : i32
      %dma_start3A_439 = tpu.memref_slice %arg13[%dma_start3A_435, %dma_start3A_437, %dma_start3A_438] : memref<2x80x16xf32, #tpu.memory_space<vmem>> -> memref<1x80x16xf32, #tpu.memory_space<vmem>>
      %dma_start3A_440 = tpu.memref_squeeze %dma_start3A_439 : memref<1x80x16xf32, #tpu.memory_space<vmem>> -> memref<80x16xf32, #tpu.memory_space<vmem>>
      %dma_start3A_441 = arith.constant 0 : i32
      %dma_start3A_442 = tpu.memref_slice %arg11[%dma_start3A_436, %dma_start3A_441] : memref<2x80xi32, #tpu.memory_space<vmem>> -> memref<1x80xi32, #tpu.memory_space<vmem>>
      %dma_start3A_443 = tpu.memref_squeeze %dma_start3A_442 : memref<1x80xi32, #tpu.memory_space<vmem>> -> memref<80xi32, #tpu.memory_space<vmem>>
      %dma_start3A_444 = arith.constant 0 : i32
      %dma_start3A_445 = arith.constant 0 : i32
      %dma_start3A_446 = tpu.memref_slice %arg27[%dma_start3A_444, %dma_start3A_445] : memref<10000x16xf32, #tpu.memory_space<vmem_shared>> -> memref<10000x16xf32, #tpu.memory_space<vmem_shared>>
      tpu.enqueue_indirect_dma source(%dma_start3A_440 : memref<80x16xf32, #tpu.memory_space<vmem>>) target(%dma_start3A_446 : memref<10000x16xf32, #tpu.memory_space<vmem_shared>>) offsets(%dma_start3A_443 : memref<80xi32, #tpu.memory_space<vmem>>) semaphore(%arg22 : memref<!tpu.dma_semaphore, #tpu.memory_space<semaphore_mem>>) {add = true}
      %dma_start3A_447 = arith.constant 1 : i32
      %dma_start3A_448 = arith.constant 0 : i32
      %dma_start3A_449 = tpu.memref_slice %arg11[%dma_start3A_447, %dma_start3A_448] : memref<2x80xi32, #tpu.memory_space<vmem>> -> memref<1x80xi32, #tpu.memory_space<vmem>>
      %dma_start3A_450 = tpu.memref_squeeze %dma_start3A_449 : memref<1x80xi32, #tpu.memory_space<vmem>> -> memref<80xi32, #tpu.memory_space<vmem>>
      %dma_start3A_451 = arith.constant 0 : i32
      %dma_start3A_452 = arith.constant 0 : i32
      %dma_start3A_453 = tpu.memref_slice %arg28[%dma_start3A_451, %dma_start3A_452] : memref<10000x8xf32, #tpu.memory_space<vmem_shared>> -> memref<10000x8xf32, #tpu.memory_space<vmem_shared>>
      tpu.enqueue_indirect_dma source(%arg14 : memref<80x8xf32, #tpu.memory_space<vmem>>) target(%dma_start3A_453 : memref<10000x8xf32, #tpu.memory_space<vmem_shared>>) offsets(%dma_start3A_450 : memref<80xi32, #tpu.memory_space<vmem>>) semaphore(%arg24 : memref<!tpu.dma_semaphore, #tpu.memory_space<semaphore_mem>>) {add = true}
      %dma_wait3A_454 = arith.constant 0 : i32
      %dma_wait3A_455 = arith.constant 0 : i32
      %dma_wait3A_456 = arith.constant 0 : i32
      %dma_wait3A_457 = arith.constant 0 : i32
      %dma_wait3A_458 = tpu.memref_slice %arg12[%dma_wait3A_454, %dma_wait3A_456, %dma_wait3A_457] : memref<2x80x128xf32, #tpu.memory_space<vmem>> -> memref<1x80x128xf32, #tpu.memory_space<vmem>>
      %dma_wait3A_459 = tpu.memref_squeeze %dma_wait3A_458 : memref<1x80x128xf32, #tpu.memory_space<vmem>> -> memref<80x128xf32, #tpu.memory_space<vmem>>
      %dma_wait3A_460 = arith.constant 0 : i32
      %dma_wait3A_461 = tpu.memref_slice %arg11[%dma_wait3A_455, %dma_wait3A_460] : memref<2x80xi32, #tpu.memory_space<vmem>> -> memref<1x80xi32, #tpu.memory_space<vmem>>
      %dma_wait3A_462 = tpu.memref_squeeze %dma_wait3A_461 : memref<1x80xi32, #tpu.memory_space<vmem>> -> memref<80xi32, #tpu.memory_space<vmem>>
      %dma_wait3A_463 = arith.constant 0 : i32
      %dma_wait3A_464 = arith.constant 0 : i32
      %dma_wait3A_465 = tpu.memref_slice %arg26[%dma_wait3A_463, %dma_wait3A_464] : memref<10000x128xf32, #tpu.memory_space<vmem_shared>> -> memref<10000x128xf32, #tpu.memory_space<vmem_shared>>
      tpu.wait_indirect_dma semaphore(%arg17 : memref<!tpu.dma_semaphore, #tpu.memory_space<semaphore_mem>>) src(%dma_wait3A_459 : memref<80x128xf32, #tpu.memory_space<vmem>>) dst(%dma_wait3A_465 : memref<10000x128xf32, #tpu.memory_space<vmem_shared>>)
      %dma_wait3A_466 = arith.constant 0 : i32
      %dma_wait3A_467 = arith.constant 0 : i32
      %dma_wait3A_468 = arith.constant 0 : i32
      %dma_wait3A_469 = arith.constant 0 : i32
      %dma_wait3A_470 = tpu.memref_slice %arg13[%dma_wait3A_466, %dma_wait3A_468, %dma_wait3A_469] : memref<2x80x16xf32, #tpu.memory_space<vmem>> -> memref<1x80x16xf32, #tpu.memory_space<vmem>>
      %dma_wait3A_471 = tpu.memref_squeeze %dma_wait3A_470 : memref<1x80x16xf32, #tpu.memory_space<vmem>> -> memref<80x16xf32, #tpu.memory_space<vmem>>
      %dma_wait3A_472 = arith.constant 0 : i32
      %dma_wait3A_473 = tpu.memref_slice %arg11[%dma_wait3A_467, %dma_wait3A_472] : memref<2x80xi32, #tpu.memory_space<vmem>> -> memref<1x80xi32, #tpu.memory_space<vmem>>
      %dma_wait3A_474 = tpu.memref_squeeze %dma_wait3A_473 : memref<1x80xi32, #tpu.memory_space<vmem>> -> memref<80xi32, #tpu.memory_space<vmem>>
      %dma_wait3A_475 = arith.constant 0 : i32
      %dma_wait3A_476 = arith.constant 0 : i32
      %dma_wait3A_477 = tpu.memref_slice %arg27[%dma_wait3A_475, %dma_wait3A_476] : memref<10000x16xf32, #tpu.memory_space<vmem_shared>> -> memref<10000x16xf32, #tpu.memory_space<vmem_shared>>
      tpu.wait_indirect_dma semaphore(%arg21 : memref<!tpu.dma_semaphore, #tpu.memory_space<semaphore_mem>>) src(%dma_wait3A_471 : memref<80x16xf32, #tpu.memory_space<vmem>>) dst(%dma_wait3A_477 : memref<10000x16xf32, #tpu.memory_space<vmem_shared>>)
      %dma_wait3A_478 = arith.constant 0 : i32
      %dma_wait3A_479 = arith.constant 0 : i32
      %dma_wait3A_480 = tpu.memref_slice %arg11[%dma_wait3A_478, %dma_wait3A_479] : memref<2x80xi32, #tpu.memory_space<vmem>> -> memref<1x80xi32, #tpu.memory_space<vmem>>
      %dma_wait3A_481 = tpu.memref_squeeze %dma_wait3A_480 : memref<1x80xi32, #tpu.memory_space<vmem>> -> memref<80xi32, #tpu.memory_space<vmem>>
      %dma_wait3A_482 = arith.constant 0 : i32
      %dma_wait3A_483 = arith.constant 0 : i32
      %dma_wait3A_484 = tpu.memref_slice %arg28[%dma_wait3A_482, %dma_wait3A_483] : memref<10000x8xf32, #tpu.memory_space<vmem_shared>> -> memref<10000x8xf32, #tpu.memory_space<vmem_shared>>
      tpu.wait_indirect_dma semaphore(%arg23 : memref<!tpu.dma_semaphore, #tpu.memory_space<semaphore_mem>>) src(%arg14 : memref<80x8xf32, #tpu.memory_space<vmem>>) dst(%dma_wait3A_484 : memref<10000x8xf32, #tpu.memory_space<vmem_shared>>)
      %dma_wait3A_485 = arith.constant 1 : i32
      %dma_wait3A_486 = arith.constant 1 : i32
      %dma_wait3A_487 = arith.constant 0 : i32
      %dma_wait3A_488 = arith.constant 0 : i32
      %dma_wait3A_489 = tpu.memref_slice %arg12[%dma_wait3A_485, %dma_wait3A_487, %dma_wait3A_488] : memref<2x80x128xf32, #tpu.memory_space<vmem>> -> memref<1x80x128xf32, #tpu.memory_space<vmem>>
      %dma_wait3A_490 = tpu.memref_squeeze %dma_wait3A_489 : memref<1x80x128xf32, #tpu.memory_space<vmem>> -> memref<80x128xf32, #tpu.memory_space<vmem>>
      %dma_wait3A_491 = arith.constant 0 : i32
      %dma_wait3A_492 = tpu.memref_slice %arg11[%dma_wait3A_486, %dma_wait3A_491] : memref<2x80xi32, #tpu.memory_space<vmem>> -> memref<1x80xi32, #tpu.memory_space<vmem>>
      %dma_wait3A_493 = tpu.memref_squeeze %dma_wait3A_492 : memref<1x80xi32, #tpu.memory_space<vmem>> -> memref<80xi32, #tpu.memory_space<vmem>>
      %dma_wait3A_494 = arith.constant 0 : i32
      %dma_wait3A_495 = arith.constant 0 : i32
      %dma_wait3A_496 = tpu.memref_slice %arg26[%dma_wait3A_494, %dma_wait3A_495] : memref<10000x128xf32, #tpu.memory_space<vmem_shared>> -> memref<10000x128xf32, #tpu.memory_space<vmem_shared>>
      tpu.wait_indirect_dma semaphore(%arg18 : memref<!tpu.dma_semaphore, #tpu.memory_space<semaphore_mem>>) src(%dma_wait3A_490 : memref<80x128xf32, #tpu.memory_space<vmem>>) dst(%dma_wait3A_496 : memref<10000x128xf32, #tpu.memory_space<vmem_shared>>)
      %dma_wait3A_497 = arith.constant 1 : i32
      %dma_wait3A_498 = arith.constant 1 : i32
      %dma_wait3A_499 = arith.constant 0 : i32
      %dma_wait3A_500 = arith.constant 0 : i32
      %dma_wait3A_501 = tpu.memref_slice %arg13[%dma_wait3A_497, %dma_wait3A_499, %dma_wait3A_500] : memref<2x80x16xf32, #tpu.memory_space<vmem>> -> memref<1x80x16xf32, #tpu.memory_space<vmem>>
      %dma_wait3A_502 = tpu.memref_squeeze %dma_wait3A_501 : memref<1x80x16xf32, #tpu.memory_space<vmem>> -> memref<80x16xf32, #tpu.memory_space<vmem>>
      %dma_wait3A_503 = arith.constant 0 : i32
      %dma_wait3A_504 = tpu.memref_slice %arg11[%dma_wait3A_498, %dma_wait3A_503] : memref<2x80xi32, #tpu.memory_space<vmem>> -> memref<1x80xi32, #tpu.memory_space<vmem>>
      %dma_wait3A_505 = tpu.memref_squeeze %dma_wait3A_504 : memref<1x80xi32, #tpu.memory_space<vmem>> -> memref<80xi32, #tpu.memory_space<vmem>>
      %dma_wait3A_506 = arith.constant 0 : i32
      %dma_wait3A_507 = arith.constant 0 : i32
      %dma_wait3A_508 = tpu.memref_slice %arg27[%dma_wait3A_506, %dma_wait3A_507] : memref<10000x16xf32, #tpu.memory_space<vmem_shared>> -> memref<10000x16xf32, #tpu.memory_space<vmem_shared>>
      tpu.wait_indirect_dma semaphore(%arg22 : memref<!tpu.dma_semaphore, #tpu.memory_space<semaphore_mem>>) src(%dma_wait3A_502 : memref<80x16xf32, #tpu.memory_space<vmem>>) dst(%dma_wait3A_508 : memref<10000x16xf32, #tpu.memory_space<vmem_shared>>)
      %dma_wait3A_509 = arith.constant 1 : i32
      %dma_wait3A_510 = arith.constant 0 : i32
      %dma_wait3A_511 = tpu.memref_slice %arg11[%dma_wait3A_509, %dma_wait3A_510] : memref<2x80xi32, #tpu.memory_space<vmem>> -> memref<1x80xi32, #tpu.memory_space<vmem>>
      %dma_wait3A_512 = tpu.memref_squeeze %dma_wait3A_511 : memref<1x80xi32, #tpu.memory_space<vmem>> -> memref<80xi32, #tpu.memory_space<vmem>>
      %dma_wait3A_513 = arith.constant 0 : i32
      %dma_wait3A_514 = arith.constant 0 : i32
      %dma_wait3A_515 = tpu.memref_slice %arg28[%dma_wait3A_513, %dma_wait3A_514] : memref<10000x8xf32, #tpu.memory_space<vmem_shared>> -> memref<10000x8xf32, #tpu.memory_space<vmem_shared>>
      tpu.wait_indirect_dma semaphore(%arg24 : memref<!tpu.dma_semaphore, #tpu.memory_space<semaphore_mem>>) src(%arg14 : memref<80x8xf32, #tpu.memory_space<vmem>>) dst(%dma_wait3A_515 : memref<10000x8xf32, #tpu.memory_space<vmem_shared>>)
    }
    %scan3A_57 = arith.constant 62 : i32
    %mul3A_58 = arith.constant 125 : i32
    %mul3A_59 = arith.muli %add3A, %mul3A_58 : i32
    %add3A_60 = arith.constant 124 : i32
    %add3A_61 = arith.addi %mul3A_59, %add3A_60 : i32
    %add3A_62 = arith.constant 0 : i32
    %add3A_63 = arith.addi %add3A_61, %add3A_62 : i32
    %mul3A_64 = arith.constant 80 : i32
    %mul3A_65 = arith.muli %add3A_63, %mul3A_64 : i32
    %dma_start3A = arith.constant 1 : i32
    %dma_start3A_66 = arith.constant 0 : i32
    %dma_start3A_67 = arith.constant 0 : i32
    %dma_start3A_68 = tpu.memref_slice %arg11[%dma_start3A_66, %dma_start3A_67] : memref<2x80xi32, #tpu.memory_space<vmem>> -> memref<1x80xi32, #tpu.memory_space<vmem>>
    %dma_start3A_69 = tpu.memref_squeeze %dma_start3A_68 : memref<1x80xi32, #tpu.memory_space<vmem>> -> memref<80xi32, #tpu.memory_space<vmem>>
    %dma_start3A_70 = tpu.memref_slice %arg3[%dma_start3A, %mul3A_65] : memref<2x320000xi32, #tpu.memory_space<hbm>> -> memref<1x80xi32, #tpu.memory_space<hbm>>
    %dma_start3A_71 = tpu.memref_squeeze %dma_start3A_70 : memref<1x80xi32, #tpu.memory_space<hbm>> -> memref<80xi32, #tpu.memory_space<hbm>>
    %dma_start3A_72 = arith.constant 0 : i32
    %dma_start3A_73 = tpu.memref_slice %arg11[%dma_start3A_66, %dma_start3A_72] : memref<2x80xi32, #tpu.memory_space<vmem>> -> memref<1x80xi32, #tpu.memory_space<vmem>>
    %dma_start3A_74 = tpu.memref_squeeze %dma_start3A_73 : memref<1x80xi32, #tpu.memory_space<vmem>> -> memref<80xi32, #tpu.memory_space<vmem>>
    %dma_start3A_75 = tpu.memref_slice %arg3[%dma_start3A, %mul3A_65] : memref<2x320000xi32, #tpu.memory_space<hbm>> -> memref<1x80xi32, #tpu.memory_space<hbm>>
    %dma_start3A_76 = tpu.memref_squeeze %dma_start3A_75 : memref<1x80xi32, #tpu.memory_space<hbm>> -> memref<80xi32, #tpu.memory_space<hbm>>
    tpu.enqueue_dma source(%dma_start3A_76 : memref<80xi32, #tpu.memory_space<hbm>>) target(%dma_start3A_74 : memref<80xi32, #tpu.memory_space<vmem>>) target_semaphore(%arg25 : memref<!tpu.dma_semaphore, #tpu.memory_space<semaphore_mem>>)
    %dma_start3A_77 = arith.constant 0 : i32
    %dma_start3A_78 = arith.constant 0 : i32
    %dma_start3A_79 = arith.constant 0 : i32
    %dma_start3A_80 = tpu.memref_slice %arg12[%dma_start3A_77, %dma_start3A_78, %dma_start3A_79] : memref<2x80x128xf32, #tpu.memory_space<vmem>> -> memref<1x80x128xf32, #tpu.memory_space<vmem>>
    %dma_start3A_81 = tpu.memref_squeeze %dma_start3A_80 : memref<1x80x128xf32, #tpu.memory_space<vmem>> -> memref<80x128xf32, #tpu.memory_space<vmem>>
    %dma_start3A_82 = arith.constant 9920 : i32
    %dma_start3A_83 = tpu.memref_slice %arg10[%dma_start3A_82] : memref<10000xi32, #tpu.memory_space<vmem>> -> memref<80xi32, #tpu.memory_space<vmem>>
    %dma_start3A_84 = arith.constant 0 : i32
    %dma_start3A_85 = arith.constant 0 : i32
    %dma_start3A_86 = tpu.memref_slice %arg2[%dma_start3A_84, %dma_start3A_85] : memref<10000x128xf32, #tpu.memory_space<hbm>> -> memref<10000x128xf32, #tpu.memory_space<hbm>>
    tpu.enqueue_indirect_dma source(%dma_start3A_86 : memref<10000x128xf32, #tpu.memory_space<hbm>>) target(%dma_start3A_81 : memref<80x128xf32, #tpu.memory_space<vmem>>) offsets(%dma_start3A_83 : memref<80xi32, #tpu.memory_space<vmem>>) semaphore(%arg15 : memref<!tpu.dma_semaphore, #tpu.memory_space<semaphore_mem>>)
    %mul3A_87 = arith.constant 125 : i32
    %mul3A_88 = arith.muli %add3A, %mul3A_87 : i32
    %add3A_89 = arith.constant 124 : i32
    %add3A_90 = arith.addi %mul3A_88, %add3A_89 : i32
    %add3A_91 = arith.constant 0 : i32
    %add3A_92 = arith.addi %add3A_90, %add3A_91 : i32
    %mul3A_93 = arith.constant 80 : i32
    %mul3A_94 = arith.muli %add3A_92, %mul3A_93 : i32
    %dma_start3A_95 = arith.constant 0 : i32
    %dma_start3A_96 = arith.constant 0 : i32
    %dma_start3A_97 = arith.constant 0 : i32
    %dma_start3A_98 = tpu.memref_slice %arg13[%dma_start3A_95, %dma_start3A_96, %dma_start3A_97] : memref<2x80x16xf32, #tpu.memory_space<vmem>> -> memref<1x80x16xf32, #tpu.memory_space<vmem>>
    %dma_start3A_99 = tpu.memref_squeeze %dma_start3A_98 : memref<1x80x16xf32, #tpu.memory_space<vmem>> -> memref<80x16xf32, #tpu.memory_space<vmem>>
    %dma_start3A_100 = arith.constant 0 : i32
    %dma_start3A_101 = tpu.memref_slice %arg4[%mul3A_94, %dma_start3A_100] : memref<320000x16xf32, #tpu.memory_space<hbm>> -> memref<80x16xf32, #tpu.memory_space<hbm>>
    %dma_start3A_102 = arith.constant 0 : i32
    %dma_start3A_103 = arith.constant 0 : i32
    %dma_start3A_104 = tpu.memref_slice %arg13[%dma_start3A_95, %dma_start3A_102, %dma_start3A_103] : memref<2x80x16xf32, #tpu.memory_space<vmem>> -> memref<1x80x16xf32, #tpu.memory_space<vmem>>
    %dma_start3A_105 = tpu.memref_squeeze %dma_start3A_104 : memref<1x80x16xf32, #tpu.memory_space<vmem>> -> memref<80x16xf32, #tpu.memory_space<vmem>>
    %dma_start3A_106 = arith.constant 0 : i32
    %dma_start3A_107 = tpu.memref_slice %arg4[%mul3A_94, %dma_start3A_106] : memref<320000x16xf32, #tpu.memory_space<hbm>> -> memref<80x16xf32, #tpu.memory_space<hbm>>
    tpu.enqueue_dma source(%dma_start3A_107 : memref<80x16xf32, #tpu.memory_space<hbm>>) target(%dma_start3A_105 : memref<80x16xf32, #tpu.memory_space<vmem>>) target_semaphore(%arg19 : memref<!tpu.dma_semaphore, #tpu.memory_space<semaphore_mem>>)
    %dma_wait3A = arith.constant 1 : i32
    %dma_wait3A_108 = arith.constant 0 : i32
    %dma_wait3A_109 = arith.constant 0 : i32
    %dma_wait3A_110 = tpu.memref_slice %arg11[%dma_wait3A_108, %dma_wait3A_109] : memref<2x80xi32, #tpu.memory_space<vmem>> -> memref<1x80xi32, #tpu.memory_space<vmem>>
    %dma_wait3A_111 = tpu.memref_squeeze %dma_wait3A_110 : memref<1x80xi32, #tpu.memory_space<vmem>> -> memref<80xi32, #tpu.memory_space<vmem>>
    %dma_wait3A_112 = tpu.memref_slice %arg3[%dma_wait3A, %mul3A_65] : memref<2x320000xi32, #tpu.memory_space<hbm>> -> memref<1x80xi32, #tpu.memory_space<hbm>>
    %dma_wait3A_113 = tpu.memref_squeeze %dma_wait3A_112 : memref<1x80xi32, #tpu.memory_space<hbm>> -> memref<80xi32, #tpu.memory_space<hbm>>
    %dma_wait3A_114 = arith.constant 0 : i32
    %dma_wait3A_115 = tpu.memref_slice %arg11[%dma_wait3A_108, %dma_wait3A_114] : memref<2x80xi32, #tpu.memory_space<vmem>> -> memref<1x80xi32, #tpu.memory_space<vmem>>
    %dma_wait3A_116 = tpu.memref_squeeze %dma_wait3A_115 : memref<1x80xi32, #tpu.memory_space<vmem>> -> memref<80xi32, #tpu.memory_space<vmem>>
    %dma_wait3A_117 = tpu.memref_slice %arg3[%dma_wait3A, %mul3A_65] : memref<2x320000xi32, #tpu.memory_space<hbm>> -> memref<1x80xi32, #tpu.memory_space<hbm>>
    %dma_wait3A_118 = tpu.memref_squeeze %dma_wait3A_117 : memref<1x80xi32, #tpu.memory_space<hbm>> -> memref<80xi32, #tpu.memory_space<hbm>>
    tpu.wait_dma2 semaphore(%arg25 : memref<!tpu.dma_semaphore, #tpu.memory_space<semaphore_mem>>) src(%dma_wait3A_118 : memref<80xi32, #tpu.memory_space<hbm>>) dst(%dma_wait3A_116 : memref<80xi32, #tpu.memory_space<vmem>>)
    %dma_wait3A_119 = arith.constant 0 : i32
    %dma_wait3A_120 = arith.constant 0 : i32
    %dma_wait3A_121 = arith.constant 0 : i32
    %dma_wait3A_122 = tpu.memref_slice %arg12[%dma_wait3A_119, %dma_wait3A_120, %dma_wait3A_121] : memref<2x80x128xf32, #tpu.memory_space<vmem>> -> memref<1x80x128xf32, #tpu.memory_space<vmem>>
    %dma_wait3A_123 = tpu.memref_squeeze %dma_wait3A_122 : memref<1x80x128xf32, #tpu.memory_space<vmem>> -> memref<80x128xf32, #tpu.memory_space<vmem>>
    %dma_wait3A_124 = arith.constant 9920 : i32
    %dma_wait3A_125 = tpu.memref_slice %arg10[%dma_wait3A_124] : memref<10000xi32, #tpu.memory_space<vmem>> -> memref<80xi32, #tpu.memory_space<vmem>>
    %dma_wait3A_126 = arith.constant 0 : i32
    %dma_wait3A_127 = arith.constant 0 : i32
    %dma_wait3A_128 = tpu.memref_slice %arg2[%dma_wait3A_126, %dma_wait3A_127] : memref<10000x128xf32, #tpu.memory_space<hbm>> -> memref<10000x128xf32, #tpu.memory_space<hbm>>
    tpu.wait_indirect_dma semaphore(%arg15 : memref<!tpu.dma_semaphore, #tpu.memory_space<semaphore_mem>>) src(%dma_wait3A_128 : memref<10000x128xf32, #tpu.memory_space<hbm>>) dst(%dma_wait3A_123 : memref<80x128xf32, #tpu.memory_space<vmem>>)
    %dma_start3A_129 = arith.constant 0 : i32
    %dma_start3A_130 = arith.constant 0 : i32
    %dma_start3A_131 = arith.constant 0 : i32
    %dma_start3A_132 = arith.constant 0 : i32
    %dma_start3A_133 = tpu.memref_slice %arg12[%dma_start3A_129, %dma_start3A_131, %dma_start3A_132] : memref<2x80x128xf32, #tpu.memory_space<vmem>> -> memref<1x80x128xf32, #tpu.memory_space<vmem>>
    %dma_start3A_134 = tpu.memref_squeeze %dma_start3A_133 : memref<1x80x128xf32, #tpu.memory_space<vmem>> -> memref<80x128xf32, #tpu.memory_space<vmem>>
    %dma_start3A_135 = arith.constant 0 : i32
    %dma_start3A_136 = tpu.memref_slice %arg11[%dma_start3A_130, %dma_start3A_135] : memref<2x80xi32, #tpu.memory_space<vmem>> -> memref<1x80xi32, #tpu.memory_space<vmem>>
    %dma_start3A_137 = tpu.memref_squeeze %dma_start3A_136 : memref<1x80xi32, #tpu.memory_space<vmem>> -> memref<80xi32, #tpu.memory_space<vmem>>
    %dma_start3A_138 = arith.constant 0 : i32
    %dma_start3A_139 = arith.constant 0 : i32
    %dma_start3A_140 = tpu.memref_slice %arg26[%dma_start3A_138, %dma_start3A_139] : memref<10000x128xf32, #tpu.memory_space<vmem_shared>> -> memref<10000x128xf32, #tpu.memory_space<vmem_shared>>
    tpu.enqueue_indirect_dma source(%dma_start3A_134 : memref<80x128xf32, #tpu.memory_space<vmem>>) target(%dma_start3A_140 : memref<10000x128xf32, #tpu.memory_space<vmem_shared>>) offsets(%dma_start3A_137 : memref<80xi32, #tpu.memory_space<vmem>>) semaphore(%arg17 : memref<!tpu.dma_semaphore, #tpu.memory_space<semaphore_mem>>) {add = true}
    %dma_wait3A_141 = arith.constant 0 : i32
    %dma_wait3A_142 = arith.constant 0 : i32
    %dma_wait3A_143 = arith.constant 0 : i32
    %dma_wait3A_144 = tpu.memref_slice %arg13[%dma_wait3A_141, %dma_wait3A_142, %dma_wait3A_143] : memref<2x80x16xf32, #tpu.memory_space<vmem>> -> memref<1x80x16xf32, #tpu.memory_space<vmem>>
    %dma_wait3A_145 = tpu.memref_squeeze %dma_wait3A_144 : memref<1x80x16xf32, #tpu.memory_space<vmem>> -> memref<80x16xf32, #tpu.memory_space<vmem>>
    %dma_wait3A_146 = arith.constant 0 : i32
    %dma_wait3A_147 = tpu.memref_slice %arg4[%mul3A_94, %dma_wait3A_146] : memref<320000x16xf32, #tpu.memory_space<hbm>> -> memref<80x16xf32, #tpu.memory_space<hbm>>
    %dma_wait3A_148 = arith.constant 0 : i32
    %dma_wait3A_149 = arith.constant 0 : i32
    %dma_wait3A_150 = tpu.memref_slice %arg13[%dma_wait3A_141, %dma_wait3A_148, %dma_wait3A_149] : memref<2x80x16xf32, #tpu.memory_space<vmem>> -> memref<1x80x16xf32, #tpu.memory_space<vmem>>
    %dma_wait3A_151 = tpu.memref_squeeze %dma_wait3A_150 : memref<1x80x16xf32, #tpu.memory_space<vmem>> -> memref<80x16xf32, #tpu.memory_space<vmem>>
    %dma_wait3A_152 = arith.constant 0 : i32
    %dma_wait3A_153 = tpu.memref_slice %arg4[%mul3A_94, %dma_wait3A_152] : memref<320000x16xf32, #tpu.memory_space<hbm>> -> memref<80x16xf32, #tpu.memory_space<hbm>>
    tpu.wait_dma2 semaphore(%arg19 : memref<!tpu.dma_semaphore, #tpu.memory_space<semaphore_mem>>) src(%dma_wait3A_153 : memref<80x16xf32, #tpu.memory_space<hbm>>) dst(%dma_wait3A_151 : memref<80x16xf32, #tpu.memory_space<vmem>>)
    %dma_start3A_154 = arith.constant 0 : i32
    %dma_start3A_155 = arith.constant 0 : i32
    %dma_start3A_156 = arith.constant 0 : i32
    %dma_start3A_157 = arith.constant 0 : i32
    %dma_start3A_158 = tpu.memref_slice %arg13[%dma_start3A_154, %dma_start3A_156, %dma_start3A_157] : memref<2x80x16xf32, #tpu.memory_space<vmem>> -> memref<1x80x16xf32, #tpu.memory_space<vmem>>
    %dma_start3A_159 = tpu.memref_squeeze %dma_start3A_158 : memref<1x80x16xf32, #tpu.memory_space<vmem>> -> memref<80x16xf32, #tpu.memory_space<vmem>>
    %dma_start3A_160 = arith.constant 0 : i32
    %dma_start3A_161 = tpu.memref_slice %arg11[%dma_start3A_155, %dma_start3A_160] : memref<2x80xi32, #tpu.memory_space<vmem>> -> memref<1x80xi32, #tpu.memory_space<vmem>>
    %dma_start3A_162 = tpu.memref_squeeze %dma_start3A_161 : memref<1x80xi32, #tpu.memory_space<vmem>> -> memref<80xi32, #tpu.memory_space<vmem>>
    %dma_start3A_163 = arith.constant 0 : i32
    %dma_start3A_164 = arith.constant 0 : i32
    %dma_start3A_165 = tpu.memref_slice %arg27[%dma_start3A_163, %dma_start3A_164] : memref<10000x16xf32, #tpu.memory_space<vmem_shared>> -> memref<10000x16xf32, #tpu.memory_space<vmem_shared>>
    tpu.enqueue_indirect_dma source(%dma_start3A_159 : memref<80x16xf32, #tpu.memory_space<vmem>>) target(%dma_start3A_165 : memref<10000x16xf32, #tpu.memory_space<vmem_shared>>) offsets(%dma_start3A_162 : memref<80xi32, #tpu.memory_space<vmem>>) semaphore(%arg21 : memref<!tpu.dma_semaphore, #tpu.memory_space<semaphore_mem>>) {add = true}
    %dma_start3A_166 = arith.constant 0 : i32
    %dma_start3A_167 = arith.constant 0 : i32
    %dma_start3A_168 = tpu.memref_slice %arg11[%dma_start3A_166, %dma_start3A_167] : memref<2x80xi32, #tpu.memory_space<vmem>> -> memref<1x80xi32, #tpu.memory_space<vmem>>
    %dma_start3A_169 = tpu.memref_squeeze %dma_start3A_168 : memref<1x80xi32, #tpu.memory_space<vmem>> -> memref<80xi32, #tpu.memory_space<vmem>>
    %dma_start3A_170 = arith.constant 0 : i32
    %dma_start3A_171 = arith.constant 0 : i32
    %dma_start3A_172 = tpu.memref_slice %arg28[%dma_start3A_170, %dma_start3A_171] : memref<10000x8xf32, #tpu.memory_space<vmem_shared>> -> memref<10000x8xf32, #tpu.memory_space<vmem_shared>>
    tpu.enqueue_indirect_dma source(%arg14 : memref<80x8xf32, #tpu.memory_space<vmem>>) target(%dma_start3A_172 : memref<10000x8xf32, #tpu.memory_space<vmem_shared>>) offsets(%dma_start3A_169 : memref<80xi32, #tpu.memory_space<vmem>>) semaphore(%arg23 : memref<!tpu.dma_semaphore, #tpu.memory_space<semaphore_mem>>) {add = true}
    %dma_wait3A_173 = arith.constant 0 : i32
    %dma_wait3A_174 = arith.constant 0 : i32
    %dma_wait3A_175 = arith.constant 0 : i32
    %dma_wait3A_176 = arith.constant 0 : i32
    %dma_wait3A_177 = tpu.memref_slice %arg12[%dma_wait3A_173, %dma_wait3A_175, %dma_wait3A_176] : memref<2x80x128xf32, #tpu.memory_space<vmem>> -> memref<1x80x128xf32, #tpu.memory_space<vmem>>
    %dma_wait3A_178 = tpu.memref_squeeze %dma_wait3A_177 : memref<1x80x128xf32, #tpu.memory_space<vmem>> -> memref<80x128xf32, #tpu.memory_space<vmem>>
    %dma_wait3A_179 = arith.constant 0 : i32
    %dma_wait3A_180 = tpu.memref_slice %arg11[%dma_wait3A_174, %dma_wait3A_179] : memref<2x80xi32, #tpu.memory_space<vmem>> -> memref<1x80xi32, #tpu.memory_space<vmem>>
    %dma_wait3A_181 = tpu.memref_squeeze %dma_wait3A_180 : memref<1x80xi32, #tpu.memory_space<vmem>> -> memref<80xi32, #tpu.memory_space<vmem>>
    %dma_wait3A_182 = arith.constant 0 : i32
    %dma_wait3A_183 = arith.constant 0 : i32
    %dma_wait3A_184 = tpu.memref_slice %arg26[%dma_wait3A_182, %dma_wait3A_183] : memref<10000x128xf32, #tpu.memory_space<vmem_shared>> -> memref<10000x128xf32, #tpu.memory_space<vmem_shared>>
    tpu.wait_indirect_dma semaphore(%arg17 : memref<!tpu.dma_semaphore, #tpu.memory_space<semaphore_mem>>) src(%dma_wait3A_178 : memref<80x128xf32, #tpu.memory_space<vmem>>) dst(%dma_wait3A_184 : memref<10000x128xf32, #tpu.memory_space<vmem_shared>>)
    %dma_wait3A_185 = arith.constant 0 : i32
    %dma_wait3A_186 = arith.constant 0 : i32
    %dma_wait3A_187 = arith.constant 0 : i32
    %dma_wait3A_188 = arith.constant 0 : i32
    %dma_wait3A_189 = tpu.memref_slice %arg13[%dma_wait3A_185, %dma_wait3A_187, %dma_wait3A_188] : memref<2x80x16xf32, #tpu.memory_space<vmem>> -> memref<1x80x16xf32, #tpu.memory_space<vmem>>
    %dma_wait3A_190 = tpu.memref_squeeze %dma_wait3A_189 : memref<1x80x16xf32, #tpu.memory_space<vmem>> -> memref<80x16xf32, #tpu.memory_space<vmem>>
    %dma_wait3A_191 = arith.constant 0 : i32
    %dma_wait3A_192 = tpu.memref_slice %arg11[%dma_wait3A_186, %dma_wait3A_191] : memref<2x80xi32, #tpu.memory_space<vmem>> -> memref<1x80xi32, #tpu.memory_space<vmem>>
    %dma_wait3A_193 = tpu.memref_squeeze %dma_wait3A_192 : memref<1x80xi32, #tpu.memory_space<vmem>> -> memref<80xi32, #tpu.memory_space<vmem>>
    %dma_wait3A_194 = arith.constant 0 : i32
    %dma_wait3A_195 = arith.constant 0 : i32
    %dma_wait3A_196 = tpu.memref_slice %arg27[%dma_wait3A_194, %dma_wait3A_195] : memref<10000x16xf32, #tpu.memory_space<vmem_shared>> -> memref<10000x16xf32, #tpu.memory_space<vmem_shared>>
    tpu.wait_indirect_dma semaphore(%arg21 : memref<!tpu.dma_semaphore, #tpu.memory_space<semaphore_mem>>) src(%dma_wait3A_190 : memref<80x16xf32, #tpu.memory_space<vmem>>) dst(%dma_wait3A_196 : memref<10000x16xf32, #tpu.memory_space<vmem_shared>>)
    %dma_wait3A_197 = arith.constant 0 : i32
    %dma_wait3A_198 = arith.constant 0 : i32
    %dma_wait3A_199 = tpu.memref_slice %arg11[%dma_wait3A_197, %dma_wait3A_198] : memref<2x80xi32, #tpu.memory_space<vmem>> -> memref<1x80xi32, #tpu.memory_space<vmem>>
    %dma_wait3A_200 = tpu.memref_squeeze %dma_wait3A_199 : memref<1x80xi32, #tpu.memory_space<vmem>> -> memref<80xi32, #tpu.memory_space<vmem>>
    %dma_wait3A_201 = arith.constant 0 : i32
    %dma_wait3A_202 = arith.constant 0 : i32
    %dma_wait3A_203 = tpu.memref_slice %arg28[%dma_wait3A_201, %dma_wait3A_202] : memref<10000x8xf32, #tpu.memory_space<vmem_shared>> -> memref<10000x8xf32, #tpu.memory_space<vmem_shared>>
    tpu.wait_indirect_dma semaphore(%arg23 : memref<!tpu.dma_semaphore, #tpu.memory_space<semaphore_mem>>) src(%arg14 : memref<80x8xf32, #tpu.memory_space<vmem>>) dst(%dma_wait3A_203 : memref<10000x8xf32, #tpu.memory_space<vmem_shared>>)
    %barrier3A_204 = arith.constant 0 : index
    tpu.barrier barrier_id(%barrier3A_204)
    %mul3A_205 = arith.constant 625 : i32
    %mul3A_206 = arith.muli %arg1, %mul3A_205 : i32
    %mul3A_207 = arith.constant 625 : i32
    %mul3A_208 = arith.muli %arg1, %mul3A_207 : i32
    "tpu.region"() ({
      %run_scoped3A_217 = tpu.sem_alloc : memref<!tpu.dma_semaphore, #tpu.memory_space<semaphore_mem>>
      %dma_start3A_218 = arith.constant 0 : i32
      %dma_start3A_219 = tpu.memref_slice %arg7[%arg0, %mul3A_208, %dma_start3A_218] : memref<2x10000x128xf32, #tpu.memory_space<hbm>> -> memref<1x625x128xf32, #tpu.memory_space<hbm>>
      %dma_start3A_220 = tpu.memref_squeeze %dma_start3A_219 : memref<1x625x128xf32, #tpu.memory_space<hbm>> -> memref<625x128xf32, #tpu.memory_space<hbm>>
      %dma_start3A_221 = arith.constant 0 : i32
      %dma_start3A_222 = tpu.memref_slice %arg26[%mul3A_206, %dma_start3A_221] : memref<10000x128xf32, #tpu.memory_space<vmem_shared>> -> memref<625x128xf32, #tpu.memory_space<vmem_shared>>
      tpu.enqueue_dma source(%dma_start3A_222 : memref<625x128xf32, #tpu.memory_space<vmem_shared>>) target(%dma_start3A_220 : memref<625x128xf32, #tpu.memory_space<hbm>>) target_semaphore(%run_scoped3A_217 : memref<!tpu.dma_semaphore, #tpu.memory_space<semaphore_mem>>)
      %dma_wait3A_223 = arith.constant 0 : i32
      %dma_wait3A_224 = tpu.memref_slice %arg7[%arg0, %mul3A_208, %dma_wait3A_223] : memref<2x10000x128xf32, #tpu.memory_space<hbm>> -> memref<1x625x128xf32, #tpu.memory_space<hbm>>
      %dma_wait3A_225 = tpu.memref_squeeze %dma_wait3A_224 : memref<1x625x128xf32, #tpu.memory_space<hbm>> -> memref<625x128xf32, #tpu.memory_space<hbm>>
      %dma_wait3A_226 = arith.constant 0 : i32
      %dma_wait3A_227 = tpu.memref_slice %arg26[%mul3A_206, %dma_wait3A_226] : memref<10000x128xf32, #tpu.memory_space<vmem_shared>> -> memref<625x128xf32, #tpu.memory_space<vmem_shared>>
      tpu.wait_dma2 semaphore(%run_scoped3A_217 : memref<!tpu.dma_semaphore, #tpu.memory_space<semaphore_mem>>) src(%dma_wait3A_227 : memref<625x128xf32, #tpu.memory_space<vmem_shared>>) dst(%dma_wait3A_225 : memref<625x128xf32, #tpu.memory_space<hbm>>)
      tpu.yield
    }) : () -> ()
    %mul3A_209 = arith.constant 625 : i32
    %mul3A_210 = arith.muli %arg1, %mul3A_209 : i32
    %mul3A_211 = arith.constant 625 : i32
    %mul3A_212 = arith.muli %arg1, %mul3A_211 : i32
    "tpu.region"() ({
      %run_scoped3A_217 = tpu.sem_alloc : memref<!tpu.dma_semaphore, #tpu.memory_space<semaphore_mem>>
      %dma_start3A_218 = arith.constant 0 : i32
      %dma_start3A_219 = tpu.memref_slice %arg8[%arg0, %mul3A_212, %dma_start3A_218] : memref<2x10000x16xf32, #tpu.memory_space<hbm>> -> memref<1x625x16xf32, #tpu.memory_space<hbm>>
      %dma_start3A_220 = tpu.memref_squeeze %dma_start3A_219 : memref<1x625x16xf32, #tpu.memory_space<hbm>> -> memref<625x16xf32, #tpu.memory_space<hbm>>
      %dma_start3A_221 = arith.constant 0 : i32
      %dma_start3A_222 = tpu.memref_slice %arg27[%mul3A_210, %dma_start3A_221] : memref<10000x16xf32, #tpu.memory_space<vmem_shared>> -> memref<625x16xf32, #tpu.memory_space<vmem_shared>>
      tpu.enqueue_dma source(%dma_start3A_222 : memref<625x16xf32, #tpu.memory_space<vmem_shared>>) target(%dma_start3A_220 : memref<625x16xf32, #tpu.memory_space<hbm>>) target_semaphore(%run_scoped3A_217 : memref<!tpu.dma_semaphore, #tpu.memory_space<semaphore_mem>>)
      %dma_wait3A_223 = arith.constant 0 : i32
      %dma_wait3A_224 = tpu.memref_slice %arg8[%arg0, %mul3A_212, %dma_wait3A_223] : memref<2x10000x16xf32, #tpu.memory_space<hbm>> -> memref<1x625x16xf32, #tpu.memory_space<hbm>>
      %dma_wait3A_225 = tpu.memref_squeeze %dma_wait3A_224 : memref<1x625x16xf32, #tpu.memory_space<hbm>> -> memref<625x16xf32, #tpu.memory_space<hbm>>
      %dma_wait3A_226 = arith.constant 0 : i32
      %dma_wait3A_227 = tpu.memref_slice %arg27[%mul3A_210, %dma_wait3A_226] : memref<10000x16xf32, #tpu.memory_space<vmem_shared>> -> memref<625x16xf32, #tpu.memory_space<vmem_shared>>
      tpu.wait_dma2 semaphore(%run_scoped3A_217 : memref<!tpu.dma_semaphore, #tpu.memory_space<semaphore_mem>>) src(%dma_wait3A_227 : memref<625x16xf32, #tpu.memory_space<vmem_shared>>) dst(%dma_wait3A_225 : memref<625x16xf32, #tpu.memory_space<hbm>>)
      tpu.yield
    }) : () -> ()
    %mul3A_213 = arith.constant 625 : i32
    %mul3A_214 = arith.muli %arg1, %mul3A_213 : i32
    %mul3A_215 = arith.constant 625 : i32
    %mul3A_216 = arith.muli %arg1, %mul3A_215 : i32
    "tpu.region"() ({
      %run_scoped3A_217 = tpu.sem_alloc : memref<!tpu.dma_semaphore, #tpu.memory_space<semaphore_mem>>
      %dma_start3A_218 = arith.constant 0 : i32
      %dma_start3A_219 = tpu.memref_slice %arg9[%arg0, %mul3A_216, %dma_start3A_218] : memref<2x10000x8xf32, #tpu.memory_space<hbm>> -> memref<1x625x8xf32, #tpu.memory_space<hbm>>
      %dma_start3A_220 = tpu.memref_squeeze %dma_start3A_219 : memref<1x625x8xf32, #tpu.memory_space<hbm>> -> memref<625x8xf32, #tpu.memory_space<hbm>>
      %dma_start3A_221 = arith.constant 0 : i32
      %dma_start3A_222 = tpu.memref_slice %arg28[%mul3A_214, %dma_start3A_221] : memref<10000x8xf32, #tpu.memory_space<vmem_shared>> -> memref<625x8xf32, #tpu.memory_space<vmem_shared>>
      tpu.enqueue_dma source(%dma_start3A_222 : memref<625x8xf32, #tpu.memory_space<vmem_shared>>) target(%dma_start3A_220 : memref<625x8xf32, #tpu.memory_space<hbm>>) target_semaphore(%run_scoped3A_217 : memref<!tpu.dma_semaphore, #tpu.memory_space<semaphore_mem>>)
      %dma_wait3A_223 = arith.constant 0 : i32
      %dma_wait3A_224 = tpu.memref_slice %arg9[%arg0, %mul3A_216, %dma_wait3A_223] : memref<2x10000x8xf32, #tpu.memory_space<hbm>> -> memref<1x625x8xf32, #tpu.memory_space<hbm>>
      %dma_wait3A_225 = tpu.memref_squeeze %dma_wait3A_224 : memref<1x625x8xf32, #tpu.memory_space<hbm>> -> memref<625x8xf32, #tpu.memory_space<hbm>>
      %dma_wait3A_226 = arith.constant 0 : i32
      %dma_wait3A_227 = tpu.memref_slice %arg28[%mul3A_214, %dma_wait3A_226] : memref<10000x8xf32, #tpu.memory_space<vmem_shared>> -> memref<625x8xf32, #tpu.memory_space<vmem_shared>>
      tpu.wait_dma2 semaphore(%run_scoped3A_217 : memref<!tpu.dma_semaphore, #tpu.memory_space<semaphore_mem>>) src(%dma_wait3A_227 : memref<625x8xf32, #tpu.memory_space<vmem_shared>>) dst(%dma_wait3A_225 : memref<625x8xf32, #tpu.memory_space<hbm>>)
      tpu.yield
    }) : () -> ()
    return
  }
}

#map = affine_map<(d0, d1) -> (0, 0)>
#map1 = affine_map<(d0, d1) -> (0, 0, 0)>
module attributes {stable_mosaic.version = 14 : i64} {
  func.func @body(%arg0: i32, %arg1: i32, %arg2: memref<10000x128xf32, #tpu.memory_space<hbm>>, %arg3: memref<2x320000xi32, #tpu.memory_space<hbm>>, %arg4: memref<2x10000x128xf32, #tpu.memory_space<hbm>>, %arg5: memref<10000xi32, #tpu.memory_space<vmem>>, %arg6: memref<3x80xi32, #tpu.memory_space<vmem>>, %arg7: memref<3x80x128xf32, #tpu.memory_space<vmem>>, %arg8: memref<!tpu.dma_semaphore, #tpu.memory_space<semaphore_mem>>, %arg9: memref<!tpu.dma_semaphore, #tpu.memory_space<semaphore_mem>>, %arg10: memref<!tpu.dma_semaphore, #tpu.memory_space<semaphore_mem>>, %arg11: memref<!tpu.dma_semaphore, #tpu.memory_space<semaphore_mem>>, %arg12: memref<!tpu.dma_semaphore, #tpu.memory_space<semaphore_mem>>, %arg13: memref<!tpu.dma_semaphore, #tpu.memory_space<semaphore_mem>>, %arg14: memref<!tpu.dma_semaphore, #tpu.memory_space<semaphore_mem>>, %arg15: memref<10000x128xf32, #tpu.memory_space<vmem_shared>>) attributes {dimension_semantics = [#tpu.dimension_semantics<core_parallel>, #tpu.dimension_semantics<subcore_parallel>], iteration_bounds = array<i64: 2, 16>, scalar_prefetch = 0 : i64, scratch_operands = 11 : i64, tpu.core_type = #tpu.core_type<sc_vector_subcore>, window_params = [{transform_indices = #map}, {transform_indices = #map}, {transform_indices = #map1}]} {
    %mul3A = arith.constant 16 : i32
    %mul3A_0 = arith.muli %arg0, %mul3A : i32
    %add3A = arith.addi %mul3A_0, %arg1 : i32
    %broadcast_in_dim3A = arith.constant 0.000000e+00 : f32
    %broadcast_in_dim3A_1 = vector.broadcast %broadcast_in_dim3A : f32 to vector<16xf32>
    %scan3A = arith.constant 0 : i32
    %scan3A_2 = arith.constant 0 : i32
    %scan3A_3 = arith.constant 0 : i32
    %scan3A_4 = arith.constant 80 : i32
    %scan3A_5 = arith.addi %scan3A_3, %scan3A_4 : i32
    %scan3A_6 = arith.constant 1 : i32
    scf.for %scan3A_177 = %scan3A_3 to %scan3A_5 step %scan3A_6  : i32 {
      %swap3A = arith.constant 0 : i32
      %swap3A_178 = arith.constant 0 : i32
      %swap3A_179 = tpu.memref_slice %arg7[%scan3A_2, %swap3A, %swap3A_178] : memref<3x80x128xf32, #tpu.memory_space<vmem>> -> memref<1x80x128xf32, #tpu.memory_space<vmem>>
      %swap3A_180 = tpu.memref_squeeze %swap3A_179 : memref<1x80x128xf32, #tpu.memory_space<vmem>> -> memref<80x128xf32, #tpu.memory_space<vmem>>
      %swap3A_181 = arith.index_cast %scan3A_177 : i32 to index
      %swap3A_182 = arith.constant 0 : index
      %swap3A_183 = tpu.vector_load %swap3A_180[%swap3A_181, %swap3A_182] {strides = array<i32>} : memref<80x128xf32, #tpu.memory_space<vmem>>, vector<1x16xf32>,
      %swap3A_184 = vector.shape_cast %swap3A_183 : vector<1x16xf32> to vector<16xf32>
      %swap3A_185 = vector.shape_cast %broadcast_in_dim3A_1 : vector<16xf32> to vector<1x16xf32>
      tpu.vector_store %swap3A_180[%swap3A_181, %swap3A_182], %swap3A_185 {strides = array<i32>} : memref<80x128xf32, #tpu.memory_space<vmem>>, vector<1x16xf32>,
      %swap3A_186 = arith.constant 0 : i32
      %swap3A_187 = arith.constant 0 : i32
      %swap3A_188 = tpu.memref_slice %arg7[%scan3A_2, %swap3A_186, %swap3A_187] : memref<3x80x128xf32, #tpu.memory_space<vmem>> -> memref<1x80x128xf32, #tpu.memory_space<vmem>>
      %swap3A_189 = tpu.memref_squeeze %swap3A_188 : memref<1x80x128xf32, #tpu.memory_space<vmem>> -> memref<80x128xf32, #tpu.memory_space<vmem>>
      %swap3A_190 = arith.index_cast %scan3A_177 : i32 to index
      %swap3A_191 = arith.constant 16 : index
      %swap3A_192 = tpu.vector_load %swap3A_189[%swap3A_190, %swap3A_191] {strides = array<i32>} : memref<80x128xf32, #tpu.memory_space<vmem>>, vector<1x16xf32>,
      %swap3A_193 = vector.shape_cast %swap3A_192 : vector<1x16xf32> to vector<16xf32>
      %swap3A_194 = vector.shape_cast %broadcast_in_dim3A_1 : vector<16xf32> to vector<1x16xf32>
      tpu.vector_store %swap3A_189[%swap3A_190, %swap3A_191], %swap3A_194 {strides = array<i32>} : memref<80x128xf32, #tpu.memory_space<vmem>>, vector<1x16xf32>,
      %swap3A_195 = arith.constant 0 : i32
      %swap3A_196 = arith.constant 0 : i32
      %swap3A_197 = tpu.memref_slice %arg7[%scan3A_2, %swap3A_195, %swap3A_196] : memref<3x80x128xf32, #tpu.memory_space<vmem>> -> memref<1x80x128xf32, #tpu.memory_space<vmem>>
      %swap3A_198 = tpu.memref_squeeze %swap3A_197 : memref<1x80x128xf32, #tpu.memory_space<vmem>> -> memref<80x128xf32, #tpu.memory_space<vmem>>
      %swap3A_199 = arith.index_cast %scan3A_177 : i32 to index
      %swap3A_200 = arith.constant 32 : index
      %swap3A_201 = tpu.vector_load %swap3A_198[%swap3A_199, %swap3A_200] {strides = array<i32>} : memref<80x128xf32, #tpu.memory_space<vmem>>, vector<1x16xf32>,
      %swap3A_202 = vector.shape_cast %swap3A_201 : vector<1x16xf32> to vector<16xf32>
      %swap3A_203 = vector.shape_cast %broadcast_in_dim3A_1 : vector<16xf32> to vector<1x16xf32>
      tpu.vector_store %swap3A_198[%swap3A_199, %swap3A_200], %swap3A_203 {strides = array<i32>} : memref<80x128xf32, #tpu.memory_space<vmem>>, vector<1x16xf32>,
      %swap3A_204 = arith.constant 0 : i32
      %swap3A_205 = arith.constant 0 : i32
      %swap3A_206 = tpu.memref_slice %arg7[%scan3A_2, %swap3A_204, %swap3A_205] : memref<3x80x128xf32, #tpu.memory_space<vmem>> -> memref<1x80x128xf32, #tpu.memory_space<vmem>>
      %swap3A_207 = tpu.memref_squeeze %swap3A_206 : memref<1x80x128xf32, #tpu.memory_space<vmem>> -> memref<80x128xf32, #tpu.memory_space<vmem>>
      %swap3A_208 = arith.index_cast %scan3A_177 : i32 to index
      %swap3A_209 = arith.constant 48 : index
      %swap3A_210 = tpu.vector_load %swap3A_207[%swap3A_208, %swap3A_209] {strides = array<i32>} : memref<80x128xf32, #tpu.memory_space<vmem>>, vector<1x16xf32>,
      %swap3A_211 = vector.shape_cast %swap3A_210 : vector<1x16xf32> to vector<16xf32>
      %swap3A_212 = vector.shape_cast %broadcast_in_dim3A_1 : vector<16xf32> to vector<1x16xf32>
      tpu.vector_store %swap3A_207[%swap3A_208, %swap3A_209], %swap3A_212 {strides = array<i32>} : memref<80x128xf32, #tpu.memory_space<vmem>>, vector<1x16xf32>,
      %swap3A_213 = arith.constant 0 : i32
      %swap3A_214 = arith.constant 0 : i32
      %swap3A_215 = tpu.memref_slice %arg7[%scan3A_2, %swap3A_213, %swap3A_214] : memref<3x80x128xf32, #tpu.memory_space<vmem>> -> memref<1x80x128xf32, #tpu.memory_space<vmem>>
      %swap3A_216 = tpu.memref_squeeze %swap3A_215 : memref<1x80x128xf32, #tpu.memory_space<vmem>> -> memref<80x128xf32, #tpu.memory_space<vmem>>
      %swap3A_217 = arith.index_cast %scan3A_177 : i32 to index
      %swap3A_218 = arith.constant 64 : index
      %swap3A_219 = tpu.vector_load %swap3A_216[%swap3A_217, %swap3A_218] {strides = array<i32>} : memref<80x128xf32, #tpu.memory_space<vmem>>, vector<1x16xf32>,
      %swap3A_220 = vector.shape_cast %swap3A_219 : vector<1x16xf32> to vector<16xf32>
      %swap3A_221 = vector.shape_cast %broadcast_in_dim3A_1 : vector<16xf32> to vector<1x16xf32>
      tpu.vector_store %swap3A_216[%swap3A_217, %swap3A_218], %swap3A_221 {strides = array<i32>} : memref<80x128xf32, #tpu.memory_space<vmem>>, vector<1x16xf32>,
      %swap3A_222 = arith.constant 0 : i32
      %swap3A_223 = arith.constant 0 : i32
      %swap3A_224 = tpu.memref_slice %arg7[%scan3A_2, %swap3A_222, %swap3A_223] : memref<3x80x128xf32, #tpu.memory_space<vmem>> -> memref<1x80x128xf32, #tpu.memory_space<vmem>>
      %swap3A_225 = tpu.memref_squeeze %swap3A_224 : memref<1x80x128xf32, #tpu.memory_space<vmem>> -> memref<80x128xf32, #tpu.memory_space<vmem>>
      %swap3A_226 = arith.index_cast %scan3A_177 : i32 to index
      %swap3A_227 = arith.constant 80 : index
      %swap3A_228 = tpu.vector_load %swap3A_225[%swap3A_226, %swap3A_227] {strides = array<i32>} : memref<80x128xf32, #tpu.memory_space<vmem>>, vector<1x16xf32>,
      %swap3A_229 = vector.shape_cast %swap3A_228 : vector<1x16xf32> to vector<16xf32>
      %swap3A_230 = vector.shape_cast %broadcast_in_dim3A_1 : vector<16xf32> to vector<1x16xf32>
      tpu.vector_store %swap3A_225[%swap3A_226, %swap3A_227], %swap3A_230 {strides = array<i32>} : memref<80x128xf32, #tpu.memory_space<vmem>>, vector<1x16xf32>,
      %swap3A_231 = arith.constant 0 : i32
      %swap3A_232 = arith.constant 0 : i32
      %swap3A_233 = tpu.memref_slice %arg7[%scan3A_2, %swap3A_231, %swap3A_232] : memref<3x80x128xf32, #tpu.memory_space<vmem>> -> memref<1x80x128xf32, #tpu.memory_space<vmem>>
      %swap3A_234 = tpu.memref_squeeze %swap3A_233 : memref<1x80x128xf32, #tpu.memory_space<vmem>> -> memref<80x128xf32, #tpu.memory_space<vmem>>
      %swap3A_235 = arith.index_cast %scan3A_177 : i32 to index
      %swap3A_236 = arith.constant 96 : index
      %swap3A_237 = tpu.vector_load %swap3A_234[%swap3A_235, %swap3A_236] {strides = array<i32>} : memref<80x128xf32, #tpu.memory_space<vmem>>, vector<1x16xf32>,
      %swap3A_238 = vector.shape_cast %swap3A_237 : vector<1x16xf32> to vector<16xf32>
      %swap3A_239 = vector.shape_cast %broadcast_in_dim3A_1 : vector<16xf32> to vector<1x16xf32>
      tpu.vector_store %swap3A_234[%swap3A_235, %swap3A_236], %swap3A_239 {strides = array<i32>} : memref<80x128xf32, #tpu.memory_space<vmem>>, vector<1x16xf32>,
      %swap3A_240 = arith.constant 0 : i32
      %swap3A_241 = arith.constant 0 : i32
      %swap3A_242 = tpu.memref_slice %arg7[%scan3A_2, %swap3A_240, %swap3A_241] : memref<3x80x128xf32, #tpu.memory_space<vmem>> -> memref<1x80x128xf32, #tpu.memory_space<vmem>>
      %swap3A_243 = tpu.memref_squeeze %swap3A_242 : memref<1x80x128xf32, #tpu.memory_space<vmem>> -> memref<80x128xf32, #tpu.memory_space<vmem>>
      %swap3A_244 = arith.index_cast %scan3A_177 : i32 to index
      %swap3A_245 = arith.constant 112 : index
      %swap3A_246 = tpu.vector_load %swap3A_243[%swap3A_244, %swap3A_245] {strides = array<i32>} : memref<80x128xf32, #tpu.memory_space<vmem>>, vector<1x16xf32>,
      %swap3A_247 = vector.shape_cast %swap3A_246 : vector<1x16xf32> to vector<16xf32>
      %swap3A_248 = vector.shape_cast %broadcast_in_dim3A_1 : vector<16xf32> to vector<1x16xf32>
      tpu.vector_store %swap3A_243[%swap3A_244, %swap3A_245], %swap3A_248 {strides = array<i32>} : memref<80x128xf32, #tpu.memory_space<vmem>>, vector<1x16xf32>,
    }
    %scan3A_7 = arith.constant 80 : i32
    %eq3A = arith.constant 0 : i32
    %eq3A_8 = arith.cmpi eq, %arg0, %eq3A : i32
    %convert_element_type3A = arith.extui %eq3A_8 : i1 to i32
    %cond3A = arith.constant 0 : i32
    %cond3A_9 = arith.cmpi ne, %convert_element_type3A, %cond3A : i32
    scf.if %cond3A_9 {
      %mul3A_177 = arith.constant 625 : i32
      %mul3A_178 = arith.muli %arg1, %mul3A_177 : i32
      %mul3A_179 = arith.constant 625 : i32
      %mul3A_180 = arith.muli %arg1, %mul3A_179 : i32
      "tpu.region"() ({
        %run_scoped3A_181 = tpu.sem_alloc : memref<!tpu.dma_semaphore, #tpu.memory_space<semaphore_mem>>
        %dma_start3A_182 = arith.constant 0 : i32
        %dma_start3A_183 = tpu.memref_slice %arg15[%mul3A_180, %dma_start3A_182] : memref<10000x128xf32, #tpu.memory_space<vmem_shared>> -> memref<625x128xf32, #tpu.memory_space<vmem_shared>>
        %dma_start3A_184 = arith.constant 0 : i32
        %dma_start3A_185 = tpu.memref_slice %arg2[%mul3A_178, %dma_start3A_184] : memref<10000x128xf32, #tpu.memory_space<hbm>> -> memref<625x128xf32, #tpu.memory_space<hbm>>
        tpu.enqueue_dma source(%dma_start3A_185 : memref<625x128xf32, #tpu.memory_space<hbm>>) target(%dma_start3A_183 : memref<625x128xf32, #tpu.memory_space<vmem_shared>>) target_semaphore(%run_scoped3A_181 : memref<!tpu.dma_semaphore, #tpu.memory_space<semaphore_mem>>)
        %dma_wait3A_186 = arith.constant 0 : i32
        %dma_wait3A_187 = tpu.memref_slice %arg15[%mul3A_180, %dma_wait3A_186] : memref<10000x128xf32, #tpu.memory_space<vmem_shared>> -> memref<625x128xf32, #tpu.memory_space<vmem_shared>>
        %dma_wait3A_188 = arith.constant 0 : i32
        %dma_wait3A_189 = tpu.memref_slice %arg2[%mul3A_178, %dma_wait3A_188] : memref<10000x128xf32, #tpu.memory_space<hbm>> -> memref<625x128xf32, #tpu.memory_space<hbm>>
        tpu.wait_dma2 semaphore(%run_scoped3A_181 : memref<!tpu.dma_semaphore, #tpu.memory_space<semaphore_mem>>) src(%dma_wait3A_189 : memref<625x128xf32, #tpu.memory_space<hbm>>) dst(%dma_wait3A_187 : memref<625x128xf32, #tpu.memory_space<vmem_shared>>)
        tpu.yield
      }) : () -> ()
    } else {
    }
    %ne3A = arith.constant 0 : i32
    %ne3A_10 = arith.cmpi ne, %arg0, %ne3A : i32
    %convert_element_type3A_11 = arith.extui %ne3A_10 : i1 to i32
    %cond3A_12 = arith.constant 0 : i32
    %cond3A_13 = arith.cmpi ne, %convert_element_type3A_11, %cond3A_12 : i32
    scf.if %cond3A_13 {
      %mul3A_177 = arith.constant 625 : i32
      %mul3A_178 = arith.muli %arg1, %mul3A_177 : i32
      %add3A_179 = arith.constant 0 : i32
      %add3A_180 = arith.addi %mul3A_178, %add3A_179 : i32
      %run_scoped3A_181 = arith.constant 0 : i32
      "tpu.region"() ({
        %run_scoped3A_203 = tpu.sem_alloc : memref<!tpu.dma_semaphore, #tpu.memory_space<semaphore_mem>>
        %dma_start3A_204 = arith.constant 0 : i32
        %dma_start3A_205 = arith.constant 0 : i32
        %dma_start3A_206 = tpu.memref_slice %arg7[%run_scoped3A_181, %dma_start3A_204, %dma_start3A_205] : memref<3x80x128xf32, #tpu.memory_space<vmem>> -> memref<1x80x128xf32, #tpu.memory_space<vmem>>
        %dma_start3A_207 = tpu.memref_squeeze %dma_start3A_206 : memref<1x80x128xf32, #tpu.memory_space<vmem>> -> memref<80x128xf32, #tpu.memory_space<vmem>>
        %dma_start3A_208 = arith.constant 0 : i32
        %dma_start3A_209 = tpu.memref_slice %arg15[%add3A_180, %dma_start3A_208] : memref<10000x128xf32, #tpu.memory_space<vmem_shared>> -> memref<80x128xf32, #tpu.memory_space<vmem_shared>>
        %dma_start3A_210 = arith.constant 0 : i32
        %dma_start3A_211 = tpu.memref_slice %arg15[%add3A_180, %dma_start3A_210] : memref<10000x128xf32, #tpu.memory_space<vmem_shared>> -> memref<80x128xf32, #tpu.memory_space<vmem_shared>>
        %dma_start3A_212 = arith.constant 0 : i32
        %dma_start3A_213 = arith.constant 0 : i32
        %dma_start3A_214 = tpu.memref_slice %arg7[%run_scoped3A_181, %dma_start3A_212, %dma_start3A_213] : memref<3x80x128xf32, #tpu.memory_space<vmem>> -> memref<1x80x128xf32, #tpu.memory_space<vmem>>
        %dma_start3A_215 = tpu.memref_squeeze %dma_start3A_214 : memref<1x80x128xf32, #tpu.memory_space<vmem>> -> memref<80x128xf32, #tpu.memory_space<vmem>>
        tpu.enqueue_dma source(%dma_start3A_215 : memref<80x128xf32, #tpu.memory_space<vmem>>) target(%dma_start3A_211 : memref<80x128xf32, #tpu.memory_space<vmem_shared>>) target_semaphore(%run_scoped3A_203 : memref<!tpu.dma_semaphore, #tpu.memory_space<semaphore_mem>>)
        %dma_wait3A_216 = arith.constant 0 : i32
        %dma_wait3A_217 = arith.constant 0 : i32
        %dma_wait3A_218 = tpu.memref_slice %arg7[%run_scoped3A_181, %dma_wait3A_216, %dma_wait3A_217] : memref<3x80x128xf32, #tpu.memory_space<vmem>> -> memref<1x80x128xf32, #tpu.memory_space<vmem>>
        %dma_wait3A_219 = tpu.memref_squeeze %dma_wait3A_218 : memref<1x80x128xf32, #tpu.memory_space<vmem>> -> memref<80x128xf32, #tpu.memory_space<vmem>>
        %dma_wait3A_220 = arith.constant 0 : i32
        %dma_wait3A_221 = tpu.memref_slice %arg15[%add3A_180, %dma_wait3A_220] : memref<10000x128xf32, #tpu.memory_space<vmem_shared>> -> memref<80x128xf32, #tpu.memory_space<vmem_shared>>
        %dma_wait3A_222 = arith.constant 0 : i32
        %dma_wait3A_223 = tpu.memref_slice %arg15[%add3A_180, %dma_wait3A_222] : memref<10000x128xf32, #tpu.memory_space<vmem_shared>> -> memref<80x128xf32, #tpu.memory_space<vmem_shared>>
        %dma_wait3A_224 = arith.constant 0 : i32
        %dma_wait3A_225 = arith.constant 0 : i32
        %dma_wait3A_226 = tpu.memref_slice %arg7[%run_scoped3A_181, %dma_wait3A_224, %dma_wait3A_225] : memref<3x80x128xf32, #tpu.memory_space<vmem>> -> memref<1x80x128xf32, #tpu.memory_space<vmem>>
        %dma_wait3A_227 = tpu.memref_squeeze %dma_wait3A_226 : memref<1x80x128xf32, #tpu.memory_space<vmem>> -> memref<80x128xf32, #tpu.memory_space<vmem>>
        tpu.wait_dma2 semaphore(%run_scoped3A_203 : memref<!tpu.dma_semaphore, #tpu.memory_space<semaphore_mem>>) src(%dma_wait3A_227 : memref<80x128xf32, #tpu.memory_space<vmem>>) dst(%dma_wait3A_223 : memref<80x128xf32, #tpu.memory_space<vmem_shared>>)
        tpu.yield
      }) : () -> ()
      %add3A_182 = arith.constant 80 : i32
      %add3A_183 = arith.addi %mul3A_178, %add3A_182 : i32
      %run_scoped3A_184 = arith.constant 0 : i32
      "tpu.region"() ({
        %run_scoped3A_203 = tpu.sem_alloc : memref<!tpu.dma_semaphore, #tpu.memory_space<semaphore_mem>>
        %dma_start3A_204 = arith.constant 0 : i32
        %dma_start3A_205 = arith.constant 0 : i32
        %dma_start3A_206 = tpu.memref_slice %arg7[%run_scoped3A_184, %dma_start3A_204, %dma_start3A_205] : memref<3x80x128xf32, #tpu.memory_space<vmem>> -> memref<1x80x128xf32, #tpu.memory_space<vmem>>
        %dma_start3A_207 = tpu.memref_squeeze %dma_start3A_206 : memref<1x80x128xf32, #tpu.memory_space<vmem>> -> memref<80x128xf32, #tpu.memory_space<vmem>>
        %dma_start3A_208 = arith.constant 0 : i32
        %dma_start3A_209 = tpu.memref_slice %arg15[%add3A_183, %dma_start3A_208] : memref<10000x128xf32, #tpu.memory_space<vmem_shared>> -> memref<80x128xf32, #tpu.memory_space<vmem_shared>>
        %dma_start3A_210 = arith.constant 0 : i32
        %dma_start3A_211 = tpu.memref_slice %arg15[%add3A_183, %dma_start3A_210] : memref<10000x128xf32, #tpu.memory_space<vmem_shared>> -> memref<80x128xf32, #tpu.memory_space<vmem_shared>>
        %dma_start3A_212 = arith.constant 0 : i32
        %dma_start3A_213 = arith.constant 0 : i32
        %dma_start3A_214 = tpu.memref_slice %arg7[%run_scoped3A_184, %dma_start3A_212, %dma_start3A_213] : memref<3x80x128xf32, #tpu.memory_space<vmem>> -> memref<1x80x128xf32, #tpu.memory_space<vmem>>
        %dma_start3A_215 = tpu.memref_squeeze %dma_start3A_214 : memref<1x80x128xf32, #tpu.memory_space<vmem>> -> memref<80x128xf32, #tpu.memory_space<vmem>>
        tpu.enqueue_dma source(%dma_start3A_215 : memref<80x128xf32, #tpu.memory_space<vmem>>) target(%dma_start3A_211 : memref<80x128xf32, #tpu.memory_space<vmem_shared>>) target_semaphore(%run_scoped3A_203 : memref<!tpu.dma_semaphore, #tpu.memory_space<semaphore_mem>>)
        %dma_wait3A_216 = arith.constant 0 : i32
        %dma_wait3A_217 = arith.constant 0 : i32
        %dma_wait3A_218 = tpu.memref_slice %arg7[%run_scoped3A_184, %dma_wait3A_216, %dma_wait3A_217] : memref<3x80x128xf32, #tpu.memory_space<vmem>> -> memref<1x80x128xf32, #tpu.memory_space<vmem>>
        %dma_wait3A_219 = tpu.memref_squeeze %dma_wait3A_218 : memref<1x80x128xf32, #tpu.memory_space<vmem>> -> memref<80x128xf32, #tpu.memory_space<vmem>>
        %dma_wait3A_220 = arith.constant 0 : i32
        %dma_wait3A_221 = tpu.memref_slice %arg15[%add3A_183, %dma_wait3A_220] : memref<10000x128xf32, #tpu.memory_space<vmem_shared>> -> memref<80x128xf32, #tpu.memory_space<vmem_shared>>
        %dma_wait3A_222 = arith.constant 0 : i32
        %dma_wait3A_223 = tpu.memref_slice %arg15[%add3A_183, %dma_wait3A_222] : memref<10000x128xf32, #tpu.memory_space<vmem_shared>> -> memref<80x128xf32, #tpu.memory_space<vmem_shared>>
        %dma_wait3A_224 = arith.constant 0 : i32
        %dma_wait3A_225 = arith.constant 0 : i32
        %dma_wait3A_226 = tpu.memref_slice %arg7[%run_scoped3A_184, %dma_wait3A_224, %dma_wait3A_225] : memref<3x80x128xf32, #tpu.memory_space<vmem>> -> memref<1x80x128xf32, #tpu.memory_space<vmem>>
        %dma_wait3A_227 = tpu.memref_squeeze %dma_wait3A_226 : memref<1x80x128xf32, #tpu.memory_space<vmem>> -> memref<80x128xf32, #tpu.memory_space<vmem>>
        tpu.wait_dma2 semaphore(%run_scoped3A_203 : memref<!tpu.dma_semaphore, #tpu.memory_space<semaphore_mem>>) src(%dma_wait3A_227 : memref<80x128xf32, #tpu.memory_space<vmem>>) dst(%dma_wait3A_223 : memref<80x128xf32, #tpu.memory_space<vmem_shared>>)
        tpu.yield
      }) : () -> ()
      %add3A_185 = arith.constant 160 : i32
      %add3A_186 = arith.addi %mul3A_178, %add3A_185 : i32
      %run_scoped3A_187 = arith.constant 0 : i32
      "tpu.region"() ({
        %run_scoped3A_203 = tpu.sem_alloc : memref<!tpu.dma_semaphore, #tpu.memory_space<semaphore_mem>>
        %dma_start3A_204 = arith.constant 0 : i32
        %dma_start3A_205 = arith.constant 0 : i32
        %dma_start3A_206 = tpu.memref_slice %arg7[%run_scoped3A_187, %dma_start3A_204, %dma_start3A_205] : memref<3x80x128xf32, #tpu.memory_space<vmem>> -> memref<1x80x128xf32, #tpu.memory_space<vmem>>
        %dma_start3A_207 = tpu.memref_squeeze %dma_start3A_206 : memref<1x80x128xf32, #tpu.memory_space<vmem>> -> memref<80x128xf32, #tpu.memory_space<vmem>>
        %dma_start3A_208 = arith.constant 0 : i32
        %dma_start3A_209 = tpu.memref_slice %arg15[%add3A_186, %dma_start3A_208] : memref<10000x128xf32, #tpu.memory_space<vmem_shared>> -> memref<80x128xf32, #tpu.memory_space<vmem_shared>>
        %dma_start3A_210 = arith.constant 0 : i32
        %dma_start3A_211 = tpu.memref_slice %arg15[%add3A_186, %dma_start3A_210] : memref<10000x128xf32, #tpu.memory_space<vmem_shared>> -> memref<80x128xf32, #tpu.memory_space<vmem_shared>>
        %dma_start3A_212 = arith.constant 0 : i32
        %dma_start3A_213 = arith.constant 0 : i32
        %dma_start3A_214 = tpu.memref_slice %arg7[%run_scoped3A_187, %dma_start3A_212, %dma_start3A_213] : memref<3x80x128xf32, #tpu.memory_space<vmem>> -> memref<1x80x128xf32, #tpu.memory_space<vmem>>
        %dma_start3A_215 = tpu.memref_squeeze %dma_start3A_214 : memref<1x80x128xf32, #tpu.memory_space<vmem>> -> memref<80x128xf32, #tpu.memory_space<vmem>>
        tpu.enqueue_dma source(%dma_start3A_215 : memref<80x128xf32, #tpu.memory_space<vmem>>) target(%dma_start3A_211 : memref<80x128xf32, #tpu.memory_space<vmem_shared>>) target_semaphore(%run_scoped3A_203 : memref<!tpu.dma_semaphore, #tpu.memory_space<semaphore_mem>>)
        %dma_wait3A_216 = arith.constant 0 : i32
        %dma_wait3A_217 = arith.constant 0 : i32
        %dma_wait3A_218 = tpu.memref_slice %arg7[%run_scoped3A_187, %dma_wait3A_216, %dma_wait3A_217] : memref<3x80x128xf32, #tpu.memory_space<vmem>> -> memref<1x80x128xf32, #tpu.memory_space<vmem>>
        %dma_wait3A_219 = tpu.memref_squeeze %dma_wait3A_218 : memref<1x80x128xf32, #tpu.memory_space<vmem>> -> memref<80x128xf32, #tpu.memory_space<vmem>>
        %dma_wait3A_220 = arith.constant 0 : i32
        %dma_wait3A_221 = tpu.memref_slice %arg15[%add3A_186, %dma_wait3A_220] : memref<10000x128xf32, #tpu.memory_space<vmem_shared>> -> memref<80x128xf32, #tpu.memory_space<vmem_shared>>
        %dma_wait3A_222 = arith.constant 0 : i32
        %dma_wait3A_223 = tpu.memref_slice %arg15[%add3A_186, %dma_wait3A_222] : memref<10000x128xf32, #tpu.memory_space<vmem_shared>> -> memref<80x128xf32, #tpu.memory_space<vmem_shared>>
        %dma_wait3A_224 = arith.constant 0 : i32
        %dma_wait3A_225 = arith.constant 0 : i32
        %dma_wait3A_226 = tpu.memref_slice %arg7[%run_scoped3A_187, %dma_wait3A_224, %dma_wait3A_225] : memref<3x80x128xf32, #tpu.memory_space<vmem>> -> memref<1x80x128xf32, #tpu.memory_space<vmem>>
        %dma_wait3A_227 = tpu.memref_squeeze %dma_wait3A_226 : memref<1x80x128xf32, #tpu.memory_space<vmem>> -> memref<80x128xf32, #tpu.memory_space<vmem>>
        tpu.wait_dma2 semaphore(%run_scoped3A_203 : memref<!tpu.dma_semaphore, #tpu.memory_space<semaphore_mem>>) src(%dma_wait3A_227 : memref<80x128xf32, #tpu.memory_space<vmem>>) dst(%dma_wait3A_223 : memref<80x128xf32, #tpu.memory_space<vmem_shared>>)
        tpu.yield
      }) : () -> ()
      %add3A_188 = arith.constant 240 : i32
      %add3A_189 = arith.addi %mul3A_178, %add3A_188 : i32
      %run_scoped3A_190 = arith.constant 0 : i32
      "tpu.region"() ({
        %run_scoped3A_203 = tpu.sem_alloc : memref<!tpu.dma_semaphore, #tpu.memory_space<semaphore_mem>>
        %dma_start3A_204 = arith.constant 0 : i32
        %dma_start3A_205 = arith.constant 0 : i32
        %dma_start3A_206 = tpu.memref_slice %arg7[%run_scoped3A_190, %dma_start3A_204, %dma_start3A_205] : memref<3x80x128xf32, #tpu.memory_space<vmem>> -> memref<1x80x128xf32, #tpu.memory_space<vmem>>
        %dma_start3A_207 = tpu.memref_squeeze %dma_start3A_206 : memref<1x80x128xf32, #tpu.memory_space<vmem>> -> memref<80x128xf32, #tpu.memory_space<vmem>>
        %dma_start3A_208 = arith.constant 0 : i32
        %dma_start3A_209 = tpu.memref_slice %arg15[%add3A_189, %dma_start3A_208] : memref<10000x128xf32, #tpu.memory_space<vmem_shared>> -> memref<80x128xf32, #tpu.memory_space<vmem_shared>>
        %dma_start3A_210 = arith.constant 0 : i32
        %dma_start3A_211 = tpu.memref_slice %arg15[%add3A_189, %dma_start3A_210] : memref<10000x128xf32, #tpu.memory_space<vmem_shared>> -> memref<80x128xf32, #tpu.memory_space<vmem_shared>>
        %dma_start3A_212 = arith.constant 0 : i32
        %dma_start3A_213 = arith.constant 0 : i32
        %dma_start3A_214 = tpu.memref_slice %arg7[%run_scoped3A_190, %dma_start3A_212, %dma_start3A_213] : memref<3x80x128xf32, #tpu.memory_space<vmem>> -> memref<1x80x128xf32, #tpu.memory_space<vmem>>
        %dma_start3A_215 = tpu.memref_squeeze %dma_start3A_214 : memref<1x80x128xf32, #tpu.memory_space<vmem>> -> memref<80x128xf32, #tpu.memory_space<vmem>>
        tpu.enqueue_dma source(%dma_start3A_215 : memref<80x128xf32, #tpu.memory_space<vmem>>) target(%dma_start3A_211 : memref<80x128xf32, #tpu.memory_space<vmem_shared>>) target_semaphore(%run_scoped3A_203 : memref<!tpu.dma_semaphore, #tpu.memory_space<semaphore_mem>>)
        %dma_wait3A_216 = arith.constant 0 : i32
        %dma_wait3A_217 = arith.constant 0 : i32
        %dma_wait3A_218 = tpu.memref_slice %arg7[%run_scoped3A_190, %dma_wait3A_216, %dma_wait3A_217] : memref<3x80x128xf32, #tpu.memory_space<vmem>> -> memref<1x80x128xf32, #tpu.memory_space<vmem>>
        %dma_wait3A_219 = tpu.memref_squeeze %dma_wait3A_218 : memref<1x80x128xf32, #tpu.memory_space<vmem>> -> memref<80x128xf32, #tpu.memory_space<vmem>>
        %dma_wait3A_220 = arith.constant 0 : i32
        %dma_wait3A_221 = tpu.memref_slice %arg15[%add3A_189, %dma_wait3A_220] : memref<10000x128xf32, #tpu.memory_space<vmem_shared>> -> memref<80x128xf32, #tpu.memory_space<vmem_shared>>
        %dma_wait3A_222 = arith.constant 0 : i32
        %dma_wait3A_223 = tpu.memref_slice %arg15[%add3A_189, %dma_wait3A_222] : memref<10000x128xf32, #tpu.memory_space<vmem_shared>> -> memref<80x128xf32, #tpu.memory_space<vmem_shared>>
        %dma_wait3A_224 = arith.constant 0 : i32
        %dma_wait3A_225 = arith.constant 0 : i32
        %dma_wait3A_226 = tpu.memref_slice %arg7[%run_scoped3A_190, %dma_wait3A_224, %dma_wait3A_225] : memref<3x80x128xf32, #tpu.memory_space<vmem>> -> memref<1x80x128xf32, #tpu.memory_space<vmem>>
        %dma_wait3A_227 = tpu.memref_squeeze %dma_wait3A_226 : memref<1x80x128xf32, #tpu.memory_space<vmem>> -> memref<80x128xf32, #tpu.memory_space<vmem>>
        tpu.wait_dma2 semaphore(%run_scoped3A_203 : memref<!tpu.dma_semaphore, #tpu.memory_space<semaphore_mem>>) src(%dma_wait3A_227 : memref<80x128xf32, #tpu.memory_space<vmem>>) dst(%dma_wait3A_223 : memref<80x128xf32, #tpu.memory_space<vmem_shared>>)
        tpu.yield
      }) : () -> ()
      %add3A_191 = arith.constant 320 : i32
      %add3A_192 = arith.addi %mul3A_178, %add3A_191 : i32
      %run_scoped3A_193 = arith.constant 0 : i32
      "tpu.region"() ({
        %run_scoped3A_203 = tpu.sem_alloc : memref<!tpu.dma_semaphore, #tpu.memory_space<semaphore_mem>>
        %dma_start3A_204 = arith.constant 0 : i32
        %dma_start3A_205 = arith.constant 0 : i32
        %dma_start3A_206 = tpu.memref_slice %arg7[%run_scoped3A_193, %dma_start3A_204, %dma_start3A_205] : memref<3x80x128xf32, #tpu.memory_space<vmem>> -> memref<1x80x128xf32, #tpu.memory_space<vmem>>
        %dma_start3A_207 = tpu.memref_squeeze %dma_start3A_206 : memref<1x80x128xf32, #tpu.memory_space<vmem>> -> memref<80x128xf32, #tpu.memory_space<vmem>>
        %dma_start3A_208 = arith.constant 0 : i32
        %dma_start3A_209 = tpu.memref_slice %arg15[%add3A_192, %dma_start3A_208] : memref<10000x128xf32, #tpu.memory_space<vmem_shared>> -> memref<80x128xf32, #tpu.memory_space<vmem_shared>>
        %dma_start3A_210 = arith.constant 0 : i32
        %dma_start3A_211 = tpu.memref_slice %arg15[%add3A_192, %dma_start3A_210] : memref<10000x128xf32, #tpu.memory_space<vmem_shared>> -> memref<80x128xf32, #tpu.memory_space<vmem_shared>>
        %dma_start3A_212 = arith.constant 0 : i32
        %dma_start3A_213 = arith.constant 0 : i32
        %dma_start3A_214 = tpu.memref_slice %arg7[%run_scoped3A_193, %dma_start3A_212, %dma_start3A_213] : memref<3x80x128xf32, #tpu.memory_space<vmem>> -> memref<1x80x128xf32, #tpu.memory_space<vmem>>
        %dma_start3A_215 = tpu.memref_squeeze %dma_start3A_214 : memref<1x80x128xf32, #tpu.memory_space<vmem>> -> memref<80x128xf32, #tpu.memory_space<vmem>>
        tpu.enqueue_dma source(%dma_start3A_215 : memref<80x128xf32, #tpu.memory_space<vmem>>) target(%dma_start3A_211 : memref<80x128xf32, #tpu.memory_space<vmem_shared>>) target_semaphore(%run_scoped3A_203 : memref<!tpu.dma_semaphore, #tpu.memory_space<semaphore_mem>>)
        %dma_wait3A_216 = arith.constant 0 : i32
        %dma_wait3A_217 = arith.constant 0 : i32
        %dma_wait3A_218 = tpu.memref_slice %arg7[%run_scoped3A_193, %dma_wait3A_216, %dma_wait3A_217] : memref<3x80x128xf32, #tpu.memory_space<vmem>> -> memref<1x80x128xf32, #tpu.memory_space<vmem>>
        %dma_wait3A_219 = tpu.memref_squeeze %dma_wait3A_218 : memref<1x80x128xf32, #tpu.memory_space<vmem>> -> memref<80x128xf32, #tpu.memory_space<vmem>>
        %dma_wait3A_220 = arith.constant 0 : i32
        %dma_wait3A_221 = tpu.memref_slice %arg15[%add3A_192, %dma_wait3A_220] : memref<10000x128xf32, #tpu.memory_space<vmem_shared>> -> memref<80x128xf32, #tpu.memory_space<vmem_shared>>
        %dma_wait3A_222 = arith.constant 0 : i32
        %dma_wait3A_223 = tpu.memref_slice %arg15[%add3A_192, %dma_wait3A_222] : memref<10000x128xf32, #tpu.memory_space<vmem_shared>> -> memref<80x128xf32, #tpu.memory_space<vmem_shared>>
        %dma_wait3A_224 = arith.constant 0 : i32
        %dma_wait3A_225 = arith.constant 0 : i32
        %dma_wait3A_226 = tpu.memref_slice %arg7[%run_scoped3A_193, %dma_wait3A_224, %dma_wait3A_225] : memref<3x80x128xf32, #tpu.memory_space<vmem>> -> memref<1x80x128xf32, #tpu.memory_space<vmem>>
        %dma_wait3A_227 = tpu.memref_squeeze %dma_wait3A_226 : memref<1x80x128xf32, #tpu.memory_space<vmem>> -> memref<80x128xf32, #tpu.memory_space<vmem>>
        tpu.wait_dma2 semaphore(%run_scoped3A_203 : memref<!tpu.dma_semaphore, #tpu.memory_space<semaphore_mem>>) src(%dma_wait3A_227 : memref<80x128xf32, #tpu.memory_space<vmem>>) dst(%dma_wait3A_223 : memref<80x128xf32, #tpu.memory_space<vmem_shared>>)
        tpu.yield
      }) : () -> ()
      %add3A_194 = arith.constant 400 : i32
      %add3A_195 = arith.addi %mul3A_178, %add3A_194 : i32
      %run_scoped3A_196 = arith.constant 0 : i32
      "tpu.region"() ({
        %run_scoped3A_203 = tpu.sem_alloc : memref<!tpu.dma_semaphore, #tpu.memory_space<semaphore_mem>>
        %dma_start3A_204 = arith.constant 0 : i32
        %dma_start3A_205 = arith.constant 0 : i32
        %dma_start3A_206 = tpu.memref_slice %arg7[%run_scoped3A_196, %dma_start3A_204, %dma_start3A_205] : memref<3x80x128xf32, #tpu.memory_space<vmem>> -> memref<1x80x128xf32, #tpu.memory_space<vmem>>
        %dma_start3A_207 = tpu.memref_squeeze %dma_start3A_206 : memref<1x80x128xf32, #tpu.memory_space<vmem>> -> memref<80x128xf32, #tpu.memory_space<vmem>>
        %dma_start3A_208 = arith.constant 0 : i32
        %dma_start3A_209 = tpu.memref_slice %arg15[%add3A_195, %dma_start3A_208] : memref<10000x128xf32, #tpu.memory_space<vmem_shared>> -> memref<80x128xf32, #tpu.memory_space<vmem_shared>>
        %dma_start3A_210 = arith.constant 0 : i32
        %dma_start3A_211 = tpu.memref_slice %arg15[%add3A_195, %dma_start3A_210] : memref<10000x128xf32, #tpu.memory_space<vmem_shared>> -> memref<80x128xf32, #tpu.memory_space<vmem_shared>>
        %dma_start3A_212 = arith.constant 0 : i32
        %dma_start3A_213 = arith.constant 0 : i32
        %dma_start3A_214 = tpu.memref_slice %arg7[%run_scoped3A_196, %dma_start3A_212, %dma_start3A_213] : memref<3x80x128xf32, #tpu.memory_space<vmem>> -> memref<1x80x128xf32, #tpu.memory_space<vmem>>
        %dma_start3A_215 = tpu.memref_squeeze %dma_start3A_214 : memref<1x80x128xf32, #tpu.memory_space<vmem>> -> memref<80x128xf32, #tpu.memory_space<vmem>>
        tpu.enqueue_dma source(%dma_start3A_215 : memref<80x128xf32, #tpu.memory_space<vmem>>) target(%dma_start3A_211 : memref<80x128xf32, #tpu.memory_space<vmem_shared>>) target_semaphore(%run_scoped3A_203 : memref<!tpu.dma_semaphore, #tpu.memory_space<semaphore_mem>>)
        %dma_wait3A_216 = arith.constant 0 : i32
        %dma_wait3A_217 = arith.constant 0 : i32
        %dma_wait3A_218 = tpu.memref_slice %arg7[%run_scoped3A_196, %dma_wait3A_216, %dma_wait3A_217] : memref<3x80x128xf32, #tpu.memory_space<vmem>> -> memref<1x80x128xf32, #tpu.memory_space<vmem>>
        %dma_wait3A_219 = tpu.memref_squeeze %dma_wait3A_218 : memref<1x80x128xf32, #tpu.memory_space<vmem>> -> memref<80x128xf32, #tpu.memory_space<vmem>>
        %dma_wait3A_220 = arith.constant 0 : i32
        %dma_wait3A_221 = tpu.memref_slice %arg15[%add3A_195, %dma_wait3A_220] : memref<10000x128xf32, #tpu.memory_space<vmem_shared>> -> memref<80x128xf32, #tpu.memory_space<vmem_shared>>
        %dma_wait3A_222 = arith.constant 0 : i32
        %dma_wait3A_223 = tpu.memref_slice %arg15[%add3A_195, %dma_wait3A_222] : memref<10000x128xf32, #tpu.memory_space<vmem_shared>> -> memref<80x128xf32, #tpu.memory_space<vmem_shared>>
        %dma_wait3A_224 = arith.constant 0 : i32
        %dma_wait3A_225 = arith.constant 0 : i32
        %dma_wait3A_226 = tpu.memref_slice %arg7[%run_scoped3A_196, %dma_wait3A_224, %dma_wait3A_225] : memref<3x80x128xf32, #tpu.memory_space<vmem>> -> memref<1x80x128xf32, #tpu.memory_space<vmem>>
        %dma_wait3A_227 = tpu.memref_squeeze %dma_wait3A_226 : memref<1x80x128xf32, #tpu.memory_space<vmem>> -> memref<80x128xf32, #tpu.memory_space<vmem>>
        tpu.wait_dma2 semaphore(%run_scoped3A_203 : memref<!tpu.dma_semaphore, #tpu.memory_space<semaphore_mem>>) src(%dma_wait3A_227 : memref<80x128xf32, #tpu.memory_space<vmem>>) dst(%dma_wait3A_223 : memref<80x128xf32, #tpu.memory_space<vmem_shared>>)
        tpu.yield
      }) : () -> ()
      %add3A_197 = arith.constant 480 : i32
      %add3A_198 = arith.addi %mul3A_178, %add3A_197 : i32
      %run_scoped3A_199 = arith.constant 0 : i32
      "tpu.region"() ({
        %run_scoped3A_203 = tpu.sem_alloc : memref<!tpu.dma_semaphore, #tpu.memory_space<semaphore_mem>>
        %dma_start3A_204 = arith.constant 0 : i32
        %dma_start3A_205 = arith.constant 0 : i32
        %dma_start3A_206 = tpu.memref_slice %arg7[%run_scoped3A_199, %dma_start3A_204, %dma_start3A_205] : memref<3x80x128xf32, #tpu.memory_space<vmem>> -> memref<1x80x128xf32, #tpu.memory_space<vmem>>
        %dma_start3A_207 = tpu.memref_squeeze %dma_start3A_206 : memref<1x80x128xf32, #tpu.memory_space<vmem>> -> memref<80x128xf32, #tpu.memory_space<vmem>>
        %dma_start3A_208 = arith.constant 0 : i32
        %dma_start3A_209 = tpu.memref_slice %arg15[%add3A_198, %dma_start3A_208] : memref<10000x128xf32, #tpu.memory_space<vmem_shared>> -> memref<80x128xf32, #tpu.memory_space<vmem_shared>>
        %dma_start3A_210 = arith.constant 0 : i32
        %dma_start3A_211 = tpu.memref_slice %arg15[%add3A_198, %dma_start3A_210] : memref<10000x128xf32, #tpu.memory_space<vmem_shared>> -> memref<80x128xf32, #tpu.memory_space<vmem_shared>>
        %dma_start3A_212 = arith.constant 0 : i32
        %dma_start3A_213 = arith.constant 0 : i32
        %dma_start3A_214 = tpu.memref_slice %arg7[%run_scoped3A_199, %dma_start3A_212, %dma_start3A_213] : memref<3x80x128xf32, #tpu.memory_space<vmem>> -> memref<1x80x128xf32, #tpu.memory_space<vmem>>
        %dma_start3A_215 = tpu.memref_squeeze %dma_start3A_214 : memref<1x80x128xf32, #tpu.memory_space<vmem>> -> memref<80x128xf32, #tpu.memory_space<vmem>>
        tpu.enqueue_dma source(%dma_start3A_215 : memref<80x128xf32, #tpu.memory_space<vmem>>) target(%dma_start3A_211 : memref<80x128xf32, #tpu.memory_space<vmem_shared>>) target_semaphore(%run_scoped3A_203 : memref<!tpu.dma_semaphore, #tpu.memory_space<semaphore_mem>>)
        %dma_wait3A_216 = arith.constant 0 : i32
        %dma_wait3A_217 = arith.constant 0 : i32
        %dma_wait3A_218 = tpu.memref_slice %arg7[%run_scoped3A_199, %dma_wait3A_216, %dma_wait3A_217] : memref<3x80x128xf32, #tpu.memory_space<vmem>> -> memref<1x80x128xf32, #tpu.memory_space<vmem>>
        %dma_wait3A_219 = tpu.memref_squeeze %dma_wait3A_218 : memref<1x80x128xf32, #tpu.memory_space<vmem>> -> memref<80x128xf32, #tpu.memory_space<vmem>>
        %dma_wait3A_220 = arith.constant 0 : i32
        %dma_wait3A_221 = tpu.memref_slice %arg15[%add3A_198, %dma_wait3A_220] : memref<10000x128xf32, #tpu.memory_space<vmem_shared>> -> memref<80x128xf32, #tpu.memory_space<vmem_shared>>
        %dma_wait3A_222 = arith.constant 0 : i32
        %dma_wait3A_223 = tpu.memref_slice %arg15[%add3A_198, %dma_wait3A_222] : memref<10000x128xf32, #tpu.memory_space<vmem_shared>> -> memref<80x128xf32, #tpu.memory_space<vmem_shared>>
        %dma_wait3A_224 = arith.constant 0 : i32
        %dma_wait3A_225 = arith.constant 0 : i32
        %dma_wait3A_226 = tpu.memref_slice %arg7[%run_scoped3A_199, %dma_wait3A_224, %dma_wait3A_225] : memref<3x80x128xf32, #tpu.memory_space<vmem>> -> memref<1x80x128xf32, #tpu.memory_space<vmem>>
        %dma_wait3A_227 = tpu.memref_squeeze %dma_wait3A_226 : memref<1x80x128xf32, #tpu.memory_space<vmem>> -> memref<80x128xf32, #tpu.memory_space<vmem>>
        tpu.wait_dma2 semaphore(%run_scoped3A_203 : memref<!tpu.dma_semaphore, #tpu.memory_space<semaphore_mem>>) src(%dma_wait3A_227 : memref<80x128xf32, #tpu.memory_space<vmem>>) dst(%dma_wait3A_223 : memref<80x128xf32, #tpu.memory_space<vmem_shared>>)
        tpu.yield
      }) : () -> ()
      %add3A_200 = arith.constant 560 : i32
      %add3A_201 = arith.addi %mul3A_178, %add3A_200 : i32
      %run_scoped3A_202 = arith.constant 0 : i32
      "tpu.region"() ({
        %run_scoped3A_203 = tpu.sem_alloc : memref<!tpu.dma_semaphore, #tpu.memory_space<semaphore_mem>>
        %dma_start3A_204 = arith.constant 0 : i32
        %dma_start3A_205 = arith.constant 0 : i32
        %dma_start3A_206 = tpu.memref_slice %arg7[%run_scoped3A_202, %dma_start3A_204, %dma_start3A_205] : memref<3x80x128xf32, #tpu.memory_space<vmem>> -> memref<1x80x128xf32, #tpu.memory_space<vmem>>
        %dma_start3A_207 = tpu.memref_squeeze %dma_start3A_206 : memref<1x80x128xf32, #tpu.memory_space<vmem>> -> memref<80x128xf32, #tpu.memory_space<vmem>>
        %dma_start3A_208 = arith.constant 0 : i32
        %dma_start3A_209 = arith.constant 0 : i32
        %dma_start3A_210 = tpu.memref_slice %dma_start3A_207[%dma_start3A_208, %dma_start3A_209] : memref<80x128xf32, #tpu.memory_space<vmem>> -> memref<65x128xf32, #tpu.memory_space<vmem>>
        %dma_start3A_211 = arith.constant 0 : i32
        %dma_start3A_212 = tpu.memref_slice %arg15[%add3A_201, %dma_start3A_211] : memref<10000x128xf32, #tpu.memory_space<vmem_shared>> -> memref<65x128xf32, #tpu.memory_space<vmem_shared>>
        %dma_start3A_213 = arith.constant 0 : i32
        %dma_start3A_214 = tpu.memref_slice %arg15[%add3A_201, %dma_start3A_213] : memref<10000x128xf32, #tpu.memory_space<vmem_shared>> -> memref<65x128xf32, #tpu.memory_space<vmem_shared>>
        %dma_start3A_215 = arith.constant 0 : i32
        %dma_start3A_216 = arith.constant 0 : i32
        %dma_start3A_217 = tpu.memref_slice %arg7[%run_scoped3A_202, %dma_start3A_215, %dma_start3A_216] : memref<3x80x128xf32, #tpu.memory_space<vmem>> -> memref<1x80x128xf32, #tpu.memory_space<vmem>>
        %dma_start3A_218 = tpu.memref_squeeze %dma_start3A_217 : memref<1x80x128xf32, #tpu.memory_space<vmem>> -> memref<80x128xf32, #tpu.memory_space<vmem>>
        %dma_start3A_219 = arith.constant 0 : i32
        %dma_start3A_220 = arith.constant 0 : i32
        %dma_start3A_221 = tpu.memref_slice %dma_start3A_218[%dma_start3A_219, %dma_start3A_220] : memref<80x128xf32, #tpu.memory_space<vmem>> -> memref<65x128xf32, #tpu.memory_space<vmem>>
        tpu.enqueue_dma source(%dma_start3A_221 : memref<65x128xf32, #tpu.memory_space<vmem>>) target(%dma_start3A_214 : memref<65x128xf32, #tpu.memory_space<vmem_shared>>) target_semaphore(%run_scoped3A_203 : memref<!tpu.dma_semaphore, #tpu.memory_space<semaphore_mem>>)
        %dma_wait3A_222 = arith.constant 0 : i32
        %dma_wait3A_223 = arith.constant 0 : i32
        %dma_wait3A_224 = tpu.memref_slice %arg7[%run_scoped3A_202, %dma_wait3A_222, %dma_wait3A_223] : memref<3x80x128xf32, #tpu.memory_space<vmem>> -> memref<1x80x128xf32, #tpu.memory_space<vmem>>
        %dma_wait3A_225 = tpu.memref_squeeze %dma_wait3A_224 : memref<1x80x128xf32, #tpu.memory_space<vmem>> -> memref<80x128xf32, #tpu.memory_space<vmem>>
        %dma_wait3A_226 = arith.constant 0 : i32
        %dma_wait3A_227 = arith.constant 0 : i32
        %dma_wait3A_228 = tpu.memref_slice %dma_wait3A_225[%dma_wait3A_226, %dma_wait3A_227] : memref<80x128xf32, #tpu.memory_space<vmem>> -> memref<65x128xf32, #tpu.memory_space<vmem>>
        %dma_wait3A_229 = arith.constant 0 : i32
        %dma_wait3A_230 = tpu.memref_slice %arg15[%add3A_201, %dma_wait3A_229] : memref<10000x128xf32, #tpu.memory_space<vmem_shared>> -> memref<65x128xf32, #tpu.memory_space<vmem_shared>>
        %dma_wait3A_231 = arith.constant 0 : i32
        %dma_wait3A_232 = tpu.memref_slice %arg15[%add3A_201, %dma_wait3A_231] : memref<10000x128xf32, #tpu.memory_space<vmem_shared>> -> memref<65x128xf32, #tpu.memory_space<vmem_shared>>
        %dma_wait3A_233 = arith.constant 0 : i32
        %dma_wait3A_234 = arith.constant 0 : i32
        %dma_wait3A_235 = tpu.memref_slice %arg7[%run_scoped3A_202, %dma_wait3A_233, %dma_wait3A_234] : memref<3x80x128xf32, #tpu.memory_space<vmem>> -> memref<1x80x128xf32, #tpu.memory_space<vmem>>
        %dma_wait3A_236 = tpu.memref_squeeze %dma_wait3A_235 : memref<1x80x128xf32, #tpu.memory_space<vmem>> -> memref<80x128xf32, #tpu.memory_space<vmem>>
        %dma_wait3A_237 = arith.constant 0 : i32
        %dma_wait3A_238 = arith.constant 0 : i32
        %dma_wait3A_239 = tpu.memref_slice %dma_wait3A_236[%dma_wait3A_237, %dma_wait3A_238] : memref<80x128xf32, #tpu.memory_space<vmem>> -> memref<65x128xf32, #tpu.memory_space<vmem>>
        tpu.wait_dma2 semaphore(%run_scoped3A_203 : memref<!tpu.dma_semaphore, #tpu.memory_space<semaphore_mem>>) src(%dma_wait3A_239 : memref<65x128xf32, #tpu.memory_space<vmem>>) dst(%dma_wait3A_232 : memref<65x128xf32, #tpu.memory_space<vmem_shared>>)
        tpu.yield
      }) : () -> ()
    } else {
    }
    %mul3A_14 = arith.constant 10000 : i32
    %mul3A_15 = arith.muli %add3A, %mul3A_14 : i32
    %run_scoped3A = arith.constant 0 : i32
    "tpu.region"() ({
      %run_scoped3A_177 = tpu.sem_alloc : memref<!tpu.dma_semaphore, #tpu.memory_space<semaphore_mem>>
      %dma_start3A_178 = tpu.memref_slice %arg3[%run_scoped3A, %mul3A_15] : memref<2x320000xi32, #tpu.memory_space<hbm>> -> memref<1x10000xi32, #tpu.memory_space<hbm>>
      %dma_start3A_179 = tpu.memref_squeeze %dma_start3A_178 : memref<1x10000xi32, #tpu.memory_space<hbm>> -> memref<10000xi32, #tpu.memory_space<hbm>>
      %dma_start3A_180 = tpu.memref_slice %arg3[%run_scoped3A, %mul3A_15] : memref<2x320000xi32, #tpu.memory_space<hbm>> -> memref<1x10000xi32, #tpu.memory_space<hbm>>
      %dma_start3A_181 = tpu.memref_squeeze %dma_start3A_180 : memref<1x10000xi32, #tpu.memory_space<hbm>> -> memref<10000xi32, #tpu.memory_space<hbm>>
      tpu.enqueue_dma source(%dma_start3A_181 : memref<10000xi32, #tpu.memory_space<hbm>>) target(%arg5 : memref<10000xi32, #tpu.memory_space<vmem>>) target_semaphore(%run_scoped3A_177 : memref<!tpu.dma_semaphore, #tpu.memory_space<semaphore_mem>>)
      %dma_wait3A_182 = tpu.memref_slice %arg3[%run_scoped3A, %mul3A_15] : memref<2x320000xi32, #tpu.memory_space<hbm>> -> memref<1x10000xi32, #tpu.memory_space<hbm>>
      %dma_wait3A_183 = tpu.memref_squeeze %dma_wait3A_182 : memref<1x10000xi32, #tpu.memory_space<hbm>> -> memref<10000xi32, #tpu.memory_space<hbm>>
      %dma_wait3A_184 = tpu.memref_slice %arg3[%run_scoped3A, %mul3A_15] : memref<2x320000xi32, #tpu.memory_space<hbm>> -> memref<1x10000xi32, #tpu.memory_space<hbm>>
      %dma_wait3A_185 = tpu.memref_squeeze %dma_wait3A_184 : memref<1x10000xi32, #tpu.memory_space<hbm>> -> memref<10000xi32, #tpu.memory_space<hbm>>
      tpu.wait_dma2 semaphore(%run_scoped3A_177 : memref<!tpu.dma_semaphore, #tpu.memory_space<semaphore_mem>>) src(%dma_wait3A_185 : memref<10000xi32, #tpu.memory_space<hbm>>) dst(%arg5 : memref<10000xi32, #tpu.memory_space<vmem>>)
      tpu.yield
    }) : () -> ()
    %barrier3A = arith.constant 0 : index
    tpu.barrier barrier_id(%barrier3A)
    %scan3A_16 = arith.constant 0 : i32
    %scan3A_17 = arith.constant 0 : i32
    %scan3A_18 = arith.constant 41 : i32
    %scan3A_19 = arith.addi %scan3A_17, %scan3A_18 : i32
    %scan3A_20 = arith.constant 1 : i32
    scf.for %scan3A_177 = %scan3A_17 to %scan3A_19 step %scan3A_20  : i32 {
      %mul3A_178 = arith.constant 3 : i32
      %mul3A_179 = arith.muli %scan3A_177, %mul3A_178 : i32
      %mul3A_180 = arith.constant 125 : i32
      %mul3A_181 = arith.muli %add3A, %mul3A_180 : i32
      %add3A_182 = arith.addi %mul3A_181, %mul3A_179 : i32
      %add3A_183 = arith.constant 0 : i32
      %add3A_184 = arith.addi %add3A_182, %add3A_183 : i32
      %mul3A_185 = arith.constant 80 : i32
      %mul3A_186 = arith.muli %add3A_184, %mul3A_185 : i32
      %dma_start3A_187 = arith.constant 1 : i32
      %dma_start3A_188 = arith.constant 0 : i32
      %dma_start3A_189 = arith.constant 0 : i32
      %dma_start3A_190 = tpu.memref_slice %arg6[%dma_start3A_188, %dma_start3A_189] : memref<3x80xi32, #tpu.memory_space<vmem>> -> memref<1x80xi32, #tpu.memory_space<vmem>>
      %dma_start3A_191 = tpu.memref_squeeze %dma_start3A_190 : memref<1x80xi32, #tpu.memory_space<vmem>> -> memref<80xi32, #tpu.memory_space<vmem>>
      %dma_start3A_192 = tpu.memref_slice %arg3[%dma_start3A_187, %mul3A_186] : memref<2x320000xi32, #tpu.memory_space<hbm>> -> memref<1x80xi32, #tpu.memory_space<hbm>>
      %dma_start3A_193 = tpu.memref_squeeze %dma_start3A_192 : memref<1x80xi32, #tpu.memory_space<hbm>> -> memref<80xi32, #tpu.memory_space<hbm>>
      %dma_start3A_194 = arith.constant 0 : i32
      %dma_start3A_195 = tpu.memref_slice %arg6[%dma_start3A_188, %dma_start3A_194] : memref<3x80xi32, #tpu.memory_space<vmem>> -> memref<1x80xi32, #tpu.memory_space<vmem>>
      %dma_start3A_196 = tpu.memref_squeeze %dma_start3A_195 : memref<1x80xi32, #tpu.memory_space<vmem>> -> memref<80xi32, #tpu.memory_space<vmem>>
      %dma_start3A_197 = tpu.memref_slice %arg3[%dma_start3A_187, %mul3A_186] : memref<2x320000xi32, #tpu.memory_space<hbm>> -> memref<1x80xi32, #tpu.memory_space<hbm>>
      %dma_start3A_198 = tpu.memref_squeeze %dma_start3A_197 : memref<1x80xi32, #tpu.memory_space<hbm>> -> memref<80xi32, #tpu.memory_space<hbm>>
      tpu.enqueue_dma source(%dma_start3A_198 : memref<80xi32, #tpu.memory_space<hbm>>) target(%dma_start3A_196 : memref<80xi32, #tpu.memory_space<vmem>>) target_semaphore(%arg14 : memref<!tpu.dma_semaphore, #tpu.memory_space<semaphore_mem>>)
      %mul3A_199 = arith.constant 125 : i32
      %mul3A_200 = arith.muli %add3A, %mul3A_199 : i32
      %add3A_201 = arith.addi %mul3A_200, %mul3A_179 : i32
      %add3A_202 = arith.constant 1 : i32
      %add3A_203 = arith.addi %add3A_201, %add3A_202 : i32
      %mul3A_204 = arith.constant 80 : i32
      %mul3A_205 = arith.muli %add3A_203, %mul3A_204 : i32
      %dma_start3A_206 = arith.constant 1 : i32
      %dma_start3A_207 = arith.constant 1 : i32
      %dma_start3A_208 = arith.constant 0 : i32
      %dma_start3A_209 = tpu.memref_slice %arg6[%dma_start3A_207, %dma_start3A_208] : memref<3x80xi32, #tpu.memory_space<vmem>> -> memref<1x80xi32, #tpu.memory_space<vmem>>
      %dma_start3A_210 = tpu.memref_squeeze %dma_start3A_209 : memref<1x80xi32, #tpu.memory_space<vmem>> -> memref<80xi32, #tpu.memory_space<vmem>>
      %dma_start3A_211 = tpu.memref_slice %arg3[%dma_start3A_206, %mul3A_205] : memref<2x320000xi32, #tpu.memory_space<hbm>> -> memref<1x80xi32, #tpu.memory_space<hbm>>
      %dma_start3A_212 = tpu.memref_squeeze %dma_start3A_211 : memref<1x80xi32, #tpu.memory_space<hbm>> -> memref<80xi32, #tpu.memory_space<hbm>>
      %dma_start3A_213 = arith.constant 0 : i32
      %dma_start3A_214 = tpu.memref_slice %arg6[%dma_start3A_207, %dma_start3A_213] : memref<3x80xi32, #tpu.memory_space<vmem>> -> memref<1x80xi32, #tpu.memory_space<vmem>>
      %dma_start3A_215 = tpu.memref_squeeze %dma_start3A_214 : memref<1x80xi32, #tpu.memory_space<vmem>> -> memref<80xi32, #tpu.memory_space<vmem>>
      %dma_start3A_216 = tpu.memref_slice %arg3[%dma_start3A_206, %mul3A_205] : memref<2x320000xi32, #tpu.memory_space<hbm>> -> memref<1x80xi32, #tpu.memory_space<hbm>>
      %dma_start3A_217 = tpu.memref_squeeze %dma_start3A_216 : memref<1x80xi32, #tpu.memory_space<hbm>> -> memref<80xi32, #tpu.memory_space<hbm>>
      tpu.enqueue_dma source(%dma_start3A_217 : memref<80xi32, #tpu.memory_space<hbm>>) target(%dma_start3A_215 : memref<80xi32, #tpu.memory_space<vmem>>) target_semaphore(%arg14 : memref<!tpu.dma_semaphore, #tpu.memory_space<semaphore_mem>>)
      %mul3A_218 = arith.constant 125 : i32
      %mul3A_219 = arith.muli %add3A, %mul3A_218 : i32
      %add3A_220 = arith.addi %mul3A_219, %mul3A_179 : i32
      %add3A_221 = arith.constant 2 : i32
      %add3A_222 = arith.addi %add3A_220, %add3A_221 : i32
      %mul3A_223 = arith.constant 80 : i32
      %mul3A_224 = arith.muli %add3A_222, %mul3A_223 : i32
      %dma_start3A_225 = arith.constant 1 : i32
      %dma_start3A_226 = arith.constant 2 : i32
      %dma_start3A_227 = arith.constant 0 : i32
      %dma_start3A_228 = tpu.memref_slice %arg6[%dma_start3A_226, %dma_start3A_227] : memref<3x80xi32, #tpu.memory_space<vmem>> -> memref<1x80xi32, #tpu.memory_space<vmem>>
      %dma_start3A_229 = tpu.memref_squeeze %dma_start3A_228 : memref<1x80xi32, #tpu.memory_space<vmem>> -> memref<80xi32, #tpu.memory_space<vmem>>
      %dma_start3A_230 = tpu.memref_slice %arg3[%dma_start3A_225, %mul3A_224] : memref<2x320000xi32, #tpu.memory_space<hbm>> -> memref<1x80xi32, #tpu.memory_space<hbm>>
      %dma_start3A_231 = tpu.memref_squeeze %dma_start3A_230 : memref<1x80xi32, #tpu.memory_space<hbm>> -> memref<80xi32, #tpu.memory_space<hbm>>
      %dma_start3A_232 = arith.constant 0 : i32
      %dma_start3A_233 = tpu.memref_slice %arg6[%dma_start3A_226, %dma_start3A_232] : memref<3x80xi32, #tpu.memory_space<vmem>> -> memref<1x80xi32, #tpu.memory_space<vmem>>
      %dma_start3A_234 = tpu.memref_squeeze %dma_start3A_233 : memref<1x80xi32, #tpu.memory_space<vmem>> -> memref<80xi32, #tpu.memory_space<vmem>>
      %dma_start3A_235 = tpu.memref_slice %arg3[%dma_start3A_225, %mul3A_224] : memref<2x320000xi32, #tpu.memory_space<hbm>> -> memref<1x80xi32, #tpu.memory_space<hbm>>
      %dma_start3A_236 = tpu.memref_squeeze %dma_start3A_235 : memref<1x80xi32, #tpu.memory_space<hbm>> -> memref<80xi32, #tpu.memory_space<hbm>>
      tpu.enqueue_dma source(%dma_start3A_236 : memref<80xi32, #tpu.memory_space<hbm>>) target(%dma_start3A_234 : memref<80xi32, #tpu.memory_space<vmem>>) target_semaphore(%arg14 : memref<!tpu.dma_semaphore, #tpu.memory_space<semaphore_mem>>)
      %add3A_237 = arith.constant 0 : i32
      %add3A_238 = arith.addi %mul3A_179, %add3A_237 : i32
      %mul3A_239 = arith.constant 80 : i32
      %mul3A_240 = arith.muli %add3A_238, %mul3A_239 : i32
      %dma_start3A_241 = arith.constant 0 : i32
      %dma_start3A_242 = arith.constant 0 : i32
      %dma_start3A_243 = arith.constant 0 : i32
      %dma_start3A_244 = tpu.memref_slice %arg7[%dma_start3A_241, %dma_start3A_242, %dma_start3A_243] : memref<3x80x128xf32, #tpu.memory_space<vmem>> -> memref<1x80x128xf32, #tpu.memory_space<vmem>>
      %dma_start3A_245 = tpu.memref_squeeze %dma_start3A_244 : memref<1x80x128xf32, #tpu.memory_space<vmem>> -> memref<80x128xf32, #tpu.memory_space<vmem>>
      %dma_start3A_246 = tpu.memref_slice %arg5[%mul3A_240] : memref<10000xi32, #tpu.memory_space<vmem>> -> memref<80xi32, #tpu.memory_space<vmem>>
      %dma_start3A_247 = arith.constant 0 : i32
      %dma_start3A_248 = arith.constant 0 : i32
      %dma_start3A_249 = tpu.memref_slice %arg2[%dma_start3A_247, %dma_start3A_248] : memref<10000x128xf32, #tpu.memory_space<hbm>> -> memref<10000x128xf32, #tpu.memory_space<hbm>>
      tpu.enqueue_indirect_dma source(%dma_start3A_249 : memref<10000x128xf32, #tpu.memory_space<hbm>>) target(%dma_start3A_245 : memref<80x128xf32, #tpu.memory_space<vmem>>) offsets(%dma_start3A_246 : memref<80xi32, #tpu.memory_space<vmem>>) semaphore(%arg8 : memref<!tpu.dma_semaphore, #tpu.memory_space<semaphore_mem>>)
      %add3A_250 = arith.constant 1 : i32
      %add3A_251 = arith.addi %mul3A_179, %add3A_250 : i32
      %mul3A_252 = arith.constant 80 : i32
      %mul3A_253 = arith.muli %add3A_251, %mul3A_252 : i32
      %dma_start3A_254 = arith.constant 1 : i32
      %dma_start3A_255 = arith.constant 0 : i32
      %dma_start3A_256 = arith.constant 0 : i32
      %dma_start3A_257 = tpu.memref_slice %arg7[%dma_start3A_254, %dma_start3A_255, %dma_start3A_256] : memref<3x80x128xf32, #tpu.memory_space<vmem>> -> memref<1x80x128xf32, #tpu.memory_space<vmem>>
      %dma_start3A_258 = tpu.memref_squeeze %dma_start3A_257 : memref<1x80x128xf32, #tpu.memory_space<vmem>> -> memref<80x128xf32, #tpu.memory_space<vmem>>
      %dma_start3A_259 = tpu.memref_slice %arg5[%mul3A_253] : memref<10000xi32, #tpu.memory_space<vmem>> -> memref<80xi32, #tpu.memory_space<vmem>>
      %dma_start3A_260 = arith.constant 0 : i32
      %dma_start3A_261 = arith.constant 0 : i32
      %dma_start3A_262 = tpu.memref_slice %arg2[%dma_start3A_260, %dma_start3A_261] : memref<10000x128xf32, #tpu.memory_space<hbm>> -> memref<10000x128xf32, #tpu.memory_space<hbm>>
      tpu.enqueue_indirect_dma source(%dma_start3A_262 : memref<10000x128xf32, #tpu.memory_space<hbm>>) target(%dma_start3A_258 : memref<80x128xf32, #tpu.memory_space<vmem>>) offsets(%dma_start3A_259 : memref<80xi32, #tpu.memory_space<vmem>>) semaphore(%arg9 : memref<!tpu.dma_semaphore, #tpu.memory_space<semaphore_mem>>)
      %add3A_263 = arith.constant 2 : i32
      %add3A_264 = arith.addi %mul3A_179, %add3A_263 : i32
      %mul3A_265 = arith.constant 80 : i32
      %mul3A_266 = arith.muli %add3A_264, %mul3A_265 : i32
      %dma_start3A_267 = arith.constant 2 : i32
      %dma_start3A_268 = arith.constant 0 : i32
      %dma_start3A_269 = arith.constant 0 : i32
      %dma_start3A_270 = tpu.memref_slice %arg7[%dma_start3A_267, %dma_start3A_268, %dma_start3A_269] : memref<3x80x128xf32, #tpu.memory_space<vmem>> -> memref<1x80x128xf32, #tpu.memory_space<vmem>>
      %dma_start3A_271 = tpu.memref_squeeze %dma_start3A_270 : memref<1x80x128xf32, #tpu.memory_space<vmem>> -> memref<80x128xf32, #tpu.memory_space<vmem>>
      %dma_start3A_272 = tpu.memref_slice %arg5[%mul3A_266] : memref<10000xi32, #tpu.memory_space<vmem>> -> memref<80xi32, #tpu.memory_space<vmem>>
      %dma_start3A_273 = arith.constant 0 : i32
      %dma_start3A_274 = arith.constant 0 : i32
      %dma_start3A_275 = tpu.memref_slice %arg2[%dma_start3A_273, %dma_start3A_274] : memref<10000x128xf32, #tpu.memory_space<hbm>> -> memref<10000x128xf32, #tpu.memory_space<hbm>>
      tpu.enqueue_indirect_dma source(%dma_start3A_275 : memref<10000x128xf32, #tpu.memory_space<hbm>>) target(%dma_start3A_271 : memref<80x128xf32, #tpu.memory_space<vmem>>) offsets(%dma_start3A_272 : memref<80xi32, #tpu.memory_space<vmem>>) semaphore(%arg10 : memref<!tpu.dma_semaphore, #tpu.memory_space<semaphore_mem>>)
      %dma_wait3A_276 = arith.constant 1 : i32
      %dma_wait3A_277 = arith.constant 0 : i32
      %dma_wait3A_278 = arith.constant 0 : i32
      %dma_wait3A_279 = tpu.memref_slice %arg6[%dma_wait3A_277, %dma_wait3A_278] : memref<3x80xi32, #tpu.memory_space<vmem>> -> memref<1x80xi32, #tpu.memory_space<vmem>>
      %dma_wait3A_280 = tpu.memref_squeeze %dma_wait3A_279 : memref<1x80xi32, #tpu.memory_space<vmem>> -> memref<80xi32, #tpu.memory_space<vmem>>
      %dma_wait3A_281 = tpu.memref_slice %arg3[%dma_wait3A_276, %mul3A_186] : memref<2x320000xi32, #tpu.memory_space<hbm>> -> memref<1x80xi32, #tpu.memory_space<hbm>>
      %dma_wait3A_282 = tpu.memref_squeeze %dma_wait3A_281 : memref<1x80xi32, #tpu.memory_space<hbm>> -> memref<80xi32, #tpu.memory_space<hbm>>
      %dma_wait3A_283 = arith.constant 0 : i32
      %dma_wait3A_284 = tpu.memref_slice %arg6[%dma_wait3A_277, %dma_wait3A_283] : memref<3x80xi32, #tpu.memory_space<vmem>> -> memref<1x80xi32, #tpu.memory_space<vmem>>
      %dma_wait3A_285 = tpu.memref_squeeze %dma_wait3A_284 : memref<1x80xi32, #tpu.memory_space<vmem>> -> memref<80xi32, #tpu.memory_space<vmem>>
      %dma_wait3A_286 = tpu.memref_slice %arg3[%dma_wait3A_276, %mul3A_186] : memref<2x320000xi32, #tpu.memory_space<hbm>> -> memref<1x80xi32, #tpu.memory_space<hbm>>
      %dma_wait3A_287 = tpu.memref_squeeze %dma_wait3A_286 : memref<1x80xi32, #tpu.memory_space<hbm>> -> memref<80xi32, #tpu.memory_space<hbm>>
      tpu.wait_dma2 semaphore(%arg14 : memref<!tpu.dma_semaphore, #tpu.memory_space<semaphore_mem>>) src(%dma_wait3A_287 : memref<80xi32, #tpu.memory_space<hbm>>) dst(%dma_wait3A_285 : memref<80xi32, #tpu.memory_space<vmem>>)
      %dma_wait3A_288 = arith.constant 1 : i32
      %dma_wait3A_289 = arith.constant 1 : i32
      %dma_wait3A_290 = arith.constant 0 : i32
      %dma_wait3A_291 = tpu.memref_slice %arg6[%dma_wait3A_289, %dma_wait3A_290] : memref<3x80xi32, #tpu.memory_space<vmem>> -> memref<1x80xi32, #tpu.memory_space<vmem>>
      %dma_wait3A_292 = tpu.memref_squeeze %dma_wait3A_291 : memref<1x80xi32, #tpu.memory_space<vmem>> -> memref<80xi32, #tpu.memory_space<vmem>>
      %dma_wait3A_293 = tpu.memref_slice %arg3[%dma_wait3A_288, %mul3A_205] : memref<2x320000xi32, #tpu.memory_space<hbm>> -> memref<1x80xi32, #tpu.memory_space<hbm>>
      %dma_wait3A_294 = tpu.memref_squeeze %dma_wait3A_293 : memref<1x80xi32, #tpu.memory_space<hbm>> -> memref<80xi32, #tpu.memory_space<hbm>>
      %dma_wait3A_295 = arith.constant 0 : i32
      %dma_wait3A_296 = tpu.memref_slice %arg6[%dma_wait3A_289, %dma_wait3A_295] : memref<3x80xi32, #tpu.memory_space<vmem>> -> memref<1x80xi32, #tpu.memory_space<vmem>>
      %dma_wait3A_297 = tpu.memref_squeeze %dma_wait3A_296 : memref<1x80xi32, #tpu.memory_space<vmem>> -> memref<80xi32, #tpu.memory_space<vmem>>
      %dma_wait3A_298 = tpu.memref_slice %arg3[%dma_wait3A_288, %mul3A_205] : memref<2x320000xi32, #tpu.memory_space<hbm>> -> memref<1x80xi32, #tpu.memory_space<hbm>>
      %dma_wait3A_299 = tpu.memref_squeeze %dma_wait3A_298 : memref<1x80xi32, #tpu.memory_space<hbm>> -> memref<80xi32, #tpu.memory_space<hbm>>
      tpu.wait_dma2 semaphore(%arg14 : memref<!tpu.dma_semaphore, #tpu.memory_space<semaphore_mem>>) src(%dma_wait3A_299 : memref<80xi32, #tpu.memory_space<hbm>>) dst(%dma_wait3A_297 : memref<80xi32, #tpu.memory_space<vmem>>)
      %dma_wait3A_300 = arith.constant 1 : i32
      %dma_wait3A_301 = arith.constant 2 : i32
      %dma_wait3A_302 = arith.constant 0 : i32
      %dma_wait3A_303 = tpu.memref_slice %arg6[%dma_wait3A_301, %dma_wait3A_302] : memref<3x80xi32, #tpu.memory_space<vmem>> -> memref<1x80xi32, #tpu.memory_space<vmem>>
      %dma_wait3A_304 = tpu.memref_squeeze %dma_wait3A_303 : memref<1x80xi32, #tpu.memory_space<vmem>> -> memref<80xi32, #tpu.memory_space<vmem>>
      %dma_wait3A_305 = tpu.memref_slice %arg3[%dma_wait3A_300, %mul3A_224] : memref<2x320000xi32, #tpu.memory_space<hbm>> -> memref<1x80xi32, #tpu.memory_space<hbm>>
      %dma_wait3A_306 = tpu.memref_squeeze %dma_wait3A_305 : memref<1x80xi32, #tpu.memory_space<hbm>> -> memref<80xi32, #tpu.memory_space<hbm>>
      %dma_wait3A_307 = arith.constant 0 : i32
      %dma_wait3A_308 = tpu.memref_slice %arg6[%dma_wait3A_301, %dma_wait3A_307] : memref<3x80xi32, #tpu.memory_space<vmem>> -> memref<1x80xi32, #tpu.memory_space<vmem>>
      %dma_wait3A_309 = tpu.memref_squeeze %dma_wait3A_308 : memref<1x80xi32, #tpu.memory_space<vmem>> -> memref<80xi32, #tpu.memory_space<vmem>>
      %dma_wait3A_310 = tpu.memref_slice %arg3[%dma_wait3A_300, %mul3A_224] : memref<2x320000xi32, #tpu.memory_space<hbm>> -> memref<1x80xi32, #tpu.memory_space<hbm>>
      %dma_wait3A_311 = tpu.memref_squeeze %dma_wait3A_310 : memref<1x80xi32, #tpu.memory_space<hbm>> -> memref<80xi32, #tpu.memory_space<hbm>>
      tpu.wait_dma2 semaphore(%arg14 : memref<!tpu.dma_semaphore, #tpu.memory_space<semaphore_mem>>) src(%dma_wait3A_311 : memref<80xi32, #tpu.memory_space<hbm>>) dst(%dma_wait3A_309 : memref<80xi32, #tpu.memory_space<vmem>>)
      %dma_wait3A_312 = arith.constant 0 : i32
      %dma_wait3A_313 = arith.constant 0 : i32
      %dma_wait3A_314 = arith.constant 0 : i32
      %dma_wait3A_315 = tpu.memref_slice %arg7[%dma_wait3A_312, %dma_wait3A_313, %dma_wait3A_314] : memref<3x80x128xf32, #tpu.memory_space<vmem>> -> memref<1x80x128xf32, #tpu.memory_space<vmem>>
      %dma_wait3A_316 = tpu.memref_squeeze %dma_wait3A_315 : memref<1x80x128xf32, #tpu.memory_space<vmem>> -> memref<80x128xf32, #tpu.memory_space<vmem>>
      %dma_wait3A_317 = tpu.memref_slice %arg5[%mul3A_240] : memref<10000xi32, #tpu.memory_space<vmem>> -> memref<80xi32, #tpu.memory_space<vmem>>
      %dma_wait3A_318 = arith.constant 0 : i32
      %dma_wait3A_319 = arith.constant 0 : i32
      %dma_wait3A_320 = tpu.memref_slice %arg2[%dma_wait3A_318, %dma_wait3A_319] : memref<10000x128xf32, #tpu.memory_space<hbm>> -> memref<10000x128xf32, #tpu.memory_space<hbm>>
      tpu.wait_indirect_dma semaphore(%arg8 : memref<!tpu.dma_semaphore, #tpu.memory_space<semaphore_mem>>) src(%dma_wait3A_320 : memref<10000x128xf32, #tpu.memory_space<hbm>>) dst(%dma_wait3A_316 : memref<80x128xf32, #tpu.memory_space<vmem>>)
      %dma_start3A_321 = arith.constant 0 : i32
      %dma_start3A_322 = arith.constant 0 : i32
      %dma_start3A_323 = arith.constant 0 : i32
      %dma_start3A_324 = arith.constant 0 : i32
      %dma_start3A_325 = tpu.memref_slice %arg7[%dma_start3A_321, %dma_start3A_323, %dma_start3A_324] : memref<3x80x128xf32, #tpu.memory_space<vmem>> -> memref<1x80x128xf32, #tpu.memory_space<vmem>>
      %dma_start3A_326 = tpu.memref_squeeze %dma_start3A_325 : memref<1x80x128xf32, #tpu.memory_space<vmem>> -> memref<80x128xf32, #tpu.memory_space<vmem>>
      %dma_start3A_327 = arith.constant 0 : i32
      %dma_start3A_328 = tpu.memref_slice %arg6[%dma_start3A_322, %dma_start3A_327] : memref<3x80xi32, #tpu.memory_space<vmem>> -> memref<1x80xi32, #tpu.memory_space<vmem>>
      %dma_start3A_329 = tpu.memref_squeeze %dma_start3A_328 : memref<1x80xi32, #tpu.memory_space<vmem>> -> memref<80xi32, #tpu.memory_space<vmem>>
      %dma_start3A_330 = arith.constant 0 : i32
      %dma_start3A_331 = arith.constant 0 : i32
      %dma_start3A_332 = tpu.memref_slice %arg15[%dma_start3A_330, %dma_start3A_331] : memref<10000x128xf32, #tpu.memory_space<vmem_shared>> -> memref<10000x128xf32, #tpu.memory_space<vmem_shared>>
      tpu.enqueue_indirect_dma source(%dma_start3A_326 : memref<80x128xf32, #tpu.memory_space<vmem>>) target(%dma_start3A_332 : memref<10000x128xf32, #tpu.memory_space<vmem_shared>>) offsets(%dma_start3A_329 : memref<80xi32, #tpu.memory_space<vmem>>) semaphore(%arg11 : memref<!tpu.dma_semaphore, #tpu.memory_space<semaphore_mem>>) {add = true}
      %dma_wait3A_333 = arith.constant 1 : i32
      %dma_wait3A_334 = arith.constant 0 : i32
      %dma_wait3A_335 = arith.constant 0 : i32
      %dma_wait3A_336 = tpu.memref_slice %arg7[%dma_wait3A_333, %dma_wait3A_334, %dma_wait3A_335] : memref<3x80x128xf32, #tpu.memory_space<vmem>> -> memref<1x80x128xf32, #tpu.memory_space<vmem>>
      %dma_wait3A_337 = tpu.memref_squeeze %dma_wait3A_336 : memref<1x80x128xf32, #tpu.memory_space<vmem>> -> memref<80x128xf32, #tpu.memory_space<vmem>>
      %dma_wait3A_338 = tpu.memref_slice %arg5[%mul3A_253] : memref<10000xi32, #tpu.memory_space<vmem>> -> memref<80xi32, #tpu.memory_space<vmem>>
      %dma_wait3A_339 = arith.constant 0 : i32
      %dma_wait3A_340 = arith.constant 0 : i32
      %dma_wait3A_341 = tpu.memref_slice %arg2[%dma_wait3A_339, %dma_wait3A_340] : memref<10000x128xf32, #tpu.memory_space<hbm>> -> memref<10000x128xf32, #tpu.memory_space<hbm>>
      tpu.wait_indirect_dma semaphore(%arg9 : memref<!tpu.dma_semaphore, #tpu.memory_space<semaphore_mem>>) src(%dma_wait3A_341 : memref<10000x128xf32, #tpu.memory_space<hbm>>) dst(%dma_wait3A_337 : memref<80x128xf32, #tpu.memory_space<vmem>>)
      %dma_start3A_342 = arith.constant 1 : i32
      %dma_start3A_343 = arith.constant 1 : i32
      %dma_start3A_344 = arith.constant 0 : i32
      %dma_start3A_345 = arith.constant 0 : i32
      %dma_start3A_346 = tpu.memref_slice %arg7[%dma_start3A_342, %dma_start3A_344, %dma_start3A_345] : memref<3x80x128xf32, #tpu.memory_space<vmem>> -> memref<1x80x128xf32, #tpu.memory_space<vmem>>
      %dma_start3A_347 = tpu.memref_squeeze %dma_start3A_346 : memref<1x80x128xf32, #tpu.memory_space<vmem>> -> memref<80x128xf32, #tpu.memory_space<vmem>>
      %dma_start3A_348 = arith.constant 0 : i32
      %dma_start3A_349 = tpu.memref_slice %arg6[%dma_start3A_343, %dma_start3A_348] : memref<3x80xi32, #tpu.memory_space<vmem>> -> memref<1x80xi32, #tpu.memory_space<vmem>>
      %dma_start3A_350 = tpu.memref_squeeze %dma_start3A_349 : memref<1x80xi32, #tpu.memory_space<vmem>> -> memref<80xi32, #tpu.memory_space<vmem>>
      %dma_start3A_351 = arith.constant 0 : i32
      %dma_start3A_352 = arith.constant 0 : i32
      %dma_start3A_353 = tpu.memref_slice %arg15[%dma_start3A_351, %dma_start3A_352] : memref<10000x128xf32, #tpu.memory_space<vmem_shared>> -> memref<10000x128xf32, #tpu.memory_space<vmem_shared>>
      tpu.enqueue_indirect_dma source(%dma_start3A_347 : memref<80x128xf32, #tpu.memory_space<vmem>>) target(%dma_start3A_353 : memref<10000x128xf32, #tpu.memory_space<vmem_shared>>) offsets(%dma_start3A_350 : memref<80xi32, #tpu.memory_space<vmem>>) semaphore(%arg12 : memref<!tpu.dma_semaphore, #tpu.memory_space<semaphore_mem>>) {add = true}
      %dma_wait3A_354 = arith.constant 2 : i32
      %dma_wait3A_355 = arith.constant 0 : i32
      %dma_wait3A_356 = arith.constant 0 : i32
      %dma_wait3A_357 = tpu.memref_slice %arg7[%dma_wait3A_354, %dma_wait3A_355, %dma_wait3A_356] : memref<3x80x128xf32, #tpu.memory_space<vmem>> -> memref<1x80x128xf32, #tpu.memory_space<vmem>>
      %dma_wait3A_358 = tpu.memref_squeeze %dma_wait3A_357 : memref<1x80x128xf32, #tpu.memory_space<vmem>> -> memref<80x128xf32, #tpu.memory_space<vmem>>
      %dma_wait3A_359 = tpu.memref_slice %arg5[%mul3A_266] : memref<10000xi32, #tpu.memory_space<vmem>> -> memref<80xi32, #tpu.memory_space<vmem>>
      %dma_wait3A_360 = arith.constant 0 : i32
      %dma_wait3A_361 = arith.constant 0 : i32
      %dma_wait3A_362 = tpu.memref_slice %arg2[%dma_wait3A_360, %dma_wait3A_361] : memref<10000x128xf32, #tpu.memory_space<hbm>> -> memref<10000x128xf32, #tpu.memory_space<hbm>>
      tpu.wait_indirect_dma semaphore(%arg10 : memref<!tpu.dma_semaphore, #tpu.memory_space<semaphore_mem>>) src(%dma_wait3A_362 : memref<10000x128xf32, #tpu.memory_space<hbm>>) dst(%dma_wait3A_358 : memref<80x128xf32, #tpu.memory_space<vmem>>)
      %dma_start3A_363 = arith.constant 2 : i32
      %dma_start3A_364 = arith.constant 2 : i32
      %dma_start3A_365 = arith.constant 0 : i32
      %dma_start3A_366 = arith.constant 0 : i32
      %dma_start3A_367 = tpu.memref_slice %arg7[%dma_start3A_363, %dma_start3A_365, %dma_start3A_366] : memref<3x80x128xf32, #tpu.memory_space<vmem>> -> memref<1x80x128xf32, #tpu.memory_space<vmem>>
      %dma_start3A_368 = tpu.memref_squeeze %dma_start3A_367 : memref<1x80x128xf32, #tpu.memory_space<vmem>> -> memref<80x128xf32, #tpu.memory_space<vmem>>
      %dma_start3A_369 = arith.constant 0 : i32
      %dma_start3A_370 = tpu.memref_slice %arg6[%dma_start3A_364, %dma_start3A_369] : memref<3x80xi32, #tpu.memory_space<vmem>> -> memref<1x80xi32, #tpu.memory_space<vmem>>
      %dma_start3A_371 = tpu.memref_squeeze %dma_start3A_370 : memref<1x80xi32, #tpu.memory_space<vmem>> -> memref<80xi32, #tpu.memory_space<vmem>>
      %dma_start3A_372 = arith.constant 0 : i32
      %dma_start3A_373 = arith.constant 0 : i32
      %dma_start3A_374 = tpu.memref_slice %arg15[%dma_start3A_372, %dma_start3A_373] : memref<10000x128xf32, #tpu.memory_space<vmem_shared>> -> memref<10000x128xf32, #tpu.memory_space<vmem_shared>>
      tpu.enqueue_indirect_dma source(%dma_start3A_368 : memref<80x128xf32, #tpu.memory_space<vmem>>) target(%dma_start3A_374 : memref<10000x128xf32, #tpu.memory_space<vmem_shared>>) offsets(%dma_start3A_371 : memref<80xi32, #tpu.memory_space<vmem>>) semaphore(%arg13 : memref<!tpu.dma_semaphore, #tpu.memory_space<semaphore_mem>>) {add = true}
      %dma_wait3A_375 = arith.constant 0 : i32
      %dma_wait3A_376 = arith.constant 0 : i32
      %dma_wait3A_377 = arith.constant 0 : i32
      %dma_wait3A_378 = arith.constant 0 : i32
      %dma_wait3A_379 = tpu.memref_slice %arg7[%dma_wait3A_375, %dma_wait3A_377, %dma_wait3A_378] : memref<3x80x128xf32, #tpu.memory_space<vmem>> -> memref<1x80x128xf32, #tpu.memory_space<vmem>>
      %dma_wait3A_380 = tpu.memref_squeeze %dma_wait3A_379 : memref<1x80x128xf32, #tpu.memory_space<vmem>> -> memref<80x128xf32, #tpu.memory_space<vmem>>
      %dma_wait3A_381 = arith.constant 0 : i32
      %dma_wait3A_382 = tpu.memref_slice %arg6[%dma_wait3A_376, %dma_wait3A_381] : memref<3x80xi32, #tpu.memory_space<vmem>> -> memref<1x80xi32, #tpu.memory_space<vmem>>
      %dma_wait3A_383 = tpu.memref_squeeze %dma_wait3A_382 : memref<1x80xi32, #tpu.memory_space<vmem>> -> memref<80xi32, #tpu.memory_space<vmem>>
      %dma_wait3A_384 = arith.constant 0 : i32
      %dma_wait3A_385 = arith.constant 0 : i32
      %dma_wait3A_386 = tpu.memref_slice %arg15[%dma_wait3A_384, %dma_wait3A_385] : memref<10000x128xf32, #tpu.memory_space<vmem_shared>> -> memref<10000x128xf32, #tpu.memory_space<vmem_shared>>
      tpu.wait_indirect_dma semaphore(%arg11 : memref<!tpu.dma_semaphore, #tpu.memory_space<semaphore_mem>>) src(%dma_wait3A_380 : memref<80x128xf32, #tpu.memory_space<vmem>>) dst(%dma_wait3A_386 : memref<10000x128xf32, #tpu.memory_space<vmem_shared>>)
      %dma_wait3A_387 = arith.constant 1 : i32
      %dma_wait3A_388 = arith.constant 1 : i32
      %dma_wait3A_389 = arith.constant 0 : i32
      %dma_wait3A_390 = arith.constant 0 : i32
      %dma_wait3A_391 = tpu.memref_slice %arg7[%dma_wait3A_387, %dma_wait3A_389, %dma_wait3A_390] : memref<3x80x128xf32, #tpu.memory_space<vmem>> -> memref<1x80x128xf32, #tpu.memory_space<vmem>>
      %dma_wait3A_392 = tpu.memref_squeeze %dma_wait3A_391 : memref<1x80x128xf32, #tpu.memory_space<vmem>> -> memref<80x128xf32, #tpu.memory_space<vmem>>
      %dma_wait3A_393 = arith.constant 0 : i32
      %dma_wait3A_394 = tpu.memref_slice %arg6[%dma_wait3A_388, %dma_wait3A_393] : memref<3x80xi32, #tpu.memory_space<vmem>> -> memref<1x80xi32, #tpu.memory_space<vmem>>
      %dma_wait3A_395 = tpu.memref_squeeze %dma_wait3A_394 : memref<1x80xi32, #tpu.memory_space<vmem>> -> memref<80xi32, #tpu.memory_space<vmem>>
      %dma_wait3A_396 = arith.constant 0 : i32
      %dma_wait3A_397 = arith.constant 0 : i32
      %dma_wait3A_398 = tpu.memref_slice %arg15[%dma_wait3A_396, %dma_wait3A_397] : memref<10000x128xf32, #tpu.memory_space<vmem_shared>> -> memref<10000x128xf32, #tpu.memory_space<vmem_shared>>
      tpu.wait_indirect_dma semaphore(%arg12 : memref<!tpu.dma_semaphore, #tpu.memory_space<semaphore_mem>>) src(%dma_wait3A_392 : memref<80x128xf32, #tpu.memory_space<vmem>>) dst(%dma_wait3A_398 : memref<10000x128xf32, #tpu.memory_space<vmem_shared>>)
      %dma_wait3A_399 = arith.constant 2 : i32
      %dma_wait3A_400 = arith.constant 2 : i32
      %dma_wait3A_401 = arith.constant 0 : i32
      %dma_wait3A_402 = arith.constant 0 : i32
      %dma_wait3A_403 = tpu.memref_slice %arg7[%dma_wait3A_399, %dma_wait3A_401, %dma_wait3A_402] : memref<3x80x128xf32, #tpu.memory_space<vmem>> -> memref<1x80x128xf32, #tpu.memory_space<vmem>>
      %dma_wait3A_404 = tpu.memref_squeeze %dma_wait3A_403 : memref<1x80x128xf32, #tpu.memory_space<vmem>> -> memref<80x128xf32, #tpu.memory_space<vmem>>
      %dma_wait3A_405 = arith.constant 0 : i32
      %dma_wait3A_406 = tpu.memref_slice %arg6[%dma_wait3A_400, %dma_wait3A_405] : memref<3x80xi32, #tpu.memory_space<vmem>> -> memref<1x80xi32, #tpu.memory_space<vmem>>
      %dma_wait3A_407 = tpu.memref_squeeze %dma_wait3A_406 : memref<1x80xi32, #tpu.memory_space<vmem>> -> memref<80xi32, #tpu.memory_space<vmem>>
      %dma_wait3A_408 = arith.constant 0 : i32
      %dma_wait3A_409 = arith.constant 0 : i32
      %dma_wait3A_410 = tpu.memref_slice %arg15[%dma_wait3A_408, %dma_wait3A_409] : memref<10000x128xf32, #tpu.memory_space<vmem_shared>> -> memref<10000x128xf32, #tpu.memory_space<vmem_shared>>
      tpu.wait_indirect_dma semaphore(%arg13 : memref<!tpu.dma_semaphore, #tpu.memory_space<semaphore_mem>>) src(%dma_wait3A_404 : memref<80x128xf32, #tpu.memory_space<vmem>>) dst(%dma_wait3A_410 : memref<10000x128xf32, #tpu.memory_space<vmem_shared>>)
    }
    %scan3A_21 = arith.constant 41 : i32
    %mul3A_22 = arith.constant 125 : i32
    %mul3A_23 = arith.muli %add3A, %mul3A_22 : i32
    %add3A_24 = arith.constant 123 : i32
    %add3A_25 = arith.addi %mul3A_23, %add3A_24 : i32
    %add3A_26 = arith.constant 0 : i32
    %add3A_27 = arith.addi %add3A_25, %add3A_26 : i32
    %mul3A_28 = arith.constant 80 : i32
    %mul3A_29 = arith.muli %add3A_27, %mul3A_28 : i32
    %dma_start3A = arith.constant 1 : i32
    %dma_start3A_30 = arith.constant 0 : i32
    %dma_start3A_31 = arith.constant 0 : i32
    %dma_start3A_32 = tpu.memref_slice %arg6[%dma_start3A_30, %dma_start3A_31] : memref<3x80xi32, #tpu.memory_space<vmem>> -> memref<1x80xi32, #tpu.memory_space<vmem>>
    %dma_start3A_33 = tpu.memref_squeeze %dma_start3A_32 : memref<1x80xi32, #tpu.memory_space<vmem>> -> memref<80xi32, #tpu.memory_space<vmem>>
    %dma_start3A_34 = tpu.memref_slice %arg3[%dma_start3A, %mul3A_29] : memref<2x320000xi32, #tpu.memory_space<hbm>> -> memref<1x80xi32, #tpu.memory_space<hbm>>
    %dma_start3A_35 = tpu.memref_squeeze %dma_start3A_34 : memref<1x80xi32, #tpu.memory_space<hbm>> -> memref<80xi32, #tpu.memory_space<hbm>>
    %dma_start3A_36 = arith.constant 0 : i32
    %dma_start3A_37 = tpu.memref_slice %arg6[%dma_start3A_30, %dma_start3A_36] : memref<3x80xi32, #tpu.memory_space<vmem>> -> memref<1x80xi32, #tpu.memory_space<vmem>>
    %dma_start3A_38 = tpu.memref_squeeze %dma_start3A_37 : memref<1x80xi32, #tpu.memory_space<vmem>> -> memref<80xi32, #tpu.memory_space<vmem>>
    %dma_start3A_39 = tpu.memref_slice %arg3[%dma_start3A, %mul3A_29] : memref<2x320000xi32, #tpu.memory_space<hbm>> -> memref<1x80xi32, #tpu.memory_space<hbm>>
    %dma_start3A_40 = tpu.memref_squeeze %dma_start3A_39 : memref<1x80xi32, #tpu.memory_space<hbm>> -> memref<80xi32, #tpu.memory_space<hbm>>
    tpu.enqueue_dma source(%dma_start3A_40 : memref<80xi32, #tpu.memory_space<hbm>>) target(%dma_start3A_38 : memref<80xi32, #tpu.memory_space<vmem>>) target_semaphore(%arg14 : memref<!tpu.dma_semaphore, #tpu.memory_space<semaphore_mem>>)
    %mul3A_41 = arith.constant 125 : i32
    %mul3A_42 = arith.muli %add3A, %mul3A_41 : i32
    %add3A_43 = arith.constant 123 : i32
    %add3A_44 = arith.addi %mul3A_42, %add3A_43 : i32
    %add3A_45 = arith.constant 1 : i32
    %add3A_46 = arith.addi %add3A_44, %add3A_45 : i32
    %mul3A_47 = arith.constant 80 : i32
    %mul3A_48 = arith.muli %add3A_46, %mul3A_47 : i32
    %dma_start3A_49 = arith.constant 1 : i32
    %dma_start3A_50 = arith.constant 1 : i32
    %dma_start3A_51 = arith.constant 0 : i32
    %dma_start3A_52 = tpu.memref_slice %arg6[%dma_start3A_50, %dma_start3A_51] : memref<3x80xi32, #tpu.memory_space<vmem>> -> memref<1x80xi32, #tpu.memory_space<vmem>>
    %dma_start3A_53 = tpu.memref_squeeze %dma_start3A_52 : memref<1x80xi32, #tpu.memory_space<vmem>> -> memref<80xi32, #tpu.memory_space<vmem>>
    %dma_start3A_54 = tpu.memref_slice %arg3[%dma_start3A_49, %mul3A_48] : memref<2x320000xi32, #tpu.memory_space<hbm>> -> memref<1x80xi32, #tpu.memory_space<hbm>>
    %dma_start3A_55 = tpu.memref_squeeze %dma_start3A_54 : memref<1x80xi32, #tpu.memory_space<hbm>> -> memref<80xi32, #tpu.memory_space<hbm>>
    %dma_start3A_56 = arith.constant 0 : i32
    %dma_start3A_57 = tpu.memref_slice %arg6[%dma_start3A_50, %dma_start3A_56] : memref<3x80xi32, #tpu.memory_space<vmem>> -> memref<1x80xi32, #tpu.memory_space<vmem>>
    %dma_start3A_58 = tpu.memref_squeeze %dma_start3A_57 : memref<1x80xi32, #tpu.memory_space<vmem>> -> memref<80xi32, #tpu.memory_space<vmem>>
    %dma_start3A_59 = tpu.memref_slice %arg3[%dma_start3A_49, %mul3A_48] : memref<2x320000xi32, #tpu.memory_space<hbm>> -> memref<1x80xi32, #tpu.memory_space<hbm>>
    %dma_start3A_60 = tpu.memref_squeeze %dma_start3A_59 : memref<1x80xi32, #tpu.memory_space<hbm>> -> memref<80xi32, #tpu.memory_space<hbm>>
    tpu.enqueue_dma source(%dma_start3A_60 : memref<80xi32, #tpu.memory_space<hbm>>) target(%dma_start3A_58 : memref<80xi32, #tpu.memory_space<vmem>>) target_semaphore(%arg14 : memref<!tpu.dma_semaphore, #tpu.memory_space<semaphore_mem>>)
    %dma_start3A_61 = arith.constant 0 : i32
    %dma_start3A_62 = arith.constant 0 : i32
    %dma_start3A_63 = arith.constant 0 : i32
    %dma_start3A_64 = tpu.memref_slice %arg7[%dma_start3A_61, %dma_start3A_62, %dma_start3A_63] : memref<3x80x128xf32, #tpu.memory_space<vmem>> -> memref<1x80x128xf32, #tpu.memory_space<vmem>>
    %dma_start3A_65 = tpu.memref_squeeze %dma_start3A_64 : memref<1x80x128xf32, #tpu.memory_space<vmem>> -> memref<80x128xf32, #tpu.memory_space<vmem>>
    %dma_start3A_66 = arith.constant 9840 : i32
    %dma_start3A_67 = tpu.memref_slice %arg5[%dma_start3A_66] : memref<10000xi32, #tpu.memory_space<vmem>> -> memref<80xi32, #tpu.memory_space<vmem>>
    %dma_start3A_68 = arith.constant 0 : i32
    %dma_start3A_69 = arith.constant 0 : i32
    %dma_start3A_70 = tpu.memref_slice %arg2[%dma_start3A_68, %dma_start3A_69] : memref<10000x128xf32, #tpu.memory_space<hbm>> -> memref<10000x128xf32, #tpu.memory_space<hbm>>
    tpu.enqueue_indirect_dma source(%dma_start3A_70 : memref<10000x128xf32, #tpu.memory_space<hbm>>) target(%dma_start3A_65 : memref<80x128xf32, #tpu.memory_space<vmem>>) offsets(%dma_start3A_67 : memref<80xi32, #tpu.memory_space<vmem>>) semaphore(%arg8 : memref<!tpu.dma_semaphore, #tpu.memory_space<semaphore_mem>>)
    %dma_start3A_71 = arith.constant 1 : i32
    %dma_start3A_72 = arith.constant 0 : i32
    %dma_start3A_73 = arith.constant 0 : i32
    %dma_start3A_74 = tpu.memref_slice %arg7[%dma_start3A_71, %dma_start3A_72, %dma_start3A_73] : memref<3x80x128xf32, #tpu.memory_space<vmem>> -> memref<1x80x128xf32, #tpu.memory_space<vmem>>
    %dma_start3A_75 = tpu.memref_squeeze %dma_start3A_74 : memref<1x80x128xf32, #tpu.memory_space<vmem>> -> memref<80x128xf32, #tpu.memory_space<vmem>>
    %dma_start3A_76 = arith.constant 9920 : i32
    %dma_start3A_77 = tpu.memref_slice %arg5[%dma_start3A_76] : memref<10000xi32, #tpu.memory_space<vmem>> -> memref<80xi32, #tpu.memory_space<vmem>>
    %dma_start3A_78 = arith.constant 0 : i32
    %dma_start3A_79 = arith.constant 0 : i32
    %dma_start3A_80 = tpu.memref_slice %arg2[%dma_start3A_78, %dma_start3A_79] : memref<10000x128xf32, #tpu.memory_space<hbm>> -> memref<10000x128xf32, #tpu.memory_space<hbm>>
    tpu.enqueue_indirect_dma source(%dma_start3A_80 : memref<10000x128xf32, #tpu.memory_space<hbm>>) target(%dma_start3A_75 : memref<80x128xf32, #tpu.memory_space<vmem>>) offsets(%dma_start3A_77 : memref<80xi32, #tpu.memory_space<vmem>>) semaphore(%arg9 : memref<!tpu.dma_semaphore, #tpu.memory_space<semaphore_mem>>)
    %dma_wait3A = arith.constant 1 : i32
    %dma_wait3A_81 = arith.constant 0 : i32
    %dma_wait3A_82 = arith.constant 0 : i32
    %dma_wait3A_83 = tpu.memref_slice %arg6[%dma_wait3A_81, %dma_wait3A_82] : memref<3x80xi32, #tpu.memory_space<vmem>> -> memref<1x80xi32, #tpu.memory_space<vmem>>
    %dma_wait3A_84 = tpu.memref_squeeze %dma_wait3A_83 : memref<1x80xi32, #tpu.memory_space<vmem>> -> memref<80xi32, #tpu.memory_space<vmem>>
    %dma_wait3A_85 = tpu.memref_slice %arg3[%dma_wait3A, %mul3A_29] : memref<2x320000xi32, #tpu.memory_space<hbm>> -> memref<1x80xi32, #tpu.memory_space<hbm>>
    %dma_wait3A_86 = tpu.memref_squeeze %dma_wait3A_85 : memref<1x80xi32, #tpu.memory_space<hbm>> -> memref<80xi32, #tpu.memory_space<hbm>>
    %dma_wait3A_87 = arith.constant 0 : i32
    %dma_wait3A_88 = tpu.memref_slice %arg6[%dma_wait3A_81, %dma_wait3A_87] : memref<3x80xi32, #tpu.memory_space<vmem>> -> memref<1x80xi32, #tpu.memory_space<vmem>>
    %dma_wait3A_89 = tpu.memref_squeeze %dma_wait3A_88 : memref<1x80xi32, #tpu.memory_space<vmem>> -> memref<80xi32, #tpu.memory_space<vmem>>
    %dma_wait3A_90 = tpu.memref_slice %arg3[%dma_wait3A, %mul3A_29] : memref<2x320000xi32, #tpu.memory_space<hbm>> -> memref<1x80xi32, #tpu.memory_space<hbm>>
    %dma_wait3A_91 = tpu.memref_squeeze %dma_wait3A_90 : memref<1x80xi32, #tpu.memory_space<hbm>> -> memref<80xi32, #tpu.memory_space<hbm>>
    tpu.wait_dma2 semaphore(%arg14 : memref<!tpu.dma_semaphore, #tpu.memory_space<semaphore_mem>>) src(%dma_wait3A_91 : memref<80xi32, #tpu.memory_space<hbm>>) dst(%dma_wait3A_89 : memref<80xi32, #tpu.memory_space<vmem>>)
    %dma_wait3A_92 = arith.constant 1 : i32
    %dma_wait3A_93 = arith.constant 1 : i32
    %dma_wait3A_94 = arith.constant 0 : i32
    %dma_wait3A_95 = tpu.memref_slice %arg6[%dma_wait3A_93, %dma_wait3A_94] : memref<3x80xi32, #tpu.memory_space<vmem>> -> memref<1x80xi32, #tpu.memory_space<vmem>>
    %dma_wait3A_96 = tpu.memref_squeeze %dma_wait3A_95 : memref<1x80xi32, #tpu.memory_space<vmem>> -> memref<80xi32, #tpu.memory_space<vmem>>
    %dma_wait3A_97 = tpu.memref_slice %arg3[%dma_wait3A_92, %mul3A_48] : memref<2x320000xi32, #tpu.memory_space<hbm>> -> memref<1x80xi32, #tpu.memory_space<hbm>>
    %dma_wait3A_98 = tpu.memref_squeeze %dma_wait3A_97 : memref<1x80xi32, #tpu.memory_space<hbm>> -> memref<80xi32, #tpu.memory_space<hbm>>
    %dma_wait3A_99 = arith.constant 0 : i32
    %dma_wait3A_100 = tpu.memref_slice %arg6[%dma_wait3A_93, %dma_wait3A_99] : memref<3x80xi32, #tpu.memory_space<vmem>> -> memref<1x80xi32, #tpu.memory_space<vmem>>
    %dma_wait3A_101 = tpu.memref_squeeze %dma_wait3A_100 : memref<1x80xi32, #tpu.memory_space<vmem>> -> memref<80xi32, #tpu.memory_space<vmem>>
    %dma_wait3A_102 = tpu.memref_slice %arg3[%dma_wait3A_92, %mul3A_48] : memref<2x320000xi32, #tpu.memory_space<hbm>> -> memref<1x80xi32, #tpu.memory_space<hbm>>
    %dma_wait3A_103 = tpu.memref_squeeze %dma_wait3A_102 : memref<1x80xi32, #tpu.memory_space<hbm>> -> memref<80xi32, #tpu.memory_space<hbm>>
    tpu.wait_dma2 semaphore(%arg14 : memref<!tpu.dma_semaphore, #tpu.memory_space<semaphore_mem>>) src(%dma_wait3A_103 : memref<80xi32, #tpu.memory_space<hbm>>) dst(%dma_wait3A_101 : memref<80xi32, #tpu.memory_space<vmem>>)
    %dma_wait3A_104 = arith.constant 0 : i32
    %dma_wait3A_105 = arith.constant 0 : i32
    %dma_wait3A_106 = arith.constant 0 : i32
    %dma_wait3A_107 = tpu.memref_slice %arg7[%dma_wait3A_104, %dma_wait3A_105, %dma_wait3A_106] : memref<3x80x128xf32, #tpu.memory_space<vmem>> -> memref<1x80x128xf32, #tpu.memory_space<vmem>>
    %dma_wait3A_108 = tpu.memref_squeeze %dma_wait3A_107 : memref<1x80x128xf32, #tpu.memory_space<vmem>> -> memref<80x128xf32, #tpu.memory_space<vmem>>
    %dma_wait3A_109 = arith.constant 9840 : i32
    %dma_wait3A_110 = tpu.memref_slice %arg5[%dma_wait3A_109] : memref<10000xi32, #tpu.memory_space<vmem>> -> memref<80xi32, #tpu.memory_space<vmem>>
    %dma_wait3A_111 = arith.constant 0 : i32
    %dma_wait3A_112 = arith.constant 0 : i32
    %dma_wait3A_113 = tpu.memref_slice %arg2[%dma_wait3A_111, %dma_wait3A_112] : memref<10000x128xf32, #tpu.memory_space<hbm>> -> memref<10000x128xf32, #tpu.memory_space<hbm>>
    tpu.wait_indirect_dma semaphore(%arg8 : memref<!tpu.dma_semaphore, #tpu.memory_space<semaphore_mem>>) src(%dma_wait3A_113 : memref<10000x128xf32, #tpu.memory_space<hbm>>) dst(%dma_wait3A_108 : memref<80x128xf32, #tpu.memory_space<vmem>>)
    %dma_start3A_114 = arith.constant 0 : i32
    %dma_start3A_115 = arith.constant 0 : i32
    %dma_start3A_116 = arith.constant 0 : i32
    %dma_start3A_117 = arith.constant 0 : i32
    %dma_start3A_118 = tpu.memref_slice %arg7[%dma_start3A_114, %dma_start3A_116, %dma_start3A_117] : memref<3x80x128xf32, #tpu.memory_space<vmem>> -> memref<1x80x128xf32, #tpu.memory_space<vmem>>
    %dma_start3A_119 = tpu.memref_squeeze %dma_start3A_118 : memref<1x80x128xf32, #tpu.memory_space<vmem>> -> memref<80x128xf32, #tpu.memory_space<vmem>>
    %dma_start3A_120 = arith.constant 0 : i32
    %dma_start3A_121 = tpu.memref_slice %arg6[%dma_start3A_115, %dma_start3A_120] : memref<3x80xi32, #tpu.memory_space<vmem>> -> memref<1x80xi32, #tpu.memory_space<vmem>>
    %dma_start3A_122 = tpu.memref_squeeze %dma_start3A_121 : memref<1x80xi32, #tpu.memory_space<vmem>> -> memref<80xi32, #tpu.memory_space<vmem>>
    %dma_start3A_123 = arith.constant 0 : i32
    %dma_start3A_124 = arith.constant 0 : i32
    %dma_start3A_125 = tpu.memref_slice %arg15[%dma_start3A_123, %dma_start3A_124] : memref<10000x128xf32, #tpu.memory_space<vmem_shared>> -> memref<10000x128xf32, #tpu.memory_space<vmem_shared>>
    tpu.enqueue_indirect_dma source(%dma_start3A_119 : memref<80x128xf32, #tpu.memory_space<vmem>>) target(%dma_start3A_125 : memref<10000x128xf32, #tpu.memory_space<vmem_shared>>) offsets(%dma_start3A_122 : memref<80xi32, #tpu.memory_space<vmem>>) semaphore(%arg11 : memref<!tpu.dma_semaphore, #tpu.memory_space<semaphore_mem>>) {add = true}
    %dma_wait3A_126 = arith.constant 1 : i32
    %dma_wait3A_127 = arith.constant 0 : i32
    %dma_wait3A_128 = arith.constant 0 : i32
    %dma_wait3A_129 = tpu.memref_slice %arg7[%dma_wait3A_126, %dma_wait3A_127, %dma_wait3A_128] : memref<3x80x128xf32, #tpu.memory_space<vmem>> -> memref<1x80x128xf32, #tpu.memory_space<vmem>>
    %dma_wait3A_130 = tpu.memref_squeeze %dma_wait3A_129 : memref<1x80x128xf32, #tpu.memory_space<vmem>> -> memref<80x128xf32, #tpu.memory_space<vmem>>
    %dma_wait3A_131 = arith.constant 9920 : i32
    %dma_wait3A_132 = tpu.memref_slice %arg5[%dma_wait3A_131] : memref<10000xi32, #tpu.memory_space<vmem>> -> memref<80xi32, #tpu.memory_space<vmem>>
    %dma_wait3A_133 = arith.constant 0 : i32
    %dma_wait3A_134 = arith.constant 0 : i32
    %dma_wait3A_135 = tpu.memref_slice %arg2[%dma_wait3A_133, %dma_wait3A_134] : memref<10000x128xf32, #tpu.memory_space<hbm>> -> memref<10000x128xf32, #tpu.memory_space<hbm>>
    tpu.wait_indirect_dma semaphore(%arg9 : memref<!tpu.dma_semaphore, #tpu.memory_space<semaphore_mem>>) src(%dma_wait3A_135 : memref<10000x128xf32, #tpu.memory_space<hbm>>) dst(%dma_wait3A_130 : memref<80x128xf32, #tpu.memory_space<vmem>>)
    %dma_start3A_136 = arith.constant 1 : i32
    %dma_start3A_137 = arith.constant 1 : i32
    %dma_start3A_138 = arith.constant 0 : i32
    %dma_start3A_139 = arith.constant 0 : i32
    %dma_start3A_140 = tpu.memref_slice %arg7[%dma_start3A_136, %dma_start3A_138, %dma_start3A_139] : memref<3x80x128xf32, #tpu.memory_space<vmem>> -> memref<1x80x128xf32, #tpu.memory_space<vmem>>
    %dma_start3A_141 = tpu.memref_squeeze %dma_start3A_140 : memref<1x80x128xf32, #tpu.memory_space<vmem>> -> memref<80x128xf32, #tpu.memory_space<vmem>>
    %dma_start3A_142 = arith.constant 0 : i32
    %dma_start3A_143 = tpu.memref_slice %arg6[%dma_start3A_137, %dma_start3A_142] : memref<3x80xi32, #tpu.memory_space<vmem>> -> memref<1x80xi32, #tpu.memory_space<vmem>>
    %dma_start3A_144 = tpu.memref_squeeze %dma_start3A_143 : memref<1x80xi32, #tpu.memory_space<vmem>> -> memref<80xi32, #tpu.memory_space<vmem>>
    %dma_start3A_145 = arith.constant 0 : i32
    %dma_start3A_146 = arith.constant 0 : i32
    %dma_start3A_147 = tpu.memref_slice %arg15[%dma_start3A_145, %dma_start3A_146] : memref<10000x128xf32, #tpu.memory_space<vmem_shared>> -> memref<10000x128xf32, #tpu.memory_space<vmem_shared>>
    tpu.enqueue_indirect_dma source(%dma_start3A_141 : memref<80x128xf32, #tpu.memory_space<vmem>>) target(%dma_start3A_147 : memref<10000x128xf32, #tpu.memory_space<vmem_shared>>) offsets(%dma_start3A_144 : memref<80xi32, #tpu.memory_space<vmem>>) semaphore(%arg12 : memref<!tpu.dma_semaphore, #tpu.memory_space<semaphore_mem>>) {add = true}
    %dma_wait3A_148 = arith.constant 0 : i32
    %dma_wait3A_149 = arith.constant 0 : i32
    %dma_wait3A_150 = arith.constant 0 : i32
    %dma_wait3A_151 = arith.constant 0 : i32
    %dma_wait3A_152 = tpu.memref_slice %arg7[%dma_wait3A_148, %dma_wait3A_150, %dma_wait3A_151] : memref<3x80x128xf32, #tpu.memory_space<vmem>> -> memref<1x80x128xf32, #tpu.memory_space<vmem>>
    %dma_wait3A_153 = tpu.memref_squeeze %dma_wait3A_152 : memref<1x80x128xf32, #tpu.memory_space<vmem>> -> memref<80x128xf32, #tpu.memory_space<vmem>>
    %dma_wait3A_154 = arith.constant 0 : i32
    %dma_wait3A_155 = tpu.memref_slice %arg6[%dma_wait3A_149, %dma_wait3A_154] : memref<3x80xi32, #tpu.memory_space<vmem>> -> memref<1x80xi32, #tpu.memory_space<vmem>>
    %dma_wait3A_156 = tpu.memref_squeeze %dma_wait3A_155 : memref<1x80xi32, #tpu.memory_space<vmem>> -> memref<80xi32, #tpu.memory_space<vmem>>
    %dma_wait3A_157 = arith.constant 0 : i32
    %dma_wait3A_158 = arith.constant 0 : i32
    %dma_wait3A_159 = tpu.memref_slice %arg15[%dma_wait3A_157, %dma_wait3A_158] : memref<10000x128xf32, #tpu.memory_space<vmem_shared>> -> memref<10000x128xf32, #tpu.memory_space<vmem_shared>>
    tpu.wait_indirect_dma semaphore(%arg11 : memref<!tpu.dma_semaphore, #tpu.memory_space<semaphore_mem>>) src(%dma_wait3A_153 : memref<80x128xf32, #tpu.memory_space<vmem>>) dst(%dma_wait3A_159 : memref<10000x128xf32, #tpu.memory_space<vmem_shared>>)
    %dma_wait3A_160 = arith.constant 1 : i32
    %dma_wait3A_161 = arith.constant 1 : i32
    %dma_wait3A_162 = arith.constant 0 : i32
    %dma_wait3A_163 = arith.constant 0 : i32
    %dma_wait3A_164 = tpu.memref_slice %arg7[%dma_wait3A_160, %dma_wait3A_162, %dma_wait3A_163] : memref<3x80x128xf32, #tpu.memory_space<vmem>> -> memref<1x80x128xf32, #tpu.memory_space<vmem>>
    %dma_wait3A_165 = tpu.memref_squeeze %dma_wait3A_164 : memref<1x80x128xf32, #tpu.memory_space<vmem>> -> memref<80x128xf32, #tpu.memory_space<vmem>>
    %dma_wait3A_166 = arith.constant 0 : i32
    %dma_wait3A_167 = tpu.memref_slice %arg6[%dma_wait3A_161, %dma_wait3A_166] : memref<3x80xi32, #tpu.memory_space<vmem>> -> memref<1x80xi32, #tpu.memory_space<vmem>>
    %dma_wait3A_168 = tpu.memref_squeeze %dma_wait3A_167 : memref<1x80xi32, #tpu.memory_space<vmem>> -> memref<80xi32, #tpu.memory_space<vmem>>
    %dma_wait3A_169 = arith.constant 0 : i32
    %dma_wait3A_170 = arith.constant 0 : i32
    %dma_wait3A_171 = tpu.memref_slice %arg15[%dma_wait3A_169, %dma_wait3A_170] : memref<10000x128xf32, #tpu.memory_space<vmem_shared>> -> memref<10000x128xf32, #tpu.memory_space<vmem_shared>>
    tpu.wait_indirect_dma semaphore(%arg12 : memref<!tpu.dma_semaphore, #tpu.memory_space<semaphore_mem>>) src(%dma_wait3A_165 : memref<80x128xf32, #tpu.memory_space<vmem>>) dst(%dma_wait3A_171 : memref<10000x128xf32, #tpu.memory_space<vmem_shared>>)
    %barrier3A_172 = arith.constant 0 : index
    tpu.barrier barrier_id(%barrier3A_172)
    %mul3A_173 = arith.constant 625 : i32
    %mul3A_174 = arith.muli %arg1, %mul3A_173 : i32
    %mul3A_175 = arith.constant 625 : i32
    %mul3A_176 = arith.muli %arg1, %mul3A_175 : i32
    "tpu.region"() ({
      %run_scoped3A_177 = tpu.sem_alloc : memref<!tpu.dma_semaphore, #tpu.memory_space<semaphore_mem>>
      %dma_start3A_178 = arith.constant 0 : i32
      %dma_start3A_179 = tpu.memref_slice %arg4[%arg0, %mul3A_176, %dma_start3A_178] : memref<2x10000x128xf32, #tpu.memory_space<hbm>> -> memref<1x625x128xf32, #tpu.memory_space<hbm>>
      %dma_start3A_180 = tpu.memref_squeeze %dma_start3A_179 : memref<1x625x128xf32, #tpu.memory_space<hbm>> -> memref<625x128xf32, #tpu.memory_space<hbm>>
      %dma_start3A_181 = arith.constant 0 : i32
      %dma_start3A_182 = tpu.memref_slice %arg15[%mul3A_174, %dma_start3A_181] : memref<10000x128xf32, #tpu.memory_space<vmem_shared>> -> memref<625x128xf32, #tpu.memory_space<vmem_shared>>
      tpu.enqueue_dma source(%dma_start3A_182 : memref<625x128xf32, #tpu.memory_space<vmem_shared>>) target(%dma_start3A_180 : memref<625x128xf32, #tpu.memory_space<hbm>>) target_semaphore(%run_scoped3A_177 : memref<!tpu.dma_semaphore, #tpu.memory_space<semaphore_mem>>)
      %dma_wait3A_183 = arith.constant 0 : i32
      %dma_wait3A_184 = tpu.memref_slice %arg4[%arg0, %mul3A_176, %dma_wait3A_183] : memref<2x10000x128xf32, #tpu.memory_space<hbm>> -> memref<1x625x128xf32, #tpu.memory_space<hbm>>
      %dma_wait3A_185 = tpu.memref_squeeze %dma_wait3A_184 : memref<1x625x128xf32, #tpu.memory_space<hbm>> -> memref<625x128xf32, #tpu.memory_space<hbm>>
      %dma_wait3A_186 = arith.constant 0 : i32
      %dma_wait3A_187 = tpu.memref_slice %arg15[%mul3A_174, %dma_wait3A_186] : memref<10000x128xf32, #tpu.memory_space<vmem_shared>> -> memref<625x128xf32, #tpu.memory_space<vmem_shared>>
      tpu.wait_dma2 semaphore(%run_scoped3A_177 : memref<!tpu.dma_semaphore, #tpu.memory_space<semaphore_mem>>) src(%dma_wait3A_187 : memref<625x128xf32, #tpu.memory_space<vmem_shared>>) dst(%dma_wait3A_185 : memref<625x128xf32, #tpu.memory_space<hbm>>)
      tpu.yield
    }) : () -> ()
    return
  }
}

module attributes {stable_mosaic.version = 14 : i64} {
  func.func @_tcA_body(%arg0: i32, %arg1: memref<2x1000x128xf32, #tpu.memory_space<vmem>>, %arg2: memref<2x1000x16xf32, #tpu.memory_space<vmem>>, %arg3: memref<2x1000x8xf32, #tpu.memory_space<vmem>>, %arg4: memref<8x128xf32, #tpu.memory_space<vmem>>, %arg5: memref<1x128xf32, #tpu.memory_space<vmem>>, %arg6: memref<1x128xf32, #tpu.memory_space<vmem>>, %arg7: memref<128x128xf32, #tpu.memory_space<vmem>>, %arg8: memref<16x128xf32, #tpu.memory_space<vmem>>, %arg9: memref<1x128xf32, #tpu.memory_space<vmem>>, %arg10: memref<1x128xf32, #tpu.memory_space<vmem>>, %arg11: memref<1x128xf32, #tpu.memory_space<vmem>>, %arg12: memref<1000x128xf32, #tpu.memory_space<vmem>>, %arg13: memref<8x128xf32, #tpu.memory_space<vmem>>, %arg14: memref<8x128xf32, #tpu.memory_space<vmem>>) attributes {dimension_semantics = [#tpu.dimension_semantics<arbitrary>], iteration_bounds = array<i64: 10>, scalar_prefetch = 0 : i64, scratch_operands = 1 : i64, tpu.core_type = #tpu.core_type<tc>, window_params = [{transform_indices = @transform_0, window_bounds = array<i64: 2, 1000, 128>}, {transform_indices = @transform_1, window_bounds = array<i64: 2, 1000, 16>}, {transform_indices = @transform_2, window_bounds = array<i64: 2, 1000, 8>}, {pipeline_mode = #tpu.pipeline_mode<synchronous>, transform_indices = @transform_3, window_bounds = array<i64: 8, 128>}, {pipeline_mode = #tpu.pipeline_mode<synchronous>, transform_indices = @transform_4, window_bounds = array<i64: 1, 128>}, {pipeline_mode = #tpu.pipeline_mode<synchronous>, transform_indices = @transform_5, window_bounds = array<i64: 1, 128>}, {pipeline_mode = #tpu.pipeline_mode<synchronous>, transform_indices = @transform_6, window_bounds = array<i64: 128, 128>}, {pipeline_mode = #tpu.pipeline_mode<synchronous>, transform_indices = @transform_7, window_bounds = array<i64: 16, 128>}, {pipeline_mode = #tpu.pipeline_mode<synchronous>, transform_indices = @transform_8, window_bounds = array<i64: 1, 128>}, {pipeline_mode = #tpu.pipeline_mode<synchronous>, transform_indices = @transform_9, window_bounds = array<i64: 1, 128>}, {pipeline_mode = #tpu.pipeline_mode<synchronous>, transform_indices = @transform_10, window_bounds = array<i64: 1, 128>}, {transform_indices = @transform_11, window_bounds = array<i64: 1000, 128>}, {pipeline_mode = #tpu.pipeline_mode<synchronous>, transform_indices = @transform_12, window_bounds = array<i64: 8, 128>}]} {
    %get3A = arith.constant 0 : index
    %get3A_0 = arith.constant 0 : index
    %get3A_1 = vector.load %arg4[%get3A, %get3A_0] : memref<8x128xf32, #tpu.memory_space<vmem>>, vector<1x128xf32>
    %mul3A = arith.constant 9.99999974E-5 : f32
    %mul3A_2 = vector.broadcast %mul3A : f32 to vector<1x128xf32>
    %mul3A_3 = arith.mulf %get3A_1, %mul3A_2 : vector<1x128xf32>
    %get3A_4 = arith.constant 1 : index
    %get3A_5 = arith.constant 0 : index
    %get3A_6 = vector.load %arg4[%get3A_4, %get3A_5] : memref<8x128xf32, #tpu.memory_space<vmem>>, vector<1x128xf32>
    %mul3A_7 = arith.constant 9.99999974E-5 : f32
    %mul3A_8 = vector.broadcast %mul3A_7 : f32 to vector<1x128xf32>
    %mul3A_9 = arith.mulf %get3A_6, %mul3A_8 : vector<1x128xf32>
    %mul3A_10 = arith.mulf %mul3A_3, %mul3A_3 : vector<1x128xf32>
    %sub3A = arith.subf %mul3A_9, %mul3A_10 : vector<1x128xf32>
    %get3A_11 = arith.constant 0 : index
    %get3A_12 = arith.constant 0 : index
    %get3A_13 = vector.load %arg5[%get3A_11, %get3A_12] : memref<1x128xf32, #tpu.memory_space<vmem>>, vector<1x128xf32>
    %add3A = arith.constant 9.99999974E-6 : f32
    %add3A_14 = vector.broadcast %add3A : f32 to vector<1x128xf32>
    %add3A_15 = arith.addf %sub3A, %add3A_14 : vector<1x128xf32>
    %rsqrt3A = math.rsqrt %add3A_15 : vector<1x128xf32>
    %mul3A_16 = arith.mulf %get3A_13, %rsqrt3A : vector<1x128xf32>
    %get3A_17 = arith.constant 0 : index
    %get3A_18 = arith.constant 0 : index
    %get3A_19 = vector.load %arg6[%get3A_17, %get3A_18] : memref<1x128xf32, #tpu.memory_space<vmem>>, vector<1x128xf32>
    %mul3A_20 = arith.mulf %mul3A_3, %mul3A_16 : vector<1x128xf32>
    %sub3A_21 = arith.subf %get3A_19, %mul3A_20 : vector<1x128xf32>
    %get3A_22 = arith.constant 0 : index
    %get3A_23 = arith.constant 0 : index
    %get3A_24 = arith.constant 0 : index
    %get3A_25 = vector.load %arg3[%get3A_22, %get3A_23, %get3A_24] : memref<2x1000x8xf32, #tpu.memory_space<vmem>>, vector<1x1000x8xf32>
    %get3A_26 = vector.shape_cast %get3A_25 : vector<1x1000x8xf32> to vector<1000x8xf32>
    %get3A_27 = arith.constant 1 : index
    %get3A_28 = arith.constant 0 : index
    %get3A_29 = arith.constant 0 : index
    %get3A_30 = vector.load %arg3[%get3A_27, %get3A_28, %get3A_29] : memref<2x1000x8xf32, #tpu.memory_space<vmem>>, vector<1x1000x8xf32>
    %get3A_31 = vector.shape_cast %get3A_30 : vector<1x1000x8xf32> to vector<1000x8xf32>
    %add3A_32 = arith.addf %get3A_26, %get3A_31 : vector<1000x8xf32>
    %slice3A = vector.extract_strided_slice %add3A_32 {offsets = [0, 0], sizes = [1000, 1], strides = [1, 1]} : vector<1000x8xf32> to vector<1000x1xf32>
    %get3A_33 = arith.constant 0 : index
    %get3A_34 = arith.constant 0 : index
    %get3A_35 = arith.constant 0 : index
    %get3A_36 = vector.load %arg1[%get3A_33, %get3A_34, %get3A_35] : memref<2x1000x128xf32, #tpu.memory_space<vmem>>, vector<1x1000x128xf32>
    %get3A_37 = vector.shape_cast %get3A_36 : vector<1x1000x128xf32> to vector<1000x128xf32>
    %get3A_38 = arith.constant 1 : index
    %get3A_39 = arith.constant 0 : index
    %get3A_40 = arith.constant 0 : index
    %get3A_41 = vector.load %arg1[%get3A_38, %get3A_39, %get3A_40] : memref<2x1000x128xf32, #tpu.memory_space<vmem>>, vector<1x1000x128xf32>
    %get3A_42 = vector.shape_cast %get3A_41 : vector<1x1000x128xf32> to vector<1000x128xf32>
    %add3A_43 = arith.addf %get3A_37, %get3A_42 : vector<1000x128xf32>
    %mul3A_44 = vector.broadcast %mul3A_16 : vector<1x128xf32> to vector<1000x128xf32>
    %mul3A_45 = arith.mulf %add3A_43, %mul3A_44 : vector<1000x128xf32>
    %add3A_46 = arith.constant 1.000000e+00 : f32
    %add3A_47 = vector.broadcast %add3A_46 : f32 to vector<1000x1xf32>
    %add3A_48 = arith.addf %slice3A, %add3A_47 : vector<1000x1xf32>
    %mul3A_49 = vector.broadcast %add3A_48 : vector<1000x1xf32> to vector<1000x128xf32>
    %mul3A_50 = vector.broadcast %sub3A_21 : vector<1x128xf32> to vector<1000x128xf32>
    %mul3A_51 = arith.mulf %mul3A_49, %mul3A_50 : vector<1000x128xf32>
    %add3A_52 = arith.addf %mul3A_45, %mul3A_51 : vector<1000x128xf32>
    %get3A_53 = arith.constant 0 : index
    %get3A_54 = arith.constant 0 : index
    %get3A_55 = vector.load %arg7[%get3A_53, %get3A_54] : memref<128x128xf32, #tpu.memory_space<vmem>>, vector<128x128xf32>
    %dot_general3A = arith.constant dense<0.000000e+00> : vector<1000x128xf32>
    %dot_general3A_56 = tpu.matmul %add3A_52, %get3A_55, %dot_general3A {dimension_numbers = #tpu.dot_dimension_numbers<[1], [0], [0], [1], [0, 0, 1, 1], [], []>, transpose_lhs_hint = false} : vector<1000x128xf32>, vector<128x128xf32>, vector<1000x128xf32> -> vector<1000x128xf32>
    %get3A_57 = arith.constant 0 : index
    %get3A_58 = arith.constant 0 : index
    %get3A_59 = arith.constant 0 : index
    %get3A_60 = vector.load %arg2[%get3A_57, %get3A_58, %get3A_59] : memref<2x1000x16xf32, #tpu.memory_space<vmem>>, vector<1x1000x16xf32>
    %get3A_61 = vector.shape_cast %get3A_60 : vector<1x1000x16xf32> to vector<1000x16xf32>
    %get3A_62 = arith.constant 1 : index
    %get3A_63 = arith.constant 0 : index
    %get3A_64 = arith.constant 0 : index
    %get3A_65 = vector.load %arg2[%get3A_62, %get3A_63, %get3A_64] : memref<2x1000x16xf32, #tpu.memory_space<vmem>>, vector<1x1000x16xf32>
    %get3A_66 = vector.shape_cast %get3A_65 : vector<1x1000x16xf32> to vector<1000x16xf32>
    %add3A_67 = arith.addf %get3A_61, %get3A_66 : vector<1000x16xf32>
    %get3A_68 = arith.constant 0 : index
    %get3A_69 = arith.constant 0 : index
    %get3A_70 = vector.load %arg8[%get3A_68, %get3A_69] : memref<16x128xf32, #tpu.memory_space<vmem>>, vector<16x128xf32>
    %dot_general3A_71 = arith.constant dense<0.000000e+00> : vector<1000x128xf32>
    %dot_general3A_72 = tpu.matmul %add3A_67, %get3A_70, %dot_general3A_71 {dimension_numbers = #tpu.dot_dimension_numbers<[1], [0], [0], [1], [0, 0, 1, 1], [], []>, transpose_lhs_hint = false} : vector<1000x16xf32>, vector<16x128xf32>, vector<1000x128xf32> -> vector<1000x128xf32>
    %add3A_73 = arith.addf %dot_general3A_56, %dot_general3A_72 : vector<1000x128xf32>
    %get3A_74 = arith.constant 0 : index
    %get3A_75 = arith.constant 0 : index
    %get3A_76 = vector.load %arg9[%get3A_74, %get3A_75] : memref<1x128xf32, #tpu.memory_space<vmem>>, vector<1x128xf32>
    %mul3A_77 = vector.broadcast %slice3A : vector<1000x1xf32> to vector<1000x128xf32>
    %mul3A_78 = vector.broadcast %get3A_76 : vector<1x128xf32> to vector<1000x128xf32>
    %mul3A_79 = arith.mulf %mul3A_77, %mul3A_78 : vector<1000x128xf32>
    %add3A_80 = arith.addf %add3A_73, %mul3A_79 : vector<1000x128xf32>
    %get3A_81 = arith.constant 0 : index
    %get3A_82 = arith.constant 0 : index
    %get3A_83 = vector.load %arg10[%get3A_81, %get3A_82] : memref<1x128xf32, #tpu.memory_space<vmem>>, vector<1x128xf32>
    %add3A_84 = vector.broadcast %get3A_83 : vector<1x128xf32> to vector<1000x128xf32>
    %add3A_85 = arith.addf %add3A_80, %add3A_84 : vector<1000x128xf32>
    %max3A = arith.constant 0.000000e+00 : f32
    %max3A_86 = vector.broadcast %max3A : f32 to vector<1000x128xf32>
    %max3A_87 = arith.maximumf %add3A_85, %max3A_86 : vector<1000x128xf32>
    %get3A_88 = arith.constant 0 : index
    %get3A_89 = arith.constant 0 : index
    %get3A_90 = vector.load %arg11[%get3A_88, %get3A_89] : memref<1x128xf32, #tpu.memory_space<vmem>>, vector<1x128xf32>
    %add3A_91 = vector.broadcast %get3A_90 : vector<1x128xf32> to vector<1000x128xf32>
    %add3A_92 = arith.addf %max3A_87, %add3A_91 : vector<1000x128xf32>
    %swap3A = arith.constant 0 : index
    %swap3A_93 = arith.constant 0 : index
    %swap3A_94 = vector.load %arg12[%swap3A, %swap3A_93] : memref<1000x128xf32, #tpu.memory_space<vmem>>, vector<1000x128xf32>
    tpu.vector_store %arg12[%swap3A, %swap3A_93], %add3A_92 {strides = array<i32>} : memref<1000x128xf32, #tpu.memory_space<vmem>>, vector<1000x128xf32>,
    %eq3A = arith.constant 0 : i32
    %eq3A_95 = arith.cmpi eq, %arg0, %eq3A : i32
    %convert_element_type3A = arith.extui %eq3A_95 : i1 to i32
    %cond3A = arith.constant 0 : i32
    %cond3A_96 = arith.cmpi ne, %convert_element_type3A, %cond3A : i32
    scf.if %cond3A_96 {
      %broadcast_in_dim3A_121 = arith.constant 0.000000e+00 : f32
      %broadcast_in_dim3A_122 = vector.broadcast %broadcast_in_dim3A_121 : f32 to vector<8x128xf32>
      %swap3A_123 = arith.constant 0 : index
      %swap3A_124 = arith.constant 0 : index
      %swap3A_125 = vector.load %arg14[%swap3A_123, %swap3A_124] : memref<8x128xf32, #tpu.memory_space<vmem>>, vector<8x128xf32>
      tpu.vector_store %arg14[%swap3A_123, %swap3A_124], %broadcast_in_dim3A_122 {strides = array<i32>} : memref<8x128xf32, #tpu.memory_space<vmem>>, vector<8x128xf32>,
    } else {
    }
    %get3A_97 = arith.constant 0 : index
    %get3A_98 = arith.constant 0 : index
    %get3A_99 = vector.load %arg14[%get3A_97, %get3A_98] : memref<8x128xf32, #tpu.memory_space<vmem>>, vector<1x128xf32>
    %reduce_sum3A = arith.constant dense<0.000000e+00> : vector<128xf32>
    %reduce_sum3A_100 = vector.multi_reduction <add>, %add3A_92, %reduce_sum3A [0] : vector<1000x128xf32> to vector<128xf32>
    %broadcast_in_dim3A = vector.shape_cast %reduce_sum3A_100 : vector<128xf32> to vector<1x128xf32>
    %add3A_101 = arith.addf %get3A_99, %broadcast_in_dim3A : vector<1x128xf32>
    %swap3A_102 = arith.constant 0 : index
    %swap3A_103 = arith.constant 0 : index
    %swap3A_104 = vector.load %arg14[%swap3A_102, %swap3A_103] : memref<8x128xf32, #tpu.memory_space<vmem>>, vector<1x128xf32>
    tpu.vector_store %arg14[%swap3A_102, %swap3A_103], %add3A_101 {strides = array<i32>} : memref<8x128xf32, #tpu.memory_space<vmem>>, vector<1x128xf32>,
    %get3A_105 = arith.constant 1 : index
    %get3A_106 = arith.constant 0 : index
    %get3A_107 = vector.load %arg14[%get3A_105, %get3A_106] : memref<8x128xf32, #tpu.memory_space<vmem>>, vector<1x128xf32>
    %mul3A_108 = arith.mulf %add3A_92, %add3A_92 : vector<1000x128xf32>
    %reduce_sum3A_109 = arith.constant dense<0.000000e+00> : vector<128xf32>
    %reduce_sum3A_110 = vector.multi_reduction <add>, %mul3A_108, %reduce_sum3A_109 [0] : vector<1000x128xf32> to vector<128xf32>
    %broadcast_in_dim3A_111 = vector.shape_cast %reduce_sum3A_110 : vector<128xf32> to vector<1x128xf32>
    %add3A_112 = arith.addf %get3A_107, %broadcast_in_dim3A_111 : vector<1x128xf32>
    %swap3A_113 = arith.constant 1 : index
    %swap3A_114 = arith.constant 0 : index
    %swap3A_115 = vector.load %arg14[%swap3A_113, %swap3A_114] : memref<8x128xf32, #tpu.memory_space<vmem>>, vector<1x128xf32>
    tpu.vector_store %arg14[%swap3A_113, %swap3A_114], %add3A_112 {strides = array<i32>} : memref<8x128xf32, #tpu.memory_space<vmem>>, vector<1x128xf32>,
    %eq3A_116 = arith.constant 9 : i32
    %eq3A_117 = arith.cmpi eq, %arg0, %eq3A_116 : i32
    %convert_element_type3A_118 = arith.extui %eq3A_117 : i1 to i32
    %cond3A_119 = arith.constant 0 : i32
    %cond3A_120 = arith.cmpi ne, %convert_element_type3A_118, %cond3A_119 : i32
    scf.if %cond3A_120 {
      %get3A_121 = arith.constant 0 : index
      %get3A_122 = arith.constant 0 : index
      %get3A_123 = vector.load %arg14[%get3A_121, %get3A_122] : memref<8x128xf32, #tpu.memory_space<vmem>>, vector<8x128xf32>
      %swap3A_124 = arith.constant 0 : index
      %swap3A_125 = arith.constant 0 : index
      %swap3A_126 = vector.load %arg13[%swap3A_124, %swap3A_125] : memref<8x128xf32, #tpu.memory_space<vmem>>, vector<8x128xf32>
      tpu.vector_store %arg13[%swap3A_124, %swap3A_125], %get3A_123 {strides = array<i32>} : memref<8x128xf32, #tpu.memory_space<vmem>>, vector<8x128xf32>,
    } else {
    }
    return
  }
  func.func @transform_0(%arg0: i32) -> (i32, i32, i32) {
    %c0_i32 = arith.constant 0 : i32
    %c0_i32_0 = arith.constant 0 : i32
    %c0_i32_1 = arith.constant 0 : i32
    return %c0_i32, %arg0, %c0_i32_0 : i32, i32, i32
  }
  func.func @transform_1(%arg0: i32) -> (i32, i32, i32) {
    %c0_i32 = arith.constant 0 : i32
    %c0_i32_0 = arith.constant 0 : i32
    %c0_i32_1 = arith.constant 0 : i32
    return %c0_i32, %arg0, %c0_i32_0 : i32, i32, i32
  }
  func.func @transform_2(%arg0: i32) -> (i32, i32, i32) {
    %c0_i32 = arith.constant 0 : i32
    %c0_i32_0 = arith.constant 0 : i32
    %c0_i32_1 = arith.constant 0 : i32
    return %c0_i32, %arg0, %c0_i32_0 : i32, i32, i32
  }
  func.func @transform_3(%arg0: i32) -> (i32, i32) {
    %c0_i32 = arith.constant 0 : i32
    %c0_i32_0 = arith.constant 0 : i32
    %c0_i32_1 = arith.constant 0 : i32
    return %c0_i32, %c0_i32_0 : i32, i32
  }
  func.func @transform_4(%arg0: i32) -> (i32, i32) {
    %c0_i32 = arith.constant 0 : i32
    %c0_i32_0 = arith.constant 0 : i32
    %c0_i32_1 = arith.constant 0 : i32
    return %c0_i32, %c0_i32_0 : i32, i32
  }
  func.func @transform_5(%arg0: i32) -> (i32, i32) {
    %c0_i32 = arith.constant 0 : i32
    %c0_i32_0 = arith.constant 0 : i32
    %c0_i32_1 = arith.constant 0 : i32
    return %c0_i32, %c0_i32_0 : i32, i32
  }
  func.func @transform_6(%arg0: i32) -> (i32, i32) {
    %c0_i32 = arith.constant 0 : i32
    %c0_i32_0 = arith.constant 0 : i32
    %c0_i32_1 = arith.constant 0 : i32
    return %c0_i32, %c0_i32_0 : i32, i32
  }
  func.func @transform_7(%arg0: i32) -> (i32, i32) {
    %c0_i32 = arith.constant 0 : i32
    %c0_i32_0 = arith.constant 0 : i32
    %c0_i32_1 = arith.constant 0 : i32
    return %c0_i32, %c0_i32_0 : i32, i32
  }
  func.func @transform_8(%arg0: i32) -> (i32, i32) {
    %c0_i32 = arith.constant 0 : i32
    %c0_i32_0 = arith.constant 0 : i32
    %c0_i32_1 = arith.constant 0 : i32
    return %c0_i32, %c0_i32_0 : i32, i32
  }
  func.func @transform_9(%arg0: i32) -> (i32, i32) {
    %c0_i32 = arith.constant 0 : i32
    %c0_i32_0 = arith.constant 0 : i32
    %c0_i32_1 = arith.constant 0 : i32
    return %c0_i32, %c0_i32_0 : i32, i32
  }
  func.func @transform_10(%arg0: i32) -> (i32, i32) {
    %c0_i32 = arith.constant 0 : i32
    %c0_i32_0 = arith.constant 0 : i32
    %c0_i32_1 = arith.constant 0 : i32
    return %c0_i32, %c0_i32_0 : i32, i32
  }
  func.func @transform_11(%arg0: i32) -> (i32, i32) {
    %c0_i32 = arith.constant 0 : i32
    %c0_i32_0 = arith.constant 0 : i32
    return %arg0, %c0_i32 : i32, i32
  }
  func.func @transform_12(%arg0: i32) -> (i32, i32) {
    %c0_i32 = arith.constant 0 : i32
    %c0_i32_0 = arith.constant 0 : i32
    %c0_i32_1 = arith.constant 0 : i32
    return %c0_i32, %c0_i32_0 : i32, i32
  }
}

module attributes {stable_mosaic.version = 14 : i64} {
  func.func @_tcC_body(%arg0: memref<2x10000x128xf32, #tpu.memory_space<vmem>>, %arg1: memref<2x10000x16xf32, #tpu.memory_space<vmem>>, %arg2: memref<2x10000x8xf32, #tpu.memory_space<vmem>>, %arg3: memref<8x128xf32, #tpu.memory_space<vmem>>, %arg4: memref<1x128xf32, #tpu.memory_space<vmem>>, %arg5: memref<1x128xf32, #tpu.memory_space<vmem>>, %arg6: memref<128x128xf32, #tpu.memory_space<vmem>>, %arg7: memref<16x128xf32, #tpu.memory_space<vmem>>, %arg8: memref<1x128xf32, #tpu.memory_space<vmem>>, %arg9: memref<1x128xf32, #tpu.memory_space<vmem>>, %arg10: memref<1x128xf32, #tpu.memory_space<vmem>>, %arg11: memref<1x128xf32, #tpu.memory_space<vmem>>, %arg12: memref<1x128xf32, #tpu.memory_space<vmem>>, %arg13: memref<10000x128xf32, #tpu.memory_space<vmem>>) attributes {dimension_semantics = [], scalar_prefetch = 0 : i64, scratch_operands = 0 : i64, tpu.core_type = #tpu.core_type<tc>} {
    %get3A = arith.constant 0 : index
    %get3A_0 = arith.constant 0 : index
    %get3A_1 = vector.load %arg3[%get3A, %get3A_0] : memref<8x128xf32, #tpu.memory_space<vmem>>, vector<1x128xf32>
    %mul3A = arith.constant 9.99999974E-5 : f32
    %mul3A_2 = vector.broadcast %mul3A : f32 to vector<1x128xf32>
    %mul3A_3 = arith.mulf %get3A_1, %mul3A_2 : vector<1x128xf32>
    %get3A_4 = arith.constant 1 : index
    %get3A_5 = arith.constant 0 : index
    %get3A_6 = vector.load %arg3[%get3A_4, %get3A_5] : memref<8x128xf32, #tpu.memory_space<vmem>>, vector<1x128xf32>
    %mul3A_7 = arith.constant 9.99999974E-5 : f32
    %mul3A_8 = vector.broadcast %mul3A_7 : f32 to vector<1x128xf32>
    %mul3A_9 = arith.mulf %get3A_6, %mul3A_8 : vector<1x128xf32>
    %mul3A_10 = arith.mulf %mul3A_3, %mul3A_3 : vector<1x128xf32>
    %sub3A = arith.subf %mul3A_9, %mul3A_10 : vector<1x128xf32>
    %get3A_11 = arith.constant 0 : index
    %get3A_12 = arith.constant 0 : index
    %get3A_13 = vector.load %arg4[%get3A_11, %get3A_12] : memref<1x128xf32, #tpu.memory_space<vmem>>, vector<1x128xf32>
    %add3A = arith.constant 9.99999974E-6 : f32
    %add3A_14 = vector.broadcast %add3A : f32 to vector<1x128xf32>
    %add3A_15 = arith.addf %sub3A, %add3A_14 : vector<1x128xf32>
    %rsqrt3A = math.rsqrt %add3A_15 : vector<1x128xf32>
    %mul3A_16 = arith.mulf %get3A_13, %rsqrt3A : vector<1x128xf32>
    %get3A_17 = arith.constant 0 : index
    %get3A_18 = arith.constant 0 : index
    %get3A_19 = vector.load %arg5[%get3A_17, %get3A_18] : memref<1x128xf32, #tpu.memory_space<vmem>>, vector<1x128xf32>
    %mul3A_20 = arith.mulf %mul3A_3, %mul3A_16 : vector<1x128xf32>
    %sub3A_21 = arith.subf %get3A_19, %mul3A_20 : vector<1x128xf32>
    %get3A_22 = arith.constant 0 : index
    %get3A_23 = arith.constant 0 : index
    %get3A_24 = arith.constant 0 : index
    %get3A_25 = vector.load %arg2[%get3A_22, %get3A_23, %get3A_24] : memref<2x10000x8xf32, #tpu.memory_space<vmem>>, vector<1x10000x8xf32>
    %get3A_26 = vector.shape_cast %get3A_25 : vector<1x10000x8xf32> to vector<10000x8xf32>
    %get3A_27 = arith.constant 1 : index
    %get3A_28 = arith.constant 0 : index
    %get3A_29 = arith.constant 0 : index
    %get3A_30 = vector.load %arg2[%get3A_27, %get3A_28, %get3A_29] : memref<2x10000x8xf32, #tpu.memory_space<vmem>>, vector<1x10000x8xf32>
    %get3A_31 = vector.shape_cast %get3A_30 : vector<1x10000x8xf32> to vector<10000x8xf32>
    %add3A_32 = arith.addf %get3A_26, %get3A_31 : vector<10000x8xf32>
    %slice3A = vector.extract_strided_slice %add3A_32 {offsets = [0, 0], sizes = [10000, 1], strides = [1, 1]} : vector<10000x8xf32> to vector<10000x1xf32>
    %get3A_33 = arith.constant 0 : index
    %get3A_34 = arith.constant 0 : index
    %get3A_35 = arith.constant 0 : index
    %get3A_36 = vector.load %arg0[%get3A_33, %get3A_34, %get3A_35] : memref<2x10000x128xf32, #tpu.memory_space<vmem>>, vector<1x10000x128xf32>
    %get3A_37 = vector.shape_cast %get3A_36 : vector<1x10000x128xf32> to vector<10000x128xf32>
    %get3A_38 = arith.constant 1 : index
    %get3A_39 = arith.constant 0 : index
    %get3A_40 = arith.constant 0 : index
    %get3A_41 = vector.load %arg0[%get3A_38, %get3A_39, %get3A_40] : memref<2x10000x128xf32, #tpu.memory_space<vmem>>, vector<1x10000x128xf32>
    %get3A_42 = vector.shape_cast %get3A_41 : vector<1x10000x128xf32> to vector<10000x128xf32>
    %add3A_43 = arith.addf %get3A_37, %get3A_42 : vector<10000x128xf32>
    %mul3A_44 = vector.broadcast %mul3A_16 : vector<1x128xf32> to vector<10000x128xf32>
    %mul3A_45 = arith.mulf %add3A_43, %mul3A_44 : vector<10000x128xf32>
    %add3A_46 = arith.constant 1.000000e+00 : f32
    %add3A_47 = vector.broadcast %add3A_46 : f32 to vector<10000x1xf32>
    %add3A_48 = arith.addf %slice3A, %add3A_47 : vector<10000x1xf32>
    %mul3A_49 = vector.broadcast %add3A_48 : vector<10000x1xf32> to vector<10000x128xf32>
    %mul3A_50 = vector.broadcast %sub3A_21 : vector<1x128xf32> to vector<10000x128xf32>
    %mul3A_51 = arith.mulf %mul3A_49, %mul3A_50 : vector<10000x128xf32>
    %add3A_52 = arith.addf %mul3A_45, %mul3A_51 : vector<10000x128xf32>
    %get3A_53 = arith.constant 0 : index
    %get3A_54 = arith.constant 0 : index
    %get3A_55 = vector.load %arg6[%get3A_53, %get3A_54] : memref<128x128xf32, #tpu.memory_space<vmem>>, vector<128x128xf32>
    %dot_general3A = arith.constant dense<0.000000e+00> : vector<10000x128xf32>
    %dot_general3A_56 = tpu.matmul %add3A_52, %get3A_55, %dot_general3A {dimension_numbers = #tpu.dot_dimension_numbers<[1], [0], [0], [1], [0, 0, 1, 1], [], []>, transpose_lhs_hint = false} : vector<10000x128xf32>, vector<128x128xf32>, vector<10000x128xf32> -> vector<10000x128xf32>
    %get3A_57 = arith.constant 0 : index
    %get3A_58 = arith.constant 0 : index
    %get3A_59 = arith.constant 0 : index
    %get3A_60 = vector.load %arg1[%get3A_57, %get3A_58, %get3A_59] : memref<2x10000x16xf32, #tpu.memory_space<vmem>>, vector<1x10000x16xf32>
    %get3A_61 = vector.shape_cast %get3A_60 : vector<1x10000x16xf32> to vector<10000x16xf32>
    %get3A_62 = arith.constant 1 : index
    %get3A_63 = arith.constant 0 : index
    %get3A_64 = arith.constant 0 : index
    %get3A_65 = vector.load %arg1[%get3A_62, %get3A_63, %get3A_64] : memref<2x10000x16xf32, #tpu.memory_space<vmem>>, vector<1x10000x16xf32>
    %get3A_66 = vector.shape_cast %get3A_65 : vector<1x10000x16xf32> to vector<10000x16xf32>
    %add3A_67 = arith.addf %get3A_61, %get3A_66 : vector<10000x16xf32>
    %get3A_68 = arith.constant 0 : index
    %get3A_69 = arith.constant 0 : index
    %get3A_70 = vector.load %arg7[%get3A_68, %get3A_69] : memref<16x128xf32, #tpu.memory_space<vmem>>, vector<16x128xf32>
    %dot_general3A_71 = arith.constant dense<0.000000e+00> : vector<10000x128xf32>
    %dot_general3A_72 = tpu.matmul %add3A_67, %get3A_70, %dot_general3A_71 {dimension_numbers = #tpu.dot_dimension_numbers<[1], [0], [0], [1], [0, 0, 1, 1], [], []>, transpose_lhs_hint = false} : vector<10000x16xf32>, vector<16x128xf32>, vector<10000x128xf32> -> vector<10000x128xf32>
    %add3A_73 = arith.addf %dot_general3A_56, %dot_general3A_72 : vector<10000x128xf32>
    %get3A_74 = arith.constant 0 : index
    %get3A_75 = arith.constant 0 : index
    %get3A_76 = vector.load %arg8[%get3A_74, %get3A_75] : memref<1x128xf32, #tpu.memory_space<vmem>>, vector<1x128xf32>
    %mul3A_77 = vector.broadcast %slice3A : vector<10000x1xf32> to vector<10000x128xf32>
    %mul3A_78 = vector.broadcast %get3A_76 : vector<1x128xf32> to vector<10000x128xf32>
    %mul3A_79 = arith.mulf %mul3A_77, %mul3A_78 : vector<10000x128xf32>
    %add3A_80 = arith.addf %add3A_73, %mul3A_79 : vector<10000x128xf32>
    %get3A_81 = arith.constant 0 : index
    %get3A_82 = arith.constant 0 : index
    %get3A_83 = vector.load %arg9[%get3A_81, %get3A_82] : memref<1x128xf32, #tpu.memory_space<vmem>>, vector<1x128xf32>
    %add3A_84 = vector.broadcast %get3A_83 : vector<1x128xf32> to vector<10000x128xf32>
    %add3A_85 = arith.addf %add3A_80, %add3A_84 : vector<10000x128xf32>
    %max3A = arith.constant 0.000000e+00 : f32
    %max3A_86 = vector.broadcast %max3A : f32 to vector<10000x128xf32>
    %max3A_87 = arith.maximumf %add3A_85, %max3A_86 : vector<10000x128xf32>
    %get3A_88 = arith.constant 0 : index
    %get3A_89 = arith.constant 0 : index
    %get3A_90 = vector.load %arg10[%get3A_88, %get3A_89] : memref<1x128xf32, #tpu.memory_space<vmem>>, vector<1x128xf32>
    %add3A_91 = vector.broadcast %get3A_90 : vector<1x128xf32> to vector<10000x128xf32>
    %add3A_92 = arith.addf %max3A_87, %add3A_91 : vector<10000x128xf32>
    %reduce_sum3A = arith.constant dense<0.000000e+00> : vector<128xf32>
    %reduce_sum3A_93 = vector.multi_reduction <add>, %add3A_92, %reduce_sum3A [0] : vector<10000x128xf32> to vector<128xf32>
    %broadcast_in_dim3A = vector.shape_cast %reduce_sum3A_93 : vector<128xf32> to vector<1x128xf32>
    %div3A = arith.constant 1.000000e+04 : f32
    %div3A_94 = vector.broadcast %div3A : f32 to vector<1x128xf32>
    %div3A_95 = arith.divf %broadcast_in_dim3A, %div3A_94 : vector<1x128xf32>
    %sub3A_96 = vector.broadcast %div3A_95 : vector<1x128xf32> to vector<10000x128xf32>
    %sub3A_97 = arith.subf %add3A_92, %sub3A_96 : vector<10000x128xf32>
    %mul3A_98 = arith.mulf %sub3A_97, %sub3A_97 : vector<10000x128xf32>
    %reduce_sum3A_99 = arith.constant dense<0.000000e+00> : vector<128xf32>
    %reduce_sum3A_100 = vector.multi_reduction <add>, %mul3A_98, %reduce_sum3A_99 [0] : vector<10000x128xf32> to vector<128xf32>
    %broadcast_in_dim3A_101 = vector.shape_cast %reduce_sum3A_100 : vector<128xf32> to vector<1x128xf32>
    %div3A_102 = arith.constant 1.000000e+04 : f32
    %div3A_103 = vector.broadcast %div3A_102 : f32 to vector<1x128xf32>
    %div3A_104 = arith.divf %broadcast_in_dim3A_101, %div3A_103 : vector<1x128xf32>
    %add3A_105 = arith.constant 9.99999974E-6 : f32
    %add3A_106 = vector.broadcast %add3A_105 : f32 to vector<1x128xf32>
    %add3A_107 = arith.addf %div3A_104, %add3A_106 : vector<1x128xf32>
    %rsqrt3A_108 = math.rsqrt %add3A_107 : vector<1x128xf32>
    %mul3A_109 = vector.broadcast %rsqrt3A_108 : vector<1x128xf32> to vector<10000x128xf32>
    %mul3A_110 = arith.mulf %sub3A_97, %mul3A_109 : vector<10000x128xf32>
    %get3A_111 = arith.constant 0 : index
    %get3A_112 = arith.constant 0 : index
    %get3A_113 = vector.load %arg11[%get3A_111, %get3A_112] : memref<1x128xf32, #tpu.memory_space<vmem>>, vector<1x128xf32>
    %mul3A_114 = vector.broadcast %get3A_113 : vector<1x128xf32> to vector<10000x128xf32>
    %mul3A_115 = arith.mulf %mul3A_110, %mul3A_114 : vector<10000x128xf32>
    %get3A_116 = arith.constant 0 : index
    %get3A_117 = arith.constant 0 : index
    %get3A_118 = vector.load %arg12[%get3A_116, %get3A_117] : memref<1x128xf32, #tpu.memory_space<vmem>>, vector<1x128xf32>
    %add3A_119 = vector.broadcast %get3A_118 : vector<1x128xf32> to vector<10000x128xf32>
    %add3A_120 = arith.addf %mul3A_115, %add3A_119 : vector<10000x128xf32>
    %swap3A = arith.constant 0 : index
    %swap3A_121 = arith.constant 0 : index
    %swap3A_122 = vector.load %arg13[%swap3A, %swap3A_121] : memref<10000x128xf32, #tpu.memory_space<vmem>>, vector<10000x128xf32>
    tpu.vector_store %arg13[%swap3A, %swap3A_121], %add3A_120 {strides = array<i32>} : memref<10000x128xf32, #tpu.memory_space<vmem>>, vector<10000x128xf32>,
    return
  }
}

</mosaic_0001>

<sc_bundles>
// kernel: kernel.6.cloned.1.call-start
scs
__scs_entry_jumppad:
0x0: {  	(pc) =	sbr.rel $0x88, $3  }
0x1: {  	(tag) =	ssettag $0x0;
	lr =	simm.s32 $0x1  }
0x2: {  	[smem:$0x3F90] =	sst lr;
	_ =	strace $0xD0000000  }
0x3: {  	_ = 	snop  }
0x4: {  	_ = 	snop  }
0x5: {  	_ = 	snop  }
0x6: {  	_ = 	snop  }
0x7: {  	_ = 	snop  }
__scs_overlays_trampoline_lowered:
0x8: {  	[smem:$0x3F9F] =	sst s0  }
0x9: {  	[smem:$0x3FA0] =	sst s1  }
0xa: {  	[smem:$0x3FA1] =	sst s2  }
0xb: {  	[smem:$0x3FA2] =	sst s3  }
0xc: {  	[smem:$0x3FA3] =	sst s4  }
0xd: {  	[smem:$0x3FA4] =	sst s5  }
0xe: {  	[smem:$0x3FA5] =	sst s6  }
0xf: {  	[smem:$0x3FA6] =	sst s7  }
0x10: {  	[smem:$0x3FA7] =	sst s8  }
0x11: {  	[smem:$0x3FA8] =	sst s9;
	s0 =	simm.s32 @!p0 $0x0  }
0x12: {  	s1 =	sld [smem:$0x3F8E];
	s0 =	simm.s32 @p0 $0x1  }
0x13: {  	[smem:$0x3FA9] =	sst s0;
	s0 =	simm.s32 @!p1 $0x0  }
0x14: {  	s2 =	sld [smem:$0x3F8D];
	s0 =	simm.s32 @p1 $0x1  }
0x15: {  	[smem:$0x3FAA] =	sst s0;
	s0 =	simm.s32 @!p2 $0x0  }
0x16: {  	s3 =	sld [smem:$0x3FDB];
	s0 =	simm.s32 @p2 $0x1  }
0x17: {  	s4 =	simm.s32 $0x1BF5;
	[smem:$0x3FAC] =	sst s0  }
0x18: {  	s0 =	sld [smem:$0x3F8F];
	_ =	swait.ge [sflag:s4], $0x0  }
0x19: {  	s7 =	sld [smem:$0x3F90]  }
0x1a: {  	s8 =	sadd.s32 $0xFFFFE003, lr  }
0x1b: {  	s9 =	sadd.s32 $0xFFFFFEF7, lr;
	s5 =	simm.s32 $0xFFFFFFFF;
	p2 =	slt.u32 s8, $0xFFFFF086  }
0x1c: {  	p1 =	slt.u32 s9, $0xF7A;
	s5 =	simm.s32 @!p2 $0x0  }
0x1d: {  	s5 =	simm.s32 @p1 $0x1;
	p0 =	seq.s32 s7, s2  }
0x1e: {  	s7 =	smul.u32 @!p0 $0xF7A, s2;
	p2 =	seq.s32 @!p0 s5, $0x0  }
0x1f: {  	s9 =	smul.u32 $0xF7A, s1;
	s8 =	simm.s32 @!p0 $0x1BF5;
	p2 =	por !p2, p0  }
0x20: {  	[sflag:s8] =	ssyncset.s32 @!p0 $0xFFFFF086;
	s6 =	sadd.s32 @!p0 s3, s7;
	s7 =	simm.s32 @!p0 $0x108  }
0x21: {  	s3 =	sadd.s32 s3, s9;
	s6 =	sadd.s32 @!p0 $0x88, s6;
	s7 =	simm.s32 @p2 $0x1082  }
0x22: {  	[simem:s7], [sflag:s8] =	dma.local @!p0 [hbm:s6], $0xF7A  }
0x23: {  	s9 =	sor.u32 $0xD0000000, s2;
	s6 =	simm.s32 $0x108;
	_ =	swait.ge @!p0 [sflag:s8], $0x0  }
0x24: {  	s3 =	sadd.s32 $0x88, s3;
	s6 =	simm.s32 @!p1 $0x1082;
	[sflag:s4] =	ssyncset.s32 $0xFFFFF086  }
0x25: {  	[simem:s6], [sflag:s4] =	dma.local [hbm:s3], $0xF7A  }
0x26: {  	[smem:$0x3F90] =	sst s1;
	(tag) =	ssettag s2;
	_ =	strace s9  }
0x27: {  	s1 =	sld [smem:$0x3FA0]  }
0x28: {  	s2 =	sld [smem:$0x3FA1]  }
0x29: {  	s4 =	sld [smem:$0x3FA3]  }
0x2a: {  	p0 =	seq.s32 s5, $0x0;
	s5 =	sld [smem:$0x3FA4]  }
0x2b: {  	s6 =	sld [smem:$0x3FA5]  }
0x2c: {  	s7 =	sld [smem:$0x3FA6]  }
0x2d: {  	s3 =	simm.s32 $0x108;
	s8 =	sld [smem:$0x3FA7]  }
0x2e: {  	s3 =	simm.s32 @!p0 $0x1082;
	s9 =	sld [smem:$0x3FA8]  }
0x2f: {  	lr =	sadd.s32 s0, s3;
	s0 =	sld [smem:$0x3F9F]  }
0x30: {  	s3 =	sld [smem:$0x3FA2]  }
0x31: {  	[smem:$0x3FAB] =	sst s10  }
0x32: {  	s10 =	sld [smem:$0x3FA9];
	_ =	sdelay $0x3  }
0x33: {  	p0 =	seq.s32 s10, $0x1;
	s10 =	sld [smem:$0x3FAB];
	_ =	sdelay $0x3  }
0x34: {  	[smem:$0x3FAB] =	sst s10  }
0x35: {  	s10 =	sld [smem:$0x3FAA];
	_ =	sdelay $0x3  }
0x36: {  	p1 =	seq.s32 s10, $0x1;
	s10 =	sld [smem:$0x3FAB];
	_ =	sdelay $0x3  }
0x37: {  	[smem:$0x3FAB] =	sst s10  }
0x38: {  	s10 =	sld [smem:$0x3FAC]  }
0x39: {  	_ = 	snop;
	(pc) =	sbr.ind lr, $3  }
0x3a: {  	_ = 	snop  }
0x3b: {  	_ = 	snop  }
0x3c: {  	p2 =	seq.s32 s10, $0x1;
	s10 =	sld [smem:$0x3FAB]  }
0x3d: {  	_ =	shalt  }
0x3e: {  	_ =	shalt  }
0x3f: {  	_ =	shalt  }
0x40: {  	_ =	shalt  }
0x41: {  	_ =	shalt  }
0x42: {  	_ =	shalt  }
0x43: {  	_ =	shalt  }
0x44: {  	_ =	shalt  }
0x45: {  	_ =	shalt  }
0x46: {  	_ =	shalt  }
0x47: {  	_ =	shalt  }
0x48: {  	_ =	shalt  }
0x49: {  	_ =	shalt  }
0x4a: {  	_ =	shalt  }
0x4b: {  	_ =	shalt  }
0x4c: {  	_ =	shalt  }
0x4d: {  	_ =	shalt  }
0x4e: {  	_ =	shalt  }
0x4f: {  	_ =	shalt  }
0x50: {  	_ =	shalt  }
0x51: {  	_ =	shalt  }
0x52: {  	_ =	shalt  }
0x53: {  	_ =	shalt  }
0x54: {  	_ =	shalt  }
0x55: {  	_ =	shalt  }
0x56: {  	_ =	shalt  }
0x57: {  	_ =	shalt  }
0x58: {  	_ =	shalt  }
0x59: {  	_ =	shalt  }
0x5a: {  	_ =	shalt  }
0x5b: {  	_ =	shalt  }
0x5c: {  	_ =	shalt  }
0x5d: {  	_ =	shalt  }
0x5e: {  	_ =	shalt  }
0x5f: {  	_ =	shalt  }
0x60: {  	_ =	shalt  }
0x61: {  	_ =	shalt  }
0x62: {  	_ =	shalt  }
0x63: {  	_ =	shalt  }
0x64: {  	_ =	shalt  }
0x65: {  	_ =	shalt  }
0x66: {  	_ =	shalt  }
0x67: {  	_ =	shalt  }
0x68: {  	_ =	shalt  }
0x69: {  	_ =	shalt  }
0x6a: {  	_ =	shalt  }
0x6b: {  	_ =	shalt  }
0x6c: {  	_ =	shalt  }
0x6d: {  	_ =	shalt  }
0x6e: {  	_ =	shalt  }
0x6f: {  	_ =	shalt  }
0x70: {  	_ =	shalt  }
0x71: {  	_ =	shalt  }
0x72: {  	_ =	shalt  }
0x73: {  	_ =	shalt  }
0x74: {  	_ =	shalt  }
0x75: {  	_ =	shalt  }
0x76: {  	_ =	shalt  }
0x77: {  	_ =	shalt  }
0x78: {  	_ =	shalt  }
0x79: {  	_ =	shalt  }
0x7a: {  	_ =	shalt  }
0x7b: {  	_ =	shalt  }
0x7c: {  	_ =	shalt  }
0x7d: {  	_ =	shalt  }
0x7e: {  	_ =	shalt  }
0x7f: {  	_ =	shalt  }
0x80: {  	_ =	shalt  }
0x81: {  	_ =	shalt  }
0x82: {  	_ =	shalt  }
0x83: {  	_ =	shalt  }
0x84: {  	_ =	shalt  }
0x85: {  	_ =	shalt  }
0x86: {  	_ =	shalt  }
0x87: {  	_ =	shalt  }
.Lfunc_end0:
.L_simem_size_0:
called_computation_lowered:
.L_overlay_start_0:
0x88: {  	s2 =	sld [smem:$0x3FD9]  }
0x89: {  	s3 =	sld [smem:$0x3FFE];
	_ =	sdelay $0x1  }
0x8a: {  	s1 =	srdreg.scid  }
0x8b: {  	s0 =	sand.u32 $0x1, s1  }
0x8c: {  	s17 =	sshll.u32 s0, $0xA;
	s2 =	sadd.s32 s3, s2  }
0x8d: {  	s2 =	sadd.s32 s2, s17  }
0x8e: {  	[smem:$0x3FB7] =	sst s2  }
0x8f: {  	_ = 	snop  }
0x90: {  	s2 =	sld [smem:$0x3FC9]  }
0x91: {  	s18 =	sld [smem:$0x3FD0];
	(tm) =	ssettm $0x1  }
0x92: {  	s4 =	sld [smem:$0x3FFB];
	_ =	sdelay $0x3  }
0x93: {  	_ =	strace s4  }
0x94: {  	s4 =	sld [smem:$0x3FFC];
	_ =	sdelay $0x3  }
0x95: {  	_ =	strace s4  }
0x96: {  	s4 =	sld [smem:$0x3FFD];
	_ =	sdelay $0x3  }
0x97: {  	_ =	strace s4  }
0x98: {  	_ =	strace $0x8FFFFFFF  }
0x99: {  	s19 =	sld [smem:$0x3FDB];
	_ =	sdelay $0x1  }
0x9a: {  	s5 =	simm.s32 $_scs_section_size  }
0x9b: {  	s6 =	simm.s32 $_size__tile_overlayer_lowered;
	s7 =	simm.s32 $_tile_overlayer_lowered  }
0x9c: {  	s22 =	simm.s32 $0x1BFF;
	s21 =	sshll.u32 s7, $0x1;
	s4 =	sadd.s32 s5, s19  }
0x9d: {  	s8 =	simm.s32 $0x0;
	s20 =	sshll.u32 s6, $0x1;
	s6 =	sadd.s32 s21, s4  }
0x9e: {  	[timem:s8], [sflag:s22] =	dma.local [hbm:s6], s20  }
0x9f: {  	_ =	swait.ge [sflag:s22], s20  }
0xa0: {  	s5 =	ssub.s32 $0x0, s20;
	[sflag:s22] =	ssyncset.done $0x0  }
0xa1: {  	[sflag:s22] =	ssyncadd.s32 s5;
	_ =	sdelay $0x1  }
0xa2: {  	s23 =	simm.s32 $0x1B8B  }
0xa3: {  	_ =	swait.ge [sflag:s23], $0x1  }
0xa4: {  	[sflag:s23] =	ssyncset.done $0x0  }
0xa5: {  	s25 =	simm.s32 $0x1B8E;
	s24 =	sld [smem:$0x3FFE];
	[sflag:s23] =	ssyncadd.s32 $0xFFFFFFFF  }
0xa6: {  	s26 =	simm.s32 $execute0_lowered;
	[smem:$0x3FD2] =	sst s25  }
0xa7: {  	s6 =	sshll.u32 s26, $0x1;
	_ =	strace $0x80000046;
	[dreg:$0x1] =	wrdreg $0xFFFFFFFF  }
0xa8: {  	s28 =	simm.s32 $_size_execute0_lowered;
	s4 =	sadd.s32 s4, s6;
	[dreg:$0x0] =	wrdreg $0x0  }
0xa9: {  	s6 =	sshll.u32 s28, $0x1;
	[dreg:$0x2] =	wrdreg s4  }
0xaa: {  	[dreg:$0x3] =	wrdreg s6  }
0xab: {  	[dreg:$0x4] =	wrdreg $0xC0  }
0xac: {  	_ =	task [dreg:s8], $0x5FFFF  }
0xad: {  	[dreg:$0x1] =	wrdreg $0xFFFFFFFF  }
0xae: {  	[dreg:$0x0] =	wrdreg $0x60  }
0xaf: {  	[dreg:$0x2] =	wrdreg s2  }
0xb0: {  	[dreg:$0x3] =	wrdreg s24  }
0xb1: {  	[dreg:$0x4] =	wrdreg s18  }
0xb2: {  	[dreg:$0x5] =	wrdreg $0x84300  }
0xb3: {  	[dreg:$0x6] =	wrdreg $0x1BCB00  }
0xb4: {  	[dreg:$0x7] =	wrdreg $0x1E3C00  }
0xb5: {  	[dreg:$0x8] =	wrdreg $0x9  }
0xb6: {  	_ =	task.clear_ibuf [dreg:s8], $0x9FFFF;
	_ =	strace $0x90000046  }
0xb7: {  	s29 =	simm.s32 $0x9;
	_ =	strace $0x80000048  }
0xb8: {  	_ =	swait.ge [sflag:s29], $0x1  }
0xb9: {  	[sflag:s29] =	ssyncadd.s32 $0xFFFFFFFF  }
0xba: {  	_ =	strace $0x90000048  }
0xbb: {  	_ =	sfence  }
0xbc: {  	s30 =	sld [smem:$0x0];
	_ =	sdelay $0x2  }
0xbd: {  	s31 =	sshll.u32 s1, $0xD;
	s1 =	sshrl.u32 s1, $0x2  }
0xbe: {  	s3 =	sand.u32 $0x4000, s31;
	s1 =	sadd.s32 s1, s30  }
0xbf: {  	s0 =	sor.u32 s3, s0;
	s1 =	sshll.u32 s1, $0x11  }
0xc0: {  	s0 =	sor.u32 s1, s0  }
0xc1: {  	s0 =	sadd.s32 $0x8F2B, s0  }
0xc2: {  	[sflag:s0] =	ssyncadd.remote.s32 $0x1  }
0xc3: {  	_ =	sfence.sel $0xFFFF  }
0xc4: {  	[dreg:$0x0] =	wrdreg $0xFFFFFFFF;
	(pc) =	sbr.abs _section_cstart, $3  }
0xc5: {  	[dreg:$0x1] =	wrdreg $0xFFFFFFFF  }
0xc6: {  	_ =	task.clear_ibuf [dreg:s8], $0x2FFFF;
	_ =	strace $0x9FFFFFFF  }
0xc7: {  	(tm) =	ssettm $0x7FFFFFFF  }
tec
execute0_lowered:
.L_overlay_start_1:
0x0: {  	(tag) =	ssettag $0x1  }
0x1: {  	s24 =	stileid.u32  }
0x2: {  	s1 =	rddreg [dreg:$0x0];
	s0 =	smul.u32 $0x1388, s24  }
0x3: {  	s2 =	rddreg [dreg:$0x1];
	s9 =	smul.u32 $0x13880, s24  }
0x4: {  	s7 =	rddreg [dreg:$0x2];
	s14 =	smul.u32 $0x4E200, s24  }
0x5: {  	s8 =	srdreg.scid;
	s17 =	smul.u32 $0x2710, s24  }
0x6: {  	s3 =	rddreg [dreg:$0x3];
	s8 =	sand.u32 $0x1, s8;
	s21 =	smul.u32 $0x4E20, s24  }
0x7: {  	s4 =	rddreg [dreg:$0x4];
	s10 =	smul.u32 $0x138800, s8  }
0x8: {  	s5 =	rddreg [dreg:$0x5];
	s6 =	simm.s32 $0x0;
	s11 =	smul.u32 $0x13880, s8  }
0x9: {  	[smem:$0x7FF] =	sst s6;
	s13 =	sadd.s32 $0x4F9A00, s2;
	s19 =	smul.u32 $0x27100, s8  }
0xa: {  	s12 =	sadd.s32 $0x4000, s2;
	_ =	strace $0x80000047;
	s26 =	smul.u32 $0x4E200, s8  }
0xb: {  	s16 =	ssub.s32 $0x2, s8;
	s20 =	sshll.u32 s8, $0x4;
	s23 =	smul.u32 $0x271000, s8  }
0xc: {  	p0 =	sne.s32 s8, $0x0;
	s15 =	sshrl.u32 s0, $0x3;
	s18 =	sshrl.u32 s16, $0x1  }
0xd: {  	s20 =	sor.u32 s24, s20;
	s14 =	sshrl.u32 s14, $0x2;
	s15 =	sadd.s32 s15, s2  }
0xe: {  	s10 =	sadd.s32 s9, s10;
	s16 =	ssub.s32 s16, s18;
	s25 =	smul.u32 $0x4E2, s20  }
0xf: {  	s19 =	sadd.s32 s17, s19;
	s18 =	sadd.s32 s26, s13;
	s26 =	smul.u32 $0x27100, s20  }
0x10: {  	s11 =	sadd.s32 s0, s11;
	s20 =	smul.u32 $0x2710, s20;
	s0 =	sadd.s32 s0, s5  }
0x11: {  	s17 =	sadd.s32 s17, s4;
	s22 =	sshrl.u32 s19, $0x3;
	[dreg:$0x19] =	wrdreg s0  }
0x12: {  	s10 =	sshrl.u32 s10, $0x3;
	s11 =	sshrl.u32 s11, $0x3;
	[dreg:$0x11] =	wrdreg s17  }
0x13: {  	s7 =	sadd.s32 s7, s22;
	s22 =	smul.u32 $0x27100, s24;
	s10 =	sadd.s32 s10, s2  }
0x14: {  	s11 =	sadd.s32 s11, s2;
	s2 =	sadd.s32 $0x1A200, s2;
	[dreg:$0x7] =	wrdreg s7  }
0x15: {  	s20 =	sshrl.u32 s20, $0x3;
	s7 =	sadd.s32 s21, s18;
	[dreg:$0xd] =	wrdreg s2  }
0x16: {  	[dreg:$0x8] =	wrdreg s7;
	s18 =	sadd.s32 s22, s23;
	s7 =	sadd.s32 s12, s25  }
0x17: {  	s22 =	sshrl.u32 s26, $0x3;
	s23 =	sadd.s32 $0x4E250, s19;
	s25 =	sadd.s32 $0x4E200, s19  }
0x18: {  	s19 =	sadd.s32 s12, s20;
	s26 =	smul.u32 $0x9C40, s24;
	s20 =	sshrl.u32 s9, $0x3  }
0x19: {  	[dreg:$0x9] =	wrdreg s7;
	s18 =	sadd.s32 $0x500, s18;
	s8 =	sadd.s32 s1, s20  }
0x1a: {  	s18 =	sshrl.u32 s18, $0x3;
	[dreg:$0x10] =	wrdreg s8;
	s8 =	sadd.s32 $0x17A00, s15  }
0x1b: {  	s7 =	sadd.s32 s13, s22;
	s13 =	sadd.s32 s18, s13;
	[dreg:$0x1a] =	wrdreg s8  }
0x1c: {  	s15 =	sadd.s32 $0x1F400, s10;
	[dreg:$0xa] =	wrdreg s13;
	s13 =	sshrl.u32 s23, $0x3  }
0x1d: {  	s18 =	sshrl.u32 s25, $0x3;
	[dreg:$0x1d] =	wrdreg s15;
	s13 =	sadd.s32 s13, s12  }
0x1e: {  	s12 =	sadd.s32 s18, s12;
	s18 =	sshrl.u32 s26, $0x2;
	[dreg:$0xb] =	wrdreg s13  }
0x1f: {  	[dreg:$0xc] =	wrdreg s12;
	s12 =	sadd.s32 s9, s3;
	s9 =	sadd.s32 $0xA118, s19  }
0x20: {  	s13 =	sadd.s32 s14, s3;
	s14 =	sadd.s32 $0x4D80, s7;
	[dreg:$0x1b] =	wrdreg s9  }
0x21: {  	s2 =	sadd.s32 s18, s4;
	s18 =	sadd.s32 $0x1A400, s11;
	[dreg:$0x1c] =	wrdreg s14  }
0x22: {  	s19 =	smax.u32 s16, $0x1;
	[dreg:$0x1e] =	wrdreg s18  }
0x23: {  	[dreg:$0x1f] =	wrdreg s19  }
0x24: {  	[dreg:$0xe] =	wrdreg s13  }
0x25: {  	s21 =	sadd.s32 $0x500, s2;
	[dreg:$0xf] =	wrdreg s12  }
0x26: {  	s28 =	simm.s32 $0x4FB0;
	s22 =	sadd.s32 $0xA00, s2;
	[dreg:$0x12] =	wrdreg s21  }
0x27: {  	s29 =	simm.s32 $0x7CB0;
	s23 =	sadd.s32 $0xF00, s2;
	[dreg:$0x13] =	wrdreg s22  }
0x28: {  	s30 =	simm.s32 $0xB;
	s24 =	sadd.s32 $0x1400, s2;
	[dreg:$0x14] =	wrdreg s23  }
0x29: {  	s31 =	simm.s32 $0x1;
	s25 =	sadd.s32 $0x1900, s2;
	[dreg:$0x15] =	wrdreg s24  }
0x2a: {  	s0 =	simm.s32 $0x5;
	s26 =	sadd.s32 $0x1E00, s2;
	[dreg:$0x16] =	wrdreg s25  }
0x2b: {  	s10 =	simm.s32 $0x0;
	s2 =	sadd.s32 $0x2300, s2;
	[dreg:$0x17] =	wrdreg s26  }
0x2c: {  	s7 =	simm.s32 $0x2;
	s20 =	sadd.s32 $0x2800, s13;
	[dreg:$0x18] =	wrdreg s2  }
0x2d: {  	s16 =	simm.s32 $0x9;
	[smem:$0x7F7] =	sst s20;
	s21 =	sadd.s32 $0x5000, s13  }
0x2e: {  	s9 =	simm.s32 $0x6;
	s22 =	sadd.s32 $0x7800, s13;
	[smem:$0x7F8] =	sst s21  }
0x2f: {  	s18 =	simm.s32 $0x4;
	s23 =	sadd.s32 $0xA000, s13;
	[smem:$0x7F9] =	sst s22  }
0x30: {  	s19 =	simm.s32 $0x8;
	s24 =	sadd.s32 $0xC800, s13;
	[smem:$0x7FA] =	sst s23  }
0x31: {  	s14 =	simm.s32 $0xA;
	s25 =	sadd.s32 $0xF000, s13;
	[smem:$0x7FB] =	sst s24  }
0x32: {  	s26 =	sadd.s32 $0x11800, s13;
	s20 =	simm.s32 $0x77B0;
	[smem:$0x7FC] =	sst s25  }
0x33: {  	s2 =	simm.s32 $0x3;
	s13 =	simm.s32 $0x7;
	[smem:$0x7FD] =	sst s26  }
0x34: {  	s21 =	simm.s32 $0xC;
	s22 =	simm.s32 $0x81B0;
	s23 =	simm.s32 $0x2710  }
0x35: {  	v0 =	vimm.f32 $0.0e+00;
	s24 =	simm.s32 $0x2760;
	s25 =	simm.s32 $0x50;
	s26 =	simm.s32 $0x27B0  }
.LBB2_1:
0x36: {  	[smem:$0x7F6] =	sst s10;
	s8 =	simm.s32 $0x0;
	s10 =	simm.s32 $0x200  }
.LBB2_2:
0x37: {  	p1 =	sne.s32 s10, $0x9E00;
	[tilespmem:s8+$0x2820] =	vst v0  }
0x38: {  	[tilespmem:s8+$0x27B0] =	vst v0  }
0x39: {  	[tilespmem:s8+$0x27C0] =	vst v0  }
.Ltmp0:
0x3a: {  	[tilespmem:s8+$0x27D0] =	vst v0;
	(pc) =	sbr.rel @p1 .LBB2_2-.Ltmp0, $4  }
0x3b: {  	[tilespmem:s8+$0x27E0] =	vst v0  }
0x3c: {  	[tilespmem:s8+$0x27F0] =	vst v0  }
0x3d: {  	[tilespmem:s8+$0x2800] =	vst v0  }
0x3e: {  	[tilespmem:s8+$0x2810] =	vst v0;
	s8 =	sshra.s32 s10, $0x2;
	s10 =	sadd.s32 $0x200, s10  }
0x3f: {  	[tilespmem:s8+$0x2820] =	vst v0  }
0x40: {  	[tilespmem:s8+$0x27B0] =	vst v0  }
0x41: {  	[tilespmem:s8+$0x27C0] =	vst v0  }
0x42: {  	[tilespmem:s8+$0x27D0] =	vst v0  }
0x43: {  	[tilespmem:s8+$0x27E0] =	vst v0  }
0x44: {  	[tilespmem:s8+$0x27F0] =	vst v0  }
0x45: {  	[tilespmem:s8+$0x2800] =	vst v0  }
0x46: {  	[tilespmem:s8+$0x2810] =	vst v0;
	s8 =	simm.s32 $0x40;
	s10 =	simm.s32 $0x0  }
.LBB2_4:
0x47: {  	p1 =	sne.s32 s8, $0x13C0;
	[tilespmem:s10+$0x77B0] =	vst v0;
	s10 =	smov.u32 s8;
	s8 =	sadd.s32 $0x40, s8  }
.Ltmp1:
0x48: {  	(pc) =	sbr.rel @p1 .LBB2_4-.Ltmp1, $2  }
0x49: {  	_ =	sdelay $0x2  }
0x4a: {  	s10 =	sshra.s32 s10, $0x2  }
0x4b: {  	[tilespmem:s10+$0x77B0] =	vst v0;
	s8 =	simm.s32 @p0 $0x27B0;
	s10 =	rddreg [dreg:$0xe]  }
0x4c: {  	[spmem:s10] =	stream.linear.scatter @p0 [tilespmem:s8], [sflag:$0xC], $0x2800, $0x38;
	[tilespmem:$0x1F748] =	vst v63  }
0x4d: {  	s10 =	simm.s32 @p0 $0xC  }
0x4e: {  	_ =	swait.ge @p0 [sflag:s10], $0x2800  }
0x4f: {  	s11 =	sld [smem:$0x7F7]  }
0x50: {  	[sflag:s10] =	ssyncset.done @p0 $0x0  }
0x51: {  	[sflag:s10] =	ssyncadd.s32 @p0 $0xFFFFD800  }
0x52: {  	[spmem:s11] =	stream.linear.scatter @p0 [tilespmem:s8], [sflag:$0xC], $0x2800, $0x38;
	[tilespmem:$0x1F748] =	vst v63  }
0x53: {  	_ =	swait.ge @p0 [sflag:s10], $0x2800  }
0x54: {  	s11 =	sld [smem:$0x7F8]  }
0x55: {  	[sflag:s10] =	ssyncset.done @p0 $0x0  }
0x56: {  	[sflag:s10] =	ssyncadd.s32 @p0 $0xFFFFD800  }
0x57: {  	[spmem:s11] =	stream.linear.scatter @p0 [tilespmem:s8], [sflag:$0xC], $0x2800, $0x38;
	[tilespmem:$0x1F748] =	vst v63  }
0x58: {  	_ =	swait.ge @p0 [sflag:s10], $0x2800  }
0x59: {  	s11 =	sld [smem:$0x7F9]  }
0x5a: {  	[sflag:s10] =	ssyncset.done @p0 $0x0  }
0x5b: {  	[sflag:s10] =	ssyncadd.s32 @p0 $0xFFFFD800  }
0x5c: {  	[spmem:s11] =	stream.linear.scatter @p0 [tilespmem:s8], [sflag:$0xC], $0x2800, $0x38;
	[tilespmem:$0x1F748] =	vst v63  }
0x5d: {  	_ =	swait.ge @p0 [sflag:s10], $0x2800  }
0x5e: {  	s11 =	sld [smem:$0x7FA]  }
0x5f: {  	[sflag:s10] =	ssyncset.done @p0 $0x0  }
0x60: {  	[sflag:s10] =	ssyncadd.s32 @p0 $0xFFFFD800  }
0x61: {  	[spmem:s11] =	stream.linear.scatter @p0 [tilespmem:s8], [sflag:$0xC], $0x2800, $0x38;
	[tilespmem:$0x1F748] =	vst v63  }
0x62: {  	_ =	swait.ge @p0 [sflag:s10], $0x2800  }
0x63: {  	s11 =	sld [smem:$0x7FB]  }
0x64: {  	[sflag:s10] =	ssyncset.done @p0 $0x0  }
0x65: {  	[sflag:s10] =	ssyncadd.s32 @p0 $0xFFFFD800  }
0x66: {  	[spmem:s11] =	stream.linear.scatter @p0 [tilespmem:s8], [sflag:$0xC], $0x2800, $0x38;
	[tilespmem:$0x1F748] =	vst v63  }
0x67: {  	_ =	swait.ge @p0 [sflag:s10], $0x2800  }
0x68: {  	s11 =	sld [smem:$0x7FC]  }
0x69: {  	[sflag:s10] =	ssyncset.done @p0 $0x0  }
0x6a: {  	[sflag:s10] =	ssyncadd.s32 @p0 $0xFFFFD800  }
0x6b: {  	[spmem:s11] =	stream.linear.scatter @p0 [tilespmem:s8], [sflag:$0xC], $0x2800, $0x38;
	[tilespmem:$0x1F748] =	vst v63  }
0x6c: {  	_ =	swait.ge @p0 [sflag:s10], $0x2800  }
0x6d: {  	s11 =	sld [smem:$0x7FD]  }
0x6e: {  	[sflag:s10] =	ssyncset.done @p0 $0x0  }
0x6f: {  	[sflag:s10] =	ssyncadd.s32 @p0 $0xFFFFD800  }
0x70: {  	[spmem:s11] =	stream.linear.scatter @p0 [tilespmem:s8], [sflag:$0xC], $0x2080, $0x38;
	[tilespmem:$0x1F748] =	vst v63  }
0x71: {  	s11 =	stileid.u32  }
0x72: {  	_ =	swait.ge @p0 [sflag:s10], $0x2080;
	s8 =	sshll.u32 @!p0 s11, $0x6  }
0x73: {  	[sflag:s10] =	ssyncset.done @p0 $0x0;
	s8 =	sor.u32 @!p0 $0x1C0C, s8  }
0x74: {  	[sflag:s10] =	ssyncadd.s32 @p0 $0xFFFFDF80;
	s10 =	sshrl.u32 @!p0 s12, $0x3;
	s12 =	rddreg [dreg:$0x10]  }
0x75: {  	[spmem:s10], [sflag:s8] =	dma.local @!p0 [hbm:s12], $0x2710  }
0x76: {  	s8 =	simm.s32 @!p0 $0xC  }
0x77: {  	_ =	swait.ge @!p0 [sflag:s8], $0x2710  }
0x78: {  	[sflag:s8] =	ssyncset.done @!p0 $0x0  }
0x79: {  	[sflag:s8] =	ssyncadd.s32 @!p0 $0xFFFFD8F0  }
0x7a: {  	[spmem:s17] =	stream.linear.scatter [tilespmem:s20], [sflag:$0xC], $0x500, $0x38;
	[tilespmem:$0x1F748] =	vst v63  }
0x7b: {  	_ =	swait.ge [sflag:s21], $0x500  }
0x7c: {  	[sflag:s21] =	ssyncset.done $0x0  }
0x7d: {  	s15 =	rddreg [dreg:$0x12];
	[sflag:s21] =	ssyncadd.s32 $0xFFFFFB00  }
0x7e: {  	[spmem:s15] =	stream.linear.scatter [tilespmem:s20], [sflag:$0xC], $0x500, $0x38;
	[tilespmem:$0x1F748] =	vst v63  }
0x7f: {  	_ =	swait.ge [sflag:s21], $0x500  }
0x80: {  	[sflag:s21] =	ssyncset.done $0x0  }
0x81: {  	s17 =	rddreg [dreg:$0x13];
	[sflag:s21] =	ssyncadd.s32 $0xFFFFFB00  }
0x82: {  	[spmem:s17] =	stream.linear.scatter [tilespmem:s20], [sflag:$0xC], $0x500, $0x38;
	[tilespmem:$0x1F748] =	vst v63  }
0x83: {  	_ =	swait.ge [sflag:s21], $0x500  }
0x84: {  	[sflag:s21] =	ssyncset.done $0x0  }
0x85: {  	s10 =	rddreg [dreg:$0x14];
	[sflag:s21] =	ssyncadd.s32 $0xFFFFFB00  }
0x86: {  	[spmem:s10] =	stream.linear.scatter [tilespmem:s20], [sflag:$0xC], $0x500, $0x38;
	[tilespmem:$0x1F748] =	vst v63  }
0x87: {  	_ =	swait.ge [sflag:s21], $0x500  }
0x88: {  	[sflag:s21] =	ssyncset.done $0x0  }
0x89: {  	s12 =	rddreg [dreg:$0x15];
	[sflag:s21] =	ssyncadd.s32 $0xFFFFFB00  }
0x8a: {  	[spmem:s12] =	stream.linear.scatter [tilespmem:s20], [sflag:$0xC], $0x500, $0x38;
	[tilespmem:$0x1F748] =	vst v63  }
0x8b: {  	_ =	swait.ge [sflag:s21], $0x500  }
0x8c: {  	[sflag:s21] =	ssyncset.done $0x0  }
0x8d: {  	s15 =	rddreg [dreg:$0x16];
	[sflag:s21] =	ssyncadd.s32 $0xFFFFFB00  }
0x8e: {  	[spmem:s15] =	stream.linear.scatter [tilespmem:s20], [sflag:$0xC], $0x500, $0x38;
	[tilespmem:$0x1F748] =	vst v63  }
0x8f: {  	_ =	swait.ge [sflag:s21], $0x500  }
0x90: {  	[sflag:s21] =	ssyncset.done $0x0  }
0x91: {  	s17 =	rddreg [dreg:$0x17];
	[sflag:s21] =	ssyncadd.s32 $0xFFFFFB00  }
0x92: {  	[spmem:s17] =	stream.linear.scatter [tilespmem:s20], [sflag:$0xC], $0x500, $0x38;
	[tilespmem:$0x1F748] =	vst v63  }
0x93: {  	_ =	swait.ge [sflag:s21], $0x500  }
0x94: {  	[sflag:s21] =	ssyncset.done $0x0  }
0x95: {  	s10 =	rddreg [dreg:$0x18];
	[sflag:s21] =	ssyncadd.s32 $0xFFFFFB00  }
0x96: {  	[spmem:s10] =	stream.linear.scatter [tilespmem:s20], [sflag:$0xC], $0x410, $0x38;
	[tilespmem:$0x1F748] =	vst v63  }
0x97: {  	_ =	swait.ge [sflag:s21], $0x410  }
0x98: {  	s12 =	sshll.u32 s11, $0x6;
	s17 =	rddreg [dreg:$0x19]  }
0x99: {  	s15 =	sor.u32 $0x1C0C, s12;
	s12 =	rddreg [dreg:$0x1a]  }
0x9a: {  	[sflag:s21] =	ssyncset.done $0x0;
	[smem:$0x7F4] =	sst s15;
	s8 =	sshrl.u32 s17, $0x3  }
0x9b: {  	[sflag:s21] =	ssyncadd.s32 $0xFFFFFBF0;
	[smem:$0x7F5] =	sst s8  }
0x9c: {  	[spmem:s8], [sflag:s15] =	dma.local [hbm:s12], $0x271  }
0x9d: {  	_ =	swait.ge [sflag:s21], $0x271  }
0x9e: {  	[sflag:s21] =	ssyncset.done $0x0  }
0x9f: {  	s15 =	simm.s32 $0x0;
	s17 =	rddreg [dreg:$0x9];
	[sflag:s21] =	ssyncadd.s32 $0xFFFFFD8F  }
0xa0: {  	[tilespmem:s15], [sflag:$0xC] =	stream.linear.gather [hbm4b:s17+s15], $0x2710, $0x38;
	[tilespmem:$0x1F748] =	vst v63  }
0xa1: {  	_ =	swait.ge [sflag:s21], $0x2710  }
0xa2: {  	[sflag:s21] =	ssyncset.done $0x0  }
0xa3: {  	s11 =	rddreg [dreg:$0xd];
	[sflag:s21] =	ssyncadd.s32 $0xFFFFD8F0  }
0xa4: {  	[tilespmem:s22], [sflag:$0xC] =	stream.linear.gather [hbm4b:s11+s15], $0x280, $0x38;
	[tilespmem:$0x1F748] =	vst v63  }
0xa5: {  	_ =	swait.ge [sflag:s21], $0x280  }
0xa6: {  	[sflag:s21] =	ssyncset.done $0x0  }
0xa7: {  	[sflag:s21] =	ssyncadd.s32 $0xFFFFFD80  }
0xa8: {  	[bflag:$0x0] =	sbarrier.arrive $0xFFFF  }
0xa9: {  	s17 =	rddreg [dreg:$0xc]  }
0xaa: {  	[tilespmem:s23], [sflag:$0xB] =	stream.linear.gather [hbm4b:s17+s6], $0x50, $0x38;
	[tilespmem:$0x1F748] =	vst v63  }
0xab: {  	s10 =	rddreg [dreg:$0xb]  }
0xac: {  	[tilespmem:s24], [sflag:$0xB] =	stream.linear.gather [hbm4b:s10+s6], $0x50, $0x38;
	[tilespmem:$0x1F748] =	vst v63  }
0xad: {  	s12 =	simm.s32 $0x0  }
0xae: {  	[tilespmem:s26], [sflag:$0x1] =	stream.indirect.gather [hbm4b:s1+s25], $0x80, s12, s25, $0xb8;
	[tilespmem:$0x1F748] =	vst v63  }
0xaf: {  	s15 =	simm.s32 $0x50  }
0xb0: {  	[tilespmem:s28], [sflag:$0x2] =	stream.indirect.gather [hbm4b:s1+s25], $0x80, s15, s25, $0xb8;
	[tilespmem:$0x1F748] =	vst v63  }
0xb1: {  	s11 =	rddreg [dreg:$0x8]  }
0xb2: {  	[tilespmem:s20], [sflag:$0x5] =	stream.linear.gather [hbm4b:s11+s6], $0x500, $0x38;
	[tilespmem:$0x1F748] =	vst v63  }
0xb3: {  	s8 =	rddreg [dreg:$0xa]  }
0xb4: {  	[tilespmem:s29], [sflag:$0x6] =	stream.linear.gather [hbm4b:s8+s6], $0x500, $0x38;
	[tilespmem:$0x1F748] =	vst v63  }
0xb5: {  	_ =	swait.ge [sflag:s30], $0x50  }
0xb6: {  	[sflag:s30] =	ssyncset.done $0x0  }
0xb7: {  	[sflag:s30] =	ssyncadd.s32 $0xFFFFFFB0  }
0xb8: {  	_ =	swait.ge [sflag:s30], $0x50  }
0xb9: {  	[sflag:s30] =	ssyncset.done $0x0  }
0xba: {  	[sflag:s30] =	ssyncadd.s32 $0xFFFFFFB0  }
0xbb: {  	_ =	swait.ge [sflag:s31], $0x2800  }
0xbc: {  	[sflag:s31] =	ssyncset.done $0x0  }
0xbd: {  	[sflag:s31] =	ssyncadd.s32 $0xFFFFD800  }
0xbe: {  	[spmem:s3] =	stream.indirect.scatter.add.f32 [tilespmem:s26], [sflag:$0x3], $0x80, s23, s25, $0xb8;
	[tilespmem:$0x1F748] =	vst v63  }
0xbf: {  	_ =	swait.ge [sflag:s0], $0x500  }
0xc0: {  	[sflag:s0] =	ssyncset.done $0x0  }
0xc1: {  	[sflag:s0] =	ssyncadd.s32 $0xFFFFFB00  }
0xc2: {  	[spmem:s4] =	stream.indirect.scatter.add.f32 [tilespmem:s20], [sflag:$0x7], $0x10, s23, s25, $0xb8;
	[tilespmem:$0x1F748] =	vst v63  }
0xc3: {  	_ = 	snop  }
0xc4: {  	[spmem:s5] =	stream.indirect.scatter.add.f32 [tilespmem:s22], [sflag:$0x9], $0x8, s23, s25, $0xb8;
	[tilespmem:$0x1F748] =	vst v63  }
0xc5: {  	_ =	swait.ge [sflag:s7], $0x2800  }
0xc6: {  	[sflag:s7] =	ssyncset.done $0x0  }
0xc7: {  	[sflag:s7] =	ssyncadd.s32 $0xFFFFD800  }
0xc8: {  	[spmem:s3] =	stream.indirect.scatter.add.f32 [tilespmem:s28], [sflag:$0x4], $0x80, s24, s25, $0xb8;
	[tilespmem:$0x1F748] =	vst v63  }
0xc9: {  	_ =	swait.ge [sflag:s9], $0x500  }
0xca: {  	[sflag:s9] =	ssyncset.done $0x0  }
0xcb: {  	[sflag:s9] =	ssyncadd.s32 $0xFFFFFB00  }
0xcc: {  	[spmem:s4] =	stream.indirect.scatter.add.f32 [tilespmem:s29], [sflag:$0x8], $0x10, s24, s25, $0xb8;
	[tilespmem:$0x1F748] =	vst v63  }
0xcd: {  	_ = 	snop  }
0xce: {  	[spmem:s5] =	stream.indirect.scatter.add.f32 [tilespmem:s22], [sflag:$0xA], $0x8, s24, s25, $0xb8;
	[tilespmem:$0x1F748] =	vst v63  }
0xcf: {  	_ =	swait.ge [sflag:s2], $0x2800  }
0xd0: {  	[sflag:s2] =	ssyncset.done $0x0  }
0xd1: {  	[sflag:s2] =	ssyncadd.s32 $0xFFFFD800  }
0xd2: {  	_ =	swait.ge [sflag:s13], $0x500  }
0xd3: {  	[sflag:s13] =	ssyncset.done $0x0  }
0xd4: {  	[sflag:s13] =	ssyncadd.s32 $0xFFFFFB00  }
0xd5: {  	_ =	swait.ge [sflag:s16], $0x280  }
0xd6: {  	[sflag:s16] =	ssyncset.done $0x0  }
0xd7: {  	[sflag:s16] =	ssyncadd.s32 $0xFFFFFD80  }
0xd8: {  	_ =	swait.ge [sflag:s18], $0x2800  }
0xd9: {  	[sflag:s18] =	ssyncset.done $0x0  }
0xda: {  	[sflag:s18] =	ssyncadd.s32 $0xFFFFD800  }
0xdb: {  	_ =	swait.ge [sflag:s19], $0x500  }
0xdc: {  	[sflag:s19] =	ssyncset.done $0x0  }
0xdd: {  	[sflag:s19] =	ssyncadd.s32 $0xFFFFFB00  }
0xde: {  	s17 =	sadd.s32 $0x14, s17;
	_ =	swait.ge [sflag:s14], $0x280  }
0xdf: {  	s12 =	simm.s32 $0x280;
	s15 =	sadd.s32 $0x14, s10;
	[sflag:s14] =	ssyncset.done $0x0  }
.LBB2_6:
0xe0: {  	[sflag:s14] =	ssyncadd.s32 $0xFFFFFD80;
	s11 =	sadd.s32 $0x140, s11;
	s8 =	sadd.s32 $0x140, s8  }
0xe1: {  	[tilespmem:s23], [sflag:$0xB] =	stream.linear.gather [hbm4b:s17+s6], $0x50, $0x38;
	[tilespmem:$0x1F748] =	vst v63  }
0xe2: {  	p1 =	sne.s32 s12, $0x9880;
	s10 =	smov.u32 s12;
	s12 =	sadd.s32 $0x280, s12  }
0xe3: {  	[tilespmem:s24], [sflag:$0xB] =	stream.linear.gather [hbm4b:s15+s6], $0x50, $0x38;
	[tilespmem:$0x1F748] =	vst v63  }
0xe4: {  	s10 =	sshra.s32 s10, $0x2  }
0xe5: {  	[tilespmem:s26], [sflag:$0x1] =	stream.indirect.gather [hbm4b:s1+s25], $0x80, s10, s25, $0xb8;
	[tilespmem:$0x1F748] =	vst v63  }
0xe6: {  	s10 =	sadd.s32 $0x50, s10  }
0xe7: {  	[tilespmem:s28], [sflag:$0x2] =	stream.indirect.gather [hbm4b:s1+s25], $0x80, s10, s25, $0xb8;
	[tilespmem:$0x1F748] =	vst v63  }
0xe8: {  	_ = 	snop  }
0xe9: {  	[tilespmem:s20], [sflag:$0x5] =	stream.linear.gather [hbm4b:s11+s6], $0x500, $0x38;
	[tilespmem:$0x1F748] =	vst v63  }
0xea: {  	_ = 	snop  }
0xeb: {  	[tilespmem:s29], [sflag:$0x6] =	stream.linear.gather [hbm4b:s8+s6], $0x500, $0x38;
	[tilespmem:$0x1F748] =	vst v63  }
0xec: {  	_ =	swait.ge [sflag:s30], $0x50  }
0xed: {  	[sflag:s30] =	ssyncset.done $0x0  }
0xee: {  	[sflag:s30] =	ssyncadd.s32 $0xFFFFFFB0  }
0xef: {  	_ =	swait.ge [sflag:s30], $0x50  }
0xf0: {  	[sflag:s30] =	ssyncset.done $0x0  }
0xf1: {  	[sflag:s30] =	ssyncadd.s32 $0xFFFFFFB0  }
0xf2: {  	_ =	swait.ge [sflag:s31], $0x2800  }
0xf3: {  	[sflag:s31] =	ssyncset.done $0x0  }
0xf4: {  	[sflag:s31] =	ssyncadd.s32 $0xFFFFD800  }
0xf5: {  	[spmem:s3] =	stream.indirect.scatter.add.f32 [tilespmem:s26], [sflag:$0x3], $0x80, s23, s25, $0xb8;
	[tilespmem:$0x1F748] =	vst v63  }
0xf6: {  	_ =	swait.ge [sflag:s0], $0x500  }
0xf7: {  	[sflag:s0] =	ssyncset.done $0x0  }
0xf8: {  	[sflag:s0] =	ssyncadd.s32 $0xFFFFFB00  }
0xf9: {  	[spmem:s4] =	stream.indirect.scatter.add.f32 [tilespmem:s20], [sflag:$0x7], $0x10, s23, s25, $0xb8;
	[tilespmem:$0x1F748] =	vst v63  }
0xfa: {  	_ = 	snop  }
0xfb: {  	[spmem:s5] =	stream.indirect.scatter.add.f32 [tilespmem:s22], [sflag:$0x9], $0x8, s23, s25, $0xb8;
	[tilespmem:$0x1F748] =	vst v63  }
0xfc: {  	_ =	swait.ge [sflag:s7], $0x2800  }
0xfd: {  	[sflag:s7] =	ssyncset.done $0x0  }
0xfe: {  	[sflag:s7] =	ssyncadd.s32 $0xFFFFD800  }
0xff: {  	[spmem:s3] =	stream.indirect.scatter.add.f32 [tilespmem:s28], [sflag:$0x4], $0x80, s24, s25, $0xb8;
	[tilespmem:$0x1F748] =	vst v63  }
0x100: {  	_ =	swait.ge [sflag:s9], $0x500  }
0x101: {  	[sflag:s9] =	ssyncset.done $0x0  }
0x102: {  	[sflag:s9] =	ssyncadd.s32 $0xFFFFFB00  }
0x103: {  	[spmem:s4] =	stream.indirect.scatter.add.f32 [tilespmem:s29], [sflag:$0x8], $0x10, s24, s25, $0xb8;
	[tilespmem:$0x1F748] =	vst v63  }
0x104: {  	_ = 	snop  }
0x105: {  	[spmem:s5] =	stream.indirect.scatter.add.f32 [tilespmem:s22], [sflag:$0xA], $0x8, s24, s25, $0xb8;
	[tilespmem:$0x1F748] =	vst v63  }
0x106: {  	_ =	swait.ge [sflag:s2], $0x2800  }
0x107: {  	[sflag:s2] =	ssyncset.done $0x0  }
0x108: {  	[sflag:s2] =	ssyncadd.s32 $0xFFFFD800  }
0x109: {  	_ =	swait.ge [sflag:s13], $0x500  }
0x10a: {  	[sflag:s13] =	ssyncset.done $0x0  }
0x10b: {  	[sflag:s13] =	ssyncadd.s32 $0xFFFFFB00  }
0x10c: {  	_ =	swait.ge [sflag:s16], $0x280  }
0x10d: {  	[sflag:s16] =	ssyncset.done $0x0  }
0x10e: {  	[sflag:s16] =	ssyncadd.s32 $0xFFFFFD80  }
0x10f: {  	_ =	swait.ge [sflag:s18], $0x2800  }
0x110: {  	[sflag:s18] =	ssyncset.done $0x0  }
0x111: {  	[sflag:s18] =	ssyncadd.s32 $0xFFFFD800  }
.Ltmp2:
0x112: {  	_ =	swait.ge [sflag:s19], $0x500;
	(pc) =	sbr.rel @p1 .LBB2_6-.Ltmp2, $4  }
0x113: {  	[sflag:s19] =	ssyncset.done $0x0  }
0x114: {  	[sflag:s19] =	ssyncadd.s32 $0xFFFFFB00  }
0x115: {  	_ =	swait.ge [sflag:s14], $0x280  }
0x116: {  	s17 =	sadd.s32 $0x14, s17;
	s15 =	sadd.s32 $0x14, s15;
	[sflag:s14] =	ssyncset.done $0x0  }
0x117: {  	[sflag:s14] =	ssyncadd.s32 $0xFFFFFD80;
	s8 =	rddreg [dreg:$0x1b]  }
0x118: {  	[tilespmem:s23], [sflag:$0xB] =	stream.linear.gather [hbm4b:s8+s6], $0x50, $0x38;
	[tilespmem:$0x1F748] =	vst v63  }
0x119: {  	s12 =	simm.s32 $0x26C0  }
0x11a: {  	[tilespmem:s26], [sflag:$0x1] =	stream.indirect.gather [hbm4b:s1+s25], $0x80, s12, s25, $0xb8;
	[tilespmem:$0x1F748] =	vst v63  }
0x11b: {  	s15 =	rddreg [dreg:$0x1c]  }
0x11c: {  	[tilespmem:s20], [sflag:$0x5] =	stream.linear.gather [hbm4b:s15+s6], $0x500, $0x38;
	[tilespmem:$0x1F748] =	vst v63  }
0x11d: {  	_ =	swait.ge [sflag:s30], $0x50  }
0x11e: {  	[sflag:s30] =	ssyncset.done $0x0  }
0x11f: {  	[sflag:s30] =	ssyncadd.s32 $0xFFFFFFB0  }
0x120: {  	_ =	swait.ge [sflag:s31], $0x2800  }
0x121: {  	[sflag:s31] =	ssyncset.done $0x0  }
0x122: {  	[sflag:s31] =	ssyncadd.s32 $0xFFFFD800  }
0x123: {  	[spmem:s3] =	stream.indirect.scatter.add.f32 [tilespmem:s26], [sflag:$0x3], $0x80, s23, s25, $0xb8;
	[tilespmem:$0x1F748] =	vst v63  }
0x124: {  	_ =	swait.ge [sflag:s0], $0x500  }
0x125: {  	[sflag:s0] =	ssyncset.done $0x0  }
0x126: {  	[sflag:s0] =	ssyncadd.s32 $0xFFFFFB00  }
0x127: {  	[spmem:s4] =	stream.indirect.scatter.add.f32 [tilespmem:s20], [sflag:$0x7], $0x10, s23, s25, $0xb8;
	[tilespmem:$0x1F748] =	vst v63  }
0x128: {  	_ = 	snop  }
0x129: {  	[spmem:s5] =	stream.indirect.scatter.add.f32 [tilespmem:s22], [sflag:$0x9], $0x8, s23, s25, $0xb8;
	[tilespmem:$0x1F748] =	vst v63  }
0x12a: {  	_ =	swait.ge [sflag:s2], $0x2800  }
0x12b: {  	[sflag:s2] =	ssyncset.done $0x0  }
0x12c: {  	[sflag:s2] =	ssyncadd.s32 $0xFFFFD800  }
0x12d: {  	_ =	swait.ge [sflag:s13], $0x500  }
0x12e: {  	[sflag:s13] =	ssyncset.done $0x0  }
0x12f: {  	[sflag:s13] =	ssyncadd.s32 $0xFFFFFB00  }
0x130: {  	_ =	swait.ge [sflag:s16], $0x280  }
0x131: {  	[sflag:s16] =	ssyncset.done $0x0  }
0x132: {  	[sflag:s16] =	ssyncadd.s32 $0xFFFFFD80  }
0x133: {  	[bflag:$0x0] =	sbarrier.arrive $0xFFFF  }
0x134: {  	s11 =	sld [smem:$0x7F4]  }
0x135: {  	s12 =	rddreg [dreg:$0xf]  }
0x136: {  	s10 =	rddreg [dreg:$0x1d];
	s17 =	sshrl.u32 s12, $0x3  }
0x137: {  	[hbm:s10], [sflag:s11] =	dma.local [spmem:s17], $0x2710  }
0x138: {  	_ =	swait.ge [sflag:s21], $0x2710  }
0x139: {  	[sflag:s21] =	ssyncset.done $0x0;
	s17 =	rddreg [dreg:$0x11]  }
0x13a: {  	s15 =	rddreg [dreg:$0x7];
	[sflag:s21] =	ssyncadd.s32 $0xFFFFD8F0;
	s10 =	sshrl.u32 s17, $0x3  }
0x13b: {  	[hbm:s15], [sflag:s11] =	dma.local [spmem:s10], $0x4E2  }
0x13c: {  	_ =	swait.ge [sflag:s21], $0x4E2  }
0x13d: {  	s15 =	sld [smem:$0x7F5]  }
0x13e: {  	[sflag:s21] =	ssyncset.done $0x0  }
0x13f: {  	s10 =	rddreg [dreg:$0x1e];
	[sflag:s21] =	ssyncadd.s32 $0xFFFFFB1E  }
0x140: {  	[hbm:s10], [sflag:s11] =	dma.local [spmem:s15], $0x271  }
0x141: {  	_ =	swait.ge [sflag:s21], $0x271  }
0x142: {  	s11 =	sld [smem:$0x7F6];
	_ =	sdelay $0x2  }
0x143: {  	s15 =	rddreg [dreg:$0x1f];
	s10 =	sadd.s32 $0x1, s11  }
0x144: {  	p1 =	sne.s32 s10, s15  }
.Ltmp3:
0x145: {  	_ = 	snop;
	(pc) =	sbr.rel @p1 .LBB2_1-.Ltmp3, $3  }
0x146: {  	_ =	sdelay $0x1  }
0x147: {  	[sflag:s21] =	ssyncset.done $0x0  }
0x148: {  	[sflag:s21] =	ssyncadd.s32 $0xFFFFFD8F  }
0x149: {  	_ =	sfence.sel $0x180000  }
0x14a: {  	[bflag:$0x0] =	sbarrier.arrive $0xFFFF  }
0x14b: {  	_ =	strace $0x90000047  }
0x14c: {  	s0 =	stileid.u32;
	[bflag:$0x2] =	sbarrier.arrive $0xFFFF  }
0x14d: {  	p0 =	sne.s32 s0, $0x0;
	s0 =	rddreg [dreg:$0x6]  }
0x14e: {  	s0 =	sadd.s32 @!p0 $0x100000, s0  }
0x14f: {  	[sflag:s0] =	ssyncadd.tile.s32 @!p0 $0x1;
	_ =	shalt  }
.Lfunc_end2:
_tile_overlayer_lowered:
.L_overlay_start_2:
0x150: {  	(tag) =	ssettag $0x2  }
0x151: {  	s0 =	rddreg [dreg:$0x0];
	s2 =	stileid.u32  }
0x152: {  	s1 =	rddreg [dreg:$0x1];
	p0 =	sne.s32 s2, $0x0  }
0x153: {  	s3 =	rddreg [dreg:$0x2];
	[bflag:$0x3] =	sbarrier.arrive $0xFFFF;
	s2 =	simm.s32 @!p0 $0x1C0C  }
0x154: {  	[timem:s3], [sflag:s2] =	dma.local @!p0 [hbm:s0], s1  }
0x155: {  	s0 =	simm.s32 @!p0 $0xC  }
0x156: {  	_ =	swait.ge @!p0 [sflag:s0], s1  }
0x157: {  	s1 =	ssub.s32 @!p0 $0x0, s1;
	[sflag:s0] =	ssyncset.done @!p0 $0x0  }
0x158: {  	[sflag:s0] =	ssyncadd.s32 @!p0 s1  }
0x159: {  	[bflag:$0x3] =	sbarrier.arrive $0xFFFF  }
0x15a: {  	_ =	shalt  }

// kernel: kernel.9.cloned.1.call-start
scs
__scs_entry_jumppad:
0x0: {  	(pc) =	sbr.rel $0x88, $3  }
0x1: {  	(tag) =	ssettag $0x0;
	lr =	simm.s32 $0x1  }
0x2: {  	[smem:$0x3F90] =	sst lr;
	_ =	strace $0xD0000000  }
0x3: {  	_ = 	snop  }
0x4: {  	_ = 	snop  }
0x5: {  	_ = 	snop  }
0x6: {  	_ = 	snop  }
0x7: {  	_ = 	snop  }
__scs_overlays_trampoline_lowered:
0x8: {  	[smem:$0x3F9F] =	sst s0  }
0x9: {  	[smem:$0x3FA0] =	sst s1  }
0xa: {  	[smem:$0x3FA1] =	sst s2  }
0xb: {  	[smem:$0x3FA2] =	sst s3  }
0xc: {  	[smem:$0x3FA3] =	sst s4  }
0xd: {  	[smem:$0x3FA4] =	sst s5  }
0xe: {  	[smem:$0x3FA5] =	sst s6  }
0xf: {  	[smem:$0x3FA6] =	sst s7  }
0x10: {  	[smem:$0x3FA7] =	sst s8  }
0x11: {  	[smem:$0x3FA8] =	sst s9;
	s0 =	simm.s32 @!p0 $0x0  }
0x12: {  	s1 =	sld [smem:$0x3F8E];
	s0 =	simm.s32 @p0 $0x1  }
0x13: {  	[smem:$0x3FA9] =	sst s0;
	s0 =	simm.s32 @!p1 $0x0  }
0x14: {  	s2 =	sld [smem:$0x3F8D];
	s0 =	simm.s32 @p1 $0x1  }
0x15: {  	[smem:$0x3FAA] =	sst s0;
	s0 =	simm.s32 @!p2 $0x0  }
0x16: {  	s3 =	sld [smem:$0x3FDB];
	s0 =	simm.s32 @p2 $0x1  }
0x17: {  	s4 =	simm.s32 $0x1BF5;
	[smem:$0x3FAC] =	sst s0  }
0x18: {  	s0 =	sld [smem:$0x3F8F];
	_ =	swait.ge [sflag:s4], $0x0  }
0x19: {  	s7 =	sld [smem:$0x3F90]  }
0x1a: {  	s8 =	sadd.s32 $0xFFFFE003, lr  }
0x1b: {  	s9 =	sadd.s32 $0xFFFFFEF7, lr;
	s5 =	simm.s32 $0xFFFFFFFF;
	p2 =	slt.u32 s8, $0xFFFFF086  }
0x1c: {  	p1 =	slt.u32 s9, $0xF7A;
	s5 =	simm.s32 @!p2 $0x0  }
0x1d: {  	s5 =	simm.s32 @p1 $0x1;
	p0 =	seq.s32 s7, s2  }
0x1e: {  	s7 =	smul.u32 @!p0 $0xF7A, s2;
	p2 =	seq.s32 @!p0 s5, $0x0  }
0x1f: {  	s9 =	smul.u32 $0xF7A, s1;
	s8 =	simm.s32 @!p0 $0x1BF5;
	p2 =	por !p2, p0  }
0x20: {  	[sflag:s8] =	ssyncset.s32 @!p0 $0xFFFFF086;
	s6 =	sadd.s32 @!p0 s3, s7;
	s7 =	simm.s32 @!p0 $0x108  }
0x21: {  	s3 =	sadd.s32 s3, s9;
	s6 =	sadd.s32 @!p0 $0x88, s6;
	s7 =	simm.s32 @p2 $0x1082  }
0x22: {  	[simem:s7], [sflag:s8] =	dma.local @!p0 [hbm:s6], $0xF7A  }
0x23: {  	s9 =	sor.u32 $0xD0000000, s2;
	s6 =	simm.s32 $0x108;
	_ =	swait.ge @!p0 [sflag:s8], $0x0  }
0x24: {  	s3 =	sadd.s32 $0x88, s3;
	s6 =	simm.s32 @!p1 $0x1082;
	[sflag:s4] =	ssyncset.s32 $0xFFFFF086  }
0x25: {  	[simem:s6], [sflag:s4] =	dma.local [hbm:s3], $0xF7A  }
0x26: {  	[smem:$0x3F90] =	sst s1;
	(tag) =	ssettag s2;
	_ =	strace s9  }
0x27: {  	s1 =	sld [smem:$0x3FA0]  }
0x28: {  	s2 =	sld [smem:$0x3FA1]  }
0x29: {  	s4 =	sld [smem:$0x3FA3]  }
0x2a: {  	p0 =	seq.s32 s5, $0x0;
	s5 =	sld [smem:$0x3FA4]  }
0x2b: {  	s6 =	sld [smem:$0x3FA5]  }
0x2c: {  	s7 =	sld [smem:$0x3FA6]  }
0x2d: {  	s3 =	simm.s32 $0x108;
	s8 =	sld [smem:$0x3FA7]  }
0x2e: {  	s3 =	simm.s32 @!p0 $0x1082;
	s9 =	sld [smem:$0x3FA8]  }
0x2f: {  	lr =	sadd.s32 s0, s3;
	s0 =	sld [smem:$0x3F9F]  }
0x30: {  	s3 =	sld [smem:$0x3FA2]  }
0x31: {  	[smem:$0x3FAB] =	sst s10  }
0x32: {  	s10 =	sld [smem:$0x3FA9];
	_ =	sdelay $0x3  }
0x33: {  	p0 =	seq.s32 s10, $0x1;
	s10 =	sld [smem:$0x3FAB];
	_ =	sdelay $0x3  }
0x34: {  	[smem:$0x3FAB] =	sst s10  }
0x35: {  	s10 =	sld [smem:$0x3FAA];
	_ =	sdelay $0x3  }
0x36: {  	p1 =	seq.s32 s10, $0x1;
	s10 =	sld [smem:$0x3FAB];
	_ =	sdelay $0x3  }
0x37: {  	[smem:$0x3FAB] =	sst s10  }
0x38: {  	s10 =	sld [smem:$0x3FAC]  }
0x39: {  	_ = 	snop;
	(pc) =	sbr.ind lr, $3  }
0x3a: {  	_ = 	snop  }
0x3b: {  	_ = 	snop  }
0x3c: {  	p2 =	seq.s32 s10, $0x1;
	s10 =	sld [smem:$0x3FAB]  }
0x3d: {  	_ =	shalt  }
0x3e: {  	_ =	shalt  }
0x3f: {  	_ =	shalt  }
0x40: {  	_ =	shalt  }
0x41: {  	_ =	shalt  }
0x42: {  	_ =	shalt  }
0x43: {  	_ =	shalt  }
0x44: {  	_ =	shalt  }
0x45: {  	_ =	shalt  }
0x46: {  	_ =	shalt  }
0x47: {  	_ =	shalt  }
0x48: {  	_ =	shalt  }
0x49: {  	_ =	shalt  }
0x4a: {  	_ =	shalt  }
0x4b: {  	_ =	shalt  }
0x4c: {  	_ =	shalt  }
0x4d: {  	_ =	shalt  }
0x4e: {  	_ =	shalt  }
0x4f: {  	_ =	shalt  }
0x50: {  	_ =	shalt  }
0x51: {  	_ =	shalt  }
0x52: {  	_ =	shalt  }
0x53: {  	_ =	shalt  }
0x54: {  	_ =	shalt  }
0x55: {  	_ =	shalt  }
0x56: {  	_ =	shalt  }
0x57: {  	_ =	shalt  }
0x58: {  	_ =	shalt  }
0x59: {  	_ =	shalt  }
0x5a: {  	_ =	shalt  }
0x5b: {  	_ =	shalt  }
0x5c: {  	_ =	shalt  }
0x5d: {  	_ =	shalt  }
0x5e: {  	_ =	shalt  }
0x5f: {  	_ =	shalt  }
0x60: {  	_ =	shalt  }
0x61: {  	_ =	shalt  }
0x62: {  	_ =	shalt  }
0x63: {  	_ =	shalt  }
0x64: {  	_ =	shalt  }
0x65: {  	_ =	shalt  }
0x66: {  	_ =	shalt  }
0x67: {  	_ =	shalt  }
0x68: {  	_ =	shalt  }
0x69: {  	_ =	shalt  }
0x6a: {  	_ =	shalt  }
0x6b: {  	_ =	shalt  }
0x6c: {  	_ =	shalt  }
0x6d: {  	_ =	shalt  }
0x6e: {  	_ =	shalt  }
0x6f: {  	_ =	shalt  }
0x70: {  	_ =	shalt  }
0x71: {  	_ =	shalt  }
0x72: {  	_ =	shalt  }
0x73: {  	_ =	shalt  }
0x74: {  	_ =	shalt  }
0x75: {  	_ =	shalt  }
0x76: {  	_ =	shalt  }
0x77: {  	_ =	shalt  }
0x78: {  	_ =	shalt  }
0x79: {  	_ =	shalt  }
0x7a: {  	_ =	shalt  }
0x7b: {  	_ =	shalt  }
0x7c: {  	_ =	shalt  }
0x7d: {  	_ =	shalt  }
0x7e: {  	_ =	shalt  }
0x7f: {  	_ =	shalt  }
0x80: {  	_ =	shalt  }
0x81: {  	_ =	shalt  }
0x82: {  	_ =	shalt  }
0x83: {  	_ =	shalt  }
0x84: {  	_ =	shalt  }
0x85: {  	_ =	shalt  }
0x86: {  	_ =	shalt  }
0x87: {  	_ =	shalt  }
.Lfunc_end0:
.L_simem_size_0:
called_computation.1_lowered:
.L_overlay_start_0:
0x88: {  	s2 =	sld [smem:$0x3FD9]  }
0x89: {  	s3 =	sld [smem:$0x3FFE];
	_ =	sdelay $0x1  }
0x8a: {  	s1 =	srdreg.scid  }
0x8b: {  	s0 =	sand.u32 $0x1, s1  }
0x8c: {  	s17 =	sshll.u32 s0, $0xA;
	s2 =	sadd.s32 s3, s2  }
0x8d: {  	s2 =	sadd.s32 s2, s17  }
0x8e: {  	[smem:$0x3FB7] =	sst s2  }
0x8f: {  	_ = 	snop  }
0x90: {  	s2 =	sld [smem:$0x3FD0];
	(tm) =	ssettm $0x1  }
0x91: {  	s18 =	sld [smem:$0x3FFB];
	_ =	sdelay $0x3  }
0x92: {  	_ =	strace s18  }
0x93: {  	s3 =	sld [smem:$0x3FFC];
	_ =	sdelay $0x3  }
0x94: {  	_ =	strace s3  }
0x95: {  	s3 =	sld [smem:$0x3FFD];
	_ =	sdelay $0x3  }
0x96: {  	_ =	strace s3  }
0x97: {  	_ =	strace $0x8FFFFFFF  }
0x98: {  	s19 =	sld [smem:$0x3FDB];
	_ =	sdelay $0x1  }
0x99: {  	s4 =	simm.s32 $_scs_section_size  }
0x9a: {  	s5 =	simm.s32 $_size__tile_overlayer_lowered;
	s6 =	simm.s32 $_tile_overlayer_lowered  }
0x9b: {  	s22 =	simm.s32 $0x1BFF;
	s21 =	sshll.u32 s6, $0x1;
	s3 =	sadd.s32 s4, s19  }
0x9c: {  	s7 =	simm.s32 $0x0;
	s20 =	sshll.u32 s5, $0x1;
	s5 =	sadd.s32 s21, s3  }
0x9d: {  	[timem:s7], [sflag:s22] =	dma.local [hbm:s5], s20  }
0x9e: {  	_ =	swait.ge [sflag:s22], s20  }
0x9f: {  	s4 =	ssub.s32 $0x0, s20;
	[sflag:s22] =	ssyncset.done $0x0  }
0xa0: {  	[sflag:s22] =	ssyncadd.s32 s4;
	_ =	sdelay $0x1  }
0xa1: {  	s23 =	simm.s32 $0x1B8B  }
0xa2: {  	_ =	swait.ge [sflag:s23], $0x1  }
0xa3: {  	[sflag:s23] =	ssyncset.done $0x0  }
0xa4: {  	s25 =	simm.s32 $0x1B8E;
	s24 =	sld [smem:$0x3FFE];
	[sflag:s23] =	ssyncadd.s32 $0xFFFFFFFF  }
0xa5: {  	s26 =	simm.s32 $execute0_lowered;
	[smem:$0x3FD2] =	sst s25  }
0xa6: {  	s5 =	sshll.u32 s26, $0x1;
	_ =	strace $0x80000049;
	[dreg:$0x1] =	wrdreg $0xFFFFFFFF  }
0xa7: {  	s28 =	simm.s32 $_size_execute0_lowered;
	s3 =	sadd.s32 s3, s5;
	[dreg:$0x0] =	wrdreg $0x0  }
0xa8: {  	s5 =	sshll.u32 s28, $0x1;
	[dreg:$0x2] =	wrdreg s3  }
0xa9: {  	[dreg:$0x3] =	wrdreg s5  }
0xaa: {  	[dreg:$0x4] =	wrdreg $0xC0  }
0xab: {  	_ =	task [dreg:s7], $0x5FFFF  }
0xac: {  	[dreg:$0x1] =	wrdreg $0xFFFFFFFF  }
0xad: {  	[dreg:$0x0] =	wrdreg $0x60  }
0xae: {  	[dreg:$0x2] =	wrdreg s2  }
0xaf: {  	[dreg:$0x3] =	wrdreg s24  }
0xb0: {  	[dreg:$0x4] =	wrdreg $0xA0000  }
0xb1: {  	[dreg:$0x5] =	wrdreg $0x9  }
0xb2: {  	_ =	task.clear_ibuf [dreg:s7], $0x6FFFF;
	_ =	strace $0x90000049  }
0xb3: {  	s29 =	simm.s32 $0x9;
	_ =	strace $0x8000004B  }
0xb4: {  	_ =	swait.ge [sflag:s29], $0x1  }
0xb5: {  	[sflag:s29] =	ssyncadd.s32 $0xFFFFFFFF  }
0xb6: {  	_ =	strace $0x9000004B  }
0xb7: {  	_ =	sfence  }
0xb8: {  	s30 =	sld [smem:$0x0];
	_ =	sdelay $0x2  }
0xb9: {  	s31 =	sshll.u32 s1, $0xD;
	s1 =	sshrl.u32 s1, $0x2  }
0xba: {  	s3 =	sand.u32 $0x4000, s31;
	s1 =	sadd.s32 s1, s30  }
0xbb: {  	s0 =	sor.u32 s3, s0;
	s1 =	sshll.u32 s1, $0x11  }
0xbc: {  	s0 =	sor.u32 s1, s0  }
0xbd: {  	s0 =	sadd.s32 $0x8F2B, s0  }
0xbe: {  	[sflag:s0] =	ssyncadd.remote.s32 $0x1  }
0xbf: {  	_ =	sfence.sel $0xFFFF  }
0xc0: {  	[dreg:$0x0] =	wrdreg $0xFFFFFFFF;
	(pc) =	sbr.abs _section_cstart, $3  }
0xc1: {  	[dreg:$0x1] =	wrdreg $0xFFFFFFFF  }
0xc2: {  	_ =	task.clear_ibuf [dreg:s7], $0x2FFFF;
	_ =	strace $0x9FFFFFFF  }
0xc3: {  	(tm) =	ssettm $0x7FFFFFFF  }
tec
execute0_lowered:
.L_overlay_start_1:
0x0: {  	(tag) =	ssettag $0x1  }
0x1: {  	s1 =	rddreg [dreg:$0x0]  }
0x2: {  	s0 =	rddreg [dreg:$0x1];
	s2 =	srdreg.scid  }
0x3: {  	s17 =	stileid.u32;
	s3 =	rddreg [dreg:$0x2]  }
0x4: {  	s4 =	simm.s32 $0x0;
	s28 =	simm.s32 $0x50;
	s29 =	simm.s32 $0x2800  }
0x5: {  	s30 =	simm.s32 $0x5000;
	s2 =	sand.u32 $0x1, s2;
	s6 =	smul.u32 $0x13880, s17  }
0x6: {  	s31 =	simm.s32 $0x7800;
	s5 =	smul.u32 $0x138800, s2;
	s10 =	sshll.u32 s2, $0x4  }
0x7: {  	[smem:$0x7FF] =	sst s4;
	s7 =	smul.u32 $0x4E200, s17;
	s26 =	sor.u32 s17, s10  }
0x8: {  	s8 =	sadd.s32 $0x4000, s0;
	s5 =	sadd.s32 s6, s5;
	s16 =	smul.u32 $0x4E2, s26  }
0x9: {  	_ =	strace $0x8000004A;
	s7 =	sshrl.u32 s7, $0x2;
	s5 =	sshrl.u32 s5, $0x3  }
0xa: {  	s0 =	sadd.s32 s5, s0;
	s5 =	sadd.s32 s7, s3;
	s21 =	sadd.s32 s8, s16  }
0xb: {  	s9 =	ssub.s32 $0x2, s2;
	s12 =	sadd.s32 $0x2800, s5;
	[dreg:$0xc] =	wrdreg s21  }
0xc: {  	s20 =	smul.u32 $0x27100, s2;
	s13 =	sadd.s32 $0x5000, s5;
	[dreg:$0x4] =	wrdreg s12  }
0xd: {  	p0 =	sne.s32 s2, $0x0;
	s14 =	sadd.s32 $0x7800, s5;
	[dreg:$0x5] =	wrdreg s13  }
0xe: {  	s2 =	simm.s32 $0x7;
	s15 =	sadd.s32 $0xA000, s5;
	[dreg:$0x6] =	wrdreg s14  }
0xf: {  	s25 =	sshrl.u32 s9, $0x1;
	s11 =	sadd.s32 $0xC800, s5;
	[dreg:$0x7] =	wrdreg s15  }
0x10: {  	s10 =	simm.s32 $0x6;
	s18 =	sadd.s32 $0xF000, s5;
	[dreg:$0x8] =	wrdreg s11  }
0x11: {  	s7 =	smul.u32 $0x2710, s26;
	s19 =	sadd.s32 $0x11800, s5;
	[dreg:$0x9] =	wrdreg s18  }
0x12: {  	s9 =	ssub.s32 s9, s25;
	s0 =	sadd.s32 $0x17A00, s0;
	[dreg:$0xa] =	wrdreg s19  }
0x13: {  	s13 =	sadd.s32 s6, s3;
	s6 =	sshrl.u32 s6, $0x3;
	s7 =	sshrl.u32 s7, $0x3  }
0x14: {  	s12 =	smul.u32 $0x2710, s17;
	[dreg:$0xf] =	wrdreg s0;
	s19 =	smax.u32 s9, $0x1  }
0x15: {  	s9 =	simm.s32 $0x5;
	s6 =	sadd.s32 s1, s6;
	s22 =	sadd.s32 s8, s7  }
0x16: {  	s11 =	simm.s32 $0x0;
	[dreg:$0xb] =	wrdreg s6;
	s7 =	sadd.s32 $0xA10E, s22  }
0x17: {  	s6 =	sadd.s32 $0xA118, s22;
	s23 =	sadd.s32 s12, s20;
	[dreg:$0xd] =	wrdreg s7  }
0x18: {  	[dreg:$0xe] =	wrdreg s6;
	s24 =	sadd.s32 $0x4E2A0, s23;
	s25 =	sadd.s32 $0x4E250, s23  }
0x19: {  	s6 =	sadd.s32 $0x4E200, s23;
	s23 =	simm.s32 $0x8;
	s7 =	simm.s32 $0x3  }
0x1a: {  	s0 =	sshrl.u32 s24, $0x3;
	s26 =	sshrl.u32 s25, $0x3;
	s6 =	sshrl.u32 s6, $0x3  }
0x1b: {  	s24 =	simm.s32 $0x2710;
	s25 =	simm.s32 $0x2760;
	s15 =	sadd.s32 s0, s8  }
0x1c: {  	s16 =	sadd.s32 s26, s8;
	s22 =	sadd.s32 s6, s8;
	s26 =	simm.s32 $0x27B0  }
0x1d: {  	v0 =	vimm.f32 $0.0e+00;
	s0 =	simm.s32 $0x1;
	s6 =	simm.s32 $0x2;
	s8 =	simm.s32 $0x4  }
.LBB2_1:
0x1e: {  	s12 =	simm.s32 $0x0;
	s14 =	simm.s32 $0x200  }
.LBB2_2:
0x1f: {  	p1 =	sne.s32 s14, $0x9E00;
	[tilespmem:s12+$0x2870] =	vst v0  }
0x20: {  	[tilespmem:s12+$0x2800] =	vst v0  }
0x21: {  	[tilespmem:s12+$0x2810] =	vst v0  }
.Ltmp0:
0x22: {  	[tilespmem:s12+$0x2820] =	vst v0;
	(pc) =	sbr.rel @p1 .LBB2_2-.Ltmp0, $4  }
0x23: {  	[tilespmem:s12+$0x2830] =	vst v0  }
0x24: {  	[tilespmem:s12+$0x2840] =	vst v0  }
0x25: {  	[tilespmem:s12+$0x2850] =	vst v0  }
0x26: {  	[tilespmem:s12+$0x2860] =	vst v0;
	s12 =	sshra.s32 s14, $0x2;
	s14 =	sadd.s32 $0x200, s14  }
0x27: {  	[tilespmem:s12+$0x2870] =	vst v0  }
0x28: {  	[tilespmem:s12+$0x2800] =	vst v0  }
0x29: {  	[tilespmem:s12+$0x2810] =	vst v0  }
0x2a: {  	[tilespmem:s12+$0x2820] =	vst v0  }
0x2b: {  	[tilespmem:s12+$0x2830] =	vst v0  }
0x2c: {  	[tilespmem:s12+$0x2840] =	vst v0  }
0x2d: {  	[tilespmem:s12+$0x2850] =	vst v0  }
0x2e: {  	[tilespmem:s12+$0x2860] =	vst v0;
	s12 =	simm.s32 @p0 $0x2800;
	s14 =	simm.s32 @p0 $0x8  }
0x2f: {  	[spmem:s5] =	stream.linear.scatter @p0 [tilespmem:s12], [sflag:$0x8], $0x2800, $0x38;
	[tilespmem:$0x1D880] =	vst v63  }
0x30: {  	_ =	swait.ge @p0 [sflag:s14], $0x2800  }
0x31: {  	[sflag:s14] =	ssyncset.done @p0 $0x0  }
0x32: {  	s18 =	rddreg [dreg:$0x4];
	[sflag:s14] =	ssyncadd.s32 @p0 $0xFFFFD800  }
0x33: {  	[spmem:s18] =	stream.linear.scatter @p0 [tilespmem:s12], [sflag:$0x8], $0x2800, $0x38;
	[tilespmem:$0x1D880] =	vst v63  }
0x34: {  	_ =	swait.ge @p0 [sflag:s14], $0x2800  }
0x35: {  	[sflag:s14] =	ssyncset.done @p0 $0x0  }
0x36: {  	s18 =	rddreg [dreg:$0x5];
	[sflag:s14] =	ssyncadd.s32 @p0 $0xFFFFD800  }
0x37: {  	[spmem:s18] =	stream.linear.scatter @p0 [tilespmem:s12], [sflag:$0x8], $0x2800, $0x38;
	[tilespmem:$0x1D880] =	vst v63  }
0x38: {  	_ =	swait.ge @p0 [sflag:s14], $0x2800  }
0x39: {  	[sflag:s14] =	ssyncset.done @p0 $0x0  }
0x3a: {  	s18 =	rddreg [dreg:$0x6];
	[sflag:s14] =	ssyncadd.s32 @p0 $0xFFFFD800  }
0x3b: {  	[spmem:s18] =	stream.linear.scatter @p0 [tilespmem:s12], [sflag:$0x8], $0x2800, $0x38;
	[tilespmem:$0x1D880] =	vst v63  }
0x3c: {  	_ =	swait.ge @p0 [sflag:s14], $0x2800  }
0x3d: {  	[sflag:s14] =	ssyncset.done @p0 $0x0  }
0x3e: {  	s18 =	rddreg [dreg:$0x7];
	[sflag:s14] =	ssyncadd.s32 @p0 $0xFFFFD800  }
0x3f: {  	[spmem:s18] =	stream.linear.scatter @p0 [tilespmem:s12], [sflag:$0x8], $0x2800, $0x38;
	[tilespmem:$0x1D880] =	vst v63  }
0x40: {  	_ =	swait.ge @p0 [sflag:s14], $0x2800  }
0x41: {  	[sflag:s14] =	ssyncset.done @p0 $0x0  }
0x42: {  	s18 =	rddreg [dreg:$0x8];
	[sflag:s14] =	ssyncadd.s32 @p0 $0xFFFFD800  }
0x43: {  	[spmem:s18] =	stream.linear.scatter @p0 [tilespmem:s12], [sflag:$0x8], $0x2800, $0x38;
	[tilespmem:$0x1D880] =	vst v63  }
0x44: {  	_ =	swait.ge @p0 [sflag:s14], $0x2800  }
0x45: {  	[sflag:s14] =	ssyncset.done @p0 $0x0  }
0x46: {  	s18 =	rddreg [dreg:$0x9];
	[sflag:s14] =	ssyncadd.s32 @p0 $0xFFFFD800  }
0x47: {  	[spmem:s18] =	stream.linear.scatter @p0 [tilespmem:s12], [sflag:$0x8], $0x2800, $0x38;
	[tilespmem:$0x1D880] =	vst v63  }
0x48: {  	_ =	swait.ge @p0 [sflag:s14], $0x2800  }
0x49: {  	[sflag:s14] =	ssyncset.done @p0 $0x0  }
0x4a: {  	s18 =	rddreg [dreg:$0xa];
	[sflag:s14] =	ssyncadd.s32 @p0 $0xFFFFD800  }
0x4b: {  	[spmem:s18] =	stream.linear.scatter @p0 [tilespmem:s12], [sflag:$0x8], $0x2080, $0x38;
	[tilespmem:$0x1D880] =	vst v63  }
0x4c: {  	s12 =	sshll.u32 @!p0 s17, $0x6;
	_ =	swait.ge @p0 [sflag:s14], $0x2080  }
0x4d: {  	s12 =	sor.u32 @!p0 $0x1C08, s12;
	[sflag:s14] =	ssyncset.done @p0 $0x0  }
0x4e: {  	s17 =	rddreg [dreg:$0xb];
	[sflag:s14] =	ssyncadd.s32 @p0 $0xFFFFDF80;
	s14 =	sshrl.u32 @!p0 s13, $0x3  }
0x4f: {  	[spmem:s14], [sflag:s12] =	dma.local @!p0 [hbm:s17], $0x2710  }
0x50: {  	s12 =	simm.s32 @!p0 $0x8  }
0x51: {  	_ =	swait.ge @!p0 [sflag:s12], $0x2710  }
0x52: {  	[sflag:s12] =	ssyncset.done @!p0 $0x0  }
0x53: {  	s14 =	simm.s32 $0x0;
	s17 =	rddreg [dreg:$0xc];
	[sflag:s12] =	ssyncadd.s32 @!p0 $0xFFFFD8F0  }
0x54: {  	[tilespmem:s14], [sflag:$0x8] =	stream.linear.gather [hbm4b:s17+s14], $0x2710, $0x38;
	[tilespmem:$0x1D880] =	vst v63  }
0x55: {  	_ =	swait.ge [sflag:s23], $0x2710  }
0x56: {  	[sflag:s23] =	ssyncset.done $0x0  }
0x57: {  	[sflag:s23] =	ssyncadd.s32 $0xFFFFD8F0  }
0x58: {  	[bflag:$0x0] =	sbarrier.arrive $0xFFFF  }
0x59: {  	[tilespmem:s24], [sflag:$0x7] =	stream.linear.gather [hbm4b:s22+s4], $0x50, $0x38;
	[tilespmem:$0x1D880] =	vst v63  }
0x5a: {  	_ = 	snop  }
0x5b: {  	[tilespmem:s25], [sflag:$0x7] =	stream.linear.gather [hbm4b:s16+s4], $0x50, $0x38;
	[tilespmem:$0x1D880] =	vst v63  }
0x5c: {  	_ = 	snop  }
0x5d: {  	[tilespmem:s26], [sflag:$0x7] =	stream.linear.gather [hbm4b:s15+s4], $0x50, $0x38;
	[tilespmem:$0x1D880] =	vst v63  }
0x5e: {  	s18 =	simm.s32 $0x0  }
0x5f: {  	[tilespmem:s29], [sflag:$0x1] =	stream.indirect.gather [hbm4b:s1+s28], $0x80, s18, s28, $0xb8;
	[tilespmem:$0x1D880] =	vst v63  }
0x60: {  	s20 =	simm.s32 $0x50  }
0x61: {  	[tilespmem:s30], [sflag:$0x2] =	stream.indirect.gather [hbm4b:s1+s28], $0x80, s20, s28, $0xb8;
	[tilespmem:$0x1D880] =	vst v63  }
0x62: {  	s21 =	simm.s32 $0xA0  }
0x63: {  	[tilespmem:s31], [sflag:$0x3] =	stream.indirect.gather [hbm4b:s1+s28], $0x80, s21, s28, $0xb8;
	[tilespmem:$0x1D880] =	vst v63  }
0x64: {  	_ =	swait.ge [sflag:s2], $0x50  }
0x65: {  	[sflag:s2] =	ssyncset.done $0x0  }
0x66: {  	[sflag:s2] =	ssyncadd.s32 $0xFFFFFFB0  }
0x67: {  	_ =	swait.ge [sflag:s2], $0x50  }
0x68: {  	[sflag:s2] =	ssyncset.done $0x0  }
0x69: {  	[sflag:s2] =	ssyncadd.s32 $0xFFFFFFB0  }
0x6a: {  	_ =	swait.ge [sflag:s2], $0x50  }
0x6b: {  	[sflag:s2] =	ssyncset.done $0x0  }
0x6c: {  	[sflag:s2] =	ssyncadd.s32 $0xFFFFFFB0  }
0x6d: {  	_ =	swait.ge [sflag:s0], $0x2800  }
0x6e: {  	[sflag:s0] =	ssyncset.done $0x0  }
0x6f: {  	[sflag:s0] =	ssyncadd.s32 $0xFFFFD800  }
0x70: {  	[spmem:s3] =	stream.indirect.scatter.add.f32 [tilespmem:s29], [sflag:$0x4], $0x80, s24, s28, $0xb8;
	[tilespmem:$0x1D880] =	vst v63  }
0x71: {  	_ =	swait.ge [sflag:s6], $0x2800  }
0x72: {  	[sflag:s6] =	ssyncset.done $0x0  }
0x73: {  	[sflag:s6] =	ssyncadd.s32 $0xFFFFD800  }
0x74: {  	[spmem:s3] =	stream.indirect.scatter.add.f32 [tilespmem:s30], [sflag:$0x5], $0x80, s25, s28, $0xb8;
	[tilespmem:$0x1D880] =	vst v63  }
0x75: {  	_ =	swait.ge [sflag:s7], $0x2800  }
0x76: {  	[sflag:s7] =	ssyncset.done $0x0  }
0x77: {  	[sflag:s7] =	ssyncadd.s32 $0xFFFFD800  }
0x78: {  	[spmem:s3] =	stream.indirect.scatter.add.f32 [tilespmem:s31], [sflag:$0x6], $0x80, s26, s28, $0xb8;
	[tilespmem:$0x1D880] =	vst v63  }
0x79: {  	_ =	swait.ge [sflag:s8], $0x2800  }
0x7a: {  	[sflag:s8] =	ssyncset.done $0x0  }
0x7b: {  	[sflag:s8] =	ssyncadd.s32 $0xFFFFD800  }
0x7c: {  	_ =	swait.ge [sflag:s9], $0x2800  }
0x7d: {  	[sflag:s9] =	ssyncset.done $0x0  }
0x7e: {  	[sflag:s9] =	ssyncadd.s32 $0xFFFFD800  }
0x7f: {  	s12 =	simm.s32 $0x3C0;
	s14 =	sadd.s32 $0x1E, s22;
	_ =	swait.ge [sflag:s10], $0x2800  }
0x80: {  	s20 =	smov.u32 s15;
	s21 =	smov.u32 s16;
	[sflag:s10] =	ssyncset.done $0x0  }
.LBB2_4:
0x81: {  	[sflag:s10] =	ssyncadd.s32 $0xFFFFD800;
	s20 =	sadd.s32 $0x1E, s20;
	s21 =	sadd.s32 $0x1E, s21  }
0x82: {  	[tilespmem:s24], [sflag:$0x7] =	stream.linear.gather [hbm4b:s14+s4], $0x50, $0x38;
	[tilespmem:$0x1D880] =	vst v63  }
0x83: {  	p1 =	sne.s32 s12, $0x9600;
	s17 =	smov.u32 s12;
	s12 =	sadd.s32 $0x3C0, s12  }
0x84: {  	[tilespmem:s25], [sflag:$0x7] =	stream.linear.gather [hbm4b:s21+s4], $0x50, $0x38;
	[tilespmem:$0x1D880] =	vst v63  }
0x85: {  	_ = 	snop  }
0x86: {  	[tilespmem:s26], [sflag:$0x7] =	stream.linear.gather [hbm4b:s20+s4], $0x50, $0x38;
	[tilespmem:$0x1D880] =	vst v63  }
0x87: {  	s17 =	sshra.s32 s17, $0x2  }
0x88: {  	[tilespmem:s29], [sflag:$0x1] =	stream.indirect.gather [hbm4b:s1+s28], $0x80, s17, s28, $0xb8;
	[tilespmem:$0x1D880] =	vst v63  }
0x89: {  	s18 =	sadd.s32 $0x50, s17  }
0x8a: {  	[tilespmem:s30], [sflag:$0x2] =	stream.indirect.gather [hbm4b:s1+s28], $0x80, s18, s28, $0xb8;
	[tilespmem:$0x1D880] =	vst v63  }
0x8b: {  	s17 =	sadd.s32 $0xA0, s17  }
0x8c: {  	[tilespmem:s31], [sflag:$0x3] =	stream.indirect.gather [hbm4b:s1+s28], $0x80, s17, s28, $0xb8;
	[tilespmem:$0x1D880] =	vst v63  }
0x8d: {  	_ =	swait.ge [sflag:s2], $0x50  }
0x8e: {  	[sflag:s2] =	ssyncset.done $0x0  }
0x8f: {  	[sflag:s2] =	ssyncadd.s32 $0xFFFFFFB0  }
0x90: {  	_ =	swait.ge [sflag:s2], $0x50  }
0x91: {  	[sflag:s2] =	ssyncset.done $0x0  }
0x92: {  	[sflag:s2] =	ssyncadd.s32 $0xFFFFFFB0  }
0x93: {  	_ =	swait.ge [sflag:s2], $0x50  }
0x94: {  	[sflag:s2] =	ssyncset.done $0x0  }
0x95: {  	[sflag:s2] =	ssyncadd.s32 $0xFFFFFFB0  }
0x96: {  	_ =	swait.ge [sflag:s0], $0x2800  }
0x97: {  	[sflag:s0] =	ssyncset.done $0x0  }
0x98: {  	[sflag:s0] =	ssyncadd.s32 $0xFFFFD800  }
0x99: {  	[spmem:s3] =	stream.indirect.scatter.add.f32 [tilespmem:s29], [sflag:$0x4], $0x80, s24, s28, $0xb8;
	[tilespmem:$0x1D880] =	vst v63  }
0x9a: {  	_ =	swait.ge [sflag:s6], $0x2800  }
0x9b: {  	[sflag:s6] =	ssyncset.done $0x0  }
0x9c: {  	[sflag:s6] =	ssyncadd.s32 $0xFFFFD800  }
0x9d: {  	[spmem:s3] =	stream.indirect.scatter.add.f32 [tilespmem:s30], [sflag:$0x5], $0x80, s25, s28, $0xb8;
	[tilespmem:$0x1D880] =	vst v63  }
0x9e: {  	_ =	swait.ge [sflag:s7], $0x2800  }
0x9f: {  	[sflag:s7] =	ssyncset.done $0x0  }
0xa0: {  	[sflag:s7] =	ssyncadd.s32 $0xFFFFD800  }
0xa1: {  	[spmem:s3] =	stream.indirect.scatter.add.f32 [tilespmem:s31], [sflag:$0x6], $0x80, s26, s28, $0xb8;
	[tilespmem:$0x1D880] =	vst v63  }
0xa2: {  	_ =	swait.ge [sflag:s8], $0x2800  }
0xa3: {  	[sflag:s8] =	ssyncset.done $0x0  }
0xa4: {  	[sflag:s8] =	ssyncadd.s32 $0xFFFFD800  }
.Ltmp1:
0xa5: {  	_ =	swait.ge [sflag:s9], $0x2800;
	(pc) =	sbr.rel @p1 .LBB2_4-.Ltmp1, $4  }
0xa6: {  	[sflag:s9] =	ssyncset.done $0x0  }
0xa7: {  	[sflag:s9] =	ssyncadd.s32 $0xFFFFD800  }
0xa8: {  	_ =	swait.ge [sflag:s10], $0x2800  }
0xa9: {  	s14 =	sadd.s32 $0x1E, s14;
	[sflag:s10] =	ssyncset.done $0x0  }
0xaa: {  	[sflag:s10] =	ssyncadd.s32 $0xFFFFD800;
	s12 =	rddreg [dreg:$0xd]  }
0xab: {  	[tilespmem:s24], [sflag:$0x7] =	stream.linear.gather [hbm4b:s12+s4], $0x50, $0x38;
	[tilespmem:$0x1D880] =	vst v63  }
0xac: {  	s17 =	rddreg [dreg:$0xe]  }
0xad: {  	[tilespmem:s25], [sflag:$0x7] =	stream.linear.gather [hbm4b:s17+s4], $0x50, $0x38;
	[tilespmem:$0x1D880] =	vst v63  }
0xae: {  	s18 =	simm.s32 $0x2670  }
0xaf: {  	[tilespmem:s29], [sflag:$0x1] =	stream.indirect.gather [hbm4b:s1+s28], $0x80, s18, s28, $0xb8;
	[tilespmem:$0x1D880] =	vst v63  }
0xb0: {  	s20 =	simm.s32 $0x26C0  }
0xb1: {  	[tilespmem:s30], [sflag:$0x2] =	stream.indirect.gather [hbm4b:s1+s28], $0x80, s20, s28, $0xb8;
	[tilespmem:$0x1D880] =	vst v63  }
0xb2: {  	_ =	swait.ge [sflag:s2], $0x50  }
0xb3: {  	[sflag:s2] =	ssyncset.done $0x0  }
0xb4: {  	[sflag:s2] =	ssyncadd.s32 $0xFFFFFFB0  }
0xb5: {  	_ =	swait.ge [sflag:s2], $0x50  }
0xb6: {  	[sflag:s2] =	ssyncset.done $0x0  }
0xb7: {  	[sflag:s2] =	ssyncadd.s32 $0xFFFFFFB0  }
0xb8: {  	_ =	swait.ge [sflag:s0], $0x2800  }
0xb9: {  	[sflag:s0] =	ssyncset.done $0x0  }
0xba: {  	[sflag:s0] =	ssyncadd.s32 $0xFFFFD800  }
0xbb: {  	[spmem:s3] =	stream.indirect.scatter.add.f32 [tilespmem:s29], [sflag:$0x4], $0x80, s24, s28, $0xb8;
	[tilespmem:$0x1D880] =	vst v63  }
0xbc: {  	_ =	swait.ge [sflag:s6], $0x2800  }
0xbd: {  	[sflag:s6] =	ssyncset.done $0x0  }
0xbe: {  	[sflag:s6] =	ssyncadd.s32 $0xFFFFD800  }
0xbf: {  	[spmem:s3] =	stream.indirect.scatter.add.f32 [tilespmem:s30], [sflag:$0x5], $0x80, s25, s28, $0xb8;
	[tilespmem:$0x1D880] =	vst v63  }
0xc0: {  	_ =	swait.ge [sflag:s8], $0x2800  }
0xc1: {  	[sflag:s8] =	ssyncset.done $0x0  }
0xc2: {  	[sflag:s8] =	ssyncadd.s32 $0xFFFFD800  }
0xc3: {  	_ =	swait.ge [sflag:s9], $0x2800  }
0xc4: {  	s14 =	sshrl.u32 s13, $0x3;
	[sflag:s9] =	ssyncset.done $0x0  }
0xc5: {  	s11 =	sadd.s32 $0x1, s11;
	s17 =	stileid.u32;
	[sflag:s9] =	ssyncadd.s32 $0xFFFFD800  }
0xc6: {  	p1 =	sne.s32 s11, s19;
	s21 =	sshll.u32 s17, $0x6;
	[bflag:$0x0] =	sbarrier.arrive $0xFFFF  }
.Ltmp2:
0xc7: {  	s12 =	sor.u32 $0x1C08, s21;
	s18 =	rddreg [dreg:$0xf];
	(pc) =	sbr.rel @p1 .LBB2_1-.Ltmp2, $4  }
0xc8: {  	[hbm:s18], [sflag:s12] =	dma.local [spmem:s14], $0x2710  }
0xc9: {  	_ =	swait.ge [sflag:s23], $0x2710  }
0xca: {  	[sflag:s23] =	ssyncset.done $0x0  }
0xcb: {  	[sflag:s23] =	ssyncadd.s32 $0xFFFFD8F0  }
0xcc: {  	_ =	sfence.sel $0x180000  }
0xcd: {  	[bflag:$0x0] =	sbarrier.arrive $0xFFFF  }
0xce: {  	_ =	strace $0x9000004A  }
0xcf: {  	[bflag:$0x2] =	sbarrier.arrive $0xFFFF  }
0xd0: {  	p0 =	sne.s32 s17, $0x0;
	s0 =	rddreg [dreg:$0x3]  }
0xd1: {  	s0 =	sadd.s32 @!p0 $0x100000, s0  }
0xd2: {  	[sflag:s0] =	ssyncadd.tile.s32 @!p0 $0x1;
	_ =	shalt  }
.Lfunc_end2:
_tile_overlayer_lowered:
.L_overlay_start_2:
0xd3: {  	(tag) =	ssettag $0x2  }
0xd4: {  	s0 =	rddreg [dreg:$0x0];
	s2 =	stileid.u32  }
0xd5: {  	s1 =	rddreg [dreg:$0x1];
	p0 =	sne.s32 s2, $0x0  }
0xd6: {  	s3 =	rddreg [dreg:$0x2];
	[bflag:$0x3] =	sbarrier.arrive $0xFFFF;
	s2 =	simm.s32 @!p0 $0x1C08  }
0xd7: {  	[timem:s3], [sflag:s2] =	dma.local @!p0 [hbm:s0], s1  }
0xd8: {  	s0 =	simm.s32 @!p0 $0x8  }
0xd9: {  	_ =	swait.ge @!p0 [sflag:s0], s1  }
0xda: {  	s1 =	ssub.s32 @!p0 $0x0, s1;
	[sflag:s0] =	ssyncset.done @!p0 $0x0  }
0xdb: {  	[sflag:s0] =	ssyncadd.s32 @!p0 s1  }
0xdc: {  	[bflag:$0x3] =	sbarrier.arrive $0xFFFF  }
0xdd: {  	_ =	shalt  }

</sc_bundles>
